<compile_context>
chip_gen: v7x
topology: tpu7x:2x2x1
jax: 0.10.2.dev20260603
libtpu: 0.0.44.dev20260713+nightly
codegen_flags: <defaults>
</compile_context>

<pallas_src>
import functools

import jax
import jax.numpy as jnp
from jax import lax
from jax.experimental import pallas as pl
from jax.experimental.pallas import tpu as pltpu
from jax.experimental.pallas import tpu_sc as plsc

NUM_CLASSES = 16
T = 4194304
NC, NS, L = 2, 16, 16
NW = NC * NS
PER_W = T // NW

_mesh = plsc.VectorSubcoreMesh(core_axis_name="c", subcore_axis_name="s")

AP_CHUNK = 16384
AP_NCHUNK = PER_W // AP_CHUNK
AP_U = 8


@functools.partial(
    pl.kernel,
    mesh=_mesh,
    out_type=(jax.ShapeDtypeStruct((T,), jnp.int32),
              jax.ShapeDtypeStruct(((NW + 1) * L,), jnp.float32)),
    scratch_types=[
        pltpu.VMEM((2, AP_CHUNK), jnp.float32),
        pltpu.VMEM((2, AP_CHUNK), jnp.int32),
        pltpu.VMEM((L,), jnp.int32),
        pltpu.VMEM((L,), jnp.float32),
        pltpu.VMEM(((NUM_CLASSES + 1) * L,), jnp.int32),
        pltpu.VMEM((L,), jnp.float32),
        pltpu.SemaphoreType.DMA,
        pltpu.SemaphoreType.DMA,
        pltpu.SemaphoreType.DMA,
        pltpu.SemaphoreType.DMA,
    ],
)
def _fused_kernel(x_hbm, bidx_hbm, tab_hbm, out_hbm, max_hbm,
                  xbuf, obuf, idxv, bval, tabv, mbuf, si0, si1, so0, so1):
    wid = lax.axis_index("s") * NC + lax.axis_index("c")
    base = wid * PER_W
    sin = (si0, si1)
    sout = (so0, so1)

    pltpu.sync_copy(bidx_hbm, idxv)
    pltpu.sync_copy(tab_hbm, tabv)
    pltpu.async_copy(x_hbm.at[idxv], bval, si0).wait()
    iota = lax.iota(jnp.int32, L)
    bv = jnp.where(iota == L - 1, jnp.inf, bval[...])

    def splat(vec, i):
        return vec.at[jnp.full((L,), i, jnp.int32)].get(mode="promise_in_bounds")

    rnk = jnp.zeros((L,), jnp.int32)
    for i in range(L):
        bi = splat(bv, i)
        rnk = rnk + jnp.where(bi < bv, 1, 0)
        rnk = rnk + jnp.where(bi == bv, jnp.where(iota > i, 1, 0), 0)
    inv = jnp.zeros((L,), jnp.int32)
    for j in range(L):
        inv = inv + jnp.where(iota == splat(rnk, j), j, 0)
    thr = bv.at[inv].get(mode="promise_in_bounds")

    prev = thr.at[jnp.maximum(iota - 1, 0)].get(mode="promise_in_bounds")
    pres = jnp.where(iota == 0, 1, jnp.where(thr > prev, 1, 0))
    inc = pres
    for d in (1, 2, 4, 8):
        sh = inc.at[jnp.maximum(iota - d, 0)].get(mode="promise_in_bounds")
        inc = inc + jnp.where(iota >= d, sh, 0)
    rank = inc - pres
    n = splat(inc, L - 1)
    row = jnp.zeros((L,), jnp.int32)
    for m in range(NUM_CLASSES + 1):
        row = row + tabv[pl.ds(m * L, L)] * jnp.where(n == m, 1, 0)
    lut0 = row.at[rank].get(mode="promise_in_bounds")
    deg = jnp.where(n < 2, 1, 0)
    lut = NUM_CLASSES - 1 - (lut0 + (iota - lut0) * deg)

    def in_copy(ci, b):
        return pltpu.make_async_copy(
            x_hbm.at[pl.ds(base + ci * AP_CHUNK, AP_CHUNK)], xbuf.at[b], sin[b])

    def out_copy(ci, b):
        return pltpu.make_async_copy(
            obuf.at[b], out_hbm.at[pl.ds(base + ci * AP_CHUNK, AP_CHUNK)], sout[b])

    in_copy(0, 0).start()
    in_copy(1, 1).start()
    t7 = splat(thr, 7)
    t3 = splat(thr, 3)
    t11 = splat(thr, 11)

    def pair_body(i, m):
        for b in (0, 1):
            ci = 2 * i + b
            in_copy(ci, b).wait()

            @pl.when(i > 0)
            def _():
                out_copy(ci - 2, b).wait()

            def vec_body(vi, m):
                for u in range(AP_U):
                    idx = (vi * AP_U + u) * L
                    v = xbuf[b, pl.ds(idx, L)]
                    m = jnp.maximum(m, v)
                    m8 = v > t7
                    c = jnp.where(m8, 8, 0)
                    c = c + jnp.where(v > jnp.where(m8, t11, t3), 4, 0)
                    tc = thr.at[c + 1].get(mode="promise_in_bounds")
                    c = c + jnp.where(v > tc, 2, 0)
                    td = thr.at[c].get(mode="promise_in_bounds")
                    c = c + jnp.where(v > td, 1, 0)
                    obuf[b, pl.ds(idx, L)] = lut.at[c].get(mode="promise_in_bounds")
                return m

            m = lax.fori_loop(0, AP_CHUNK // (L * AP_U), vec_body, m)
            out_copy(ci, b).start()

            @pl.when(i < AP_NCHUNK // 2 - 1)
            def _():
                in_copy(ci + 2, b).start()

        return m

    m0 = jnp.full((L,), -jnp.inf, jnp.float32)
    m = lax.fori_loop(0, AP_NCHUNK // 2, pair_body, m0)
    mbuf[...] = m
    pltpu.sync_copy(mbuf, max_hbm.at[pl.ds(wid * L, L)])

    @pl.when(wid == 0)
    def _():
        mbuf[...] = thr
        pltpu.sync_copy(mbuf, max_hbm.at[pl.ds(NW * L, L)])

    out_copy(AP_NCHUNK - 2, 0).wait()
    out_copy(AP_NCHUNK - 1, 1).wait()


@functools.partial(
    pl.kernel,
    mesh=_mesh,
    out_type=jax.ShapeDtypeStruct((T,), jnp.int32),
    scratch_types=[
        pltpu.VMEM((2, AP_CHUNK), jnp.float32),
        pltpu.VMEM((2, AP_CHUNK), jnp.int32),
        pltpu.VMEM((L,), jnp.float32),
        pltpu.VMEM((L,), jnp.int32),
        pltpu.SemaphoreType.DMA,
        pltpu.SemaphoreType.DMA,
        pltpu.SemaphoreType.DMA,
        pltpu.SemaphoreType.DMA,
    ],
)
def _apply_kernel(x_hbm, thr_hbm, lut_hbm, out_hbm,
                  xbuf, obuf, thrv, lutv, si0, si1, so0, so1):
    wid = lax.axis_index("s") * NC + lax.axis_index("c")
    base = wid * PER_W
    sin = (si0, si1)
    sout = (so0, so1)
    pltpu.sync_copy(thr_hbm, thrv)
    pltpu.sync_copy(lut_hbm, lutv)

    def in_copy(ci, b):
        return pltpu.make_async_copy(
            x_hbm.at[pl.ds(base + ci * AP_CHUNK, AP_CHUNK)], xbuf.at[b], sin[b])

    def out_copy(ci, b):
        return pltpu.make_async_copy(
            obuf.at[b], out_hbm.at[pl.ds(base + ci * AP_CHUNK, AP_CHUNK)], sout[b])

    in_copy(0, 0).start()
    in_copy(1, 1).start()
    zero = jnp.zeros((L,), jnp.int32)
    thr = thrv[...]
    lut = lutv[...]

    def pair_body(i, _):
        for b in (0, 1):
            ci = 2 * i + b
            in_copy(ci, b).wait()

            @pl.when(i > 0)
            def _():
                out_copy(ci - 2, b).wait()

            def vec_body(vi, _):
                for u in range(AP_U):
                    idx = (vi * AP_U + u) * L
                    v = xbuf[b, pl.ds(idx, L)]
                    c = zero
                    for half in (8, 4, 2, 1):
                        t = thr.at[c + (half - 1)].get(mode="promise_in_bounds")
                        c = c + jnp.where(v > t, half, 0)
                    obuf[b, pl.ds(idx, L)] = lut.at[c].get(mode="promise_in_bounds")
                return 0

            lax.fori_loop(0, AP_CHUNK // (L * AP_U), vec_body, 0)
            out_copy(ci, b).start()

            @pl.when(i < AP_NCHUNK // 2 - 1)
            def _():
                in_copy(ci + 2, b).start()

        return 0

    lax.fori_loop(0, AP_NCHUNK // 2, pair_body, 0)
    out_copy(AP_NCHUNK - 2, 0).wait()
    out_copy(AP_NCHUNK - 1, 1).wait()


import numpy as _np

_BIDX = _np.array([2022204, 2302723, 2606147, 1290985, 2222830, 1160667,
                   1102364, 341701, 1583860, 2142995, 2901996, 2977125,
                   2059714, 497499, 2590995], dtype=_np.int32)
_BIDX16 = _np.concatenate([_BIDX, _np.zeros((1,), _np.int32)])
_PERM_TABLE = _np.array([
    [0, 0, 0, 0, 0, 0, 0, 0, 0, 0, 0, 0, 0, 0, 0, 0],
    [0, 0, 0, 0, 0, 0, 0, 0, 0, 0, 0, 0, 0, 0, 0, 0],
    [0, 1, 0, 0, 0, 0, 0, 0, 0, 0, 0, 0, 0, 0, 0, 0],
    [2, 0, 1, 0, 0, 0, 0, 0, 0, 0, 0, 0, 0, 0, 0, 0],
    [2, 0, 3, 1, 0, 0, 0, 0, 0, 0, 0, 0, 0, 0, 0, 0],
    [2, 0, 4, 3, 1, 0, 0, 0, 0, 0, 0, 0, 0, 0, 0, 0],
    [2, 0, 4, 5, 3, 1, 0, 0, 0, 0, 0, 0, 0, 0, 0, 0],
    [2, 0, 4, 5, 6, 3, 1, 0, 0, 0, 0, 0, 0, 0, 0, 0],
    [2, 0, 4, 5, 7, 6, 3, 1, 0, 0, 0, 0, 0, 0, 0, 0],
    [2, 0, 4, 5, 7, 6, 3, 1, 8, 0, 0, 0, 0, 0, 0, 0],
    [2, 0, 4, 5, 7, 9, 6, 3, 1, 8, 0, 0, 0, 0, 0, 0],
    [2, 10, 0, 4, 5, 7, 9, 6, 3, 1, 8, 0, 0, 0, 0, 0],
    [2, 10, 0, 4, 11, 5, 7, 9, 6, 3, 1, 8, 0, 0, 0, 0],
    [2, 10, 0, 4, 11, 12, 5, 7, 9, 6, 3, 1, 8, 0, 0, 0],
    [2, 10, 0, 4, 11, 12, 5, 7, 9, 13, 6, 3, 1, 8, 0, 0],
    [2, 10, 0, 4, 11, 12, 5, 7, 9, 13, 6, 3, 14, 1, 8, 0],
    [2, 15, 10, 0, 4, 11, 12, 5, 7, 9, 13, 6, 3, 14, 1, 8],
], dtype=_np.int32)


def kernel(input):
    x = input
    outA, maxv = _fused_kernel(x, jnp.asarray(_BIDX16),
                               jnp.asarray(_PERM_TABLE.reshape(-1)))
    gmax = jnp.max(maxv[: NW * L])
    sb14 = maxv[NW * L + NUM_CLASSES - 2]
    flag = gmax > sb14

    def fixup():
        b = jnp.take(x, jnp.asarray(_BIDX))
        sb = jnp.sort(b)
        table = jnp.asarray(_PERM_TABLE)
        newval = jnp.concatenate([jnp.array([True]), sb[1:] > sb[:-1]])
        pres = jnp.concatenate([newval, jnp.array([False])])
        presi = pres.astype(jnp.int32)
        n = presi.sum()
        rank = jnp.cumsum(presi) - presi
        lut = table[n][rank]
        lut = jnp.where(n <= 1, jnp.arange(NUM_CLASSES, dtype=lut.dtype), lut)
        lutB = (NUM_CLASSES - 1 - lut).astype(jnp.int32)
        thr16 = jnp.concatenate([sb, jnp.full((1,), jnp.inf, sb.dtype)])
        return _apply_kernel(x, thr16, lutB)

    return lax.cond(flag, lambda: outA, fixup)

# --- scband reference (transcript-rebuilt; emitter-appended) ---
"""Pipeline reference for scband-multiclass-assigner-10247791968421 (READ-ONLY COPY).

The authoritative reference and input builder live on the scoring server;
editing this copy changes nothing except your own understanding.
"""

import jax, jax.numpy as jnp
import numpy as np

NUM_CLASSES = 16
T = 4194304


def setup_inputs(seed: int = 0) -> dict:
    key = jax.random.key(seed)
    x = jax.random.normal(key, (T,), dtype=jnp.float32)
    return {"input": x}


def permute_classes(classes, key):
    # Faithful translation of torch permute_classes (eager, not jitted)
    unique_vals = jnp.unique(classes, size=NUM_CLASSES, fill_value=NUM_CLASSES)
    num_classes = jnp.sum(unique_vals != NUM_CLASSES)
    indices = jnp.argsort(unique_vals)
    mapped = indices[jnp.searchsorted(unique_vals, classes)]

    def make_branch(n):
        def branch():
            perm = jax.random.permutation(key, n)
            pad = jnp.zeros((NUM_CLASSES - n,), dtype=perm.dtype)
            return jnp.concatenate([perm, pad])
        return branch

    branches = [make_branch(n) for n in range(NUM_CLASSES + 1)]
    perm_padded = jax.lax.switch(num_classes, branches)
    remapped = perm_padded[mapped]
    return jnp.where(num_classes <= 1, classes, remapped)


def reference(input):
    # mode == 'rank': boundaries sampled from the input at random indices.
    # Python-level random.random() branches are made deterministic:
    #  - random.random() > ordered_prob (0.2) -> True (most likely branch): permute classes
    #  - random.random() > 0.5 -> True: flip label order
    Tn = input.shape[0]
    k = jax.random.key(42)
    k1, k2 = jax.random.split(k)
    boundary_indices = jax.random.randint(k1, (NUM_CLASSES - 1,), 0, Tn)
    boundaries = jnp.take(input, boundary_indices)  # gather
    classes = (input[:, None] > boundaries[None, :]).sum(axis=1)
    classes = permute_classes(classes, k2)
    classes = NUM_CLASSES - 1 - classes
    return classes

if __name__ == "__main__":
    import jax
    _d = setup_inputs()
    print(jax.jit(kernel)(*tuple(_d.values())))

</pallas_src>

<mosaic_0001>
#map = affine_map<(d0, d1) -> (0)>
module attributes {stable_mosaic.version = 14 : i64} {
  func.func @_apply_kernel(%arg0: i32, %arg1: i32, %arg2: memref<4194304xf32, #tpu.memory_space<hbm>>, %arg3: memref<16xf32, #tpu.memory_space<hbm>>, %arg4: memref<16xi32, #tpu.memory_space<hbm>>, %arg5: memref<4194304xi32, #tpu.memory_space<hbm>>, %arg6: memref<2x16384xf32, #tpu.memory_space<vmem>>, %arg7: memref<2x16384xi32, #tpu.memory_space<vmem>>, %arg8: memref<16xf32, #tpu.memory_space<vmem>>, %arg9: memref<16xi32, #tpu.memory_space<vmem>>, %arg10: memref<!tpu.dma_semaphore, #tpu.memory_space<semaphore_mem>>, %arg11: memref<!tpu.dma_semaphore, #tpu.memory_space<semaphore_mem>>, %arg12: memref<!tpu.dma_semaphore, #tpu.memory_space<semaphore_mem>>, %arg13: memref<!tpu.dma_semaphore, #tpu.memory_space<semaphore_mem>>) attributes {dimension_semantics = [#tpu.dimension_semantics<core_parallel>, #tpu.dimension_semantics<subcore_parallel>], iteration_bounds = array<i64: 2, 16>, scalar_prefetch = 0 : i64, scratch_operands = 8 : i64, tpu.core_type = #tpu.core_type<sc_vector_subcore>, window_params = [{transform_indices = #map}, {transform_indices = #map}, {transform_indices = #map}, {transform_indices = #map}]} {
    %mul3A = arith.constant 2 : i32
    %mul3A_0 = arith.muli %arg1, %mul3A : i32
    %add3A = arith.addi %mul3A_0, %arg0 : i32
    %mul3A_1 = arith.constant 131072 : i32
    %mul3A_2 = arith.muli %add3A, %mul3A_1 : i32
    "tpu.region"() ({
      %run_scoped3A = tpu.sem_alloc : memref<!tpu.dma_semaphore, #tpu.memory_space<semaphore_mem>>
      tpu.enqueue_dma source(%arg3 : memref<16xf32, #tpu.memory_space<hbm>>) target(%arg8 : memref<16xf32, #tpu.memory_space<vmem>>) target_semaphore(%run_scoped3A : memref<!tpu.dma_semaphore, #tpu.memory_space<semaphore_mem>>)
      tpu.wait_dma2 semaphore(%run_scoped3A : memref<!tpu.dma_semaphore, #tpu.memory_space<semaphore_mem>>) src(%arg3 : memref<16xf32, #tpu.memory_space<hbm>>) dst(%arg8 : memref<16xf32, #tpu.memory_space<vmem>>)
      tpu.yield
    }) : () -> ()
    "tpu.region"() ({
      %run_scoped3A = tpu.sem_alloc : memref<!tpu.dma_semaphore, #tpu.memory_space<semaphore_mem>>
      tpu.enqueue_dma source(%arg4 : memref<16xi32, #tpu.memory_space<hbm>>) target(%arg9 : memref<16xi32, #tpu.memory_space<vmem>>) target_semaphore(%run_scoped3A : memref<!tpu.dma_semaphore, #tpu.memory_space<semaphore_mem>>)
      tpu.wait_dma2 semaphore(%run_scoped3A : memref<!tpu.dma_semaphore, #tpu.memory_space<semaphore_mem>>) src(%arg4 : memref<16xi32, #tpu.memory_space<hbm>>) dst(%arg9 : memref<16xi32, #tpu.memory_space<vmem>>)
      tpu.yield
    }) : () -> ()
    %add3A_3 = arith.constant 0 : i32
    %add3A_4 = arith.addi %mul3A_2, %add3A_3 : i32
    %dma_start3A = arith.constant 0 : i32
    %dma_start3A_5 = arith.constant 0 : i32
    %dma_start3A_6 = tpu.memref_slice %arg6[%dma_start3A, %dma_start3A_5] : memref<2x16384xf32, #tpu.memory_space<vmem>> -> memref<1x16384xf32, #tpu.memory_space<vmem>>
    %dma_start3A_7 = tpu.memref_squeeze %dma_start3A_6 : memref<1x16384xf32, #tpu.memory_space<vmem>> -> memref<16384xf32, #tpu.memory_space<vmem>>
    %dma_start3A_8 = tpu.memref_slice %arg2[%add3A_4] : memref<4194304xf32, #tpu.memory_space<hbm>> -> memref<16384xf32, #tpu.memory_space<hbm>>
    %dma_start3A_9 = arith.constant 0 : i32
    %dma_start3A_10 = tpu.memref_slice %arg6[%dma_start3A, %dma_start3A_9] : memref<2x16384xf32, #tpu.memory_space<vmem>> -> memref<1x16384xf32, #tpu.memory_space<vmem>>
    %dma_start3A_11 = tpu.memref_squeeze %dma_start3A_10 : memref<1x16384xf32, #tpu.memory_space<vmem>> -> memref<16384xf32, #tpu.memory_space<vmem>>
    %dma_start3A_12 = tpu.memref_slice %arg2[%add3A_4] : memref<4194304xf32, #tpu.memory_space<hbm>> -> memref<16384xf32, #tpu.memory_space<hbm>>
    tpu.enqueue_dma source(%dma_start3A_12 : memref<16384xf32, #tpu.memory_space<hbm>>) target(%dma_start3A_11 : memref<16384xf32, #tpu.memory_space<vmem>>) target_semaphore(%arg10 : memref<!tpu.dma_semaphore, #tpu.memory_space<semaphore_mem>>)
    %add3A_13 = arith.constant 16384 : i32
    %add3A_14 = arith.addi %mul3A_2, %add3A_13 : i32
    %dma_start3A_15 = arith.constant 1 : i32
    %dma_start3A_16 = arith.constant 0 : i32
    %dma_start3A_17 = tpu.memref_slice %arg6[%dma_start3A_15, %dma_start3A_16] : memref<2x16384xf32, #tpu.memory_space<vmem>> -> memref<1x16384xf32, #tpu.memory_space<vmem>>
    %dma_start3A_18 = tpu.memref_squeeze %dma_start3A_17 : memref<1x16384xf32, #tpu.memory_space<vmem>> -> memref<16384xf32, #tpu.memory_space<vmem>>
    %dma_start3A_19 = tpu.memref_slice %arg2[%add3A_14] : memref<4194304xf32, #tpu.memory_space<hbm>> -> memref<16384xf32, #tpu.memory_space<hbm>>
    %dma_start3A_20 = arith.constant 0 : i32
    %dma_start3A_21 = tpu.memref_slice %arg6[%dma_start3A_15, %dma_start3A_20] : memref<2x16384xf32, #tpu.memory_space<vmem>> -> memref<1x16384xf32, #tpu.memory_space<vmem>>
    %dma_start3A_22 = tpu.memref_squeeze %dma_start3A_21 : memref<1x16384xf32, #tpu.memory_space<vmem>> -> memref<16384xf32, #tpu.memory_space<vmem>>
    %dma_start3A_23 = tpu.memref_slice %arg2[%add3A_14] : memref<4194304xf32, #tpu.memory_space<hbm>> -> memref<16384xf32, #tpu.memory_space<hbm>>
    tpu.enqueue_dma source(%dma_start3A_23 : memref<16384xf32, #tpu.memory_space<hbm>>) target(%dma_start3A_22 : memref<16384xf32, #tpu.memory_space<vmem>>) target_semaphore(%arg11 : memref<!tpu.dma_semaphore, #tpu.memory_space<semaphore_mem>>)
    %broadcast_in_dim3A = arith.constant 0 : i32
    %broadcast_in_dim3A_24 = vector.broadcast %broadcast_in_dim3A : i32 to vector<16xi32>
    %get3A = arith.constant 0 : index
    %get3A_25 = tpu.vector_load %arg8[%get3A] {strides = array<i32>} : memref<16xf32, #tpu.memory_space<vmem>>, vector<16xf32>,
    %get3A_26 = vector.shape_cast %get3A_25 : vector<16xf32> to vector<16xf32>
    %get3A_27 = arith.constant 0 : index
    %get3A_28 = tpu.vector_load %arg9[%get3A_27] {strides = array<i32>} : memref<16xi32, #tpu.memory_space<vmem>>, vector<16xi32>,
    %get3A_29 = vector.shape_cast %get3A_28 : vector<16xi32> to vector<16xi32>
    %scan3A = arith.constant 0 : i32
    %scan3A_30 = arith.constant 0 : i32
    %scan3A_31 = arith.constant 4 : i32
    %scan3A_32 = arith.addi %scan3A_30, %scan3A_31 : i32
    %scan3A_33 = arith.constant 1 : i32
    %scan3A_34 = scf.for %scan3A_57 = %scan3A_30 to %scan3A_32 step %scan3A_33 iter_args(%scan3A_58 = %scan3A) -> (i32)  : i32 {
      %mul3A_59 = arith.constant 2 : i32
      %mul3A_60 = arith.muli %mul3A_59, %scan3A_57 : i32
      %add3A_61 = arith.constant 0 : i32
      %add3A_62 = arith.addi %mul3A_60, %add3A_61 : i32
      %mul3A_63 = arith.constant 16384 : i32
      %mul3A_64 = arith.muli %add3A_62, %mul3A_63 : i32
      %add3A_65 = arith.addi %mul3A_2, %mul3A_64 : i32
      %dma_wait3A_66 = arith.constant 0 : i32
      %dma_wait3A_67 = arith.constant 0 : i32
      %dma_wait3A_68 = tpu.memref_slice %arg6[%dma_wait3A_66, %dma_wait3A_67] : memref<2x16384xf32, #tpu.memory_space<vmem>> -> memref<1x16384xf32, #tpu.memory_space<vmem>>
      %dma_wait3A_69 = tpu.memref_squeeze %dma_wait3A_68 : memref<1x16384xf32, #tpu.memory_space<vmem>> -> memref<16384xf32, #tpu.memory_space<vmem>>
      %dma_wait3A_70 = tpu.memref_slice %arg2[%add3A_65] : memref<4194304xf32, #tpu.memory_space<hbm>> -> memref<16384xf32, #tpu.memory_space<hbm>>
      %dma_wait3A_71 = arith.constant 0 : i32
      %dma_wait3A_72 = tpu.memref_slice %arg6[%dma_wait3A_66, %dma_wait3A_71] : memref<2x16384xf32, #tpu.memory_space<vmem>> -> memref<1x16384xf32, #tpu.memory_space<vmem>>
      %dma_wait3A_73 = tpu.memref_squeeze %dma_wait3A_72 : memref<1x16384xf32, #tpu.memory_space<vmem>> -> memref<16384xf32, #tpu.memory_space<vmem>>
      %dma_wait3A_74 = tpu.memref_slice %arg2[%add3A_65] : memref<4194304xf32, #tpu.memory_space<hbm>> -> memref<16384xf32, #tpu.memory_space<hbm>>
      tpu.wait_dma2 semaphore(%arg10 : memref<!tpu.dma_semaphore, #tpu.memory_space<semaphore_mem>>) src(%dma_wait3A_74 : memref<16384xf32, #tpu.memory_space<hbm>>) dst(%dma_wait3A_73 : memref<16384xf32, #tpu.memory_space<vmem>>)
      %gt3A = arith.constant 0 : i32
      %gt3A_75 = arith.cmpi sgt, %scan3A_57, %gt3A : i32
      %convert_element_type3A = arith.extui %gt3A_75 : i1 to i32
      %cond3A = arith.constant 0 : i32
      %cond3A_76 = arith.cmpi ne, %convert_element_type3A, %cond3A : i32
      scf.if %cond3A_76 {
        %sub3A = arith.constant 2 : i32
        %sub3A_146 = arith.subi %add3A_62, %sub3A : i32
        %mul3A_147 = arith.constant 16384 : i32
        %mul3A_148 = arith.muli %sub3A_146, %mul3A_147 : i32
        %add3A_149 = arith.addi %mul3A_2, %mul3A_148 : i32
        %dma_wait3A_150 = arith.constant 0 : i32
        %dma_wait3A_151 = arith.constant 0 : i32
        %dma_wait3A_152 = tpu.memref_slice %arg7[%dma_wait3A_150, %dma_wait3A_151] : memref<2x16384xi32, #tpu.memory_space<vmem>> -> memref<1x16384xi32, #tpu.memory_space<vmem>>
        %dma_wait3A_153 = tpu.memref_squeeze %dma_wait3A_152 : memref<1x16384xi32, #tpu.memory_space<vmem>> -> memref<16384xi32, #tpu.memory_space<vmem>>
        %dma_wait3A_154 = tpu.memref_slice %arg5[%add3A_149] : memref<4194304xi32, #tpu.memory_space<hbm>> -> memref<16384xi32, #tpu.memory_space<hbm>>
        %dma_wait3A_155 = tpu.memref_slice %arg5[%add3A_149] : memref<4194304xi32, #tpu.memory_space<hbm>> -> memref<16384xi32, #tpu.memory_space<hbm>>
        %dma_wait3A_156 = arith.constant 0 : i32
        %dma_wait3A_157 = tpu.memref_slice %arg7[%dma_wait3A_150, %dma_wait3A_156] : memref<2x16384xi32, #tpu.memory_space<vmem>> -> memref<1x16384xi32, #tpu.memory_space<vmem>>
        %dma_wait3A_158 = tpu.memref_squeeze %dma_wait3A_157 : memref<1x16384xi32, #tpu.memory_space<vmem>> -> memref<16384xi32, #tpu.memory_space<vmem>>
        tpu.wait_dma2 semaphore(%arg12 : memref<!tpu.dma_semaphore, #tpu.memory_space<semaphore_mem>>) src(%dma_wait3A_158 : memref<16384xi32, #tpu.memory_space<vmem>>) dst(%dma_wait3A_155 : memref<16384xi32, #tpu.memory_space<hbm>>)
      } else {
      }
      %scan3A_77 = arith.constant 0 : i32
      %scan3A_78 = arith.constant 0 : i32
      %scan3A_79 = arith.constant 128 : i32
      %scan3A_80 = arith.addi %scan3A_78, %scan3A_79 : i32
      %scan3A_81 = arith.constant 1 : i32
      %scan3A_82 = scf.for %scan3A_146 = %scan3A_78 to %scan3A_80 step %scan3A_81 iter_args(%scan3A_147 = %scan3A_77) -> (i32)  : i32 {
        %mul3A_148 = arith.constant 8 : i32
        %mul3A_149 = arith.muli %scan3A_146, %mul3A_148 : i32
        %add3A_150 = arith.constant 0 : i32
        %add3A_151 = arith.addi %mul3A_149, %add3A_150 : i32
        %mul3A_152 = arith.constant 16 : i32
        %mul3A_153 = arith.muli %add3A_151, %mul3A_152 : i32
        %get3A_154 = arith.constant 0 : i32
        %get3A_155 = arith.index_cast %get3A_154 : i32 to index
        %get3A_156 = arith.index_cast %mul3A_153 : i32 to index
        %get3A_157 = tpu.vector_load %arg6[%get3A_155, %get3A_156] {strides = array<i32>} : memref<2x16384xf32, #tpu.memory_space<vmem>>, vector<1x16xf32>,
        %get3A_158 = vector.shape_cast %get3A_157 : vector<1x16xf32> to vector<16xf32>
        %add3A_159 = arith.constant 7 : i32
        %add3A_160 = vector.broadcast %add3A_159 : i32 to vector<16xi32>
        %add3A_161 = arith.addi %broadcast_in_dim3A_24, %add3A_160 : vector<16xi32>
        %lt3A_162 = arith.constant 0 : i32
        %lt3A_163 = vector.broadcast %lt3A_162 : i32 to vector<16xi32>
        %lt3A_164 = arith.cmpi slt, %add3A_161, %lt3A_163 : vector<16xi32>
        %add3A_165 = arith.constant 16 : i32
        %add3A_166 = vector.broadcast %add3A_165 : i32 to vector<16xi32>
        %add3A_167 = arith.addi %add3A_161, %add3A_166 : vector<16xi32>
        %select_n3A = arith.select %lt3A_164, %add3A_167, %add3A_161 : vector<16xi1>, vector<16xi32>
        %broadcast_in_dim3A_168 = vector.shape_cast %select_n3A : vector<16xi32> to vector<16x1xi32>
        %gather3A = vector.shape_cast %broadcast_in_dim3A_168 : vector<16x1xi32> to vector<16xi32>
        %gather3A_169 = tpu.dynamic_gather %get3A_26[%gather3A] in [0] : vector<16xf32>, vector<16xi32> -> vector<16xf32>
        %gt3A_170 = arith.cmpf ogt, %get3A_158, %gather3A_169 : vector<16xf32>
        %jit3A = arith.constant 8 : i32
        %jit3A_171 = arith.constant 0 : i32
        %broadcast_in_dim3A_172 = vector.broadcast %jit3A : i32 to vector<16xi32>
        %broadcast_in_dim3A_173 = vector.broadcast %jit3A_171 : i32 to vector<16xi32>
        %select_n3A_174 = arith.select %gt3A_170, %broadcast_in_dim3A_172, %broadcast_in_dim3A_173 : vector<16xi1>, vector<16xi32>
        %add3A_175 = arith.addi %broadcast_in_dim3A_24, %select_n3A_174 : vector<16xi32>
        %add3A_176 = arith.constant 3 : i32
        %add3A_177 = vector.broadcast %add3A_176 : i32 to vector<16xi32>
        %add3A_178 = arith.addi %add3A_175, %add3A_177 : vector<16xi32>
        %lt3A_179 = arith.constant 0 : i32
        %lt3A_180 = vector.broadcast %lt3A_179 : i32 to vector<16xi32>
        %lt3A_181 = arith.cmpi slt, %add3A_178, %lt3A_180 : vector<16xi32>
        %add3A_182 = arith.constant 16 : i32
        %add3A_183 = vector.broadcast %add3A_182 : i32 to vector<16xi32>
        %add3A_184 = arith.addi %add3A_178, %add3A_183 : vector<16xi32>
        %select_n3A_185 = arith.select %lt3A_181, %add3A_184, %add3A_178 : vector<16xi1>, vector<16xi32>
        %broadcast_in_dim3A_186 = vector.shape_cast %select_n3A_185 : vector<16xi32> to vector<16x1xi32>
        %gather3A_187 = vector.shape_cast %broadcast_in_dim3A_186 : vector<16x1xi32> to vector<16xi32>
        %gather3A_188 = tpu.dynamic_gather %get3A_26[%gather3A_187] in [0] : vector<16xf32>, vector<16xi32> -> vector<16xf32>
        %gt3A_189 = arith.cmpf ogt, %get3A_158, %gather3A_188 : vector<16xf32>
        %jit3A_190 = arith.constant 4 : i32
        %jit3A_191 = arith.constant 0 : i32
        %broadcast_in_dim3A_192 = vector.broadcast %jit3A_190 : i32 to vector<16xi32>
        %broadcast_in_dim3A_193 = vector.broadcast %jit3A_191 : i32 to vector<16xi32>
        %select_n3A_194 = arith.select %gt3A_189, %broadcast_in_dim3A_192, %broadcast_in_dim3A_193 : vector<16xi1>, vector<16xi32>
        %add3A_195 = arith.addi %add3A_175, %select_n3A_194 : vector<16xi32>
        %add3A_196 = arith.constant 1 : i32
        %add3A_197 = vector.broadcast %add3A_196 : i32 to vector<16xi32>
        %add3A_198 = arith.addi %add3A_195, %add3A_197 : vector<16xi32>
        %lt3A_199 = arith.constant 0 : i32
        %lt3A_200 = vector.broadcast %lt3A_199 : i32 to vector<16xi32>
        %lt3A_201 = arith.cmpi slt, %add3A_198, %lt3A_200 : vector<16xi32>
        %add3A_202 = arith.constant 16 : i32
        %add3A_203 = vector.broadcast %add3A_202 : i32 to vector<16xi32>
        %add3A_204 = arith.addi %add3A_198, %add3A_203 : vector<16xi32>
        %select_n3A_205 = arith.select %lt3A_201, %add3A_204, %add3A_198 : vector<16xi1>, vector<16xi32>
        %broadcast_in_dim3A_206 = vector.shape_cast %select_n3A_205 : vector<16xi32> to vector<16x1xi32>
        %gather3A_207 = vector.shape_cast %broadcast_in_dim3A_206 : vector<16x1xi32> to vector<16xi32>
        %gather3A_208 = tpu.dynamic_gather %get3A_26[%gather3A_207] in [0] : vector<16xf32>, vector<16xi32> -> vector<16xf32>
        %gt3A_209 = arith.cmpf ogt, %get3A_158, %gather3A_208 : vector<16xf32>
        %jit3A_210 = arith.constant 2 : i32
        %jit3A_211 = arith.constant 0 : i32
        %broadcast_in_dim3A_212 = vector.broadcast %jit3A_210 : i32 to vector<16xi32>
        %broadcast_in_dim3A_213 = vector.broadcast %jit3A_211 : i32 to vector<16xi32>
        %select_n3A_214 = arith.select %gt3A_209, %broadcast_in_dim3A_212, %broadcast_in_dim3A_213 : vector<16xi1>, vector<16xi32>
        %add3A_215 = arith.addi %add3A_195, %select_n3A_214 : vector<16xi32>
        %add3A_216 = arith.constant 0 : i32
        %add3A_217 = vector.broadcast %add3A_216 : i32 to vector<16xi32>
        %add3A_218 = arith.addi %add3A_215, %add3A_217 : vector<16xi32>
        %lt3A_219 = arith.constant 0 : i32
        %lt3A_220 = vector.broadcast %lt3A_219 : i32 to vector<16xi32>
        %lt3A_221 = arith.cmpi slt, %add3A_218, %lt3A_220 : vector<16xi32>
        %add3A_222 = arith.constant 16 : i32
        %add3A_223 = vector.broadcast %add3A_222 : i32 to vector<16xi32>
        %add3A_224 = arith.addi %add3A_218, %add3A_223 : vector<16xi32>
        %select_n3A_225 = arith.select %lt3A_221, %add3A_224, %add3A_218 : vector<16xi1>, vector<16xi32>
        %broadcast_in_dim3A_226 = vector.shape_cast %select_n3A_225 : vector<16xi32> to vector<16x1xi32>
        %gather3A_227 = vector.shape_cast %broadcast_in_dim3A_226 : vector<16x1xi32> to vector<16xi32>
        %gather3A_228 = tpu.dynamic_gather %get3A_26[%gather3A_227] in [0] : vector<16xf32>, vector<16xi32> -> vector<16xf32>
        %gt3A_229 = arith.cmpf ogt, %get3A_158, %gather3A_228 : vector<16xf32>
        %jit3A_230 = arith.constant 1 : i32
        %jit3A_231 = arith.constant 0 : i32
        %broadcast_in_dim3A_232 = vector.broadcast %jit3A_230 : i32 to vector<16xi32>
        %broadcast_in_dim3A_233 = vector.broadcast %jit3A_231 : i32 to vector<16xi32>
        %select_n3A_234 = arith.select %gt3A_229, %broadcast_in_dim3A_232, %broadcast_in_dim3A_233 : vector<16xi1>, vector<16xi32>
        %add3A_235 = arith.addi %add3A_215, %select_n3A_234 : vector<16xi32>
        %lt3A_236 = arith.constant 0 : i32
        %lt3A_237 = vector.broadcast %lt3A_236 : i32 to vector<16xi32>
        %lt3A_238 = arith.cmpi slt, %add3A_235, %lt3A_237 : vector<16xi32>
        %add3A_239 = arith.constant 16 : i32
        %add3A_240 = vector.broadcast %add3A_239 : i32 to vector<16xi32>
        %add3A_241 = arith.addi %add3A_235, %add3A_240 : vector<16xi32>
        %select_n3A_242 = arith.select %lt3A_238, %add3A_241, %add3A_235 : vector<16xi1>, vector<16xi32>
        %broadcast_in_dim3A_243 = vector.shape_cast %select_n3A_242 : vector<16xi32> to vector<16x1xi32>
        %gather3A_244 = vector.shape_cast %broadcast_in_dim3A_243 : vector<16x1xi32> to vector<16xi32>
        %gather3A_245 = tpu.dynamic_gather %get3A_29[%gather3A_244] in [0] : vector<16xi32>, vector<16xi32> -> vector<16xi32>
        %swap3A = arith.constant 0 : i32
        %swap3A_246 = arith.index_cast %swap3A : i32 to index
        %swap3A_247 = arith.index_cast %mul3A_153 : i32 to index
        %swap3A_248 = tpu.vector_load %arg7[%swap3A_246, %swap3A_247] {strides = array<i32>} : memref<2x16384xi32, #tpu.memory_space<vmem>>, vector<1x16xi32>,
        %swap3A_249 = vector.shape_cast %swap3A_248 : vector<1x16xi32> to vector<16xi32>
        %swap3A_250 = vector.shape_cast %gather3A_245 : vector<16xi32> to vector<1x16xi32>
        tpu.vector_store %arg7[%swap3A_246, %swap3A_247], %swap3A_250 {strides = array<i32>} : memref<2x16384xi32, #tpu.memory_space<vmem>>, vector<1x16xi32>,
        %mul3A_251 = arith.constant 8 : i32
        %mul3A_252 = arith.muli %scan3A_146, %mul3A_251 : i32
        %add3A_253 = arith.constant 1 : i32
        %add3A_254 = arith.addi %mul3A_252, %add3A_253 : i32
        %mul3A_255 = arith.constant 16 : i32
        %mul3A_256 = arith.muli %add3A_254, %mul3A_255 : i32
        %get3A_257 = arith.constant 0 : i32
        %get3A_258 = arith.index_cast %get3A_257 : i32 to index
        %get3A_259 = arith.index_cast %mul3A_256 : i32 to index
        %get3A_260 = tpu.vector_load %arg6[%get3A_258, %get3A_259] {strides = array<i32>} : memref<2x16384xf32, #tpu.memory_space<vmem>>, vector<1x16xf32>,
        %get3A_261 = vector.shape_cast %get3A_260 : vector<1x16xf32> to vector<16xf32>
        %add3A_262 = arith.constant 7 : i32
        %add3A_263 = vector.broadcast %add3A_262 : i32 to vector<16xi32>
        %add3A_264 = arith.addi %broadcast_in_dim3A_24, %add3A_263 : vector<16xi32>
        %lt3A_265 = arith.constant 0 : i32
        %lt3A_266 = vector.broadcast %lt3A_265 : i32 to vector<16xi32>
        %lt3A_267 = arith.cmpi slt, %add3A_264, %lt3A_266 : vector<16xi32>
        %add3A_268 = arith.constant 16 : i32
        %add3A_269 = vector.broadcast %add3A_268 : i32 to vector<16xi32>
        %add3A_270 = arith.addi %add3A_264, %add3A_269 : vector<16xi32>
        %select_n3A_271 = arith.select %lt3A_267, %add3A_270, %add3A_264 : vector<16xi1>, vector<16xi32>
        %broadcast_in_dim3A_272 = vector.shape_cast %select_n3A_271 : vector<16xi32> to vector<16x1xi32>
        %gather3A_273 = vector.shape_cast %broadcast_in_dim3A_272 : vector<16x1xi32> to vector<16xi32>
        %gather3A_274 = tpu.dynamic_gather %get3A_26[%gather3A_273] in [0] : vector<16xf32>, vector<16xi32> -> vector<16xf32>
        %gt3A_275 = arith.cmpf ogt, %get3A_261, %gather3A_274 : vector<16xf32>
        %jit3A_276 = arith.constant 8 : i32
        %jit3A_277 = arith.constant 0 : i32
        %broadcast_in_dim3A_278 = vector.broadcast %jit3A_276 : i32 to vector<16xi32>
        %broadcast_in_dim3A_279 = vector.broadcast %jit3A_277 : i32 to vector<16xi32>
        %select_n3A_280 = arith.select %gt3A_275, %broadcast_in_dim3A_278, %broadcast_in_dim3A_279 : vector<16xi1>, vector<16xi32>
        %add3A_281 = arith.addi %broadcast_in_dim3A_24, %select_n3A_280 : vector<16xi32>
        %add3A_282 = arith.constant 3 : i32
        %add3A_283 = vector.broadcast %add3A_282 : i32 to vector<16xi32>
        %add3A_284 = arith.addi %add3A_281, %add3A_283 : vector<16xi32>
        %lt3A_285 = arith.constant 0 : i32
        %lt3A_286 = vector.broadcast %lt3A_285 : i32 to vector<16xi32>
        %lt3A_287 = arith.cmpi slt, %add3A_284, %lt3A_286 : vector<16xi32>
        %add3A_288 = arith.constant 16 : i32
        %add3A_289 = vector.broadcast %add3A_288 : i32 to vector<16xi32>
        %add3A_290 = arith.addi %add3A_284, %add3A_289 : vector<16xi32>
        %select_n3A_291 = arith.select %lt3A_287, %add3A_290, %add3A_284 : vector<16xi1>, vector<16xi32>
        %broadcast_in_dim3A_292 = vector.shape_cast %select_n3A_291 : vector<16xi32> to vector<16x1xi32>
        %gather3A_293 = vector.shape_cast %broadcast_in_dim3A_292 : vector<16x1xi32> to vector<16xi32>
        %gather3A_294 = tpu.dynamic_gather %get3A_26[%gather3A_293] in [0] : vector<16xf32>, vector<16xi32> -> vector<16xf32>
        %gt3A_295 = arith.cmpf ogt, %get3A_261, %gather3A_294 : vector<16xf32>
        %jit3A_296 = arith.constant 4 : i32
        %jit3A_297 = arith.constant 0 : i32
        %broadcast_in_dim3A_298 = vector.broadcast %jit3A_296 : i32 to vector<16xi32>
        %broadcast_in_dim3A_299 = vector.broadcast %jit3A_297 : i32 to vector<16xi32>
        %select_n3A_300 = arith.select %gt3A_295, %broadcast_in_dim3A_298, %broadcast_in_dim3A_299 : vector<16xi1>, vector<16xi32>
        %add3A_301 = arith.addi %add3A_281, %select_n3A_300 : vector<16xi32>
        %add3A_302 = arith.constant 1 : i32
        %add3A_303 = vector.broadcast %add3A_302 : i32 to vector<16xi32>
        %add3A_304 = arith.addi %add3A_301, %add3A_303 : vector<16xi32>
        %lt3A_305 = arith.constant 0 : i32
        %lt3A_306 = vector.broadcast %lt3A_305 : i32 to vector<16xi32>
        %lt3A_307 = arith.cmpi slt, %add3A_304, %lt3A_306 : vector<16xi32>
        %add3A_308 = arith.constant 16 : i32
        %add3A_309 = vector.broadcast %add3A_308 : i32 to vector<16xi32>
        %add3A_310 = arith.addi %add3A_304, %add3A_309 : vector<16xi32>
        %select_n3A_311 = arith.select %lt3A_307, %add3A_310, %add3A_304 : vector<16xi1>, vector<16xi32>
        %broadcast_in_dim3A_312 = vector.shape_cast %select_n3A_311 : vector<16xi32> to vector<16x1xi32>
        %gather3A_313 = vector.shape_cast %broadcast_in_dim3A_312 : vector<16x1xi32> to vector<16xi32>
        %gather3A_314 = tpu.dynamic_gather %get3A_26[%gather3A_313] in [0] : vector<16xf32>, vector<16xi32> -> vector<16xf32>
        %gt3A_315 = arith.cmpf ogt, %get3A_261, %gather3A_314 : vector<16xf32>
        %jit3A_316 = arith.constant 2 : i32
        %jit3A_317 = arith.constant 0 : i32
        %broadcast_in_dim3A_318 = vector.broadcast %jit3A_316 : i32 to vector<16xi32>
        %broadcast_in_dim3A_319 = vector.broadcast %jit3A_317 : i32 to vector<16xi32>
        %select_n3A_320 = arith.select %gt3A_315, %broadcast_in_dim3A_318, %broadcast_in_dim3A_319 : vector<16xi1>, vector<16xi32>
        %add3A_321 = arith.addi %add3A_301, %select_n3A_320 : vector<16xi32>
        %add3A_322 = arith.constant 0 : i32
        %add3A_323 = vector.broadcast %add3A_322 : i32 to vector<16xi32>
        %add3A_324 = arith.addi %add3A_321, %add3A_323 : vector<16xi32>
        %lt3A_325 = arith.constant 0 : i32
        %lt3A_326 = vector.broadcast %lt3A_325 : i32 to vector<16xi32>
        %lt3A_327 = arith.cmpi slt, %add3A_324, %lt3A_326 : vector<16xi32>
        %add3A_328 = arith.constant 16 : i32
        %add3A_329 = vector.broadcast %add3A_328 : i32 to vector<16xi32>
        %add3A_330 = arith.addi %add3A_324, %add3A_329 : vector<16xi32>
        %select_n3A_331 = arith.select %lt3A_327, %add3A_330, %add3A_324 : vector<16xi1>, vector<16xi32>
        %broadcast_in_dim3A_332 = vector.shape_cast %select_n3A_331 : vector<16xi32> to vector<16x1xi32>
        %gather3A_333 = vector.shape_cast %broadcast_in_dim3A_332 : vector<16x1xi32> to vector<16xi32>
        %gather3A_334 = tpu.dynamic_gather %get3A_26[%gather3A_333] in [0] : vector<16xf32>, vector<16xi32> -> vector<16xf32>
        %gt3A_335 = arith.cmpf ogt, %get3A_261, %gather3A_334 : vector<16xf32>
        %jit3A_336 = arith.constant 1 : i32
        %jit3A_337 = arith.constant 0 : i32
        %broadcast_in_dim3A_338 = vector.broadcast %jit3A_336 : i32 to vector<16xi32>
        %broadcast_in_dim3A_339 = vector.broadcast %jit3A_337 : i32 to vector<16xi32>
        %select_n3A_340 = arith.select %gt3A_335, %broadcast_in_dim3A_338, %broadcast_in_dim3A_339 : vector<16xi1>, vector<16xi32>
        %add3A_341 = arith.addi %add3A_321, %select_n3A_340 : vector<16xi32>
        %lt3A_342 = arith.constant 0 : i32
        %lt3A_343 = vector.broadcast %lt3A_342 : i32 to vector<16xi32>
        %lt3A_344 = arith.cmpi slt, %add3A_341, %lt3A_343 : vector<16xi32>
        %add3A_345 = arith.constant 16 : i32
        %add3A_346 = vector.broadcast %add3A_345 : i32 to vector<16xi32>
        %add3A_347 = arith.addi %add3A_341, %add3A_346 : vector<16xi32>
        %select_n3A_348 = arith.select %lt3A_344, %add3A_347, %add3A_341 : vector<16xi1>, vector<16xi32>
        %broadcast_in_dim3A_349 = vector.shape_cast %select_n3A_348 : vector<16xi32> to vector<16x1xi32>
        %gather3A_350 = vector.shape_cast %broadcast_in_dim3A_349 : vector<16x1xi32> to vector<16xi32>
        %gather3A_351 = tpu.dynamic_gather %get3A_29[%gather3A_350] in [0] : vector<16xi32>, vector<16xi32> -> vector<16xi32>
        %swap3A_352 = arith.constant 0 : i32
        %swap3A_353 = arith.index_cast %swap3A_352 : i32 to index
        %swap3A_354 = arith.index_cast %mul3A_256 : i32 to index
        %swap3A_355 = tpu.vector_load %arg7[%swap3A_353, %swap3A_354] {strides = array<i32>} : memref<2x16384xi32, #tpu.memory_space<vmem>>, vector<1x16xi32>,
        %swap3A_356 = vector.shape_cast %swap3A_355 : vector<1x16xi32> to vector<16xi32>
        %swap3A_357 = vector.shape_cast %gather3A_351 : vector<16xi32> to vector<1x16xi32>
        tpu.vector_store %arg7[%swap3A_353, %swap3A_354], %swap3A_357 {strides = array<i32>} : memref<2x16384xi32, #tpu.memory_space<vmem>>, vector<1x16xi32>,
        %mul3A_358 = arith.constant 8 : i32
        %mul3A_359 = arith.muli %scan3A_146, %mul3A_358 : i32
        %add3A_360 = arith.constant 2 : i32
        %add3A_361 = arith.addi %mul3A_359, %add3A_360 : i32
        %mul3A_362 = arith.constant 16 : i32
        %mul3A_363 = arith.muli %add3A_361, %mul3A_362 : i32
        %get3A_364 = arith.constant 0 : i32
        %get3A_365 = arith.index_cast %get3A_364 : i32 to index
        %get3A_366 = arith.index_cast %mul3A_363 : i32 to index
        %get3A_367 = tpu.vector_load %arg6[%get3A_365, %get3A_366] {strides = array<i32>} : memref<2x16384xf32, #tpu.memory_space<vmem>>, vector<1x16xf32>,
        %get3A_368 = vector.shape_cast %get3A_367 : vector<1x16xf32> to vector<16xf32>
        %add3A_369 = arith.constant 7 : i32
        %add3A_370 = vector.broadcast %add3A_369 : i32 to vector<16xi32>
        %add3A_371 = arith.addi %broadcast_in_dim3A_24, %add3A_370 : vector<16xi32>
        %lt3A_372 = arith.constant 0 : i32
        %lt3A_373 = vector.broadcast %lt3A_372 : i32 to vector<16xi32>
        %lt3A_374 = arith.cmpi slt, %add3A_371, %lt3A_373 : vector<16xi32>
        %add3A_375 = arith.constant 16 : i32
        %add3A_376 = vector.broadcast %add3A_375 : i32 to vector<16xi32>
        %add3A_377 = arith.addi %add3A_371, %add3A_376 : vector<16xi32>
        %select_n3A_378 = arith.select %lt3A_374, %add3A_377, %add3A_371 : vector<16xi1>, vector<16xi32>
        %broadcast_in_dim3A_379 = vector.shape_cast %select_n3A_378 : vector<16xi32> to vector<16x1xi32>
        %gather3A_380 = vector.shape_cast %broadcast_in_dim3A_379 : vector<16x1xi32> to vector<16xi32>
        %gather3A_381 = tpu.dynamic_gather %get3A_26[%gather3A_380] in [0] : vector<16xf32>, vector<16xi32> -> vector<16xf32>
        %gt3A_382 = arith.cmpf ogt, %get3A_368, %gather3A_381 : vector<16xf32>
        %jit3A_383 = arith.constant 8 : i32
        %jit3A_384 = arith.constant 0 : i32
        %broadcast_in_dim3A_385 = vector.broadcast %jit3A_383 : i32 to vector<16xi32>
        %broadcast_in_dim3A_386 = vector.broadcast %jit3A_384 : i32 to vector<16xi32>
        %select_n3A_387 = arith.select %gt3A_382, %broadcast_in_dim3A_385, %broadcast_in_dim3A_386 : vector<16xi1>, vector<16xi32>
        %add3A_388 = arith.addi %broadcast_in_dim3A_24, %select_n3A_387 : vector<16xi32>
        %add3A_389 = arith.constant 3 : i32
        %add3A_390 = vector.broadcast %add3A_389 : i32 to vector<16xi32>
        %add3A_391 = arith.addi %add3A_388, %add3A_390 : vector<16xi32>
        %lt3A_392 = arith.constant 0 : i32
        %lt3A_393 = vector.broadcast %lt3A_392 : i32 to vector<16xi32>
        %lt3A_394 = arith.cmpi slt, %add3A_391, %lt3A_393 : vector<16xi32>
        %add3A_395 = arith.constant 16 : i32
        %add3A_396 = vector.broadcast %add3A_395 : i32 to vector<16xi32>
        %add3A_397 = arith.addi %add3A_391, %add3A_396 : vector<16xi32>
        %select_n3A_398 = arith.select %lt3A_394, %add3A_397, %add3A_391 : vector<16xi1>, vector<16xi32>
        %broadcast_in_dim3A_399 = vector.shape_cast %select_n3A_398 : vector<16xi32> to vector<16x1xi32>
        %gather3A_400 = vector.shape_cast %broadcast_in_dim3A_399 : vector<16x1xi32> to vector<16xi32>
        %gather3A_401 = tpu.dynamic_gather %get3A_26[%gather3A_400] in [0] : vector<16xf32>, vector<16xi32> -> vector<16xf32>
        %gt3A_402 = arith.cmpf ogt, %get3A_368, %gather3A_401 : vector<16xf32>
        %jit3A_403 = arith.constant 4 : i32
        %jit3A_404 = arith.constant 0 : i32
        %broadcast_in_dim3A_405 = vector.broadcast %jit3A_403 : i32 to vector<16xi32>
        %broadcast_in_dim3A_406 = vector.broadcast %jit3A_404 : i32 to vector<16xi32>
        %select_n3A_407 = arith.select %gt3A_402, %broadcast_in_dim3A_405, %broadcast_in_dim3A_406 : vector<16xi1>, vector<16xi32>
        %add3A_408 = arith.addi %add3A_388, %select_n3A_407 : vector<16xi32>
        %add3A_409 = arith.constant 1 : i32
        %add3A_410 = vector.broadcast %add3A_409 : i32 to vector<16xi32>
        %add3A_411 = arith.addi %add3A_408, %add3A_410 : vector<16xi32>
        %lt3A_412 = arith.constant 0 : i32
        %lt3A_413 = vector.broadcast %lt3A_412 : i32 to vector<16xi32>
        %lt3A_414 = arith.cmpi slt, %add3A_411, %lt3A_413 : vector<16xi32>
        %add3A_415 = arith.constant 16 : i32
        %add3A_416 = vector.broadcast %add3A_415 : i32 to vector<16xi32>
        %add3A_417 = arith.addi %add3A_411, %add3A_416 : vector<16xi32>
        %select_n3A_418 = arith.select %lt3A_414, %add3A_417, %add3A_411 : vector<16xi1>, vector<16xi32>
        %broadcast_in_dim3A_419 = vector.shape_cast %select_n3A_418 : vector<16xi32> to vector<16x1xi32>
        %gather3A_420 = vector.shape_cast %broadcast_in_dim3A_419 : vector<16x1xi32> to vector<16xi32>
        %gather3A_421 = tpu.dynamic_gather %get3A_26[%gather3A_420] in [0] : vector<16xf32>, vector<16xi32> -> vector<16xf32>
        %gt3A_422 = arith.cmpf ogt, %get3A_368, %gather3A_421 : vector<16xf32>
        %jit3A_423 = arith.constant 2 : i32
        %jit3A_424 = arith.constant 0 : i32
        %broadcast_in_dim3A_425 = vector.broadcast %jit3A_423 : i32 to vector<16xi32>
        %broadcast_in_dim3A_426 = vector.broadcast %jit3A_424 : i32 to vector<16xi32>
        %select_n3A_427 = arith.select %gt3A_422, %broadcast_in_dim3A_425, %broadcast_in_dim3A_426 : vector<16xi1>, vector<16xi32>
        %add3A_428 = arith.addi %add3A_408, %select_n3A_427 : vector<16xi32>
        %add3A_429 = arith.constant 0 : i32
        %add3A_430 = vector.broadcast %add3A_429 : i32 to vector<16xi32>
        %add3A_431 = arith.addi %add3A_428, %add3A_430 : vector<16xi32>
        %lt3A_432 = arith.constant 0 : i32
        %lt3A_433 = vector.broadcast %lt3A_432 : i32 to vector<16xi32>
        %lt3A_434 = arith.cmpi slt, %add3A_431, %lt3A_433 : vector<16xi32>
        %add3A_435 = arith.constant 16 : i32
        %add3A_436 = vector.broadcast %add3A_435 : i32 to vector<16xi32>
        %add3A_437 = arith.addi %add3A_431, %add3A_436 : vector<16xi32>
        %select_n3A_438 = arith.select %lt3A_434, %add3A_437, %add3A_431 : vector<16xi1>, vector<16xi32>
        %broadcast_in_dim3A_439 = vector.shape_cast %select_n3A_438 : vector<16xi32> to vector<16x1xi32>
        %gather3A_440 = vector.shape_cast %broadcast_in_dim3A_439 : vector<16x1xi32> to vector<16xi32>
        %gather3A_441 = tpu.dynamic_gather %get3A_26[%gather3A_440] in [0] : vector<16xf32>, vector<16xi32> -> vector<16xf32>
        %gt3A_442 = arith.cmpf ogt, %get3A_368, %gather3A_441 : vector<16xf32>
        %jit3A_443 = arith.constant 1 : i32
        %jit3A_444 = arith.constant 0 : i32
        %broadcast_in_dim3A_445 = vector.broadcast %jit3A_443 : i32 to vector<16xi32>
        %broadcast_in_dim3A_446 = vector.broadcast %jit3A_444 : i32 to vector<16xi32>
        %select_n3A_447 = arith.select %gt3A_442, %broadcast_in_dim3A_445, %broadcast_in_dim3A_446 : vector<16xi1>, vector<16xi32>
        %add3A_448 = arith.addi %add3A_428, %select_n3A_447 : vector<16xi32>
        %lt3A_449 = arith.constant 0 : i32
        %lt3A_450 = vector.broadcast %lt3A_449 : i32 to vector<16xi32>
        %lt3A_451 = arith.cmpi slt, %add3A_448, %lt3A_450 : vector<16xi32>
        %add3A_452 = arith.constant 16 : i32
        %add3A_453 = vector.broadcast %add3A_452 : i32 to vector<16xi32>
        %add3A_454 = arith.addi %add3A_448, %add3A_453 : vector<16xi32>
        %select_n3A_455 = arith.select %lt3A_451, %add3A_454, %add3A_448 : vector<16xi1>, vector<16xi32>
        %broadcast_in_dim3A_456 = vector.shape_cast %select_n3A_455 : vector<16xi32> to vector<16x1xi32>
        %gather3A_457 = vector.shape_cast %broadcast_in_dim3A_456 : vector<16x1xi32> to vector<16xi32>
        %gather3A_458 = tpu.dynamic_gather %get3A_29[%gather3A_457] in [0] : vector<16xi32>, vector<16xi32> -> vector<16xi32>
        %swap3A_459 = arith.constant 0 : i32
        %swap3A_460 = arith.index_cast %swap3A_459 : i32 to index
        %swap3A_461 = arith.index_cast %mul3A_363 : i32 to index
        %swap3A_462 = tpu.vector_load %arg7[%swap3A_460, %swap3A_461] {strides = array<i32>} : memref<2x16384xi32, #tpu.memory_space<vmem>>, vector<1x16xi32>,
        %swap3A_463 = vector.shape_cast %swap3A_462 : vector<1x16xi32> to vector<16xi32>
        %swap3A_464 = vector.shape_cast %gather3A_458 : vector<16xi32> to vector<1x16xi32>
        tpu.vector_store %arg7[%swap3A_460, %swap3A_461], %swap3A_464 {strides = array<i32>} : memref<2x16384xi32, #tpu.memory_space<vmem>>, vector<1x16xi32>,
        %mul3A_465 = arith.constant 8 : i32
        %mul3A_466 = arith.muli %scan3A_146, %mul3A_465 : i32
        %add3A_467 = arith.constant 3 : i32
        %add3A_468 = arith.addi %mul3A_466, %add3A_467 : i32
        %mul3A_469 = arith.constant 16 : i32
        %mul3A_470 = arith.muli %add3A_468, %mul3A_469 : i32
        %get3A_471 = arith.constant 0 : i32
        %get3A_472 = arith.index_cast %get3A_471 : i32 to index
        %get3A_473 = arith.index_cast %mul3A_470 : i32 to index
        %get3A_474 = tpu.vector_load %arg6[%get3A_472, %get3A_473] {strides = array<i32>} : memref<2x16384xf32, #tpu.memory_space<vmem>>, vector<1x16xf32>,
        %get3A_475 = vector.shape_cast %get3A_474 : vector<1x16xf32> to vector<16xf32>
        %add3A_476 = arith.constant 7 : i32
        %add3A_477 = vector.broadcast %add3A_476 : i32 to vector<16xi32>
        %add3A_478 = arith.addi %broadcast_in_dim3A_24, %add3A_477 : vector<16xi32>
        %lt3A_479 = arith.constant 0 : i32
        %lt3A_480 = vector.broadcast %lt3A_479 : i32 to vector<16xi32>
        %lt3A_481 = arith.cmpi slt, %add3A_478, %lt3A_480 : vector<16xi32>
        %add3A_482 = arith.constant 16 : i32
        %add3A_483 = vector.broadcast %add3A_482 : i32 to vector<16xi32>
        %add3A_484 = arith.addi %add3A_478, %add3A_483 : vector<16xi32>
        %select_n3A_485 = arith.select %lt3A_481, %add3A_484, %add3A_478 : vector<16xi1>, vector<16xi32>
        %broadcast_in_dim3A_486 = vector.shape_cast %select_n3A_485 : vector<16xi32> to vector<16x1xi32>
        %gather3A_487 = vector.shape_cast %broadcast_in_dim3A_486 : vector<16x1xi32> to vector<16xi32>
        %gather3A_488 = tpu.dynamic_gather %get3A_26[%gather3A_487] in [0] : vector<16xf32>, vector<16xi32> -> vector<16xf32>
        %gt3A_489 = arith.cmpf ogt, %get3A_475, %gather3A_488 : vector<16xf32>
        %jit3A_490 = arith.constant 8 : i32
        %jit3A_491 = arith.constant 0 : i32
        %broadcast_in_dim3A_492 = vector.broadcast %jit3A_490 : i32 to vector<16xi32>
        %broadcast_in_dim3A_493 = vector.broadcast %jit3A_491 : i32 to vector<16xi32>
        %select_n3A_494 = arith.select %gt3A_489, %broadcast_in_dim3A_492, %broadcast_in_dim3A_493 : vector<16xi1>, vector<16xi32>
        %add3A_495 = arith.addi %broadcast_in_dim3A_24, %select_n3A_494 : vector<16xi32>
        %add3A_496 = arith.constant 3 : i32
        %add3A_497 = vector.broadcast %add3A_496 : i32 to vector<16xi32>
        %add3A_498 = arith.addi %add3A_495, %add3A_497 : vector<16xi32>
        %lt3A_499 = arith.constant 0 : i32
        %lt3A_500 = vector.broadcast %lt3A_499 : i32 to vector<16xi32>
        %lt3A_501 = arith.cmpi slt, %add3A_498, %lt3A_500 : vector<16xi32>
        %add3A_502 = arith.constant 16 : i32
        %add3A_503 = vector.broadcast %add3A_502 : i32 to vector<16xi32>
        %add3A_504 = arith.addi %add3A_498, %add3A_503 : vector<16xi32>
        %select_n3A_505 = arith.select %lt3A_501, %add3A_504, %add3A_498 : vector<16xi1>, vector<16xi32>
        %broadcast_in_dim3A_506 = vector.shape_cast %select_n3A_505 : vector<16xi32> to vector<16x1xi32>
        %gather3A_507 = vector.shape_cast %broadcast_in_dim3A_506 : vector<16x1xi32> to vector<16xi32>
        %gather3A_508 = tpu.dynamic_gather %get3A_26[%gather3A_507] in [0] : vector<16xf32>, vector<16xi32> -> vector<16xf32>
        %gt3A_509 = arith.cmpf ogt, %get3A_475, %gather3A_508 : vector<16xf32>
        %jit3A_510 = arith.constant 4 : i32
        %jit3A_511 = arith.constant 0 : i32
        %broadcast_in_dim3A_512 = vector.broadcast %jit3A_510 : i32 to vector<16xi32>
        %broadcast_in_dim3A_513 = vector.broadcast %jit3A_511 : i32 to vector<16xi32>
        %select_n3A_514 = arith.select %gt3A_509, %broadcast_in_dim3A_512, %broadcast_in_dim3A_513 : vector<16xi1>, vector<16xi32>
        %add3A_515 = arith.addi %add3A_495, %select_n3A_514 : vector<16xi32>
        %add3A_516 = arith.constant 1 : i32
        %add3A_517 = vector.broadcast %add3A_516 : i32 to vector<16xi32>
        %add3A_518 = arith.addi %add3A_515, %add3A_517 : vector<16xi32>
        %lt3A_519 = arith.constant 0 : i32
        %lt3A_520 = vector.broadcast %lt3A_519 : i32 to vector<16xi32>
        %lt3A_521 = arith.cmpi slt, %add3A_518, %lt3A_520 : vector<16xi32>
        %add3A_522 = arith.constant 16 : i32
        %add3A_523 = vector.broadcast %add3A_522 : i32 to vector<16xi32>
        %add3A_524 = arith.addi %add3A_518, %add3A_523 : vector<16xi32>
        %select_n3A_525 = arith.select %lt3A_521, %add3A_524, %add3A_518 : vector<16xi1>, vector<16xi32>
        %broadcast_in_dim3A_526 = vector.shape_cast %select_n3A_525 : vector<16xi32> to vector<16x1xi32>
        %gather3A_527 = vector.shape_cast %broadcast_in_dim3A_526 : vector<16x1xi32> to vector<16xi32>
        %gather3A_528 = tpu.dynamic_gather %get3A_26[%gather3A_527] in [0] : vector<16xf32>, vector<16xi32> -> vector<16xf32>
        %gt3A_529 = arith.cmpf ogt, %get3A_475, %gather3A_528 : vector<16xf32>
        %jit3A_530 = arith.constant 2 : i32
        %jit3A_531 = arith.constant 0 : i32
        %broadcast_in_dim3A_532 = vector.broadcast %jit3A_530 : i32 to vector<16xi32>
        %broadcast_in_dim3A_533 = vector.broadcast %jit3A_531 : i32 to vector<16xi32>
        %select_n3A_534 = arith.select %gt3A_529, %broadcast_in_dim3A_532, %broadcast_in_dim3A_533 : vector<16xi1>, vector<16xi32>
        %add3A_535 = arith.addi %add3A_515, %select_n3A_534 : vector<16xi32>
        %add3A_536 = arith.constant 0 : i32
        %add3A_537 = vector.broadcast %add3A_536 : i32 to vector<16xi32>
        %add3A_538 = arith.addi %add3A_535, %add3A_537 : vector<16xi32>
        %lt3A_539 = arith.constant 0 : i32
        %lt3A_540 = vector.broadcast %lt3A_539 : i32 to vector<16xi32>
        %lt3A_541 = arith.cmpi slt, %add3A_538, %lt3A_540 : vector<16xi32>
        %add3A_542 = arith.constant 16 : i32
        %add3A_543 = vector.broadcast %add3A_542 : i32 to vector<16xi32>
        %add3A_544 = arith.addi %add3A_538, %add3A_543 : vector<16xi32>
        %select_n3A_545 = arith.select %lt3A_541, %add3A_544, %add3A_538 : vector<16xi1>, vector<16xi32>
        %broadcast_in_dim3A_546 = vector.shape_cast %select_n3A_545 : vector<16xi32> to vector<16x1xi32>
        %gather3A_547 = vector.shape_cast %broadcast_in_dim3A_546 : vector<16x1xi32> to vector<16xi32>
        %gather3A_548 = tpu.dynamic_gather %get3A_26[%gather3A_547] in [0] : vector<16xf32>, vector<16xi32> -> vector<16xf32>
        %gt3A_549 = arith.cmpf ogt, %get3A_475, %gather3A_548 : vector<16xf32>
        %jit3A_550 = arith.constant 1 : i32
        %jit3A_551 = arith.constant 0 : i32
        %broadcast_in_dim3A_552 = vector.broadcast %jit3A_550 : i32 to vector<16xi32>
        %broadcast_in_dim3A_553 = vector.broadcast %jit3A_551 : i32 to vector<16xi32>
        %select_n3A_554 = arith.select %gt3A_549, %broadcast_in_dim3A_552, %broadcast_in_dim3A_553 : vector<16xi1>, vector<16xi32>
        %add3A_555 = arith.addi %add3A_535, %select_n3A_554 : vector<16xi32>
        %lt3A_556 = arith.constant 0 : i32
        %lt3A_557 = vector.broadcast %lt3A_556 : i32 to vector<16xi32>
        %lt3A_558 = arith.cmpi slt, %add3A_555, %lt3A_557 : vector<16xi32>
        %add3A_559 = arith.constant 16 : i32
        %add3A_560 = vector.broadcast %add3A_559 : i32 to vector<16xi32>
        %add3A_561 = arith.addi %add3A_555, %add3A_560 : vector<16xi32>
        %select_n3A_562 = arith.select %lt3A_558, %add3A_561, %add3A_555 : vector<16xi1>, vector<16xi32>
        %broadcast_in_dim3A_563 = vector.shape_cast %select_n3A_562 : vector<16xi32> to vector<16x1xi32>
        %gather3A_564 = vector.shape_cast %broadcast_in_dim3A_563 : vector<16x1xi32> to vector<16xi32>
        %gather3A_565 = tpu.dynamic_gather %get3A_29[%gather3A_564] in [0] : vector<16xi32>, vector<16xi32> -> vector<16xi32>
        %swap3A_566 = arith.constant 0 : i32
        %swap3A_567 = arith.index_cast %swap3A_566 : i32 to index
        %swap3A_568 = arith.index_cast %mul3A_470 : i32 to index
        %swap3A_569 = tpu.vector_load %arg7[%swap3A_567, %swap3A_568] {strides = array<i32>} : memref<2x16384xi32, #tpu.memory_space<vmem>>, vector<1x16xi32>,
        %swap3A_570 = vector.shape_cast %swap3A_569 : vector<1x16xi32> to vector<16xi32>
        %swap3A_571 = vector.shape_cast %gather3A_565 : vector<16xi32> to vector<1x16xi32>
        tpu.vector_store %arg7[%swap3A_567, %swap3A_568], %swap3A_571 {strides = array<i32>} : memref<2x16384xi32, #tpu.memory_space<vmem>>, vector<1x16xi32>,
        %mul3A_572 = arith.constant 8 : i32
        %mul3A_573 = arith.muli %scan3A_146, %mul3A_572 : i32
        %add3A_574 = arith.constant 4 : i32
        %add3A_575 = arith.addi %mul3A_573, %add3A_574 : i32
        %mul3A_576 = arith.constant 16 : i32
        %mul3A_577 = arith.muli %add3A_575, %mul3A_576 : i32
        %get3A_578 = arith.constant 0 : i32
        %get3A_579 = arith.index_cast %get3A_578 : i32 to index
        %get3A_580 = arith.index_cast %mul3A_577 : i32 to index
        %get3A_581 = tpu.vector_load %arg6[%get3A_579, %get3A_580] {strides = array<i32>} : memref<2x16384xf32, #tpu.memory_space<vmem>>, vector<1x16xf32>,
        %get3A_582 = vector.shape_cast %get3A_581 : vector<1x16xf32> to vector<16xf32>
        %add3A_583 = arith.constant 7 : i32
        %add3A_584 = vector.broadcast %add3A_583 : i32 to vector<16xi32>
        %add3A_585 = arith.addi %broadcast_in_dim3A_24, %add3A_584 : vector<16xi32>
        %lt3A_586 = arith.constant 0 : i32
        %lt3A_587 = vector.broadcast %lt3A_586 : i32 to vector<16xi32>
        %lt3A_588 = arith.cmpi slt, %add3A_585, %lt3A_587 : vector<16xi32>
        %add3A_589 = arith.constant 16 : i32
        %add3A_590 = vector.broadcast %add3A_589 : i32 to vector<16xi32>
        %add3A_591 = arith.addi %add3A_585, %add3A_590 : vector<16xi32>
        %select_n3A_592 = arith.select %lt3A_588, %add3A_591, %add3A_585 : vector<16xi1>, vector<16xi32>
        %broadcast_in_dim3A_593 = vector.shape_cast %select_n3A_592 : vector<16xi32> to vector<16x1xi32>
        %gather3A_594 = vector.shape_cast %broadcast_in_dim3A_593 : vector<16x1xi32> to vector<16xi32>
        %gather3A_595 = tpu.dynamic_gather %get3A_26[%gather3A_594] in [0] : vector<16xf32>, vector<16xi32> -> vector<16xf32>
        %gt3A_596 = arith.cmpf ogt, %get3A_582, %gather3A_595 : vector<16xf32>
        %jit3A_597 = arith.constant 8 : i32
        %jit3A_598 = arith.constant 0 : i32
        %broadcast_in_dim3A_599 = vector.broadcast %jit3A_597 : i32 to vector<16xi32>
        %broadcast_in_dim3A_600 = vector.broadcast %jit3A_598 : i32 to vector<16xi32>
        %select_n3A_601 = arith.select %gt3A_596, %broadcast_in_dim3A_599, %broadcast_in_dim3A_600 : vector<16xi1>, vector<16xi32>
        %add3A_602 = arith.addi %broadcast_in_dim3A_24, %select_n3A_601 : vector<16xi32>
        %add3A_603 = arith.constant 3 : i32
        %add3A_604 = vector.broadcast %add3A_603 : i32 to vector<16xi32>
        %add3A_605 = arith.addi %add3A_602, %add3A_604 : vector<16xi32>
        %lt3A_606 = arith.constant 0 : i32
        %lt3A_607 = vector.broadcast %lt3A_606 : i32 to vector<16xi32>
        %lt3A_608 = arith.cmpi slt, %add3A_605, %lt3A_607 : vector<16xi32>
        %add3A_609 = arith.constant 16 : i32
        %add3A_610 = vector.broadcast %add3A_609 : i32 to vector<16xi32>
        %add3A_611 = arith.addi %add3A_605, %add3A_610 : vector<16xi32>
        %select_n3A_612 = arith.select %lt3A_608, %add3A_611, %add3A_605 : vector<16xi1>, vector<16xi32>
        %broadcast_in_dim3A_613 = vector.shape_cast %select_n3A_612 : vector<16xi32> to vector<16x1xi32>
        %gather3A_614 = vector.shape_cast %broadcast_in_dim3A_613 : vector<16x1xi32> to vector<16xi32>
        %gather3A_615 = tpu.dynamic_gather %get3A_26[%gather3A_614] in [0] : vector<16xf32>, vector<16xi32> -> vector<16xf32>
        %gt3A_616 = arith.cmpf ogt, %get3A_582, %gather3A_615 : vector<16xf32>
        %jit3A_617 = arith.constant 4 : i32
        %jit3A_618 = arith.constant 0 : i32
        %broadcast_in_dim3A_619 = vector.broadcast %jit3A_617 : i32 to vector<16xi32>
        %broadcast_in_dim3A_620 = vector.broadcast %jit3A_618 : i32 to vector<16xi32>
        %select_n3A_621 = arith.select %gt3A_616, %broadcast_in_dim3A_619, %broadcast_in_dim3A_620 : vector<16xi1>, vector<16xi32>
        %add3A_622 = arith.addi %add3A_602, %select_n3A_621 : vector<16xi32>
        %add3A_623 = arith.constant 1 : i32
        %add3A_624 = vector.broadcast %add3A_623 : i32 to vector<16xi32>
        %add3A_625 = arith.addi %add3A_622, %add3A_624 : vector<16xi32>
        %lt3A_626 = arith.constant 0 : i32
        %lt3A_627 = vector.broadcast %lt3A_626 : i32 to vector<16xi32>
        %lt3A_628 = arith.cmpi slt, %add3A_625, %lt3A_627 : vector<16xi32>
        %add3A_629 = arith.constant 16 : i32
        %add3A_630 = vector.broadcast %add3A_629 : i32 to vector<16xi32>
        %add3A_631 = arith.addi %add3A_625, %add3A_630 : vector<16xi32>
        %select_n3A_632 = arith.select %lt3A_628, %add3A_631, %add3A_625 : vector<16xi1>, vector<16xi32>
        %broadcast_in_dim3A_633 = vector.shape_cast %select_n3A_632 : vector<16xi32> to vector<16x1xi32>
        %gather3A_634 = vector.shape_cast %broadcast_in_dim3A_633 : vector<16x1xi32> to vector<16xi32>
        %gather3A_635 = tpu.dynamic_gather %get3A_26[%gather3A_634] in [0] : vector<16xf32>, vector<16xi32> -> vector<16xf32>
        %gt3A_636 = arith.cmpf ogt, %get3A_582, %gather3A_635 : vector<16xf32>
        %jit3A_637 = arith.constant 2 : i32
        %jit3A_638 = arith.constant 0 : i32
        %broadcast_in_dim3A_639 = vector.broadcast %jit3A_637 : i32 to vector<16xi32>
        %broadcast_in_dim3A_640 = vector.broadcast %jit3A_638 : i32 to vector<16xi32>
        %select_n3A_641 = arith.select %gt3A_636, %broadcast_in_dim3A_639, %broadcast_in_dim3A_640 : vector<16xi1>, vector<16xi32>
        %add3A_642 = arith.addi %add3A_622, %select_n3A_641 : vector<16xi32>
        %add3A_643 = arith.constant 0 : i32
        %add3A_644 = vector.broadcast %add3A_643 : i32 to vector<16xi32>
        %add3A_645 = arith.addi %add3A_642, %add3A_644 : vector<16xi32>
        %lt3A_646 = arith.constant 0 : i32
        %lt3A_647 = vector.broadcast %lt3A_646 : i32 to vector<16xi32>
        %lt3A_648 = arith.cmpi slt, %add3A_645, %lt3A_647 : vector<16xi32>
        %add3A_649 = arith.constant 16 : i32
        %add3A_650 = vector.broadcast %add3A_649 : i32 to vector<16xi32>
        %add3A_651 = arith.addi %add3A_645, %add3A_650 : vector<16xi32>
        %select_n3A_652 = arith.select %lt3A_648, %add3A_651, %add3A_645 : vector<16xi1>, vector<16xi32>
        %broadcast_in_dim3A_653 = vector.shape_cast %select_n3A_652 : vector<16xi32> to vector<16x1xi32>
        %gather3A_654 = vector.shape_cast %broadcast_in_dim3A_653 : vector<16x1xi32> to vector<16xi32>
        %gather3A_655 = tpu.dynamic_gather %get3A_26[%gather3A_654] in [0] : vector<16xf32>, vector<16xi32> -> vector<16xf32>
        %gt3A_656 = arith.cmpf ogt, %get3A_582, %gather3A_655 : vector<16xf32>
        %jit3A_657 = arith.constant 1 : i32
        %jit3A_658 = arith.constant 0 : i32
        %broadcast_in_dim3A_659 = vector.broadcast %jit3A_657 : i32 to vector<16xi32>
        %broadcast_in_dim3A_660 = vector.broadcast %jit3A_658 : i32 to vector<16xi32>
        %select_n3A_661 = arith.select %gt3A_656, %broadcast_in_dim3A_659, %broadcast_in_dim3A_660 : vector<16xi1>, vector<16xi32>
        %add3A_662 = arith.addi %add3A_642, %select_n3A_661 : vector<16xi32>
        %lt3A_663 = arith.constant 0 : i32
        %lt3A_664 = vector.broadcast %lt3A_663 : i32 to vector<16xi32>
        %lt3A_665 = arith.cmpi slt, %add3A_662, %lt3A_664 : vector<16xi32>
        %add3A_666 = arith.constant 16 : i32
        %add3A_667 = vector.broadcast %add3A_666 : i32 to vector<16xi32>
        %add3A_668 = arith.addi %add3A_662, %add3A_667 : vector<16xi32>
        %select_n3A_669 = arith.select %lt3A_665, %add3A_668, %add3A_662 : vector<16xi1>, vector<16xi32>
        %broadcast_in_dim3A_670 = vector.shape_cast %select_n3A_669 : vector<16xi32> to vector<16x1xi32>
        %gather3A_671 = vector.shape_cast %broadcast_in_dim3A_670 : vector<16x1xi32> to vector<16xi32>
        %gather3A_672 = tpu.dynamic_gather %get3A_29[%gather3A_671] in [0] : vector<16xi32>, vector<16xi32> -> vector<16xi32>
        %swap3A_673 = arith.constant 0 : i32
        %swap3A_674 = arith.index_cast %swap3A_673 : i32 to index
        %swap3A_675 = arith.index_cast %mul3A_577 : i32 to index
        %swap3A_676 = tpu.vector_load %arg7[%swap3A_674, %swap3A_675] {strides = array<i32>} : memref<2x16384xi32, #tpu.memory_space<vmem>>, vector<1x16xi32>,
        %swap3A_677 = vector.shape_cast %swap3A_676 : vector<1x16xi32> to vector<16xi32>
        %swap3A_678 = vector.shape_cast %gather3A_672 : vector<16xi32> to vector<1x16xi32>
        tpu.vector_store %arg7[%swap3A_674, %swap3A_675], %swap3A_678 {strides = array<i32>} : memref<2x16384xi32, #tpu.memory_space<vmem>>, vector<1x16xi32>,
        %mul3A_679 = arith.constant 8 : i32
        %mul3A_680 = arith.muli %scan3A_146, %mul3A_679 : i32
        %add3A_681 = arith.constant 5 : i32
        %add3A_682 = arith.addi %mul3A_680, %add3A_681 : i32
        %mul3A_683 = arith.constant 16 : i32
        %mul3A_684 = arith.muli %add3A_682, %mul3A_683 : i32
        %get3A_685 = arith.constant 0 : i32
        %get3A_686 = arith.index_cast %get3A_685 : i32 to index
        %get3A_687 = arith.index_cast %mul3A_684 : i32 to index
        %get3A_688 = tpu.vector_load %arg6[%get3A_686, %get3A_687] {strides = array<i32>} : memref<2x16384xf32, #tpu.memory_space<vmem>>, vector<1x16xf32>,
        %get3A_689 = vector.shape_cast %get3A_688 : vector<1x16xf32> to vector<16xf32>
        %add3A_690 = arith.constant 7 : i32
        %add3A_691 = vector.broadcast %add3A_690 : i32 to vector<16xi32>
        %add3A_692 = arith.addi %broadcast_in_dim3A_24, %add3A_691 : vector<16xi32>
        %lt3A_693 = arith.constant 0 : i32
        %lt3A_694 = vector.broadcast %lt3A_693 : i32 to vector<16xi32>
        %lt3A_695 = arith.cmpi slt, %add3A_692, %lt3A_694 : vector<16xi32>
        %add3A_696 = arith.constant 16 : i32
        %add3A_697 = vector.broadcast %add3A_696 : i32 to vector<16xi32>
        %add3A_698 = arith.addi %add3A_692, %add3A_697 : vector<16xi32>
        %select_n3A_699 = arith.select %lt3A_695, %add3A_698, %add3A_692 : vector<16xi1>, vector<16xi32>
        %broadcast_in_dim3A_700 = vector.shape_cast %select_n3A_699 : vector<16xi32> to vector<16x1xi32>
        %gather3A_701 = vector.shape_cast %broadcast_in_dim3A_700 : vector<16x1xi32> to vector<16xi32>
        %gather3A_702 = tpu.dynamic_gather %get3A_26[%gather3A_701] in [0] : vector<16xf32>, vector<16xi32> -> vector<16xf32>
        %gt3A_703 = arith.cmpf ogt, %get3A_689, %gather3A_702 : vector<16xf32>
        %jit3A_704 = arith.constant 8 : i32
        %jit3A_705 = arith.constant 0 : i32
        %broadcast_in_dim3A_706 = vector.broadcast %jit3A_704 : i32 to vector<16xi32>
        %broadcast_in_dim3A_707 = vector.broadcast %jit3A_705 : i32 to vector<16xi32>
        %select_n3A_708 = arith.select %gt3A_703, %broadcast_in_dim3A_706, %broadcast_in_dim3A_707 : vector<16xi1>, vector<16xi32>
        %add3A_709 = arith.addi %broadcast_in_dim3A_24, %select_n3A_708 : vector<16xi32>
        %add3A_710 = arith.constant 3 : i32
        %add3A_711 = vector.broadcast %add3A_710 : i32 to vector<16xi32>
        %add3A_712 = arith.addi %add3A_709, %add3A_711 : vector<16xi32>
        %lt3A_713 = arith.constant 0 : i32
        %lt3A_714 = vector.broadcast %lt3A_713 : i32 to vector<16xi32>
        %lt3A_715 = arith.cmpi slt, %add3A_712, %lt3A_714 : vector<16xi32>
        %add3A_716 = arith.constant 16 : i32
        %add3A_717 = vector.broadcast %add3A_716 : i32 to vector<16xi32>
        %add3A_718 = arith.addi %add3A_712, %add3A_717 : vector<16xi32>
        %select_n3A_719 = arith.select %lt3A_715, %add3A_718, %add3A_712 : vector<16xi1>, vector<16xi32>
        %broadcast_in_dim3A_720 = vector.shape_cast %select_n3A_719 : vector<16xi32> to vector<16x1xi32>
        %gather3A_721 = vector.shape_cast %broadcast_in_dim3A_720 : vector<16x1xi32> to vector<16xi32>
        %gather3A_722 = tpu.dynamic_gather %get3A_26[%gather3A_721] in [0] : vector<16xf32>, vector<16xi32> -> vector<16xf32>
        %gt3A_723 = arith.cmpf ogt, %get3A_689, %gather3A_722 : vector<16xf32>
        %jit3A_724 = arith.constant 4 : i32
        %jit3A_725 = arith.constant 0 : i32
        %broadcast_in_dim3A_726 = vector.broadcast %jit3A_724 : i32 to vector<16xi32>
        %broadcast_in_dim3A_727 = vector.broadcast %jit3A_725 : i32 to vector<16xi32>
        %select_n3A_728 = arith.select %gt3A_723, %broadcast_in_dim3A_726, %broadcast_in_dim3A_727 : vector<16xi1>, vector<16xi32>
        %add3A_729 = arith.addi %add3A_709, %select_n3A_728 : vector<16xi32>
        %add3A_730 = arith.constant 1 : i32
        %add3A_731 = vector.broadcast %add3A_730 : i32 to vector<16xi32>
        %add3A_732 = arith.addi %add3A_729, %add3A_731 : vector<16xi32>
        %lt3A_733 = arith.constant 0 : i32
        %lt3A_734 = vector.broadcast %lt3A_733 : i32 to vector<16xi32>
        %lt3A_735 = arith.cmpi slt, %add3A_732, %lt3A_734 : vector<16xi32>
        %add3A_736 = arith.constant 16 : i32
        %add3A_737 = vector.broadcast %add3A_736 : i32 to vector<16xi32>
        %add3A_738 = arith.addi %add3A_732, %add3A_737 : vector<16xi32>
        %select_n3A_739 = arith.select %lt3A_735, %add3A_738, %add3A_732 : vector<16xi1>, vector<16xi32>
        %broadcast_in_dim3A_740 = vector.shape_cast %select_n3A_739 : vector<16xi32> to vector<16x1xi32>
        %gather3A_741 = vector.shape_cast %broadcast_in_dim3A_740 : vector<16x1xi32> to vector<16xi32>
        %gather3A_742 = tpu.dynamic_gather %get3A_26[%gather3A_741] in [0] : vector<16xf32>, vector<16xi32> -> vector<16xf32>
        %gt3A_743 = arith.cmpf ogt, %get3A_689, %gather3A_742 : vector<16xf32>
        %jit3A_744 = arith.constant 2 : i32
        %jit3A_745 = arith.constant 0 : i32
        %broadcast_in_dim3A_746 = vector.broadcast %jit3A_744 : i32 to vector<16xi32>
        %broadcast_in_dim3A_747 = vector.broadcast %jit3A_745 : i32 to vector<16xi32>
        %select_n3A_748 = arith.select %gt3A_743, %broadcast_in_dim3A_746, %broadcast_in_dim3A_747 : vector<16xi1>, vector<16xi32>
        %add3A_749 = arith.addi %add3A_729, %select_n3A_748 : vector<16xi32>
        %add3A_750 = arith.constant 0 : i32
        %add3A_751 = vector.broadcast %add3A_750 : i32 to vector<16xi32>
        %add3A_752 = arith.addi %add3A_749, %add3A_751 : vector<16xi32>
        %lt3A_753 = arith.constant 0 : i32
        %lt3A_754 = vector.broadcast %lt3A_753 : i32 to vector<16xi32>
        %lt3A_755 = arith.cmpi slt, %add3A_752, %lt3A_754 : vector<16xi32>
        %add3A_756 = arith.constant 16 : i32
        %add3A_757 = vector.broadcast %add3A_756 : i32 to vector<16xi32>
        %add3A_758 = arith.addi %add3A_752, %add3A_757 : vector<16xi32>
        %select_n3A_759 = arith.select %lt3A_755, %add3A_758, %add3A_752 : vector<16xi1>, vector<16xi32>
        %broadcast_in_dim3A_760 = vector.shape_cast %select_n3A_759 : vector<16xi32> to vector<16x1xi32>
        %gather3A_761 = vector.shape_cast %broadcast_in_dim3A_760 : vector<16x1xi32> to vector<16xi32>
        %gather3A_762 = tpu.dynamic_gather %get3A_26[%gather3A_761] in [0] : vector<16xf32>, vector<16xi32> -> vector<16xf32>
        %gt3A_763 = arith.cmpf ogt, %get3A_689, %gather3A_762 : vector<16xf32>
        %jit3A_764 = arith.constant 1 : i32
        %jit3A_765 = arith.constant 0 : i32
        %broadcast_in_dim3A_766 = vector.broadcast %jit3A_764 : i32 to vector<16xi32>
        %broadcast_in_dim3A_767 = vector.broadcast %jit3A_765 : i32 to vector<16xi32>
        %select_n3A_768 = arith.select %gt3A_763, %broadcast_in_dim3A_766, %broadcast_in_dim3A_767 : vector<16xi1>, vector<16xi32>
        %add3A_769 = arith.addi %add3A_749, %select_n3A_768 : vector<16xi32>
        %lt3A_770 = arith.constant 0 : i32
        %lt3A_771 = vector.broadcast %lt3A_770 : i32 to vector<16xi32>
        %lt3A_772 = arith.cmpi slt, %add3A_769, %lt3A_771 : vector<16xi32>
        %add3A_773 = arith.constant 16 : i32
        %add3A_774 = vector.broadcast %add3A_773 : i32 to vector<16xi32>
        %add3A_775 = arith.addi %add3A_769, %add3A_774 : vector<16xi32>
        %select_n3A_776 = arith.select %lt3A_772, %add3A_775, %add3A_769 : vector<16xi1>, vector<16xi32>
        %broadcast_in_dim3A_777 = vector.shape_cast %select_n3A_776 : vector<16xi32> to vector<16x1xi32>
        %gather3A_778 = vector.shape_cast %broadcast_in_dim3A_777 : vector<16x1xi32> to vector<16xi32>
        %gather3A_779 = tpu.dynamic_gather %get3A_29[%gather3A_778] in [0] : vector<16xi32>, vector<16xi32> -> vector<16xi32>
        %swap3A_780 = arith.constant 0 : i32
        %swap3A_781 = arith.index_cast %swap3A_780 : i32 to index
        %swap3A_782 = arith.index_cast %mul3A_684 : i32 to index
        %swap3A_783 = tpu.vector_load %arg7[%swap3A_781, %swap3A_782] {strides = array<i32>} : memref<2x16384xi32, #tpu.memory_space<vmem>>, vector<1x16xi32>,
        %swap3A_784 = vector.shape_cast %swap3A_783 : vector<1x16xi32> to vector<16xi32>
        %swap3A_785 = vector.shape_cast %gather3A_779 : vector<16xi32> to vector<1x16xi32>
        tpu.vector_store %arg7[%swap3A_781, %swap3A_782], %swap3A_785 {strides = array<i32>} : memref<2x16384xi32, #tpu.memory_space<vmem>>, vector<1x16xi32>,
        %mul3A_786 = arith.constant 8 : i32
        %mul3A_787 = arith.muli %scan3A_146, %mul3A_786 : i32
        %add3A_788 = arith.constant 6 : i32
        %add3A_789 = arith.addi %mul3A_787, %add3A_788 : i32
        %mul3A_790 = arith.constant 16 : i32
        %mul3A_791 = arith.muli %add3A_789, %mul3A_790 : i32
        %get3A_792 = arith.constant 0 : i32
        %get3A_793 = arith.index_cast %get3A_792 : i32 to index
        %get3A_794 = arith.index_cast %mul3A_791 : i32 to index
        %get3A_795 = tpu.vector_load %arg6[%get3A_793, %get3A_794] {strides = array<i32>} : memref<2x16384xf32, #tpu.memory_space<vmem>>, vector<1x16xf32>,
        %get3A_796 = vector.shape_cast %get3A_795 : vector<1x16xf32> to vector<16xf32>
        %add3A_797 = arith.constant 7 : i32
        %add3A_798 = vector.broadcast %add3A_797 : i32 to vector<16xi32>
        %add3A_799 = arith.addi %broadcast_in_dim3A_24, %add3A_798 : vector<16xi32>
        %lt3A_800 = arith.constant 0 : i32
        %lt3A_801 = vector.broadcast %lt3A_800 : i32 to vector<16xi32>
        %lt3A_802 = arith.cmpi slt, %add3A_799, %lt3A_801 : vector<16xi32>
        %add3A_803 = arith.constant 16 : i32
        %add3A_804 = vector.broadcast %add3A_803 : i32 to vector<16xi32>
        %add3A_805 = arith.addi %add3A_799, %add3A_804 : vector<16xi32>
        %select_n3A_806 = arith.select %lt3A_802, %add3A_805, %add3A_799 : vector<16xi1>, vector<16xi32>
        %broadcast_in_dim3A_807 = vector.shape_cast %select_n3A_806 : vector<16xi32> to vector<16x1xi32>
        %gather3A_808 = vector.shape_cast %broadcast_in_dim3A_807 : vector<16x1xi32> to vector<16xi32>
        %gather3A_809 = tpu.dynamic_gather %get3A_26[%gather3A_808] in [0] : vector<16xf32>, vector<16xi32> -> vector<16xf32>
        %gt3A_810 = arith.cmpf ogt, %get3A_796, %gather3A_809 : vector<16xf32>
        %jit3A_811 = arith.constant 8 : i32
        %jit3A_812 = arith.constant 0 : i32
        %broadcast_in_dim3A_813 = vector.broadcast %jit3A_811 : i32 to vector<16xi32>
        %broadcast_in_dim3A_814 = vector.broadcast %jit3A_812 : i32 to vector<16xi32>
        %select_n3A_815 = arith.select %gt3A_810, %broadcast_in_dim3A_813, %broadcast_in_dim3A_814 : vector<16xi1>, vector<16xi32>
        %add3A_816 = arith.addi %broadcast_in_dim3A_24, %select_n3A_815 : vector<16xi32>
        %add3A_817 = arith.constant 3 : i32
        %add3A_818 = vector.broadcast %add3A_817 : i32 to vector<16xi32>
        %add3A_819 = arith.addi %add3A_816, %add3A_818 : vector<16xi32>
        %lt3A_820 = arith.constant 0 : i32
        %lt3A_821 = vector.broadcast %lt3A_820 : i32 to vector<16xi32>
        %lt3A_822 = arith.cmpi slt, %add3A_819, %lt3A_821 : vector<16xi32>
        %add3A_823 = arith.constant 16 : i32
        %add3A_824 = vector.broadcast %add3A_823 : i32 to vector<16xi32>
        %add3A_825 = arith.addi %add3A_819, %add3A_824 : vector<16xi32>
        %select_n3A_826 = arith.select %lt3A_822, %add3A_825, %add3A_819 : vector<16xi1>, vector<16xi32>
        %broadcast_in_dim3A_827 = vector.shape_cast %select_n3A_826 : vector<16xi32> to vector<16x1xi32>
        %gather3A_828 = vector.shape_cast %broadcast_in_dim3A_827 : vector<16x1xi32> to vector<16xi32>
        %gather3A_829 = tpu.dynamic_gather %get3A_26[%gather3A_828] in [0] : vector<16xf32>, vector<16xi32> -> vector<16xf32>
        %gt3A_830 = arith.cmpf ogt, %get3A_796, %gather3A_829 : vector<16xf32>
        %jit3A_831 = arith.constant 4 : i32
        %jit3A_832 = arith.constant 0 : i32
        %broadcast_in_dim3A_833 = vector.broadcast %jit3A_831 : i32 to vector<16xi32>
        %broadcast_in_dim3A_834 = vector.broadcast %jit3A_832 : i32 to vector<16xi32>
        %select_n3A_835 = arith.select %gt3A_830, %broadcast_in_dim3A_833, %broadcast_in_dim3A_834 : vector<16xi1>, vector<16xi32>
        %add3A_836 = arith.addi %add3A_816, %select_n3A_835 : vector<16xi32>
        %add3A_837 = arith.constant 1 : i32
        %add3A_838 = vector.broadcast %add3A_837 : i32 to vector<16xi32>
        %add3A_839 = arith.addi %add3A_836, %add3A_838 : vector<16xi32>
        %lt3A_840 = arith.constant 0 : i32
        %lt3A_841 = vector.broadcast %lt3A_840 : i32 to vector<16xi32>
        %lt3A_842 = arith.cmpi slt, %add3A_839, %lt3A_841 : vector<16xi32>
        %add3A_843 = arith.constant 16 : i32
        %add3A_844 = vector.broadcast %add3A_843 : i32 to vector<16xi32>
        %add3A_845 = arith.addi %add3A_839, %add3A_844 : vector<16xi32>
        %select_n3A_846 = arith.select %lt3A_842, %add3A_845, %add3A_839 : vector<16xi1>, vector<16xi32>
        %broadcast_in_dim3A_847 = vector.shape_cast %select_n3A_846 : vector<16xi32> to vector<16x1xi32>
        %gather3A_848 = vector.shape_cast %broadcast_in_dim3A_847 : vector<16x1xi32> to vector<16xi32>
        %gather3A_849 = tpu.dynamic_gather %get3A_26[%gather3A_848] in [0] : vector<16xf32>, vector<16xi32> -> vector<16xf32>
        %gt3A_850 = arith.cmpf ogt, %get3A_796, %gather3A_849 : vector<16xf32>
        %jit3A_851 = arith.constant 2 : i32
        %jit3A_852 = arith.constant 0 : i32
        %broadcast_in_dim3A_853 = vector.broadcast %jit3A_851 : i32 to vector<16xi32>
        %broadcast_in_dim3A_854 = vector.broadcast %jit3A_852 : i32 to vector<16xi32>
        %select_n3A_855 = arith.select %gt3A_850, %broadcast_in_dim3A_853, %broadcast_in_dim3A_854 : vector<16xi1>, vector<16xi32>
        %add3A_856 = arith.addi %add3A_836, %select_n3A_855 : vector<16xi32>
        %add3A_857 = arith.constant 0 : i32
        %add3A_858 = vector.broadcast %add3A_857 : i32 to vector<16xi32>
        %add3A_859 = arith.addi %add3A_856, %add3A_858 : vector<16xi32>
        %lt3A_860 = arith.constant 0 : i32
        %lt3A_861 = vector.broadcast %lt3A_860 : i32 to vector<16xi32>
        %lt3A_862 = arith.cmpi slt, %add3A_859, %lt3A_861 : vector<16xi32>
        %add3A_863 = arith.constant 16 : i32
        %add3A_864 = vector.broadcast %add3A_863 : i32 to vector<16xi32>
        %add3A_865 = arith.addi %add3A_859, %add3A_864 : vector<16xi32>
        %select_n3A_866 = arith.select %lt3A_862, %add3A_865, %add3A_859 : vector<16xi1>, vector<16xi32>
        %broadcast_in_dim3A_867 = vector.shape_cast %select_n3A_866 : vector<16xi32> to vector<16x1xi32>
        %gather3A_868 = vector.shape_cast %broadcast_in_dim3A_867 : vector<16x1xi32> to vector<16xi32>
        %gather3A_869 = tpu.dynamic_gather %get3A_26[%gather3A_868] in [0] : vector<16xf32>, vector<16xi32> -> vector<16xf32>
        %gt3A_870 = arith.cmpf ogt, %get3A_796, %gather3A_869 : vector<16xf32>
        %jit3A_871 = arith.constant 1 : i32
        %jit3A_872 = arith.constant 0 : i32
        %broadcast_in_dim3A_873 = vector.broadcast %jit3A_871 : i32 to vector<16xi32>
        %broadcast_in_dim3A_874 = vector.broadcast %jit3A_872 : i32 to vector<16xi32>
        %select_n3A_875 = arith.select %gt3A_870, %broadcast_in_dim3A_873, %broadcast_in_dim3A_874 : vector<16xi1>, vector<16xi32>
        %add3A_876 = arith.addi %add3A_856, %select_n3A_875 : vector<16xi32>
        %lt3A_877 = arith.constant 0 : i32
        %lt3A_878 = vector.broadcast %lt3A_877 : i32 to vector<16xi32>
        %lt3A_879 = arith.cmpi slt, %add3A_876, %lt3A_878 : vector<16xi32>
        %add3A_880 = arith.constant 16 : i32
        %add3A_881 = vector.broadcast %add3A_880 : i32 to vector<16xi32>
        %add3A_882 = arith.addi %add3A_876, %add3A_881 : vector<16xi32>
        %select_n3A_883 = arith.select %lt3A_879, %add3A_882, %add3A_876 : vector<16xi1>, vector<16xi32>
        %broadcast_in_dim3A_884 = vector.shape_cast %select_n3A_883 : vector<16xi32> to vector<16x1xi32>
        %gather3A_885 = vector.shape_cast %broadcast_in_dim3A_884 : vector<16x1xi32> to vector<16xi32>
        %gather3A_886 = tpu.dynamic_gather %get3A_29[%gather3A_885] in [0] : vector<16xi32>, vector<16xi32> -> vector<16xi32>
        %swap3A_887 = arith.constant 0 : i32
        %swap3A_888 = arith.index_cast %swap3A_887 : i32 to index
        %swap3A_889 = arith.index_cast %mul3A_791 : i32 to index
        %swap3A_890 = tpu.vector_load %arg7[%swap3A_888, %swap3A_889] {strides = array<i32>} : memref<2x16384xi32, #tpu.memory_space<vmem>>, vector<1x16xi32>,
        %swap3A_891 = vector.shape_cast %swap3A_890 : vector<1x16xi32> to vector<16xi32>
        %swap3A_892 = vector.shape_cast %gather3A_886 : vector<16xi32> to vector<1x16xi32>
        tpu.vector_store %arg7[%swap3A_888, %swap3A_889], %swap3A_892 {strides = array<i32>} : memref<2x16384xi32, #tpu.memory_space<vmem>>, vector<1x16xi32>,
        %mul3A_893 = arith.constant 8 : i32
        %mul3A_894 = arith.muli %scan3A_146, %mul3A_893 : i32
        %add3A_895 = arith.constant 7 : i32
        %add3A_896 = arith.addi %mul3A_894, %add3A_895 : i32
        %mul3A_897 = arith.constant 16 : i32
        %mul3A_898 = arith.muli %add3A_896, %mul3A_897 : i32
        %get3A_899 = arith.constant 0 : i32
        %get3A_900 = arith.index_cast %get3A_899 : i32 to index
        %get3A_901 = arith.index_cast %mul3A_898 : i32 to index
        %get3A_902 = tpu.vector_load %arg6[%get3A_900, %get3A_901] {strides = array<i32>} : memref<2x16384xf32, #tpu.memory_space<vmem>>, vector<1x16xf32>,
        %get3A_903 = vector.shape_cast %get3A_902 : vector<1x16xf32> to vector<16xf32>
        %add3A_904 = arith.constant 7 : i32
        %add3A_905 = vector.broadcast %add3A_904 : i32 to vector<16xi32>
        %add3A_906 = arith.addi %broadcast_in_dim3A_24, %add3A_905 : vector<16xi32>
        %lt3A_907 = arith.constant 0 : i32
        %lt3A_908 = vector.broadcast %lt3A_907 : i32 to vector<16xi32>
        %lt3A_909 = arith.cmpi slt, %add3A_906, %lt3A_908 : vector<16xi32>
        %add3A_910 = arith.constant 16 : i32
        %add3A_911 = vector.broadcast %add3A_910 : i32 to vector<16xi32>
        %add3A_912 = arith.addi %add3A_906, %add3A_911 : vector<16xi32>
        %select_n3A_913 = arith.select %lt3A_909, %add3A_912, %add3A_906 : vector<16xi1>, vector<16xi32>
        %broadcast_in_dim3A_914 = vector.shape_cast %select_n3A_913 : vector<16xi32> to vector<16x1xi32>
        %gather3A_915 = vector.shape_cast %broadcast_in_dim3A_914 : vector<16x1xi32> to vector<16xi32>
        %gather3A_916 = tpu.dynamic_gather %get3A_26[%gather3A_915] in [0] : vector<16xf32>, vector<16xi32> -> vector<16xf32>
        %gt3A_917 = arith.cmpf ogt, %get3A_903, %gather3A_916 : vector<16xf32>
        %jit3A_918 = arith.constant 8 : i32
        %jit3A_919 = arith.constant 0 : i32
        %broadcast_in_dim3A_920 = vector.broadcast %jit3A_918 : i32 to vector<16xi32>
        %broadcast_in_dim3A_921 = vector.broadcast %jit3A_919 : i32 to vector<16xi32>
        %select_n3A_922 = arith.select %gt3A_917, %broadcast_in_dim3A_920, %broadcast_in_dim3A_921 : vector<16xi1>, vector<16xi32>
        %add3A_923 = arith.addi %broadcast_in_dim3A_24, %select_n3A_922 : vector<16xi32>
        %add3A_924 = arith.constant 3 : i32
        %add3A_925 = vector.broadcast %add3A_924 : i32 to vector<16xi32>
        %add3A_926 = arith.addi %add3A_923, %add3A_925 : vector<16xi32>
        %lt3A_927 = arith.constant 0 : i32
        %lt3A_928 = vector.broadcast %lt3A_927 : i32 to vector<16xi32>
        %lt3A_929 = arith.cmpi slt, %add3A_926, %lt3A_928 : vector<16xi32>
        %add3A_930 = arith.constant 16 : i32
        %add3A_931 = vector.broadcast %add3A_930 : i32 to vector<16xi32>
        %add3A_932 = arith.addi %add3A_926, %add3A_931 : vector<16xi32>
        %select_n3A_933 = arith.select %lt3A_929, %add3A_932, %add3A_926 : vector<16xi1>, vector<16xi32>
        %broadcast_in_dim3A_934 = vector.shape_cast %select_n3A_933 : vector<16xi32> to vector<16x1xi32>
        %gather3A_935 = vector.shape_cast %broadcast_in_dim3A_934 : vector<16x1xi32> to vector<16xi32>
        %gather3A_936 = tpu.dynamic_gather %get3A_26[%gather3A_935] in [0] : vector<16xf32>, vector<16xi32> -> vector<16xf32>
        %gt3A_937 = arith.cmpf ogt, %get3A_903, %gather3A_936 : vector<16xf32>
        %jit3A_938 = arith.constant 4 : i32
        %jit3A_939 = arith.constant 0 : i32
        %broadcast_in_dim3A_940 = vector.broadcast %jit3A_938 : i32 to vector<16xi32>
        %broadcast_in_dim3A_941 = vector.broadcast %jit3A_939 : i32 to vector<16xi32>
        %select_n3A_942 = arith.select %gt3A_937, %broadcast_in_dim3A_940, %broadcast_in_dim3A_941 : vector<16xi1>, vector<16xi32>
        %add3A_943 = arith.addi %add3A_923, %select_n3A_942 : vector<16xi32>
        %add3A_944 = arith.constant 1 : i32
        %add3A_945 = vector.broadcast %add3A_944 : i32 to vector<16xi32>
        %add3A_946 = arith.addi %add3A_943, %add3A_945 : vector<16xi32>
        %lt3A_947 = arith.constant 0 : i32
        %lt3A_948 = vector.broadcast %lt3A_947 : i32 to vector<16xi32>
        %lt3A_949 = arith.cmpi slt, %add3A_946, %lt3A_948 : vector<16xi32>
        %add3A_950 = arith.constant 16 : i32
        %add3A_951 = vector.broadcast %add3A_950 : i32 to vector<16xi32>
        %add3A_952 = arith.addi %add3A_946, %add3A_951 : vector<16xi32>
        %select_n3A_953 = arith.select %lt3A_949, %add3A_952, %add3A_946 : vector<16xi1>, vector<16xi32>
        %broadcast_in_dim3A_954 = vector.shape_cast %select_n3A_953 : vector<16xi32> to vector<16x1xi32>
        %gather3A_955 = vector.shape_cast %broadcast_in_dim3A_954 : vector<16x1xi32> to vector<16xi32>
        %gather3A_956 = tpu.dynamic_gather %get3A_26[%gather3A_955] in [0] : vector<16xf32>, vector<16xi32> -> vector<16xf32>
        %gt3A_957 = arith.cmpf ogt, %get3A_903, %gather3A_956 : vector<16xf32>
        %jit3A_958 = arith.constant 2 : i32
        %jit3A_959 = arith.constant 0 : i32
        %broadcast_in_dim3A_960 = vector.broadcast %jit3A_958 : i32 to vector<16xi32>
        %broadcast_in_dim3A_961 = vector.broadcast %jit3A_959 : i32 to vector<16xi32>
        %select_n3A_962 = arith.select %gt3A_957, %broadcast_in_dim3A_960, %broadcast_in_dim3A_961 : vector<16xi1>, vector<16xi32>
        %add3A_963 = arith.addi %add3A_943, %select_n3A_962 : vector<16xi32>
        %add3A_964 = arith.constant 0 : i32
        %add3A_965 = vector.broadcast %add3A_964 : i32 to vector<16xi32>
        %add3A_966 = arith.addi %add3A_963, %add3A_965 : vector<16xi32>
        %lt3A_967 = arith.constant 0 : i32
        %lt3A_968 = vector.broadcast %lt3A_967 : i32 to vector<16xi32>
        %lt3A_969 = arith.cmpi slt, %add3A_966, %lt3A_968 : vector<16xi32>
        %add3A_970 = arith.constant 16 : i32
        %add3A_971 = vector.broadcast %add3A_970 : i32 to vector<16xi32>
        %add3A_972 = arith.addi %add3A_966, %add3A_971 : vector<16xi32>
        %select_n3A_973 = arith.select %lt3A_969, %add3A_972, %add3A_966 : vector<16xi1>, vector<16xi32>
        %broadcast_in_dim3A_974 = vector.shape_cast %select_n3A_973 : vector<16xi32> to vector<16x1xi32>
        %gather3A_975 = vector.shape_cast %broadcast_in_dim3A_974 : vector<16x1xi32> to vector<16xi32>
        %gather3A_976 = tpu.dynamic_gather %get3A_26[%gather3A_975] in [0] : vector<16xf32>, vector<16xi32> -> vector<16xf32>
        %gt3A_977 = arith.cmpf ogt, %get3A_903, %gather3A_976 : vector<16xf32>
        %jit3A_978 = arith.constant 1 : i32
        %jit3A_979 = arith.constant 0 : i32
        %broadcast_in_dim3A_980 = vector.broadcast %jit3A_978 : i32 to vector<16xi32>
        %broadcast_in_dim3A_981 = vector.broadcast %jit3A_979 : i32 to vector<16xi32>
        %select_n3A_982 = arith.select %gt3A_977, %broadcast_in_dim3A_980, %broadcast_in_dim3A_981 : vector<16xi1>, vector<16xi32>
        %add3A_983 = arith.addi %add3A_963, %select_n3A_982 : vector<16xi32>
        %lt3A_984 = arith.constant 0 : i32
        %lt3A_985 = vector.broadcast %lt3A_984 : i32 to vector<16xi32>
        %lt3A_986 = arith.cmpi slt, %add3A_983, %lt3A_985 : vector<16xi32>
        %add3A_987 = arith.constant 16 : i32
        %add3A_988 = vector.broadcast %add3A_987 : i32 to vector<16xi32>
        %add3A_989 = arith.addi %add3A_983, %add3A_988 : vector<16xi32>
        %select_n3A_990 = arith.select %lt3A_986, %add3A_989, %add3A_983 : vector<16xi1>, vector<16xi32>
        %broadcast_in_dim3A_991 = vector.shape_cast %select_n3A_990 : vector<16xi32> to vector<16x1xi32>
        %gather3A_992 = vector.shape_cast %broadcast_in_dim3A_991 : vector<16x1xi32> to vector<16xi32>
        %gather3A_993 = tpu.dynamic_gather %get3A_29[%gather3A_992] in [0] : vector<16xi32>, vector<16xi32> -> vector<16xi32>
        %swap3A_994 = arith.constant 0 : i32
        %swap3A_995 = arith.index_cast %swap3A_994 : i32 to index
        %swap3A_996 = arith.index_cast %mul3A_898 : i32 to index
        %swap3A_997 = tpu.vector_load %arg7[%swap3A_995, %swap3A_996] {strides = array<i32>} : memref<2x16384xi32, #tpu.memory_space<vmem>>, vector<1x16xi32>,
        %swap3A_998 = vector.shape_cast %swap3A_997 : vector<1x16xi32> to vector<16xi32>
        %swap3A_999 = vector.shape_cast %gather3A_993 : vector<16xi32> to vector<1x16xi32>
        tpu.vector_store %arg7[%swap3A_995, %swap3A_996], %swap3A_999 {strides = array<i32>} : memref<2x16384xi32, #tpu.memory_space<vmem>>, vector<1x16xi32>,
        %scan3A_1000 = arith.constant 0 : i32
        scf.yield %scan3A_1000 : i32
      }
      %scan3A_83 = arith.constant 128 : i32
      %mul3A_84 = arith.constant 16384 : i32
      %mul3A_85 = arith.muli %add3A_62, %mul3A_84 : i32
      %add3A_86 = arith.addi %mul3A_2, %mul3A_85 : i32
      %dma_start3A_87 = arith.constant 0 : i32
      %dma_start3A_88 = arith.constant 0 : i32
      %dma_start3A_89 = tpu.memref_slice %arg7[%dma_start3A_87, %dma_start3A_88] : memref<2x16384xi32, #tpu.memory_space<vmem>> -> memref<1x16384xi32, #tpu.memory_space<vmem>>
      %dma_start3A_90 = tpu.memref_squeeze %dma_start3A_89 : memref<1x16384xi32, #tpu.memory_space<vmem>> -> memref<16384xi32, #tpu.memory_space<vmem>>
      %dma_start3A_91 = tpu.memref_slice %arg5[%add3A_86] : memref<4194304xi32, #tpu.memory_space<hbm>> -> memref<16384xi32, #tpu.memory_space<hbm>>
      %dma_start3A_92 = tpu.memref_slice %arg5[%add3A_86] : memref<4194304xi32, #tpu.memory_space<hbm>> -> memref<16384xi32, #tpu.memory_space<hbm>>
      %dma_start3A_93 = arith.constant 0 : i32
      %dma_start3A_94 = tpu.memref_slice %arg7[%dma_start3A_87, %dma_start3A_93] : memref<2x16384xi32, #tpu.memory_space<vmem>> -> memref<1x16384xi32, #tpu.memory_space<vmem>>
      %dma_start3A_95 = tpu.memref_squeeze %dma_start3A_94 : memref<1x16384xi32, #tpu.memory_space<vmem>> -> memref<16384xi32, #tpu.memory_space<vmem>>
      tpu.enqueue_dma source(%dma_start3A_95 : memref<16384xi32, #tpu.memory_space<vmem>>) target(%dma_start3A_92 : memref<16384xi32, #tpu.memory_space<hbm>>) target_semaphore(%arg12 : memref<!tpu.dma_semaphore, #tpu.memory_space<semaphore_mem>>)
      %lt3A = arith.constant 3 : i32
      %lt3A_96 = arith.cmpi slt, %scan3A_57, %lt3A : i32
      %convert_element_type3A_97 = arith.extui %lt3A_96 : i1 to i32
      %cond3A_98 = arith.constant 0 : i32
      %cond3A_99 = arith.cmpi ne, %convert_element_type3A_97, %cond3A_98 : i32
      scf.if %cond3A_99 {
        %add3A_146 = arith.constant 2 : i32
        %add3A_147 = arith.addi %add3A_62, %add3A_146 : i32
        %mul3A_148 = arith.constant 16384 : i32
        %mul3A_149 = arith.muli %add3A_147, %mul3A_148 : i32
        %add3A_150 = arith.addi %mul3A_2, %mul3A_149 : i32
        %dma_start3A_151 = arith.constant 0 : i32
        %dma_start3A_152 = arith.constant 0 : i32
        %dma_start3A_153 = tpu.memref_slice %arg6[%dma_start3A_151, %dma_start3A_152] : memref<2x16384xf32, #tpu.memory_space<vmem>> -> memref<1x16384xf32, #tpu.memory_space<vmem>>
        %dma_start3A_154 = tpu.memref_squeeze %dma_start3A_153 : memref<1x16384xf32, #tpu.memory_space<vmem>> -> memref<16384xf32, #tpu.memory_space<vmem>>
        %dma_start3A_155 = tpu.memref_slice %arg2[%add3A_150] : memref<4194304xf32, #tpu.memory_space<hbm>> -> memref<16384xf32, #tpu.memory_space<hbm>>
        %dma_start3A_156 = arith.constant 0 : i32
        %dma_start3A_157 = tpu.memref_slice %arg6[%dma_start3A_151, %dma_start3A_156] : memref<2x16384xf32, #tpu.memory_space<vmem>> -> memref<1x16384xf32, #tpu.memory_space<vmem>>
        %dma_start3A_158 = tpu.memref_squeeze %dma_start3A_157 : memref<1x16384xf32, #tpu.memory_space<vmem>> -> memref<16384xf32, #tpu.memory_space<vmem>>
        %dma_start3A_159 = tpu.memref_slice %arg2[%add3A_150] : memref<4194304xf32, #tpu.memory_space<hbm>> -> memref<16384xf32, #tpu.memory_space<hbm>>
        tpu.enqueue_dma source(%dma_start3A_159 : memref<16384xf32, #tpu.memory_space<hbm>>) target(%dma_start3A_158 : memref<16384xf32, #tpu.memory_space<vmem>>) target_semaphore(%arg10 : memref<!tpu.dma_semaphore, #tpu.memory_space<semaphore_mem>>)
      } else {
      }
      %mul3A_100 = arith.constant 2 : i32
      %mul3A_101 = arith.muli %mul3A_100, %scan3A_57 : i32
      %add3A_102 = arith.constant 1 : i32
      %add3A_103 = arith.addi %mul3A_101, %add3A_102 : i32
      %mul3A_104 = arith.constant 16384 : i32
      %mul3A_105 = arith.muli %add3A_103, %mul3A_104 : i32
      %add3A_106 = arith.addi %mul3A_2, %mul3A_105 : i32
      %dma_wait3A_107 = arith.constant 1 : i32
      %dma_wait3A_108 = arith.constant 0 : i32
      %dma_wait3A_109 = tpu.memref_slice %arg6[%dma_wait3A_107, %dma_wait3A_108] : memref<2x16384xf32, #tpu.memory_space<vmem>> -> memref<1x16384xf32, #tpu.memory_space<vmem>>
      %dma_wait3A_110 = tpu.memref_squeeze %dma_wait3A_109 : memref<1x16384xf32, #tpu.memory_space<vmem>> -> memref<16384xf32, #tpu.memory_space<vmem>>
      %dma_wait3A_111 = tpu.memref_slice %arg2[%add3A_106] : memref<4194304xf32, #tpu.memory_space<hbm>> -> memref<16384xf32, #tpu.memory_space<hbm>>
      %dma_wait3A_112 = arith.constant 0 : i32
      %dma_wait3A_113 = tpu.memref_slice %arg6[%dma_wait3A_107, %dma_wait3A_112] : memref<2x16384xf32, #tpu.memory_space<vmem>> -> memref<1x16384xf32, #tpu.memory_space<vmem>>
      %dma_wait3A_114 = tpu.memref_squeeze %dma_wait3A_113 : memref<1x16384xf32, #tpu.memory_space<vmem>> -> memref<16384xf32, #tpu.memory_space<vmem>>
      %dma_wait3A_115 = tpu.memref_slice %arg2[%add3A_106] : memref<4194304xf32, #tpu.memory_space<hbm>> -> memref<16384xf32, #tpu.memory_space<hbm>>
      tpu.wait_dma2 semaphore(%arg11 : memref<!tpu.dma_semaphore, #tpu.memory_space<semaphore_mem>>) src(%dma_wait3A_115 : memref<16384xf32, #tpu.memory_space<hbm>>) dst(%dma_wait3A_114 : memref<16384xf32, #tpu.memory_space<vmem>>)
      %gt3A_116 = arith.constant 0 : i32
      %gt3A_117 = arith.cmpi sgt, %scan3A_57, %gt3A_116 : i32
      %convert_element_type3A_118 = arith.extui %gt3A_117 : i1 to i32
      %cond3A_119 = arith.constant 0 : i32
      %cond3A_120 = arith.cmpi ne, %convert_element_type3A_118, %cond3A_119 : i32
      scf.if %cond3A_120 {
        %sub3A = arith.constant 2 : i32
        %sub3A_146 = arith.subi %add3A_103, %sub3A : i32
        %mul3A_147 = arith.constant 16384 : i32
        %mul3A_148 = arith.muli %sub3A_146, %mul3A_147 : i32
        %add3A_149 = arith.addi %mul3A_2, %mul3A_148 : i32
        %dma_wait3A_150 = arith.constant 1 : i32
        %dma_wait3A_151 = arith.constant 0 : i32
        %dma_wait3A_152 = tpu.memref_slice %arg7[%dma_wait3A_150, %dma_wait3A_151] : memref<2x16384xi32, #tpu.memory_space<vmem>> -> memref<1x16384xi32, #tpu.memory_space<vmem>>
        %dma_wait3A_153 = tpu.memref_squeeze %dma_wait3A_152 : memref<1x16384xi32, #tpu.memory_space<vmem>> -> memref<16384xi32, #tpu.memory_space<vmem>>
        %dma_wait3A_154 = tpu.memref_slice %arg5[%add3A_149] : memref<4194304xi32, #tpu.memory_space<hbm>> -> memref<16384xi32, #tpu.memory_space<hbm>>
        %dma_wait3A_155 = tpu.memref_slice %arg5[%add3A_149] : memref<4194304xi32, #tpu.memory_space<hbm>> -> memref<16384xi32, #tpu.memory_space<hbm>>
        %dma_wait3A_156 = arith.constant 0 : i32
        %dma_wait3A_157 = tpu.memref_slice %arg7[%dma_wait3A_150, %dma_wait3A_156] : memref<2x16384xi32, #tpu.memory_space<vmem>> -> memref<1x16384xi32, #tpu.memory_space<vmem>>
        %dma_wait3A_158 = tpu.memref_squeeze %dma_wait3A_157 : memref<1x16384xi32, #tpu.memory_space<vmem>> -> memref<16384xi32, #tpu.memory_space<vmem>>
        tpu.wait_dma2 semaphore(%arg13 : memref<!tpu.dma_semaphore, #tpu.memory_space<semaphore_mem>>) src(%dma_wait3A_158 : memref<16384xi32, #tpu.memory_space<vmem>>) dst(%dma_wait3A_155 : memref<16384xi32, #tpu.memory_space<hbm>>)
      } else {
      }
      %scan3A_121 = arith.constant 0 : i32
      %scan3A_122 = arith.constant 0 : i32
      %scan3A_123 = arith.constant 128 : i32
      %scan3A_124 = arith.addi %scan3A_122, %scan3A_123 : i32
      %scan3A_125 = arith.constant 1 : i32
      %scan3A_126 = scf.for %scan3A_146 = %scan3A_122 to %scan3A_124 step %scan3A_125 iter_args(%scan3A_147 = %scan3A_121) -> (i32)  : i32 {
        %mul3A_148 = arith.constant 8 : i32
        %mul3A_149 = arith.muli %scan3A_146, %mul3A_148 : i32
        %add3A_150 = arith.constant 0 : i32
        %add3A_151 = arith.addi %mul3A_149, %add3A_150 : i32
        %mul3A_152 = arith.constant 16 : i32
        %mul3A_153 = arith.muli %add3A_151, %mul3A_152 : i32
        %get3A_154 = arith.constant 1 : i32
        %get3A_155 = arith.index_cast %get3A_154 : i32 to index
        %get3A_156 = arith.index_cast %mul3A_153 : i32 to index
        %get3A_157 = tpu.vector_load %arg6[%get3A_155, %get3A_156] {strides = array<i32>} : memref<2x16384xf32, #tpu.memory_space<vmem>>, vector<1x16xf32>,
        %get3A_158 = vector.shape_cast %get3A_157 : vector<1x16xf32> to vector<16xf32>
        %add3A_159 = arith.constant 7 : i32
        %add3A_160 = vector.broadcast %add3A_159 : i32 to vector<16xi32>
        %add3A_161 = arith.addi %broadcast_in_dim3A_24, %add3A_160 : vector<16xi32>
        %lt3A_162 = arith.constant 0 : i32
        %lt3A_163 = vector.broadcast %lt3A_162 : i32 to vector<16xi32>
        %lt3A_164 = arith.cmpi slt, %add3A_161, %lt3A_163 : vector<16xi32>
        %add3A_165 = arith.constant 16 : i32
        %add3A_166 = vector.broadcast %add3A_165 : i32 to vector<16xi32>
        %add3A_167 = arith.addi %add3A_161, %add3A_166 : vector<16xi32>
        %select_n3A = arith.select %lt3A_164, %add3A_167, %add3A_161 : vector<16xi1>, vector<16xi32>
        %broadcast_in_dim3A_168 = vector.shape_cast %select_n3A : vector<16xi32> to vector<16x1xi32>
        %gather3A = vector.shape_cast %broadcast_in_dim3A_168 : vector<16x1xi32> to vector<16xi32>
        %gather3A_169 = tpu.dynamic_gather %get3A_26[%gather3A] in [0] : vector<16xf32>, vector<16xi32> -> vector<16xf32>
        %gt3A_170 = arith.cmpf ogt, %get3A_158, %gather3A_169 : vector<16xf32>
        %jit3A = arith.constant 8 : i32
        %jit3A_171 = arith.constant 0 : i32
        %broadcast_in_dim3A_172 = vector.broadcast %jit3A : i32 to vector<16xi32>
        %broadcast_in_dim3A_173 = vector.broadcast %jit3A_171 : i32 to vector<16xi32>
        %select_n3A_174 = arith.select %gt3A_170, %broadcast_in_dim3A_172, %broadcast_in_dim3A_173 : vector<16xi1>, vector<16xi32>
        %add3A_175 = arith.addi %broadcast_in_dim3A_24, %select_n3A_174 : vector<16xi32>
        %add3A_176 = arith.constant 3 : i32
        %add3A_177 = vector.broadcast %add3A_176 : i32 to vector<16xi32>
        %add3A_178 = arith.addi %add3A_175, %add3A_177 : vector<16xi32>
        %lt3A_179 = arith.constant 0 : i32
        %lt3A_180 = vector.broadcast %lt3A_179 : i32 to vector<16xi32>
        %lt3A_181 = arith.cmpi slt, %add3A_178, %lt3A_180 : vector<16xi32>
        %add3A_182 = arith.constant 16 : i32
        %add3A_183 = vector.broadcast %add3A_182 : i32 to vector<16xi32>
        %add3A_184 = arith.addi %add3A_178, %add3A_183 : vector<16xi32>
        %select_n3A_185 = arith.select %lt3A_181, %add3A_184, %add3A_178 : vector<16xi1>, vector<16xi32>
        %broadcast_in_dim3A_186 = vector.shape_cast %select_n3A_185 : vector<16xi32> to vector<16x1xi32>
        %gather3A_187 = vector.shape_cast %broadcast_in_dim3A_186 : vector<16x1xi32> to vector<16xi32>
        %gather3A_188 = tpu.dynamic_gather %get3A_26[%gather3A_187] in [0] : vector<16xf32>, vector<16xi32> -> vector<16xf32>
        %gt3A_189 = arith.cmpf ogt, %get3A_158, %gather3A_188 : vector<16xf32>
        %jit3A_190 = arith.constant 4 : i32
        %jit3A_191 = arith.constant 0 : i32
        %broadcast_in_dim3A_192 = vector.broadcast %jit3A_190 : i32 to vector<16xi32>
        %broadcast_in_dim3A_193 = vector.broadcast %jit3A_191 : i32 to vector<16xi32>
        %select_n3A_194 = arith.select %gt3A_189, %broadcast_in_dim3A_192, %broadcast_in_dim3A_193 : vector<16xi1>, vector<16xi32>
        %add3A_195 = arith.addi %add3A_175, %select_n3A_194 : vector<16xi32>
        %add3A_196 = arith.constant 1 : i32
        %add3A_197 = vector.broadcast %add3A_196 : i32 to vector<16xi32>
        %add3A_198 = arith.addi %add3A_195, %add3A_197 : vector<16xi32>
        %lt3A_199 = arith.constant 0 : i32
        %lt3A_200 = vector.broadcast %lt3A_199 : i32 to vector<16xi32>
        %lt3A_201 = arith.cmpi slt, %add3A_198, %lt3A_200 : vector<16xi32>
        %add3A_202 = arith.constant 16 : i32
        %add3A_203 = vector.broadcast %add3A_202 : i32 to vector<16xi32>
        %add3A_204 = arith.addi %add3A_198, %add3A_203 : vector<16xi32>
        %select_n3A_205 = arith.select %lt3A_201, %add3A_204, %add3A_198 : vector<16xi1>, vector<16xi32>
        %broadcast_in_dim3A_206 = vector.shape_cast %select_n3A_205 : vector<16xi32> to vector<16x1xi32>
        %gather3A_207 = vector.shape_cast %broadcast_in_dim3A_206 : vector<16x1xi32> to vector<16xi32>
        %gather3A_208 = tpu.dynamic_gather %get3A_26[%gather3A_207] in [0] : vector<16xf32>, vector<16xi32> -> vector<16xf32>
        %gt3A_209 = arith.cmpf ogt, %get3A_158, %gather3A_208 : vector<16xf32>
        %jit3A_210 = arith.constant 2 : i32
        %jit3A_211 = arith.constant 0 : i32
        %broadcast_in_dim3A_212 = vector.broadcast %jit3A_210 : i32 to vector<16xi32>
        %broadcast_in_dim3A_213 = vector.broadcast %jit3A_211 : i32 to vector<16xi32>
        %select_n3A_214 = arith.select %gt3A_209, %broadcast_in_dim3A_212, %broadcast_in_dim3A_213 : vector<16xi1>, vector<16xi32>
        %add3A_215 = arith.addi %add3A_195, %select_n3A_214 : vector<16xi32>
        %add3A_216 = arith.constant 0 : i32
        %add3A_217 = vector.broadcast %add3A_216 : i32 to vector<16xi32>
        %add3A_218 = arith.addi %add3A_215, %add3A_217 : vector<16xi32>
        %lt3A_219 = arith.constant 0 : i32
        %lt3A_220 = vector.broadcast %lt3A_219 : i32 to vector<16xi32>
        %lt3A_221 = arith.cmpi slt, %add3A_218, %lt3A_220 : vector<16xi32>
        %add3A_222 = arith.constant 16 : i32
        %add3A_223 = vector.broadcast %add3A_222 : i32 to vector<16xi32>
        %add3A_224 = arith.addi %add3A_218, %add3A_223 : vector<16xi32>
        %select_n3A_225 = arith.select %lt3A_221, %add3A_224, %add3A_218 : vector<16xi1>, vector<16xi32>
        %broadcast_in_dim3A_226 = vector.shape_cast %select_n3A_225 : vector<16xi32> to vector<16x1xi32>
        %gather3A_227 = vector.shape_cast %broadcast_in_dim3A_226 : vector<16x1xi32> to vector<16xi32>
        %gather3A_228 = tpu.dynamic_gather %get3A_26[%gather3A_227] in [0] : vector<16xf32>, vector<16xi32> -> vector<16xf32>
        %gt3A_229 = arith.cmpf ogt, %get3A_158, %gather3A_228 : vector<16xf32>
        %jit3A_230 = arith.constant 1 : i32
        %jit3A_231 = arith.constant 0 : i32
        %broadcast_in_dim3A_232 = vector.broadcast %jit3A_230 : i32 to vector<16xi32>
        %broadcast_in_dim3A_233 = vector.broadcast %jit3A_231 : i32 to vector<16xi32>
        %select_n3A_234 = arith.select %gt3A_229, %broadcast_in_dim3A_232, %broadcast_in_dim3A_233 : vector<16xi1>, vector<16xi32>
        %add3A_235 = arith.addi %add3A_215, %select_n3A_234 : vector<16xi32>
        %lt3A_236 = arith.constant 0 : i32
        %lt3A_237 = vector.broadcast %lt3A_236 : i32 to vector<16xi32>
        %lt3A_238 = arith.cmpi slt, %add3A_235, %lt3A_237 : vector<16xi32>
        %add3A_239 = arith.constant 16 : i32
        %add3A_240 = vector.broadcast %add3A_239 : i32 to vector<16xi32>
        %add3A_241 = arith.addi %add3A_235, %add3A_240 : vector<16xi32>
        %select_n3A_242 = arith.select %lt3A_238, %add3A_241, %add3A_235 : vector<16xi1>, vector<16xi32>
        %broadcast_in_dim3A_243 = vector.shape_cast %select_n3A_242 : vector<16xi32> to vector<16x1xi32>
        %gather3A_244 = vector.shape_cast %broadcast_in_dim3A_243 : vector<16x1xi32> to vector<16xi32>
        %gather3A_245 = tpu.dynamic_gather %get3A_29[%gather3A_244] in [0] : vector<16xi32>, vector<16xi32> -> vector<16xi32>
        %swap3A = arith.constant 1 : i32
        %swap3A_246 = arith.index_cast %swap3A : i32 to index
        %swap3A_247 = arith.index_cast %mul3A_153 : i32 to index
        %swap3A_248 = tpu.vector_load %arg7[%swap3A_246, %swap3A_247] {strides = array<i32>} : memref<2x16384xi32, #tpu.memory_space<vmem>>, vector<1x16xi32>,
        %swap3A_249 = vector.shape_cast %swap3A_248 : vector<1x16xi32> to vector<16xi32>
        %swap3A_250 = vector.shape_cast %gather3A_245 : vector<16xi32> to vector<1x16xi32>
        tpu.vector_store %arg7[%swap3A_246, %swap3A_247], %swap3A_250 {strides = array<i32>} : memref<2x16384xi32, #tpu.memory_space<vmem>>, vector<1x16xi32>,
        %mul3A_251 = arith.constant 8 : i32
        %mul3A_252 = arith.muli %scan3A_146, %mul3A_251 : i32
        %add3A_253 = arith.constant 1 : i32
        %add3A_254 = arith.addi %mul3A_252, %add3A_253 : i32
        %mul3A_255 = arith.constant 16 : i32
        %mul3A_256 = arith.muli %add3A_254, %mul3A_255 : i32
        %get3A_257 = arith.constant 1 : i32
        %get3A_258 = arith.index_cast %get3A_257 : i32 to index
        %get3A_259 = arith.index_cast %mul3A_256 : i32 to index
        %get3A_260 = tpu.vector_load %arg6[%get3A_258, %get3A_259] {strides = array<i32>} : memref<2x16384xf32, #tpu.memory_space<vmem>>, vector<1x16xf32>,
        %get3A_261 = vector.shape_cast %get3A_260 : vector<1x16xf32> to vector<16xf32>
        %add3A_262 = arith.constant 7 : i32
        %add3A_263 = vector.broadcast %add3A_262 : i32 to vector<16xi32>
        %add3A_264 = arith.addi %broadcast_in_dim3A_24, %add3A_263 : vector<16xi32>
        %lt3A_265 = arith.constant 0 : i32
        %lt3A_266 = vector.broadcast %lt3A_265 : i32 to vector<16xi32>
        %lt3A_267 = arith.cmpi slt, %add3A_264, %lt3A_266 : vector<16xi32>
        %add3A_268 = arith.constant 16 : i32
        %add3A_269 = vector.broadcast %add3A_268 : i32 to vector<16xi32>
        %add3A_270 = arith.addi %add3A_264, %add3A_269 : vector<16xi32>
        %select_n3A_271 = arith.select %lt3A_267, %add3A_270, %add3A_264 : vector<16xi1>, vector<16xi32>
        %broadcast_in_dim3A_272 = vector.shape_cast %select_n3A_271 : vector<16xi32> to vector<16x1xi32>
        %gather3A_273 = vector.shape_cast %broadcast_in_dim3A_272 : vector<16x1xi32> to vector<16xi32>
        %gather3A_274 = tpu.dynamic_gather %get3A_26[%gather3A_273] in [0] : vector<16xf32>, vector<16xi32> -> vector<16xf32>
        %gt3A_275 = arith.cmpf ogt, %get3A_261, %gather3A_274 : vector<16xf32>
        %jit3A_276 = arith.constant 8 : i32
        %jit3A_277 = arith.constant 0 : i32
        %broadcast_in_dim3A_278 = vector.broadcast %jit3A_276 : i32 to vector<16xi32>
        %broadcast_in_dim3A_279 = vector.broadcast %jit3A_277 : i32 to vector<16xi32>
        %select_n3A_280 = arith.select %gt3A_275, %broadcast_in_dim3A_278, %broadcast_in_dim3A_279 : vector<16xi1>, vector<16xi32>
        %add3A_281 = arith.addi %broadcast_in_dim3A_24, %select_n3A_280 : vector<16xi32>
        %add3A_282 = arith.constant 3 : i32
        %add3A_283 = vector.broadcast %add3A_282 : i32 to vector<16xi32>
        %add3A_284 = arith.addi %add3A_281, %add3A_283 : vector<16xi32>
        %lt3A_285 = arith.constant 0 : i32
        %lt3A_286 = vector.broadcast %lt3A_285 : i32 to vector<16xi32>
        %lt3A_287 = arith.cmpi slt, %add3A_284, %lt3A_286 : vector<16xi32>
        %add3A_288 = arith.constant 16 : i32
        %add3A_289 = vector.broadcast %add3A_288 : i32 to vector<16xi32>
        %add3A_290 = arith.addi %add3A_284, %add3A_289 : vector<16xi32>
        %select_n3A_291 = arith.select %lt3A_287, %add3A_290, %add3A_284 : vector<16xi1>, vector<16xi32>
        %broadcast_in_dim3A_292 = vector.shape_cast %select_n3A_291 : vector<16xi32> to vector<16x1xi32>
        %gather3A_293 = vector.shape_cast %broadcast_in_dim3A_292 : vector<16x1xi32> to vector<16xi32>
        %gather3A_294 = tpu.dynamic_gather %get3A_26[%gather3A_293] in [0] : vector<16xf32>, vector<16xi32> -> vector<16xf32>
        %gt3A_295 = arith.cmpf ogt, %get3A_261, %gather3A_294 : vector<16xf32>
        %jit3A_296 = arith.constant 4 : i32
        %jit3A_297 = arith.constant 0 : i32
        %broadcast_in_dim3A_298 = vector.broadcast %jit3A_296 : i32 to vector<16xi32>
        %broadcast_in_dim3A_299 = vector.broadcast %jit3A_297 : i32 to vector<16xi32>
        %select_n3A_300 = arith.select %gt3A_295, %broadcast_in_dim3A_298, %broadcast_in_dim3A_299 : vector<16xi1>, vector<16xi32>
        %add3A_301 = arith.addi %add3A_281, %select_n3A_300 : vector<16xi32>
        %add3A_302 = arith.constant 1 : i32
        %add3A_303 = vector.broadcast %add3A_302 : i32 to vector<16xi32>
        %add3A_304 = arith.addi %add3A_301, %add3A_303 : vector<16xi32>
        %lt3A_305 = arith.constant 0 : i32
        %lt3A_306 = vector.broadcast %lt3A_305 : i32 to vector<16xi32>
        %lt3A_307 = arith.cmpi slt, %add3A_304, %lt3A_306 : vector<16xi32>
        %add3A_308 = arith.constant 16 : i32
        %add3A_309 = vector.broadcast %add3A_308 : i32 to vector<16xi32>
        %add3A_310 = arith.addi %add3A_304, %add3A_309 : vector<16xi32>
        %select_n3A_311 = arith.select %lt3A_307, %add3A_310, %add3A_304 : vector<16xi1>, vector<16xi32>
        %broadcast_in_dim3A_312 = vector.shape_cast %select_n3A_311 : vector<16xi32> to vector<16x1xi32>
        %gather3A_313 = vector.shape_cast %broadcast_in_dim3A_312 : vector<16x1xi32> to vector<16xi32>
        %gather3A_314 = tpu.dynamic_gather %get3A_26[%gather3A_313] in [0] : vector<16xf32>, vector<16xi32> -> vector<16xf32>
        %gt3A_315 = arith.cmpf ogt, %get3A_261, %gather3A_314 : vector<16xf32>
        %jit3A_316 = arith.constant 2 : i32
        %jit3A_317 = arith.constant 0 : i32
        %broadcast_in_dim3A_318 = vector.broadcast %jit3A_316 : i32 to vector<16xi32>
        %broadcast_in_dim3A_319 = vector.broadcast %jit3A_317 : i32 to vector<16xi32>
        %select_n3A_320 = arith.select %gt3A_315, %broadcast_in_dim3A_318, %broadcast_in_dim3A_319 : vector<16xi1>, vector<16xi32>
        %add3A_321 = arith.addi %add3A_301, %select_n3A_320 : vector<16xi32>
        %add3A_322 = arith.constant 0 : i32
        %add3A_323 = vector.broadcast %add3A_322 : i32 to vector<16xi32>
        %add3A_324 = arith.addi %add3A_321, %add3A_323 : vector<16xi32>
        %lt3A_325 = arith.constant 0 : i32
        %lt3A_326 = vector.broadcast %lt3A_325 : i32 to vector<16xi32>
        %lt3A_327 = arith.cmpi slt, %add3A_324, %lt3A_326 : vector<16xi32>
        %add3A_328 = arith.constant 16 : i32
        %add3A_329 = vector.broadcast %add3A_328 : i32 to vector<16xi32>
        %add3A_330 = arith.addi %add3A_324, %add3A_329 : vector<16xi32>
        %select_n3A_331 = arith.select %lt3A_327, %add3A_330, %add3A_324 : vector<16xi1>, vector<16xi32>
        %broadcast_in_dim3A_332 = vector.shape_cast %select_n3A_331 : vector<16xi32> to vector<16x1xi32>
        %gather3A_333 = vector.shape_cast %broadcast_in_dim3A_332 : vector<16x1xi32> to vector<16xi32>
        %gather3A_334 = tpu.dynamic_gather %get3A_26[%gather3A_333] in [0] : vector<16xf32>, vector<16xi32> -> vector<16xf32>
        %gt3A_335 = arith.cmpf ogt, %get3A_261, %gather3A_334 : vector<16xf32>
        %jit3A_336 = arith.constant 1 : i32
        %jit3A_337 = arith.constant 0 : i32
        %broadcast_in_dim3A_338 = vector.broadcast %jit3A_336 : i32 to vector<16xi32>
        %broadcast_in_dim3A_339 = vector.broadcast %jit3A_337 : i32 to vector<16xi32>
        %select_n3A_340 = arith.select %gt3A_335, %broadcast_in_dim3A_338, %broadcast_in_dim3A_339 : vector<16xi1>, vector<16xi32>
        %add3A_341 = arith.addi %add3A_321, %select_n3A_340 : vector<16xi32>
        %lt3A_342 = arith.constant 0 : i32
        %lt3A_343 = vector.broadcast %lt3A_342 : i32 to vector<16xi32>
        %lt3A_344 = arith.cmpi slt, %add3A_341, %lt3A_343 : vector<16xi32>
        %add3A_345 = arith.constant 16 : i32
        %add3A_346 = vector.broadcast %add3A_345 : i32 to vector<16xi32>
        %add3A_347 = arith.addi %add3A_341, %add3A_346 : vector<16xi32>
        %select_n3A_348 = arith.select %lt3A_344, %add3A_347, %add3A_341 : vector<16xi1>, vector<16xi32>
        %broadcast_in_dim3A_349 = vector.shape_cast %select_n3A_348 : vector<16xi32> to vector<16x1xi32>
        %gather3A_350 = vector.shape_cast %broadcast_in_dim3A_349 : vector<16x1xi32> to vector<16xi32>
        %gather3A_351 = tpu.dynamic_gather %get3A_29[%gather3A_350] in [0] : vector<16xi32>, vector<16xi32> -> vector<16xi32>
        %swap3A_352 = arith.constant 1 : i32
        %swap3A_353 = arith.index_cast %swap3A_352 : i32 to index
        %swap3A_354 = arith.index_cast %mul3A_256 : i32 to index
        %swap3A_355 = tpu.vector_load %arg7[%swap3A_353, %swap3A_354] {strides = array<i32>} : memref<2x16384xi32, #tpu.memory_space<vmem>>, vector<1x16xi32>,
        %swap3A_356 = vector.shape_cast %swap3A_355 : vector<1x16xi32> to vector<16xi32>
        %swap3A_357 = vector.shape_cast %gather3A_351 : vector<16xi32> to vector<1x16xi32>
        tpu.vector_store %arg7[%swap3A_353, %swap3A_354], %swap3A_357 {strides = array<i32>} : memref<2x16384xi32, #tpu.memory_space<vmem>>, vector<1x16xi32>,
        %mul3A_358 = arith.constant 8 : i32
        %mul3A_359 = arith.muli %scan3A_146, %mul3A_358 : i32
        %add3A_360 = arith.constant 2 : i32
        %add3A_361 = arith.addi %mul3A_359, %add3A_360 : i32
        %mul3A_362 = arith.constant 16 : i32
        %mul3A_363 = arith.muli %add3A_361, %mul3A_362 : i32
        %get3A_364 = arith.constant 1 : i32
        %get3A_365 = arith.index_cast %get3A_364 : i32 to index
        %get3A_366 = arith.index_cast %mul3A_363 : i32 to index
        %get3A_367 = tpu.vector_load %arg6[%get3A_365, %get3A_366] {strides = array<i32>} : memref<2x16384xf32, #tpu.memory_space<vmem>>, vector<1x16xf32>,
        %get3A_368 = vector.shape_cast %get3A_367 : vector<1x16xf32> to vector<16xf32>
        %add3A_369 = arith.constant 7 : i32
        %add3A_370 = vector.broadcast %add3A_369 : i32 to vector<16xi32>
        %add3A_371 = arith.addi %broadcast_in_dim3A_24, %add3A_370 : vector<16xi32>
        %lt3A_372 = arith.constant 0 : i32
        %lt3A_373 = vector.broadcast %lt3A_372 : i32 to vector<16xi32>
        %lt3A_374 = arith.cmpi slt, %add3A_371, %lt3A_373 : vector<16xi32>
        %add3A_375 = arith.constant 16 : i32
        %add3A_376 = vector.broadcast %add3A_375 : i32 to vector<16xi32>
        %add3A_377 = arith.addi %add3A_371, %add3A_376 : vector<16xi32>
        %select_n3A_378 = arith.select %lt3A_374, %add3A_377, %add3A_371 : vector<16xi1>, vector<16xi32>
        %broadcast_in_dim3A_379 = vector.shape_cast %select_n3A_378 : vector<16xi32> to vector<16x1xi32>
        %gather3A_380 = vector.shape_cast %broadcast_in_dim3A_379 : vector<16x1xi32> to vector<16xi32>
        %gather3A_381 = tpu.dynamic_gather %get3A_26[%gather3A_380] in [0] : vector<16xf32>, vector<16xi32> -> vector<16xf32>
        %gt3A_382 = arith.cmpf ogt, %get3A_368, %gather3A_381 : vector<16xf32>
        %jit3A_383 = arith.constant 8 : i32
        %jit3A_384 = arith.constant 0 : i32
        %broadcast_in_dim3A_385 = vector.broadcast %jit3A_383 : i32 to vector<16xi32>
        %broadcast_in_dim3A_386 = vector.broadcast %jit3A_384 : i32 to vector<16xi32>
        %select_n3A_387 = arith.select %gt3A_382, %broadcast_in_dim3A_385, %broadcast_in_dim3A_386 : vector<16xi1>, vector<16xi32>
        %add3A_388 = arith.addi %broadcast_in_dim3A_24, %select_n3A_387 : vector<16xi32>
        %add3A_389 = arith.constant 3 : i32
        %add3A_390 = vector.broadcast %add3A_389 : i32 to vector<16xi32>
        %add3A_391 = arith.addi %add3A_388, %add3A_390 : vector<16xi32>
        %lt3A_392 = arith.constant 0 : i32
        %lt3A_393 = vector.broadcast %lt3A_392 : i32 to vector<16xi32>
        %lt3A_394 = arith.cmpi slt, %add3A_391, %lt3A_393 : vector<16xi32>
        %add3A_395 = arith.constant 16 : i32
        %add3A_396 = vector.broadcast %add3A_395 : i32 to vector<16xi32>
        %add3A_397 = arith.addi %add3A_391, %add3A_396 : vector<16xi32>
        %select_n3A_398 = arith.select %lt3A_394, %add3A_397, %add3A_391 : vector<16xi1>, vector<16xi32>
        %broadcast_in_dim3A_399 = vector.shape_cast %select_n3A_398 : vector<16xi32> to vector<16x1xi32>
        %gather3A_400 = vector.shape_cast %broadcast_in_dim3A_399 : vector<16x1xi32> to vector<16xi32>
        %gather3A_401 = tpu.dynamic_gather %get3A_26[%gather3A_400] in [0] : vector<16xf32>, vector<16xi32> -> vector<16xf32>
        %gt3A_402 = arith.cmpf ogt, %get3A_368, %gather3A_401 : vector<16xf32>
        %jit3A_403 = arith.constant 4 : i32
        %jit3A_404 = arith.constant 0 : i32
        %broadcast_in_dim3A_405 = vector.broadcast %jit3A_403 : i32 to vector<16xi32>
        %broadcast_in_dim3A_406 = vector.broadcast %jit3A_404 : i32 to vector<16xi32>
        %select_n3A_407 = arith.select %gt3A_402, %broadcast_in_dim3A_405, %broadcast_in_dim3A_406 : vector<16xi1>, vector<16xi32>
        %add3A_408 = arith.addi %add3A_388, %select_n3A_407 : vector<16xi32>
        %add3A_409 = arith.constant 1 : i32
        %add3A_410 = vector.broadcast %add3A_409 : i32 to vector<16xi32>
        %add3A_411 = arith.addi %add3A_408, %add3A_410 : vector<16xi32>
        %lt3A_412 = arith.constant 0 : i32
        %lt3A_413 = vector.broadcast %lt3A_412 : i32 to vector<16xi32>
        %lt3A_414 = arith.cmpi slt, %add3A_411, %lt3A_413 : vector<16xi32>
        %add3A_415 = arith.constant 16 : i32
        %add3A_416 = vector.broadcast %add3A_415 : i32 to vector<16xi32>
        %add3A_417 = arith.addi %add3A_411, %add3A_416 : vector<16xi32>
        %select_n3A_418 = arith.select %lt3A_414, %add3A_417, %add3A_411 : vector<16xi1>, vector<16xi32>
        %broadcast_in_dim3A_419 = vector.shape_cast %select_n3A_418 : vector<16xi32> to vector<16x1xi32>
        %gather3A_420 = vector.shape_cast %broadcast_in_dim3A_419 : vector<16x1xi32> to vector<16xi32>
        %gather3A_421 = tpu.dynamic_gather %get3A_26[%gather3A_420] in [0] : vector<16xf32>, vector<16xi32> -> vector<16xf32>
        %gt3A_422 = arith.cmpf ogt, %get3A_368, %gather3A_421 : vector<16xf32>
        %jit3A_423 = arith.constant 2 : i32
        %jit3A_424 = arith.constant 0 : i32
        %broadcast_in_dim3A_425 = vector.broadcast %jit3A_423 : i32 to vector<16xi32>
        %broadcast_in_dim3A_426 = vector.broadcast %jit3A_424 : i32 to vector<16xi32>
        %select_n3A_427 = arith.select %gt3A_422, %broadcast_in_dim3A_425, %broadcast_in_dim3A_426 : vector<16xi1>, vector<16xi32>
        %add3A_428 = arith.addi %add3A_408, %select_n3A_427 : vector<16xi32>
        %add3A_429 = arith.constant 0 : i32
        %add3A_430 = vector.broadcast %add3A_429 : i32 to vector<16xi32>
        %add3A_431 = arith.addi %add3A_428, %add3A_430 : vector<16xi32>
        %lt3A_432 = arith.constant 0 : i32
        %lt3A_433 = vector.broadcast %lt3A_432 : i32 to vector<16xi32>
        %lt3A_434 = arith.cmpi slt, %add3A_431, %lt3A_433 : vector<16xi32>
        %add3A_435 = arith.constant 16 : i32
        %add3A_436 = vector.broadcast %add3A_435 : i32 to vector<16xi32>
        %add3A_437 = arith.addi %add3A_431, %add3A_436 : vector<16xi32>
        %select_n3A_438 = arith.select %lt3A_434, %add3A_437, %add3A_431 : vector<16xi1>, vector<16xi32>
        %broadcast_in_dim3A_439 = vector.shape_cast %select_n3A_438 : vector<16xi32> to vector<16x1xi32>
        %gather3A_440 = vector.shape_cast %broadcast_in_dim3A_439 : vector<16x1xi32> to vector<16xi32>
        %gather3A_441 = tpu.dynamic_gather %get3A_26[%gather3A_440] in [0] : vector<16xf32>, vector<16xi32> -> vector<16xf32>
        %gt3A_442 = arith.cmpf ogt, %get3A_368, %gather3A_441 : vector<16xf32>
        %jit3A_443 = arith.constant 1 : i32
        %jit3A_444 = arith.constant 0 : i32
        %broadcast_in_dim3A_445 = vector.broadcast %jit3A_443 : i32 to vector<16xi32>
        %broadcast_in_dim3A_446 = vector.broadcast %jit3A_444 : i32 to vector<16xi32>
        %select_n3A_447 = arith.select %gt3A_442, %broadcast_in_dim3A_445, %broadcast_in_dim3A_446 : vector<16xi1>, vector<16xi32>
        %add3A_448 = arith.addi %add3A_428, %select_n3A_447 : vector<16xi32>
        %lt3A_449 = arith.constant 0 : i32
        %lt3A_450 = vector.broadcast %lt3A_449 : i32 to vector<16xi32>
        %lt3A_451 = arith.cmpi slt, %add3A_448, %lt3A_450 : vector<16xi32>
        %add3A_452 = arith.constant 16 : i32
        %add3A_453 = vector.broadcast %add3A_452 : i32 to vector<16xi32>
        %add3A_454 = arith.addi %add3A_448, %add3A_453 : vector<16xi32>
        %select_n3A_455 = arith.select %lt3A_451, %add3A_454, %add3A_448 : vector<16xi1>, vector<16xi32>
        %broadcast_in_dim3A_456 = vector.shape_cast %select_n3A_455 : vector<16xi32> to vector<16x1xi32>
        %gather3A_457 = vector.shape_cast %broadcast_in_dim3A_456 : vector<16x1xi32> to vector<16xi32>
        %gather3A_458 = tpu.dynamic_gather %get3A_29[%gather3A_457] in [0] : vector<16xi32>, vector<16xi32> -> vector<16xi32>
        %swap3A_459 = arith.constant 1 : i32
        %swap3A_460 = arith.index_cast %swap3A_459 : i32 to index
        %swap3A_461 = arith.index_cast %mul3A_363 : i32 to index
        %swap3A_462 = tpu.vector_load %arg7[%swap3A_460, %swap3A_461] {strides = array<i32>} : memref<2x16384xi32, #tpu.memory_space<vmem>>, vector<1x16xi32>,
        %swap3A_463 = vector.shape_cast %swap3A_462 : vector<1x16xi32> to vector<16xi32>
        %swap3A_464 = vector.shape_cast %gather3A_458 : vector<16xi32> to vector<1x16xi32>
        tpu.vector_store %arg7[%swap3A_460, %swap3A_461], %swap3A_464 {strides = array<i32>} : memref<2x16384xi32, #tpu.memory_space<vmem>>, vector<1x16xi32>,
        %mul3A_465 = arith.constant 8 : i32
        %mul3A_466 = arith.muli %scan3A_146, %mul3A_465 : i32
        %add3A_467 = arith.constant 3 : i32
        %add3A_468 = arith.addi %mul3A_466, %add3A_467 : i32
        %mul3A_469 = arith.constant 16 : i32
        %mul3A_470 = arith.muli %add3A_468, %mul3A_469 : i32
        %get3A_471 = arith.constant 1 : i32
        %get3A_472 = arith.index_cast %get3A_471 : i32 to index
        %get3A_473 = arith.index_cast %mul3A_470 : i32 to index
        %get3A_474 = tpu.vector_load %arg6[%get3A_472, %get3A_473] {strides = array<i32>} : memref<2x16384xf32, #tpu.memory_space<vmem>>, vector<1x16xf32>,
        %get3A_475 = vector.shape_cast %get3A_474 : vector<1x16xf32> to vector<16xf32>
        %add3A_476 = arith.constant 7 : i32
        %add3A_477 = vector.broadcast %add3A_476 : i32 to vector<16xi32>
        %add3A_478 = arith.addi %broadcast_in_dim3A_24, %add3A_477 : vector<16xi32>
        %lt3A_479 = arith.constant 0 : i32
        %lt3A_480 = vector.broadcast %lt3A_479 : i32 to vector<16xi32>
        %lt3A_481 = arith.cmpi slt, %add3A_478, %lt3A_480 : vector<16xi32>
        %add3A_482 = arith.constant 16 : i32
        %add3A_483 = vector.broadcast %add3A_482 : i32 to vector<16xi32>
        %add3A_484 = arith.addi %add3A_478, %add3A_483 : vector<16xi32>
        %select_n3A_485 = arith.select %lt3A_481, %add3A_484, %add3A_478 : vector<16xi1>, vector<16xi32>
        %broadcast_in_dim3A_486 = vector.shape_cast %select_n3A_485 : vector<16xi32> to vector<16x1xi32>
        %gather3A_487 = vector.shape_cast %broadcast_in_dim3A_486 : vector<16x1xi32> to vector<16xi32>
        %gather3A_488 = tpu.dynamic_gather %get3A_26[%gather3A_487] in [0] : vector<16xf32>, vector<16xi32> -> vector<16xf32>
        %gt3A_489 = arith.cmpf ogt, %get3A_475, %gather3A_488 : vector<16xf32>
        %jit3A_490 = arith.constant 8 : i32
        %jit3A_491 = arith.constant 0 : i32
        %broadcast_in_dim3A_492 = vector.broadcast %jit3A_490 : i32 to vector<16xi32>
        %broadcast_in_dim3A_493 = vector.broadcast %jit3A_491 : i32 to vector<16xi32>
        %select_n3A_494 = arith.select %gt3A_489, %broadcast_in_dim3A_492, %broadcast_in_dim3A_493 : vector<16xi1>, vector<16xi32>
        %add3A_495 = arith.addi %broadcast_in_dim3A_24, %select_n3A_494 : vector<16xi32>
        %add3A_496 = arith.constant 3 : i32
        %add3A_497 = vector.broadcast %add3A_496 : i32 to vector<16xi32>
        %add3A_498 = arith.addi %add3A_495, %add3A_497 : vector<16xi32>
        %lt3A_499 = arith.constant 0 : i32
        %lt3A_500 = vector.broadcast %lt3A_499 : i32 to vector<16xi32>
        %lt3A_501 = arith.cmpi slt, %add3A_498, %lt3A_500 : vector<16xi32>
        %add3A_502 = arith.constant 16 : i32
        %add3A_503 = vector.broadcast %add3A_502 : i32 to vector<16xi32>
        %add3A_504 = arith.addi %add3A_498, %add3A_503 : vector<16xi32>
        %select_n3A_505 = arith.select %lt3A_501, %add3A_504, %add3A_498 : vector<16xi1>, vector<16xi32>
        %broadcast_in_dim3A_506 = vector.shape_cast %select_n3A_505 : vector<16xi32> to vector<16x1xi32>
        %gather3A_507 = vector.shape_cast %broadcast_in_dim3A_506 : vector<16x1xi32> to vector<16xi32>
        %gather3A_508 = tpu.dynamic_gather %get3A_26[%gather3A_507] in [0] : vector<16xf32>, vector<16xi32> -> vector<16xf32>
        %gt3A_509 = arith.cmpf ogt, %get3A_475, %gather3A_508 : vector<16xf32>
        %jit3A_510 = arith.constant 4 : i32
        %jit3A_511 = arith.constant 0 : i32
        %broadcast_in_dim3A_512 = vector.broadcast %jit3A_510 : i32 to vector<16xi32>
        %broadcast_in_dim3A_513 = vector.broadcast %jit3A_511 : i32 to vector<16xi32>
        %select_n3A_514 = arith.select %gt3A_509, %broadcast_in_dim3A_512, %broadcast_in_dim3A_513 : vector<16xi1>, vector<16xi32>
        %add3A_515 = arith.addi %add3A_495, %select_n3A_514 : vector<16xi32>
        %add3A_516 = arith.constant 1 : i32
        %add3A_517 = vector.broadcast %add3A_516 : i32 to vector<16xi32>
        %add3A_518 = arith.addi %add3A_515, %add3A_517 : vector<16xi32>
        %lt3A_519 = arith.constant 0 : i32
        %lt3A_520 = vector.broadcast %lt3A_519 : i32 to vector<16xi32>
        %lt3A_521 = arith.cmpi slt, %add3A_518, %lt3A_520 : vector<16xi32>
        %add3A_522 = arith.constant 16 : i32
        %add3A_523 = vector.broadcast %add3A_522 : i32 to vector<16xi32>
        %add3A_524 = arith.addi %add3A_518, %add3A_523 : vector<16xi32>
        %select_n3A_525 = arith.select %lt3A_521, %add3A_524, %add3A_518 : vector<16xi1>, vector<16xi32>
        %broadcast_in_dim3A_526 = vector.shape_cast %select_n3A_525 : vector<16xi32> to vector<16x1xi32>
        %gather3A_527 = vector.shape_cast %broadcast_in_dim3A_526 : vector<16x1xi32> to vector<16xi32>
        %gather3A_528 = tpu.dynamic_gather %get3A_26[%gather3A_527] in [0] : vector<16xf32>, vector<16xi32> -> vector<16xf32>
        %gt3A_529 = arith.cmpf ogt, %get3A_475, %gather3A_528 : vector<16xf32>
        %jit3A_530 = arith.constant 2 : i32
        %jit3A_531 = arith.constant 0 : i32
        %broadcast_in_dim3A_532 = vector.broadcast %jit3A_530 : i32 to vector<16xi32>
        %broadcast_in_dim3A_533 = vector.broadcast %jit3A_531 : i32 to vector<16xi32>
        %select_n3A_534 = arith.select %gt3A_529, %broadcast_in_dim3A_532, %broadcast_in_dim3A_533 : vector<16xi1>, vector<16xi32>
        %add3A_535 = arith.addi %add3A_515, %select_n3A_534 : vector<16xi32>
        %add3A_536 = arith.constant 0 : i32
        %add3A_537 = vector.broadcast %add3A_536 : i32 to vector<16xi32>
        %add3A_538 = arith.addi %add3A_535, %add3A_537 : vector<16xi32>
        %lt3A_539 = arith.constant 0 : i32
        %lt3A_540 = vector.broadcast %lt3A_539 : i32 to vector<16xi32>
        %lt3A_541 = arith.cmpi slt, %add3A_538, %lt3A_540 : vector<16xi32>
        %add3A_542 = arith.constant 16 : i32
        %add3A_543 = vector.broadcast %add3A_542 : i32 to vector<16xi32>
        %add3A_544 = arith.addi %add3A_538, %add3A_543 : vector<16xi32>
        %select_n3A_545 = arith.select %lt3A_541, %add3A_544, %add3A_538 : vector<16xi1>, vector<16xi32>
        %broadcast_in_dim3A_546 = vector.shape_cast %select_n3A_545 : vector<16xi32> to vector<16x1xi32>
        %gather3A_547 = vector.shape_cast %broadcast_in_dim3A_546 : vector<16x1xi32> to vector<16xi32>
        %gather3A_548 = tpu.dynamic_gather %get3A_26[%gather3A_547] in [0] : vector<16xf32>, vector<16xi32> -> vector<16xf32>
        %gt3A_549 = arith.cmpf ogt, %get3A_475, %gather3A_548 : vector<16xf32>
        %jit3A_550 = arith.constant 1 : i32
        %jit3A_551 = arith.constant 0 : i32
        %broadcast_in_dim3A_552 = vector.broadcast %jit3A_550 : i32 to vector<16xi32>
        %broadcast_in_dim3A_553 = vector.broadcast %jit3A_551 : i32 to vector<16xi32>
        %select_n3A_554 = arith.select %gt3A_549, %broadcast_in_dim3A_552, %broadcast_in_dim3A_553 : vector<16xi1>, vector<16xi32>
        %add3A_555 = arith.addi %add3A_535, %select_n3A_554 : vector<16xi32>
        %lt3A_556 = arith.constant 0 : i32
        %lt3A_557 = vector.broadcast %lt3A_556 : i32 to vector<16xi32>
        %lt3A_558 = arith.cmpi slt, %add3A_555, %lt3A_557 : vector<16xi32>
        %add3A_559 = arith.constant 16 : i32
        %add3A_560 = vector.broadcast %add3A_559 : i32 to vector<16xi32>
        %add3A_561 = arith.addi %add3A_555, %add3A_560 : vector<16xi32>
        %select_n3A_562 = arith.select %lt3A_558, %add3A_561, %add3A_555 : vector<16xi1>, vector<16xi32>
        %broadcast_in_dim3A_563 = vector.shape_cast %select_n3A_562 : vector<16xi32> to vector<16x1xi32>
        %gather3A_564 = vector.shape_cast %broadcast_in_dim3A_563 : vector<16x1xi32> to vector<16xi32>
        %gather3A_565 = tpu.dynamic_gather %get3A_29[%gather3A_564] in [0] : vector<16xi32>, vector<16xi32> -> vector<16xi32>
        %swap3A_566 = arith.constant 1 : i32
        %swap3A_567 = arith.index_cast %swap3A_566 : i32 to index
        %swap3A_568 = arith.index_cast %mul3A_470 : i32 to index
        %swap3A_569 = tpu.vector_load %arg7[%swap3A_567, %swap3A_568] {strides = array<i32>} : memref<2x16384xi32, #tpu.memory_space<vmem>>, vector<1x16xi32>,
        %swap3A_570 = vector.shape_cast %swap3A_569 : vector<1x16xi32> to vector<16xi32>
        %swap3A_571 = vector.shape_cast %gather3A_565 : vector<16xi32> to vector<1x16xi32>
        tpu.vector_store %arg7[%swap3A_567, %swap3A_568], %swap3A_571 {strides = array<i32>} : memref<2x16384xi32, #tpu.memory_space<vmem>>, vector<1x16xi32>,
        %mul3A_572 = arith.constant 8 : i32
        %mul3A_573 = arith.muli %scan3A_146, %mul3A_572 : i32
        %add3A_574 = arith.constant 4 : i32
        %add3A_575 = arith.addi %mul3A_573, %add3A_574 : i32
        %mul3A_576 = arith.constant 16 : i32
        %mul3A_577 = arith.muli %add3A_575, %mul3A_576 : i32
        %get3A_578 = arith.constant 1 : i32
        %get3A_579 = arith.index_cast %get3A_578 : i32 to index
        %get3A_580 = arith.index_cast %mul3A_577 : i32 to index
        %get3A_581 = tpu.vector_load %arg6[%get3A_579, %get3A_580] {strides = array<i32>} : memref<2x16384xf32, #tpu.memory_space<vmem>>, vector<1x16xf32>,
        %get3A_582 = vector.shape_cast %get3A_581 : vector<1x16xf32> to vector<16xf32>
        %add3A_583 = arith.constant 7 : i32
        %add3A_584 = vector.broadcast %add3A_583 : i32 to vector<16xi32>
        %add3A_585 = arith.addi %broadcast_in_dim3A_24, %add3A_584 : vector<16xi32>
        %lt3A_586 = arith.constant 0 : i32
        %lt3A_587 = vector.broadcast %lt3A_586 : i32 to vector<16xi32>
        %lt3A_588 = arith.cmpi slt, %add3A_585, %lt3A_587 : vector<16xi32>
        %add3A_589 = arith.constant 16 : i32
        %add3A_590 = vector.broadcast %add3A_589 : i32 to vector<16xi32>
        %add3A_591 = arith.addi %add3A_585, %add3A_590 : vector<16xi32>
        %select_n3A_592 = arith.select %lt3A_588, %add3A_591, %add3A_585 : vector<16xi1>, vector<16xi32>
        %broadcast_in_dim3A_593 = vector.shape_cast %select_n3A_592 : vector<16xi32> to vector<16x1xi32>
        %gather3A_594 = vector.shape_cast %broadcast_in_dim3A_593 : vector<16x1xi32> to vector<16xi32>
        %gather3A_595 = tpu.dynamic_gather %get3A_26[%gather3A_594] in [0] : vector<16xf32>, vector<16xi32> -> vector<16xf32>
        %gt3A_596 = arith.cmpf ogt, %get3A_582, %gather3A_595 : vector<16xf32>
        %jit3A_597 = arith.constant 8 : i32
        %jit3A_598 = arith.constant 0 : i32
        %broadcast_in_dim3A_599 = vector.broadcast %jit3A_597 : i32 to vector<16xi32>
        %broadcast_in_dim3A_600 = vector.broadcast %jit3A_598 : i32 to vector<16xi32>
        %select_n3A_601 = arith.select %gt3A_596, %broadcast_in_dim3A_599, %broadcast_in_dim3A_600 : vector<16xi1>, vector<16xi32>
        %add3A_602 = arith.addi %broadcast_in_dim3A_24, %select_n3A_601 : vector<16xi32>
        %add3A_603 = arith.constant 3 : i32
        %add3A_604 = vector.broadcast %add3A_603 : i32 to vector<16xi32>
        %add3A_605 = arith.addi %add3A_602, %add3A_604 : vector<16xi32>
        %lt3A_606 = arith.constant 0 : i32
        %lt3A_607 = vector.broadcast %lt3A_606 : i32 to vector<16xi32>
        %lt3A_608 = arith.cmpi slt, %add3A_605, %lt3A_607 : vector<16xi32>
        %add3A_609 = arith.constant 16 : i32
        %add3A_610 = vector.broadcast %add3A_609 : i32 to vector<16xi32>
        %add3A_611 = arith.addi %add3A_605, %add3A_610 : vector<16xi32>
        %select_n3A_612 = arith.select %lt3A_608, %add3A_611, %add3A_605 : vector<16xi1>, vector<16xi32>
        %broadcast_in_dim3A_613 = vector.shape_cast %select_n3A_612 : vector<16xi32> to vector<16x1xi32>
        %gather3A_614 = vector.shape_cast %broadcast_in_dim3A_613 : vector<16x1xi32> to vector<16xi32>
        %gather3A_615 = tpu.dynamic_gather %get3A_26[%gather3A_614] in [0] : vector<16xf32>, vector<16xi32> -> vector<16xf32>
        %gt3A_616 = arith.cmpf ogt, %get3A_582, %gather3A_615 : vector<16xf32>
        %jit3A_617 = arith.constant 4 : i32
        %jit3A_618 = arith.constant 0 : i32
        %broadcast_in_dim3A_619 = vector.broadcast %jit3A_617 : i32 to vector<16xi32>
        %broadcast_in_dim3A_620 = vector.broadcast %jit3A_618 : i32 to vector<16xi32>
        %select_n3A_621 = arith.select %gt3A_616, %broadcast_in_dim3A_619, %broadcast_in_dim3A_620 : vector<16xi1>, vector<16xi32>
        %add3A_622 = arith.addi %add3A_602, %select_n3A_621 : vector<16xi32>
        %add3A_623 = arith.constant 1 : i32
        %add3A_624 = vector.broadcast %add3A_623 : i32 to vector<16xi32>
        %add3A_625 = arith.addi %add3A_622, %add3A_624 : vector<16xi32>
        %lt3A_626 = arith.constant 0 : i32
        %lt3A_627 = vector.broadcast %lt3A_626 : i32 to vector<16xi32>
        %lt3A_628 = arith.cmpi slt, %add3A_625, %lt3A_627 : vector<16xi32>
        %add3A_629 = arith.constant 16 : i32
        %add3A_630 = vector.broadcast %add3A_629 : i32 to vector<16xi32>
        %add3A_631 = arith.addi %add3A_625, %add3A_630 : vector<16xi32>
        %select_n3A_632 = arith.select %lt3A_628, %add3A_631, %add3A_625 : vector<16xi1>, vector<16xi32>
        %broadcast_in_dim3A_633 = vector.shape_cast %select_n3A_632 : vector<16xi32> to vector<16x1xi32>
        %gather3A_634 = vector.shape_cast %broadcast_in_dim3A_633 : vector<16x1xi32> to vector<16xi32>
        %gather3A_635 = tpu.dynamic_gather %get3A_26[%gather3A_634] in [0] : vector<16xf32>, vector<16xi32> -> vector<16xf32>
        %gt3A_636 = arith.cmpf ogt, %get3A_582, %gather3A_635 : vector<16xf32>
        %jit3A_637 = arith.constant 2 : i32
        %jit3A_638 = arith.constant 0 : i32
        %broadcast_in_dim3A_639 = vector.broadcast %jit3A_637 : i32 to vector<16xi32>
        %broadcast_in_dim3A_640 = vector.broadcast %jit3A_638 : i32 to vector<16xi32>
        %select_n3A_641 = arith.select %gt3A_636, %broadcast_in_dim3A_639, %broadcast_in_dim3A_640 : vector<16xi1>, vector<16xi32>
        %add3A_642 = arith.addi %add3A_622, %select_n3A_641 : vector<16xi32>
        %add3A_643 = arith.constant 0 : i32
        %add3A_644 = vector.broadcast %add3A_643 : i32 to vector<16xi32>
        %add3A_645 = arith.addi %add3A_642, %add3A_644 : vector<16xi32>
        %lt3A_646 = arith.constant 0 : i32
        %lt3A_647 = vector.broadcast %lt3A_646 : i32 to vector<16xi32>
        %lt3A_648 = arith.cmpi slt, %add3A_645, %lt3A_647 : vector<16xi32>
        %add3A_649 = arith.constant 16 : i32
        %add3A_650 = vector.broadcast %add3A_649 : i32 to vector<16xi32>
        %add3A_651 = arith.addi %add3A_645, %add3A_650 : vector<16xi32>
        %select_n3A_652 = arith.select %lt3A_648, %add3A_651, %add3A_645 : vector<16xi1>, vector<16xi32>
        %broadcast_in_dim3A_653 = vector.shape_cast %select_n3A_652 : vector<16xi32> to vector<16x1xi32>
        %gather3A_654 = vector.shape_cast %broadcast_in_dim3A_653 : vector<16x1xi32> to vector<16xi32>
        %gather3A_655 = tpu.dynamic_gather %get3A_26[%gather3A_654] in [0] : vector<16xf32>, vector<16xi32> -> vector<16xf32>
        %gt3A_656 = arith.cmpf ogt, %get3A_582, %gather3A_655 : vector<16xf32>
        %jit3A_657 = arith.constant 1 : i32
        %jit3A_658 = arith.constant 0 : i32
        %broadcast_in_dim3A_659 = vector.broadcast %jit3A_657 : i32 to vector<16xi32>
        %broadcast_in_dim3A_660 = vector.broadcast %jit3A_658 : i32 to vector<16xi32>
        %select_n3A_661 = arith.select %gt3A_656, %broadcast_in_dim3A_659, %broadcast_in_dim3A_660 : vector<16xi1>, vector<16xi32>
        %add3A_662 = arith.addi %add3A_642, %select_n3A_661 : vector<16xi32>
        %lt3A_663 = arith.constant 0 : i32
        %lt3A_664 = vector.broadcast %lt3A_663 : i32 to vector<16xi32>
        %lt3A_665 = arith.cmpi slt, %add3A_662, %lt3A_664 : vector<16xi32>
        %add3A_666 = arith.constant 16 : i32
        %add3A_667 = vector.broadcast %add3A_666 : i32 to vector<16xi32>
        %add3A_668 = arith.addi %add3A_662, %add3A_667 : vector<16xi32>
        %select_n3A_669 = arith.select %lt3A_665, %add3A_668, %add3A_662 : vector<16xi1>, vector<16xi32>
        %broadcast_in_dim3A_670 = vector.shape_cast %select_n3A_669 : vector<16xi32> to vector<16x1xi32>
        %gather3A_671 = vector.shape_cast %broadcast_in_dim3A_670 : vector<16x1xi32> to vector<16xi32>
        %gather3A_672 = tpu.dynamic_gather %get3A_29[%gather3A_671] in [0] : vector<16xi32>, vector<16xi32> -> vector<16xi32>
        %swap3A_673 = arith.constant 1 : i32
        %swap3A_674 = arith.index_cast %swap3A_673 : i32 to index
        %swap3A_675 = arith.index_cast %mul3A_577 : i32 to index
        %swap3A_676 = tpu.vector_load %arg7[%swap3A_674, %swap3A_675] {strides = array<i32>} : memref<2x16384xi32, #tpu.memory_space<vmem>>, vector<1x16xi32>,
        %swap3A_677 = vector.shape_cast %swap3A_676 : vector<1x16xi32> to vector<16xi32>
        %swap3A_678 = vector.shape_cast %gather3A_672 : vector<16xi32> to vector<1x16xi32>
        tpu.vector_store %arg7[%swap3A_674, %swap3A_675], %swap3A_678 {strides = array<i32>} : memref<2x16384xi32, #tpu.memory_space<vmem>>, vector<1x16xi32>,
        %mul3A_679 = arith.constant 8 : i32
        %mul3A_680 = arith.muli %scan3A_146, %mul3A_679 : i32
        %add3A_681 = arith.constant 5 : i32
        %add3A_682 = arith.addi %mul3A_680, %add3A_681 : i32
        %mul3A_683 = arith.constant 16 : i32
        %mul3A_684 = arith.muli %add3A_682, %mul3A_683 : i32
        %get3A_685 = arith.constant 1 : i32
        %get3A_686 = arith.index_cast %get3A_685 : i32 to index
        %get3A_687 = arith.index_cast %mul3A_684 : i32 to index
        %get3A_688 = tpu.vector_load %arg6[%get3A_686, %get3A_687] {strides = array<i32>} : memref<2x16384xf32, #tpu.memory_space<vmem>>, vector<1x16xf32>,
        %get3A_689 = vector.shape_cast %get3A_688 : vector<1x16xf32> to vector<16xf32>
        %add3A_690 = arith.constant 7 : i32
        %add3A_691 = vector.broadcast %add3A_690 : i32 to vector<16xi32>
        %add3A_692 = arith.addi %broadcast_in_dim3A_24, %add3A_691 : vector<16xi32>
        %lt3A_693 = arith.constant 0 : i32
        %lt3A_694 = vector.broadcast %lt3A_693 : i32 to vector<16xi32>
        %lt3A_695 = arith.cmpi slt, %add3A_692, %lt3A_694 : vector<16xi32>
        %add3A_696 = arith.constant 16 : i32
        %add3A_697 = vector.broadcast %add3A_696 : i32 to vector<16xi32>
        %add3A_698 = arith.addi %add3A_692, %add3A_697 : vector<16xi32>
        %select_n3A_699 = arith.select %lt3A_695, %add3A_698, %add3A_692 : vector<16xi1>, vector<16xi32>
        %broadcast_in_dim3A_700 = vector.shape_cast %select_n3A_699 : vector<16xi32> to vector<16x1xi32>
        %gather3A_701 = vector.shape_cast %broadcast_in_dim3A_700 : vector<16x1xi32> to vector<16xi32>
        %gather3A_702 = tpu.dynamic_gather %get3A_26[%gather3A_701] in [0] : vector<16xf32>, vector<16xi32> -> vector<16xf32>
        %gt3A_703 = arith.cmpf ogt, %get3A_689, %gather3A_702 : vector<16xf32>
        %jit3A_704 = arith.constant 8 : i32
        %jit3A_705 = arith.constant 0 : i32
        %broadcast_in_dim3A_706 = vector.broadcast %jit3A_704 : i32 to vector<16xi32>
        %broadcast_in_dim3A_707 = vector.broadcast %jit3A_705 : i32 to vector<16xi32>
        %select_n3A_708 = arith.select %gt3A_703, %broadcast_in_dim3A_706, %broadcast_in_dim3A_707 : vector<16xi1>, vector<16xi32>
        %add3A_709 = arith.addi %broadcast_in_dim3A_24, %select_n3A_708 : vector<16xi32>
        %add3A_710 = arith.constant 3 : i32
        %add3A_711 = vector.broadcast %add3A_710 : i32 to vector<16xi32>
        %add3A_712 = arith.addi %add3A_709, %add3A_711 : vector<16xi32>
        %lt3A_713 = arith.constant 0 : i32
        %lt3A_714 = vector.broadcast %lt3A_713 : i32 to vector<16xi32>
        %lt3A_715 = arith.cmpi slt, %add3A_712, %lt3A_714 : vector<16xi32>
        %add3A_716 = arith.constant 16 : i32
        %add3A_717 = vector.broadcast %add3A_716 : i32 to vector<16xi32>
        %add3A_718 = arith.addi %add3A_712, %add3A_717 : vector<16xi32>
        %select_n3A_719 = arith.select %lt3A_715, %add3A_718, %add3A_712 : vector<16xi1>, vector<16xi32>
        %broadcast_in_dim3A_720 = vector.shape_cast %select_n3A_719 : vector<16xi32> to vector<16x1xi32>
        %gather3A_721 = vector.shape_cast %broadcast_in_dim3A_720 : vector<16x1xi32> to vector<16xi32>
        %gather3A_722 = tpu.dynamic_gather %get3A_26[%gather3A_721] in [0] : vector<16xf32>, vector<16xi32> -> vector<16xf32>
        %gt3A_723 = arith.cmpf ogt, %get3A_689, %gather3A_722 : vector<16xf32>
        %jit3A_724 = arith.constant 4 : i32
        %jit3A_725 = arith.constant 0 : i32
        %broadcast_in_dim3A_726 = vector.broadcast %jit3A_724 : i32 to vector<16xi32>
        %broadcast_in_dim3A_727 = vector.broadcast %jit3A_725 : i32 to vector<16xi32>
        %select_n3A_728 = arith.select %gt3A_723, %broadcast_in_dim3A_726, %broadcast_in_dim3A_727 : vector<16xi1>, vector<16xi32>
        %add3A_729 = arith.addi %add3A_709, %select_n3A_728 : vector<16xi32>
        %add3A_730 = arith.constant 1 : i32
        %add3A_731 = vector.broadcast %add3A_730 : i32 to vector<16xi32>
        %add3A_732 = arith.addi %add3A_729, %add3A_731 : vector<16xi32>
        %lt3A_733 = arith.constant 0 : i32
        %lt3A_734 = vector.broadcast %lt3A_733 : i32 to vector<16xi32>
        %lt3A_735 = arith.cmpi slt, %add3A_732, %lt3A_734 : vector<16xi32>
        %add3A_736 = arith.constant 16 : i32
        %add3A_737 = vector.broadcast %add3A_736 : i32 to vector<16xi32>
        %add3A_738 = arith.addi %add3A_732, %add3A_737 : vector<16xi32>
        %select_n3A_739 = arith.select %lt3A_735, %add3A_738, %add3A_732 : vector<16xi1>, vector<16xi32>
        %broadcast_in_dim3A_740 = vector.shape_cast %select_n3A_739 : vector<16xi32> to vector<16x1xi32>
        %gather3A_741 = vector.shape_cast %broadcast_in_dim3A_740 : vector<16x1xi32> to vector<16xi32>
        %gather3A_742 = tpu.dynamic_gather %get3A_26[%gather3A_741] in [0] : vector<16xf32>, vector<16xi32> -> vector<16xf32>
        %gt3A_743 = arith.cmpf ogt, %get3A_689, %gather3A_742 : vector<16xf32>
        %jit3A_744 = arith.constant 2 : i32
        %jit3A_745 = arith.constant 0 : i32
        %broadcast_in_dim3A_746 = vector.broadcast %jit3A_744 : i32 to vector<16xi32>
        %broadcast_in_dim3A_747 = vector.broadcast %jit3A_745 : i32 to vector<16xi32>
        %select_n3A_748 = arith.select %gt3A_743, %broadcast_in_dim3A_746, %broadcast_in_dim3A_747 : vector<16xi1>, vector<16xi32>
        %add3A_749 = arith.addi %add3A_729, %select_n3A_748 : vector<16xi32>
        %add3A_750 = arith.constant 0 : i32
        %add3A_751 = vector.broadcast %add3A_750 : i32 to vector<16xi32>
        %add3A_752 = arith.addi %add3A_749, %add3A_751 : vector<16xi32>
        %lt3A_753 = arith.constant 0 : i32
        %lt3A_754 = vector.broadcast %lt3A_753 : i32 to vector<16xi32>
        %lt3A_755 = arith.cmpi slt, %add3A_752, %lt3A_754 : vector<16xi32>
        %add3A_756 = arith.constant 16 : i32
        %add3A_757 = vector.broadcast %add3A_756 : i32 to vector<16xi32>
        %add3A_758 = arith.addi %add3A_752, %add3A_757 : vector<16xi32>
        %select_n3A_759 = arith.select %lt3A_755, %add3A_758, %add3A_752 : vector<16xi1>, vector<16xi32>
        %broadcast_in_dim3A_760 = vector.shape_cast %select_n3A_759 : vector<16xi32> to vector<16x1xi32>
        %gather3A_761 = vector.shape_cast %broadcast_in_dim3A_760 : vector<16x1xi32> to vector<16xi32>
        %gather3A_762 = tpu.dynamic_gather %get3A_26[%gather3A_761] in [0] : vector<16xf32>, vector<16xi32> -> vector<16xf32>
        %gt3A_763 = arith.cmpf ogt, %get3A_689, %gather3A_762 : vector<16xf32>
        %jit3A_764 = arith.constant 1 : i32
        %jit3A_765 = arith.constant 0 : i32
        %broadcast_in_dim3A_766 = vector.broadcast %jit3A_764 : i32 to vector<16xi32>
        %broadcast_in_dim3A_767 = vector.broadcast %jit3A_765 : i32 to vector<16xi32>
        %select_n3A_768 = arith.select %gt3A_763, %broadcast_in_dim3A_766, %broadcast_in_dim3A_767 : vector<16xi1>, vector<16xi32>
        %add3A_769 = arith.addi %add3A_749, %select_n3A_768 : vector<16xi32>
        %lt3A_770 = arith.constant 0 : i32
        %lt3A_771 = vector.broadcast %lt3A_770 : i32 to vector<16xi32>
        %lt3A_772 = arith.cmpi slt, %add3A_769, %lt3A_771 : vector<16xi32>
        %add3A_773 = arith.constant 16 : i32
        %add3A_774 = vector.broadcast %add3A_773 : i32 to vector<16xi32>
        %add3A_775 = arith.addi %add3A_769, %add3A_774 : vector<16xi32>
        %select_n3A_776 = arith.select %lt3A_772, %add3A_775, %add3A_769 : vector<16xi1>, vector<16xi32>
        %broadcast_in_dim3A_777 = vector.shape_cast %select_n3A_776 : vector<16xi32> to vector<16x1xi32>
        %gather3A_778 = vector.shape_cast %broadcast_in_dim3A_777 : vector<16x1xi32> to vector<16xi32>
        %gather3A_779 = tpu.dynamic_gather %get3A_29[%gather3A_778] in [0] : vector<16xi32>, vector<16xi32> -> vector<16xi32>
        %swap3A_780 = arith.constant 1 : i32
        %swap3A_781 = arith.index_cast %swap3A_780 : i32 to index
        %swap3A_782 = arith.index_cast %mul3A_684 : i32 to index
        %swap3A_783 = tpu.vector_load %arg7[%swap3A_781, %swap3A_782] {strides = array<i32>} : memref<2x16384xi32, #tpu.memory_space<vmem>>, vector<1x16xi32>,
        %swap3A_784 = vector.shape_cast %swap3A_783 : vector<1x16xi32> to vector<16xi32>
        %swap3A_785 = vector.shape_cast %gather3A_779 : vector<16xi32> to vector<1x16xi32>
        tpu.vector_store %arg7[%swap3A_781, %swap3A_782], %swap3A_785 {strides = array<i32>} : memref<2x16384xi32, #tpu.memory_space<vmem>>, vector<1x16xi32>,
        %mul3A_786 = arith.constant 8 : i32
        %mul3A_787 = arith.muli %scan3A_146, %mul3A_786 : i32
        %add3A_788 = arith.constant 6 : i32
        %add3A_789 = arith.addi %mul3A_787, %add3A_788 : i32
        %mul3A_790 = arith.constant 16 : i32
        %mul3A_791 = arith.muli %add3A_789, %mul3A_790 : i32
        %get3A_792 = arith.constant 1 : i32
        %get3A_793 = arith.index_cast %get3A_792 : i32 to index
        %get3A_794 = arith.index_cast %mul3A_791 : i32 to index
        %get3A_795 = tpu.vector_load %arg6[%get3A_793, %get3A_794] {strides = array<i32>} : memref<2x16384xf32, #tpu.memory_space<vmem>>, vector<1x16xf32>,
        %get3A_796 = vector.shape_cast %get3A_795 : vector<1x16xf32> to vector<16xf32>
        %add3A_797 = arith.constant 7 : i32
        %add3A_798 = vector.broadcast %add3A_797 : i32 to vector<16xi32>
        %add3A_799 = arith.addi %broadcast_in_dim3A_24, %add3A_798 : vector<16xi32>
        %lt3A_800 = arith.constant 0 : i32
        %lt3A_801 = vector.broadcast %lt3A_800 : i32 to vector<16xi32>
        %lt3A_802 = arith.cmpi slt, %add3A_799, %lt3A_801 : vector<16xi32>
        %add3A_803 = arith.constant 16 : i32
        %add3A_804 = vector.broadcast %add3A_803 : i32 to vector<16xi32>
        %add3A_805 = arith.addi %add3A_799, %add3A_804 : vector<16xi32>
        %select_n3A_806 = arith.select %lt3A_802, %add3A_805, %add3A_799 : vector<16xi1>, vector<16xi32>
        %broadcast_in_dim3A_807 = vector.shape_cast %select_n3A_806 : vector<16xi32> to vector<16x1xi32>
        %gather3A_808 = vector.shape_cast %broadcast_in_dim3A_807 : vector<16x1xi32> to vector<16xi32>
        %gather3A_809 = tpu.dynamic_gather %get3A_26[%gather3A_808] in [0] : vector<16xf32>, vector<16xi32> -> vector<16xf32>
        %gt3A_810 = arith.cmpf ogt, %get3A_796, %gather3A_809 : vector<16xf32>
        %jit3A_811 = arith.constant 8 : i32
        %jit3A_812 = arith.constant 0 : i32
        %broadcast_in_dim3A_813 = vector.broadcast %jit3A_811 : i32 to vector<16xi32>
        %broadcast_in_dim3A_814 = vector.broadcast %jit3A_812 : i32 to vector<16xi32>
        %select_n3A_815 = arith.select %gt3A_810, %broadcast_in_dim3A_813, %broadcast_in_dim3A_814 : vector<16xi1>, vector<16xi32>
        %add3A_816 = arith.addi %broadcast_in_dim3A_24, %select_n3A_815 : vector<16xi32>
        %add3A_817 = arith.constant 3 : i32
        %add3A_818 = vector.broadcast %add3A_817 : i32 to vector<16xi32>
        %add3A_819 = arith.addi %add3A_816, %add3A_818 : vector<16xi32>
        %lt3A_820 = arith.constant 0 : i32
        %lt3A_821 = vector.broadcast %lt3A_820 : i32 to vector<16xi32>
        %lt3A_822 = arith.cmpi slt, %add3A_819, %lt3A_821 : vector<16xi32>
        %add3A_823 = arith.constant 16 : i32
        %add3A_824 = vector.broadcast %add3A_823 : i32 to vector<16xi32>
        %add3A_825 = arith.addi %add3A_819, %add3A_824 : vector<16xi32>
        %select_n3A_826 = arith.select %lt3A_822, %add3A_825, %add3A_819 : vector<16xi1>, vector<16xi32>
        %broadcast_in_dim3A_827 = vector.shape_cast %select_n3A_826 : vector<16xi32> to vector<16x1xi32>
        %gather3A_828 = vector.shape_cast %broadcast_in_dim3A_827 : vector<16x1xi32> to vector<16xi32>
        %gather3A_829 = tpu.dynamic_gather %get3A_26[%gather3A_828] in [0] : vector<16xf32>, vector<16xi32> -> vector<16xf32>
        %gt3A_830 = arith.cmpf ogt, %get3A_796, %gather3A_829 : vector<16xf32>
        %jit3A_831 = arith.constant 4 : i32
        %jit3A_832 = arith.constant 0 : i32
        %broadcast_in_dim3A_833 = vector.broadcast %jit3A_831 : i32 to vector<16xi32>
        %broadcast_in_dim3A_834 = vector.broadcast %jit3A_832 : i32 to vector<16xi32>
        %select_n3A_835 = arith.select %gt3A_830, %broadcast_in_dim3A_833, %broadcast_in_dim3A_834 : vector<16xi1>, vector<16xi32>
        %add3A_836 = arith.addi %add3A_816, %select_n3A_835 : vector<16xi32>
        %add3A_837 = arith.constant 1 : i32
        %add3A_838 = vector.broadcast %add3A_837 : i32 to vector<16xi32>
        %add3A_839 = arith.addi %add3A_836, %add3A_838 : vector<16xi32>
        %lt3A_840 = arith.constant 0 : i32
        %lt3A_841 = vector.broadcast %lt3A_840 : i32 to vector<16xi32>
        %lt3A_842 = arith.cmpi slt, %add3A_839, %lt3A_841 : vector<16xi32>
        %add3A_843 = arith.constant 16 : i32
        %add3A_844 = vector.broadcast %add3A_843 : i32 to vector<16xi32>
        %add3A_845 = arith.addi %add3A_839, %add3A_844 : vector<16xi32>
        %select_n3A_846 = arith.select %lt3A_842, %add3A_845, %add3A_839 : vector<16xi1>, vector<16xi32>
        %broadcast_in_dim3A_847 = vector.shape_cast %select_n3A_846 : vector<16xi32> to vector<16x1xi32>
        %gather3A_848 = vector.shape_cast %broadcast_in_dim3A_847 : vector<16x1xi32> to vector<16xi32>
        %gather3A_849 = tpu.dynamic_gather %get3A_26[%gather3A_848] in [0] : vector<16xf32>, vector<16xi32> -> vector<16xf32>
        %gt3A_850 = arith.cmpf ogt, %get3A_796, %gather3A_849 : vector<16xf32>
        %jit3A_851 = arith.constant 2 : i32
        %jit3A_852 = arith.constant 0 : i32
        %broadcast_in_dim3A_853 = vector.broadcast %jit3A_851 : i32 to vector<16xi32>
        %broadcast_in_dim3A_854 = vector.broadcast %jit3A_852 : i32 to vector<16xi32>
        %select_n3A_855 = arith.select %gt3A_850, %broadcast_in_dim3A_853, %broadcast_in_dim3A_854 : vector<16xi1>, vector<16xi32>
        %add3A_856 = arith.addi %add3A_836, %select_n3A_855 : vector<16xi32>
        %add3A_857 = arith.constant 0 : i32
        %add3A_858 = vector.broadcast %add3A_857 : i32 to vector<16xi32>
        %add3A_859 = arith.addi %add3A_856, %add3A_858 : vector<16xi32>
        %lt3A_860 = arith.constant 0 : i32
        %lt3A_861 = vector.broadcast %lt3A_860 : i32 to vector<16xi32>
        %lt3A_862 = arith.cmpi slt, %add3A_859, %lt3A_861 : vector<16xi32>
        %add3A_863 = arith.constant 16 : i32
        %add3A_864 = vector.broadcast %add3A_863 : i32 to vector<16xi32>
        %add3A_865 = arith.addi %add3A_859, %add3A_864 : vector<16xi32>
        %select_n3A_866 = arith.select %lt3A_862, %add3A_865, %add3A_859 : vector<16xi1>, vector<16xi32>
        %broadcast_in_dim3A_867 = vector.shape_cast %select_n3A_866 : vector<16xi32> to vector<16x1xi32>
        %gather3A_868 = vector.shape_cast %broadcast_in_dim3A_867 : vector<16x1xi32> to vector<16xi32>
        %gather3A_869 = tpu.dynamic_gather %get3A_26[%gather3A_868] in [0] : vector<16xf32>, vector<16xi32> -> vector<16xf32>
        %gt3A_870 = arith.cmpf ogt, %get3A_796, %gather3A_869 : vector<16xf32>
        %jit3A_871 = arith.constant 1 : i32
        %jit3A_872 = arith.constant 0 : i32
        %broadcast_in_dim3A_873 = vector.broadcast %jit3A_871 : i32 to vector<16xi32>
        %broadcast_in_dim3A_874 = vector.broadcast %jit3A_872 : i32 to vector<16xi32>
        %select_n3A_875 = arith.select %gt3A_870, %broadcast_in_dim3A_873, %broadcast_in_dim3A_874 : vector<16xi1>, vector<16xi32>
        %add3A_876 = arith.addi %add3A_856, %select_n3A_875 : vector<16xi32>
        %lt3A_877 = arith.constant 0 : i32
        %lt3A_878 = vector.broadcast %lt3A_877 : i32 to vector<16xi32>
        %lt3A_879 = arith.cmpi slt, %add3A_876, %lt3A_878 : vector<16xi32>
        %add3A_880 = arith.constant 16 : i32
        %add3A_881 = vector.broadcast %add3A_880 : i32 to vector<16xi32>
        %add3A_882 = arith.addi %add3A_876, %add3A_881 : vector<16xi32>
        %select_n3A_883 = arith.select %lt3A_879, %add3A_882, %add3A_876 : vector<16xi1>, vector<16xi32>
        %broadcast_in_dim3A_884 = vector.shape_cast %select_n3A_883 : vector<16xi32> to vector<16x1xi32>
        %gather3A_885 = vector.shape_cast %broadcast_in_dim3A_884 : vector<16x1xi32> to vector<16xi32>
        %gather3A_886 = tpu.dynamic_gather %get3A_29[%gather3A_885] in [0] : vector<16xi32>, vector<16xi32> -> vector<16xi32>
        %swap3A_887 = arith.constant 1 : i32
        %swap3A_888 = arith.index_cast %swap3A_887 : i32 to index
        %swap3A_889 = arith.index_cast %mul3A_791 : i32 to index
        %swap3A_890 = tpu.vector_load %arg7[%swap3A_888, %swap3A_889] {strides = array<i32>} : memref<2x16384xi32, #tpu.memory_space<vmem>>, vector<1x16xi32>,
        %swap3A_891 = vector.shape_cast %swap3A_890 : vector<1x16xi32> to vector<16xi32>
        %swap3A_892 = vector.shape_cast %gather3A_886 : vector<16xi32> to vector<1x16xi32>
        tpu.vector_store %arg7[%swap3A_888, %swap3A_889], %swap3A_892 {strides = array<i32>} : memref<2x16384xi32, #tpu.memory_space<vmem>>, vector<1x16xi32>,
        %mul3A_893 = arith.constant 8 : i32
        %mul3A_894 = arith.muli %scan3A_146, %mul3A_893 : i32
        %add3A_895 = arith.constant 7 : i32
        %add3A_896 = arith.addi %mul3A_894, %add3A_895 : i32
        %mul3A_897 = arith.constant 16 : i32
        %mul3A_898 = arith.muli %add3A_896, %mul3A_897 : i32
        %get3A_899 = arith.constant 1 : i32
        %get3A_900 = arith.index_cast %get3A_899 : i32 to index
        %get3A_901 = arith.index_cast %mul3A_898 : i32 to index
        %get3A_902 = tpu.vector_load %arg6[%get3A_900, %get3A_901] {strides = array<i32>} : memref<2x16384xf32, #tpu.memory_space<vmem>>, vector<1x16xf32>,
        %get3A_903 = vector.shape_cast %get3A_902 : vector<1x16xf32> to vector<16xf32>
        %add3A_904 = arith.constant 7 : i32
        %add3A_905 = vector.broadcast %add3A_904 : i32 to vector<16xi32>
        %add3A_906 = arith.addi %broadcast_in_dim3A_24, %add3A_905 : vector<16xi32>
        %lt3A_907 = arith.constant 0 : i32
        %lt3A_908 = vector.broadcast %lt3A_907 : i32 to vector<16xi32>
        %lt3A_909 = arith.cmpi slt, %add3A_906, %lt3A_908 : vector<16xi32>
        %add3A_910 = arith.constant 16 : i32
        %add3A_911 = vector.broadcast %add3A_910 : i32 to vector<16xi32>
        %add3A_912 = arith.addi %add3A_906, %add3A_911 : vector<16xi32>
        %select_n3A_913 = arith.select %lt3A_909, %add3A_912, %add3A_906 : vector<16xi1>, vector<16xi32>
        %broadcast_in_dim3A_914 = vector.shape_cast %select_n3A_913 : vector<16xi32> to vector<16x1xi32>
        %gather3A_915 = vector.shape_cast %broadcast_in_dim3A_914 : vector<16x1xi32> to vector<16xi32>
        %gather3A_916 = tpu.dynamic_gather %get3A_26[%gather3A_915] in [0] : vector<16xf32>, vector<16xi32> -> vector<16xf32>
        %gt3A_917 = arith.cmpf ogt, %get3A_903, %gather3A_916 : vector<16xf32>
        %jit3A_918 = arith.constant 8 : i32
        %jit3A_919 = arith.constant 0 : i32
        %broadcast_in_dim3A_920 = vector.broadcast %jit3A_918 : i32 to vector<16xi32>
        %broadcast_in_dim3A_921 = vector.broadcast %jit3A_919 : i32 to vector<16xi32>
        %select_n3A_922 = arith.select %gt3A_917, %broadcast_in_dim3A_920, %broadcast_in_dim3A_921 : vector<16xi1>, vector<16xi32>
        %add3A_923 = arith.addi %broadcast_in_dim3A_24, %select_n3A_922 : vector<16xi32>
        %add3A_924 = arith.constant 3 : i32
        %add3A_925 = vector.broadcast %add3A_924 : i32 to vector<16xi32>
        %add3A_926 = arith.addi %add3A_923, %add3A_925 : vector<16xi32>
        %lt3A_927 = arith.constant 0 : i32
        %lt3A_928 = vector.broadcast %lt3A_927 : i32 to vector<16xi32>
        %lt3A_929 = arith.cmpi slt, %add3A_926, %lt3A_928 : vector<16xi32>
        %add3A_930 = arith.constant 16 : i32
        %add3A_931 = vector.broadcast %add3A_930 : i32 to vector<16xi32>
        %add3A_932 = arith.addi %add3A_926, %add3A_931 : vector<16xi32>
        %select_n3A_933 = arith.select %lt3A_929, %add3A_932, %add3A_926 : vector<16xi1>, vector<16xi32>
        %broadcast_in_dim3A_934 = vector.shape_cast %select_n3A_933 : vector<16xi32> to vector<16x1xi32>
        %gather3A_935 = vector.shape_cast %broadcast_in_dim3A_934 : vector<16x1xi32> to vector<16xi32>
        %gather3A_936 = tpu.dynamic_gather %get3A_26[%gather3A_935] in [0] : vector<16xf32>, vector<16xi32> -> vector<16xf32>
        %gt3A_937 = arith.cmpf ogt, %get3A_903, %gather3A_936 : vector<16xf32>
        %jit3A_938 = arith.constant 4 : i32
        %jit3A_939 = arith.constant 0 : i32
        %broadcast_in_dim3A_940 = vector.broadcast %jit3A_938 : i32 to vector<16xi32>
        %broadcast_in_dim3A_941 = vector.broadcast %jit3A_939 : i32 to vector<16xi32>
        %select_n3A_942 = arith.select %gt3A_937, %broadcast_in_dim3A_940, %broadcast_in_dim3A_941 : vector<16xi1>, vector<16xi32>
        %add3A_943 = arith.addi %add3A_923, %select_n3A_942 : vector<16xi32>
        %add3A_944 = arith.constant 1 : i32
        %add3A_945 = vector.broadcast %add3A_944 : i32 to vector<16xi32>
        %add3A_946 = arith.addi %add3A_943, %add3A_945 : vector<16xi32>
        %lt3A_947 = arith.constant 0 : i32
        %lt3A_948 = vector.broadcast %lt3A_947 : i32 to vector<16xi32>
        %lt3A_949 = arith.cmpi slt, %add3A_946, %lt3A_948 : vector<16xi32>
        %add3A_950 = arith.constant 16 : i32
        %add3A_951 = vector.broadcast %add3A_950 : i32 to vector<16xi32>
        %add3A_952 = arith.addi %add3A_946, %add3A_951 : vector<16xi32>
        %select_n3A_953 = arith.select %lt3A_949, %add3A_952, %add3A_946 : vector<16xi1>, vector<16xi32>
        %broadcast_in_dim3A_954 = vector.shape_cast %select_n3A_953 : vector<16xi32> to vector<16x1xi32>
        %gather3A_955 = vector.shape_cast %broadcast_in_dim3A_954 : vector<16x1xi32> to vector<16xi32>
        %gather3A_956 = tpu.dynamic_gather %get3A_26[%gather3A_955] in [0] : vector<16xf32>, vector<16xi32> -> vector<16xf32>
        %gt3A_957 = arith.cmpf ogt, %get3A_903, %gather3A_956 : vector<16xf32>
        %jit3A_958 = arith.constant 2 : i32
        %jit3A_959 = arith.constant 0 : i32
        %broadcast_in_dim3A_960 = vector.broadcast %jit3A_958 : i32 to vector<16xi32>
        %broadcast_in_dim3A_961 = vector.broadcast %jit3A_959 : i32 to vector<16xi32>
        %select_n3A_962 = arith.select %gt3A_957, %broadcast_in_dim3A_960, %broadcast_in_dim3A_961 : vector<16xi1>, vector<16xi32>
        %add3A_963 = arith.addi %add3A_943, %select_n3A_962 : vector<16xi32>
        %add3A_964 = arith.constant 0 : i32
        %add3A_965 = vector.broadcast %add3A_964 : i32 to vector<16xi32>
        %add3A_966 = arith.addi %add3A_963, %add3A_965 : vector<16xi32>
        %lt3A_967 = arith.constant 0 : i32
        %lt3A_968 = vector.broadcast %lt3A_967 : i32 to vector<16xi32>
        %lt3A_969 = arith.cmpi slt, %add3A_966, %lt3A_968 : vector<16xi32>
        %add3A_970 = arith.constant 16 : i32
        %add3A_971 = vector.broadcast %add3A_970 : i32 to vector<16xi32>
        %add3A_972 = arith.addi %add3A_966, %add3A_971 : vector<16xi32>
        %select_n3A_973 = arith.select %lt3A_969, %add3A_972, %add3A_966 : vector<16xi1>, vector<16xi32>
        %broadcast_in_dim3A_974 = vector.shape_cast %select_n3A_973 : vector<16xi32> to vector<16x1xi32>
        %gather3A_975 = vector.shape_cast %broadcast_in_dim3A_974 : vector<16x1xi32> to vector<16xi32>
        %gather3A_976 = tpu.dynamic_gather %get3A_26[%gather3A_975] in [0] : vector<16xf32>, vector<16xi32> -> vector<16xf32>
        %gt3A_977 = arith.cmpf ogt, %get3A_903, %gather3A_976 : vector<16xf32>
        %jit3A_978 = arith.constant 1 : i32
        %jit3A_979 = arith.constant 0 : i32
        %broadcast_in_dim3A_980 = vector.broadcast %jit3A_978 : i32 to vector<16xi32>
        %broadcast_in_dim3A_981 = vector.broadcast %jit3A_979 : i32 to vector<16xi32>
        %select_n3A_982 = arith.select %gt3A_977, %broadcast_in_dim3A_980, %broadcast_in_dim3A_981 : vector<16xi1>, vector<16xi32>
        %add3A_983 = arith.addi %add3A_963, %select_n3A_982 : vector<16xi32>
        %lt3A_984 = arith.constant 0 : i32
        %lt3A_985 = vector.broadcast %lt3A_984 : i32 to vector<16xi32>
        %lt3A_986 = arith.cmpi slt, %add3A_983, %lt3A_985 : vector<16xi32>
        %add3A_987 = arith.constant 16 : i32
        %add3A_988 = vector.broadcast %add3A_987 : i32 to vector<16xi32>
        %add3A_989 = arith.addi %add3A_983, %add3A_988 : vector<16xi32>
        %select_n3A_990 = arith.select %lt3A_986, %add3A_989, %add3A_983 : vector<16xi1>, vector<16xi32>
        %broadcast_in_dim3A_991 = vector.shape_cast %select_n3A_990 : vector<16xi32> to vector<16x1xi32>
        %gather3A_992 = vector.shape_cast %broadcast_in_dim3A_991 : vector<16x1xi32> to vector<16xi32>
        %gather3A_993 = tpu.dynamic_gather %get3A_29[%gather3A_992] in [0] : vector<16xi32>, vector<16xi32> -> vector<16xi32>
        %swap3A_994 = arith.constant 1 : i32
        %swap3A_995 = arith.index_cast %swap3A_994 : i32 to index
        %swap3A_996 = arith.index_cast %mul3A_898 : i32 to index
        %swap3A_997 = tpu.vector_load %arg7[%swap3A_995, %swap3A_996] {strides = array<i32>} : memref<2x16384xi32, #tpu.memory_space<vmem>>, vector<1x16xi32>,
        %swap3A_998 = vector.shape_cast %swap3A_997 : vector<1x16xi32> to vector<16xi32>
        %swap3A_999 = vector.shape_cast %gather3A_993 : vector<16xi32> to vector<1x16xi32>
        tpu.vector_store %arg7[%swap3A_995, %swap3A_996], %swap3A_999 {strides = array<i32>} : memref<2x16384xi32, #tpu.memory_space<vmem>>, vector<1x16xi32>,
        %scan3A_1000 = arith.constant 0 : i32
        scf.yield %scan3A_1000 : i32
      }
      %scan3A_127 = arith.constant 128 : i32
      %mul3A_128 = arith.constant 16384 : i32
      %mul3A_129 = arith.muli %add3A_103, %mul3A_128 : i32
      %add3A_130 = arith.addi %mul3A_2, %mul3A_129 : i32
      %dma_start3A_131 = arith.constant 1 : i32
      %dma_start3A_132 = arith.constant 0 : i32
      %dma_start3A_133 = tpu.memref_slice %arg7[%dma_start3A_131, %dma_start3A_132] : memref<2x16384xi32, #tpu.memory_space<vmem>> -> memref<1x16384xi32, #tpu.memory_space<vmem>>
      %dma_start3A_134 = tpu.memref_squeeze %dma_start3A_133 : memref<1x16384xi32, #tpu.memory_space<vmem>> -> memref<16384xi32, #tpu.memory_space<vmem>>
      %dma_start3A_135 = tpu.memref_slice %arg5[%add3A_130] : memref<4194304xi32, #tpu.memory_space<hbm>> -> memref<16384xi32, #tpu.memory_space<hbm>>
      %dma_start3A_136 = tpu.memref_slice %arg5[%add3A_130] : memref<4194304xi32, #tpu.memory_space<hbm>> -> memref<16384xi32, #tpu.memory_space<hbm>>
      %dma_start3A_137 = arith.constant 0 : i32
      %dma_start3A_138 = tpu.memref_slice %arg7[%dma_start3A_131, %dma_start3A_137] : memref<2x16384xi32, #tpu.memory_space<vmem>> -> memref<1x16384xi32, #tpu.memory_space<vmem>>
      %dma_start3A_139 = tpu.memref_squeeze %dma_start3A_138 : memref<1x16384xi32, #tpu.memory_space<vmem>> -> memref<16384xi32, #tpu.memory_space<vmem>>
      tpu.enqueue_dma source(%dma_start3A_139 : memref<16384xi32, #tpu.memory_space<vmem>>) target(%dma_start3A_136 : memref<16384xi32, #tpu.memory_space<hbm>>) target_semaphore(%arg13 : memref<!tpu.dma_semaphore, #tpu.memory_space<semaphore_mem>>)
      %lt3A_140 = arith.constant 3 : i32
      %lt3A_141 = arith.cmpi slt, %scan3A_57, %lt3A_140 : i32
      %convert_element_type3A_142 = arith.extui %lt3A_141 : i1 to i32
      %cond3A_143 = arith.constant 0 : i32
      %cond3A_144 = arith.cmpi ne, %convert_element_type3A_142, %cond3A_143 : i32
      scf.if %cond3A_144 {
        %add3A_146 = arith.constant 2 : i32
        %add3A_147 = arith.addi %add3A_103, %add3A_146 : i32
        %mul3A_148 = arith.constant 16384 : i32
        %mul3A_149 = arith.muli %add3A_147, %mul3A_148 : i32
        %add3A_150 = arith.addi %mul3A_2, %mul3A_149 : i32
        %dma_start3A_151 = arith.constant 1 : i32
        %dma_start3A_152 = arith.constant 0 : i32
        %dma_start3A_153 = tpu.memref_slice %arg6[%dma_start3A_151, %dma_start3A_152] : memref<2x16384xf32, #tpu.memory_space<vmem>> -> memref<1x16384xf32, #tpu.memory_space<vmem>>
        %dma_start3A_154 = tpu.memref_squeeze %dma_start3A_153 : memref<1x16384xf32, #tpu.memory_space<vmem>> -> memref<16384xf32, #tpu.memory_space<vmem>>
        %dma_start3A_155 = tpu.memref_slice %arg2[%add3A_150] : memref<4194304xf32, #tpu.memory_space<hbm>> -> memref<16384xf32, #tpu.memory_space<hbm>>
        %dma_start3A_156 = arith.constant 0 : i32
        %dma_start3A_157 = tpu.memref_slice %arg6[%dma_start3A_151, %dma_start3A_156] : memref<2x16384xf32, #tpu.memory_space<vmem>> -> memref<1x16384xf32, #tpu.memory_space<vmem>>
        %dma_start3A_158 = tpu.memref_squeeze %dma_start3A_157 : memref<1x16384xf32, #tpu.memory_space<vmem>> -> memref<16384xf32, #tpu.memory_space<vmem>>
        %dma_start3A_159 = tpu.memref_slice %arg2[%add3A_150] : memref<4194304xf32, #tpu.memory_space<hbm>> -> memref<16384xf32, #tpu.memory_space<hbm>>
        tpu.enqueue_dma source(%dma_start3A_159 : memref<16384xf32, #tpu.memory_space<hbm>>) target(%dma_start3A_158 : memref<16384xf32, #tpu.memory_space<vmem>>) target_semaphore(%arg11 : memref<!tpu.dma_semaphore, #tpu.memory_space<semaphore_mem>>)
      } else {
      }
      %scan3A_145 = arith.constant 0 : i32
      scf.yield %scan3A_145 : i32
    }
    %scan3A_35 = arith.constant 4 : i32
    %add3A_36 = arith.constant 98304 : i32
    %add3A_37 = arith.addi %mul3A_2, %add3A_36 : i32
    %dma_wait3A = arith.constant 0 : i32
    %dma_wait3A_38 = arith.constant 0 : i32
    %dma_wait3A_39 = tpu.memref_slice %arg7[%dma_wait3A, %dma_wait3A_38] : memref<2x16384xi32, #tpu.memory_space<vmem>> -> memref<1x16384xi32, #tpu.memory_space<vmem>>
    %dma_wait3A_40 = tpu.memref_squeeze %dma_wait3A_39 : memref<1x16384xi32, #tpu.memory_space<vmem>> -> memref<16384xi32, #tpu.memory_space<vmem>>
    %dma_wait3A_41 = tpu.memref_slice %arg5[%add3A_37] : memref<4194304xi32, #tpu.memory_space<hbm>> -> memref<16384xi32, #tpu.memory_space<hbm>>
    %dma_wait3A_42 = tpu.memref_slice %arg5[%add3A_37] : memref<4194304xi32, #tpu.memory_space<hbm>> -> memref<16384xi32, #tpu.memory_space<hbm>>
    %dma_wait3A_43 = arith.constant 0 : i32
    %dma_wait3A_44 = tpu.memref_slice %arg7[%dma_wait3A, %dma_wait3A_43] : memref<2x16384xi32, #tpu.memory_space<vmem>> -> memref<1x16384xi32, #tpu.memory_space<vmem>>
    %dma_wait3A_45 = tpu.memref_squeeze %dma_wait3A_44 : memref<1x16384xi32, #tpu.memory_space<vmem>> -> memref<16384xi32, #tpu.memory_space<vmem>>
    tpu.wait_dma2 semaphore(%arg12 : memref<!tpu.dma_semaphore, #tpu.memory_space<semaphore_mem>>) src(%dma_wait3A_45 : memref<16384xi32, #tpu.memory_space<vmem>>) dst(%dma_wait3A_42 : memref<16384xi32, #tpu.memory_space<hbm>>)
    %add3A_46 = arith.constant 114688 : i32
    %add3A_47 = arith.addi %mul3A_2, %add3A_46 : i32
    %dma_wait3A_48 = arith.constant 1 : i32
    %dma_wait3A_49 = arith.constant 0 : i32
    %dma_wait3A_50 = tpu.memref_slice %arg7[%dma_wait3A_48, %dma_wait3A_49] : memref<2x16384xi32, #tpu.memory_space<vmem>> -> memref<1x16384xi32, #tpu.memory_space<vmem>>
    %dma_wait3A_51 = tpu.memref_squeeze %dma_wait3A_50 : memref<1x16384xi32, #tpu.memory_space<vmem>> -> memref<16384xi32, #tpu.memory_space<vmem>>
    %dma_wait3A_52 = tpu.memref_slice %arg5[%add3A_47] : memref<4194304xi32, #tpu.memory_space<hbm>> -> memref<16384xi32, #tpu.memory_space<hbm>>
    %dma_wait3A_53 = tpu.memref_slice %arg5[%add3A_47] : memref<4194304xi32, #tpu.memory_space<hbm>> -> memref<16384xi32, #tpu.memory_space<hbm>>
    %dma_wait3A_54 = arith.constant 0 : i32
    %dma_wait3A_55 = tpu.memref_slice %arg7[%dma_wait3A_48, %dma_wait3A_54] : memref<2x16384xi32, #tpu.memory_space<vmem>> -> memref<1x16384xi32, #tpu.memory_space<vmem>>
    %dma_wait3A_56 = tpu.memref_squeeze %dma_wait3A_55 : memref<1x16384xi32, #tpu.memory_space<vmem>> -> memref<16384xi32, #tpu.memory_space<vmem>>
    tpu.wait_dma2 semaphore(%arg13 : memref<!tpu.dma_semaphore, #tpu.memory_space<semaphore_mem>>) src(%dma_wait3A_56 : memref<16384xi32, #tpu.memory_space<vmem>>) dst(%dma_wait3A_53 : memref<16384xi32, #tpu.memory_space<hbm>>)
    return
  }
}

#map = affine_map<(d0, d1) -> (0)>
module attributes {stable_mosaic.version = 14 : i64} {
  func.func @_fused_kernel(%arg0: i32, %arg1: i32, %arg2: memref<4194304xf32, #tpu.memory_space<hbm>>, %arg3: memref<16xi32, #tpu.memory_space<hbm>>, %arg4: memref<272xi32, #tpu.memory_space<hbm>>, %arg5: memref<4194304xi32, #tpu.memory_space<hbm>>, %arg6: memref<528xf32, #tpu.memory_space<hbm>>, %arg7: memref<2x16384xf32, #tpu.memory_space<vmem>>, %arg8: memref<2x16384xi32, #tpu.memory_space<vmem>>, %arg9: memref<16xi32, #tpu.memory_space<vmem>>, %arg10: memref<16xf32, #tpu.memory_space<vmem>>, %arg11: memref<272xi32, #tpu.memory_space<vmem>>, %arg12: memref<16xf32, #tpu.memory_space<vmem>>, %arg13: memref<!tpu.dma_semaphore, #tpu.memory_space<semaphore_mem>>, %arg14: memref<!tpu.dma_semaphore, #tpu.memory_space<semaphore_mem>>, %arg15: memref<!tpu.dma_semaphore, #tpu.memory_space<semaphore_mem>>, %arg16: memref<!tpu.dma_semaphore, #tpu.memory_space<semaphore_mem>>) attributes {dimension_semantics = [#tpu.dimension_semantics<core_parallel>, #tpu.dimension_semantics<subcore_parallel>], iteration_bounds = array<i64: 2, 16>, scalar_prefetch = 0 : i64, scratch_operands = 10 : i64, tpu.core_type = #tpu.core_type<sc_vector_subcore>, window_params = [{transform_indices = #map}, {transform_indices = #map}, {transform_indices = #map}, {transform_indices = #map}, {transform_indices = #map}]} {
    %mul3A = arith.constant 2 : i32
    %mul3A_0 = arith.muli %arg1, %mul3A : i32
    %add3A = arith.addi %mul3A_0, %arg0 : i32
    %mul3A_1 = arith.constant 131072 : i32
    %mul3A_2 = arith.muli %add3A, %mul3A_1 : i32
    "tpu.region"() ({
      %run_scoped3A = tpu.sem_alloc : memref<!tpu.dma_semaphore, #tpu.memory_space<semaphore_mem>>
      tpu.enqueue_dma source(%arg3 : memref<16xi32, #tpu.memory_space<hbm>>) target(%arg9 : memref<16xi32, #tpu.memory_space<vmem>>) target_semaphore(%run_scoped3A : memref<!tpu.dma_semaphore, #tpu.memory_space<semaphore_mem>>)
      tpu.wait_dma2 semaphore(%run_scoped3A : memref<!tpu.dma_semaphore, #tpu.memory_space<semaphore_mem>>) src(%arg3 : memref<16xi32, #tpu.memory_space<hbm>>) dst(%arg9 : memref<16xi32, #tpu.memory_space<vmem>>)
      tpu.yield
    }) : () -> ()
    "tpu.region"() ({
      %run_scoped3A = tpu.sem_alloc : memref<!tpu.dma_semaphore, #tpu.memory_space<semaphore_mem>>
      tpu.enqueue_dma source(%arg4 : memref<272xi32, #tpu.memory_space<hbm>>) target(%arg11 : memref<272xi32, #tpu.memory_space<vmem>>) target_semaphore(%run_scoped3A : memref<!tpu.dma_semaphore, #tpu.memory_space<semaphore_mem>>)
      tpu.wait_dma2 semaphore(%run_scoped3A : memref<!tpu.dma_semaphore, #tpu.memory_space<semaphore_mem>>) src(%arg4 : memref<272xi32, #tpu.memory_space<hbm>>) dst(%arg11 : memref<272xi32, #tpu.memory_space<vmem>>)
      tpu.yield
    }) : () -> ()
    %dma_start3A = arith.constant 0 : i32
    %dma_start3A_3 = tpu.memref_slice %arg2[%dma_start3A] : memref<4194304xf32, #tpu.memory_space<hbm>> -> memref<4194304xf32, #tpu.memory_space<hbm>>
    tpu.enqueue_indirect_dma source(%dma_start3A_3 : memref<4194304xf32, #tpu.memory_space<hbm>>) target(%arg10 : memref<16xf32, #tpu.memory_space<vmem>>) offsets(%arg9 : memref<16xi32, #tpu.memory_space<vmem>>) semaphore(%arg13 : memref<!tpu.dma_semaphore, #tpu.memory_space<semaphore_mem>>)
    %dma_wait3A = arith.constant 0 : i32
    %dma_wait3A_4 = tpu.memref_slice %arg2[%dma_wait3A] : memref<4194304xf32, #tpu.memory_space<hbm>> -> memref<4194304xf32, #tpu.memory_space<hbm>>
    tpu.wait_indirect_dma semaphore(%arg13 : memref<!tpu.dma_semaphore, #tpu.memory_space<semaphore_mem>>) src(%dma_wait3A_4 : memref<4194304xf32, #tpu.memory_space<hbm>>) dst(%arg10 : memref<16xf32, #tpu.memory_space<vmem>>)
    %iota3A = tpu.iota {dimensions = array<i32: 0>} : vector<16xi32>
    %eq3A = arith.constant 15 : i32
    %eq3A_5 = vector.broadcast %eq3A : i32 to vector<16xi32>
    %eq3A_6 = arith.cmpi eq, %iota3A, %eq3A_5 : vector<16xi32>
    %get3A = arith.constant 0 : index
    %get3A_7 = tpu.vector_load %arg10[%get3A] {strides = array<i32>} : memref<16xf32, #tpu.memory_space<vmem>>, vector<16xf32>,
    %get3A_8 = vector.shape_cast %get3A_7 : vector<16xf32> to vector<16xf32>
    %jit3A = arith.constant 0x7F800000 : f32
    %broadcast_in_dim3A = vector.broadcast %jit3A : f32 to vector<16xf32>
    %select_n3A = arith.select %eq3A_6, %broadcast_in_dim3A, %get3A_8 : vector<16xi1>, vector<16xf32>
    %broadcast_in_dim3A_9 = arith.constant 0 : i32
    %broadcast_in_dim3A_10 = vector.broadcast %broadcast_in_dim3A_9 : i32 to vector<16xi32>
    %broadcast_in_dim3A_11 = arith.constant 0 : i32
    %broadcast_in_dim3A_12 = vector.broadcast %broadcast_in_dim3A_11 : i32 to vector<16xi32>
    %lt3A = arith.constant 0 : i32
    %lt3A_13 = vector.broadcast %lt3A : i32 to vector<16xi32>
    %lt3A_14 = arith.cmpi slt, %broadcast_in_dim3A_12, %lt3A_13 : vector<16xi32>
    %add3A_15 = arith.constant 16 : i32
    %add3A_16 = vector.broadcast %add3A_15 : i32 to vector<16xi32>
    %add3A_17 = arith.addi %broadcast_in_dim3A_12, %add3A_16 : vector<16xi32>
    %select_n3A_18 = arith.select %lt3A_14, %add3A_17, %broadcast_in_dim3A_12 : vector<16xi1>, vector<16xi32>
    %broadcast_in_dim3A_19 = vector.shape_cast %select_n3A_18 : vector<16xi32> to vector<16x1xi32>
    %gather3A = vector.shape_cast %broadcast_in_dim3A_19 : vector<16x1xi32> to vector<16xi32>
    %gather3A_20 = tpu.dynamic_gather %select_n3A[%gather3A] in [0] : vector<16xf32>, vector<16xi32> -> vector<16xf32>
    %lt3A_21 = arith.cmpf olt, %gather3A_20, %select_n3A : vector<16xf32>
    %jit3A_22 = arith.constant 1 : i32
    %jit3A_23 = arith.constant 0 : i32
    %broadcast_in_dim3A_24 = vector.broadcast %jit3A_22 : i32 to vector<16xi32>
    %broadcast_in_dim3A_25 = vector.broadcast %jit3A_23 : i32 to vector<16xi32>
    %select_n3A_26 = arith.select %lt3A_21, %broadcast_in_dim3A_24, %broadcast_in_dim3A_25 : vector<16xi1>, vector<16xi32>
    %add3A_27 = arith.addi %broadcast_in_dim3A_10, %select_n3A_26 : vector<16xi32>
    %eq3A_28 = arith.cmpf oeq, %gather3A_20, %select_n3A : vector<16xf32>
    %gt3A = arith.constant 0 : i32
    %gt3A_29 = vector.broadcast %gt3A : i32 to vector<16xi32>
    %gt3A_30 = arith.cmpi sgt, %iota3A, %gt3A_29 : vector<16xi32>
    %jit3A_31 = arith.constant 1 : i32
    %jit3A_32 = arith.constant 0 : i32
    %broadcast_in_dim3A_33 = vector.broadcast %jit3A_31 : i32 to vector<16xi32>
    %broadcast_in_dim3A_34 = vector.broadcast %jit3A_32 : i32 to vector<16xi32>
    %select_n3A_35 = arith.select %gt3A_30, %broadcast_in_dim3A_33, %broadcast_in_dim3A_34 : vector<16xi1>, vector<16xi32>
    %jit3A_36 = arith.constant 0 : i32
    %broadcast_in_dim3A_37 = vector.broadcast %jit3A_36 : i32 to vector<16xi32>
    %select_n3A_38 = arith.select %eq3A_28, %select_n3A_35, %broadcast_in_dim3A_37 : vector<16xi1>, vector<16xi32>
    %add3A_39 = arith.addi %add3A_27, %select_n3A_38 : vector<16xi32>
    %broadcast_in_dim3A_40 = arith.constant 1 : i32
    %broadcast_in_dim3A_41 = vector.broadcast %broadcast_in_dim3A_40 : i32 to vector<16xi32>
    %lt3A_42 = arith.constant 0 : i32
    %lt3A_43 = vector.broadcast %lt3A_42 : i32 to vector<16xi32>
    %lt3A_44 = arith.cmpi slt, %broadcast_in_dim3A_41, %lt3A_43 : vector<16xi32>
    %add3A_45 = arith.constant 16 : i32
    %add3A_46 = vector.broadcast %add3A_45 : i32 to vector<16xi32>
    %add3A_47 = arith.addi %broadcast_in_dim3A_41, %add3A_46 : vector<16xi32>
    %select_n3A_48 = arith.select %lt3A_44, %add3A_47, %broadcast_in_dim3A_41 : vector<16xi1>, vector<16xi32>
    %broadcast_in_dim3A_49 = vector.shape_cast %select_n3A_48 : vector<16xi32> to vector<16x1xi32>
    %gather3A_50 = vector.shape_cast %broadcast_in_dim3A_49 : vector<16x1xi32> to vector<16xi32>
    %gather3A_51 = tpu.dynamic_gather %select_n3A[%gather3A_50] in [0] : vector<16xf32>, vector<16xi32> -> vector<16xf32>
    %lt3A_52 = arith.cmpf olt, %gather3A_51, %select_n3A : vector<16xf32>
    %jit3A_53 = arith.constant 1 : i32
    %jit3A_54 = arith.constant 0 : i32
    %broadcast_in_dim3A_55 = vector.broadcast %jit3A_53 : i32 to vector<16xi32>
    %broadcast_in_dim3A_56 = vector.broadcast %jit3A_54 : i32 to vector<16xi32>
    %select_n3A_57 = arith.select %lt3A_52, %broadcast_in_dim3A_55, %broadcast_in_dim3A_56 : vector<16xi1>, vector<16xi32>
    %add3A_58 = arith.addi %add3A_39, %select_n3A_57 : vector<16xi32>
    %eq3A_59 = arith.cmpf oeq, %gather3A_51, %select_n3A : vector<16xf32>
    %gt3A_60 = arith.constant 1 : i32
    %gt3A_61 = vector.broadcast %gt3A_60 : i32 to vector<16xi32>
    %gt3A_62 = arith.cmpi sgt, %iota3A, %gt3A_61 : vector<16xi32>
    %jit3A_63 = arith.constant 1 : i32
    %jit3A_64 = arith.constant 0 : i32
    %broadcast_in_dim3A_65 = vector.broadcast %jit3A_63 : i32 to vector<16xi32>
    %broadcast_in_dim3A_66 = vector.broadcast %jit3A_64 : i32 to vector<16xi32>
    %select_n3A_67 = arith.select %gt3A_62, %broadcast_in_dim3A_65, %broadcast_in_dim3A_66 : vector<16xi1>, vector<16xi32>
    %jit3A_68 = arith.constant 0 : i32
    %broadcast_in_dim3A_69 = vector.broadcast %jit3A_68 : i32 to vector<16xi32>
    %select_n3A_70 = arith.select %eq3A_59, %select_n3A_67, %broadcast_in_dim3A_69 : vector<16xi1>, vector<16xi32>
    %add3A_71 = arith.addi %add3A_58, %select_n3A_70 : vector<16xi32>
    %broadcast_in_dim3A_72 = arith.constant 2 : i32
    %broadcast_in_dim3A_73 = vector.broadcast %broadcast_in_dim3A_72 : i32 to vector<16xi32>
    %lt3A_74 = arith.constant 0 : i32
    %lt3A_75 = vector.broadcast %lt3A_74 : i32 to vector<16xi32>
    %lt3A_76 = arith.cmpi slt, %broadcast_in_dim3A_73, %lt3A_75 : vector<16xi32>
    %add3A_77 = arith.constant 16 : i32
    %add3A_78 = vector.broadcast %add3A_77 : i32 to vector<16xi32>
    %add3A_79 = arith.addi %broadcast_in_dim3A_73, %add3A_78 : vector<16xi32>
    %select_n3A_80 = arith.select %lt3A_76, %add3A_79, %broadcast_in_dim3A_73 : vector<16xi1>, vector<16xi32>
    %broadcast_in_dim3A_81 = vector.shape_cast %select_n3A_80 : vector<16xi32> to vector<16x1xi32>
    %gather3A_82 = vector.shape_cast %broadcast_in_dim3A_81 : vector<16x1xi32> to vector<16xi32>
    %gather3A_83 = tpu.dynamic_gather %select_n3A[%gather3A_82] in [0] : vector<16xf32>, vector<16xi32> -> vector<16xf32>
    %lt3A_84 = arith.cmpf olt, %gather3A_83, %select_n3A : vector<16xf32>
    %jit3A_85 = arith.constant 1 : i32
    %jit3A_86 = arith.constant 0 : i32
    %broadcast_in_dim3A_87 = vector.broadcast %jit3A_85 : i32 to vector<16xi32>
    %broadcast_in_dim3A_88 = vector.broadcast %jit3A_86 : i32 to vector<16xi32>
    %select_n3A_89 = arith.select %lt3A_84, %broadcast_in_dim3A_87, %broadcast_in_dim3A_88 : vector<16xi1>, vector<16xi32>
    %add3A_90 = arith.addi %add3A_71, %select_n3A_89 : vector<16xi32>
    %eq3A_91 = arith.cmpf oeq, %gather3A_83, %select_n3A : vector<16xf32>
    %gt3A_92 = arith.constant 2 : i32
    %gt3A_93 = vector.broadcast %gt3A_92 : i32 to vector<16xi32>
    %gt3A_94 = arith.cmpi sgt, %iota3A, %gt3A_93 : vector<16xi32>
    %jit3A_95 = arith.constant 1 : i32
    %jit3A_96 = arith.constant 0 : i32
    %broadcast_in_dim3A_97 = vector.broadcast %jit3A_95 : i32 to vector<16xi32>
    %broadcast_in_dim3A_98 = vector.broadcast %jit3A_96 : i32 to vector<16xi32>
    %select_n3A_99 = arith.select %gt3A_94, %broadcast_in_dim3A_97, %broadcast_in_dim3A_98 : vector<16xi1>, vector<16xi32>
    %jit3A_100 = arith.constant 0 : i32
    %broadcast_in_dim3A_101 = vector.broadcast %jit3A_100 : i32 to vector<16xi32>
    %select_n3A_102 = arith.select %eq3A_91, %select_n3A_99, %broadcast_in_dim3A_101 : vector<16xi1>, vector<16xi32>
    %add3A_103 = arith.addi %add3A_90, %select_n3A_102 : vector<16xi32>
    %broadcast_in_dim3A_104 = arith.constant 3 : i32
    %broadcast_in_dim3A_105 = vector.broadcast %broadcast_in_dim3A_104 : i32 to vector<16xi32>
    %lt3A_106 = arith.constant 0 : i32
    %lt3A_107 = vector.broadcast %lt3A_106 : i32 to vector<16xi32>
    %lt3A_108 = arith.cmpi slt, %broadcast_in_dim3A_105, %lt3A_107 : vector<16xi32>
    %add3A_109 = arith.constant 16 : i32
    %add3A_110 = vector.broadcast %add3A_109 : i32 to vector<16xi32>
    %add3A_111 = arith.addi %broadcast_in_dim3A_105, %add3A_110 : vector<16xi32>
    %select_n3A_112 = arith.select %lt3A_108, %add3A_111, %broadcast_in_dim3A_105 : vector<16xi1>, vector<16xi32>
    %broadcast_in_dim3A_113 = vector.shape_cast %select_n3A_112 : vector<16xi32> to vector<16x1xi32>
    %gather3A_114 = vector.shape_cast %broadcast_in_dim3A_113 : vector<16x1xi32> to vector<16xi32>
    %gather3A_115 = tpu.dynamic_gather %select_n3A[%gather3A_114] in [0] : vector<16xf32>, vector<16xi32> -> vector<16xf32>
    %lt3A_116 = arith.cmpf olt, %gather3A_115, %select_n3A : vector<16xf32>
    %jit3A_117 = arith.constant 1 : i32
    %jit3A_118 = arith.constant 0 : i32
    %broadcast_in_dim3A_119 = vector.broadcast %jit3A_117 : i32 to vector<16xi32>
    %broadcast_in_dim3A_120 = vector.broadcast %jit3A_118 : i32 to vector<16xi32>
    %select_n3A_121 = arith.select %lt3A_116, %broadcast_in_dim3A_119, %broadcast_in_dim3A_120 : vector<16xi1>, vector<16xi32>
    %add3A_122 = arith.addi %add3A_103, %select_n3A_121 : vector<16xi32>
    %eq3A_123 = arith.cmpf oeq, %gather3A_115, %select_n3A : vector<16xf32>
    %gt3A_124 = arith.constant 3 : i32
    %gt3A_125 = vector.broadcast %gt3A_124 : i32 to vector<16xi32>
    %gt3A_126 = arith.cmpi sgt, %iota3A, %gt3A_125 : vector<16xi32>
    %jit3A_127 = arith.constant 1 : i32
    %jit3A_128 = arith.constant 0 : i32
    %broadcast_in_dim3A_129 = vector.broadcast %jit3A_127 : i32 to vector<16xi32>
    %broadcast_in_dim3A_130 = vector.broadcast %jit3A_128 : i32 to vector<16xi32>
    %select_n3A_131 = arith.select %gt3A_126, %broadcast_in_dim3A_129, %broadcast_in_dim3A_130 : vector<16xi1>, vector<16xi32>
    %jit3A_132 = arith.constant 0 : i32
    %broadcast_in_dim3A_133 = vector.broadcast %jit3A_132 : i32 to vector<16xi32>
    %select_n3A_134 = arith.select %eq3A_123, %select_n3A_131, %broadcast_in_dim3A_133 : vector<16xi1>, vector<16xi32>
    %add3A_135 = arith.addi %add3A_122, %select_n3A_134 : vector<16xi32>
    %broadcast_in_dim3A_136 = arith.constant 4 : i32
    %broadcast_in_dim3A_137 = vector.broadcast %broadcast_in_dim3A_136 : i32 to vector<16xi32>
    %lt3A_138 = arith.constant 0 : i32
    %lt3A_139 = vector.broadcast %lt3A_138 : i32 to vector<16xi32>
    %lt3A_140 = arith.cmpi slt, %broadcast_in_dim3A_137, %lt3A_139 : vector<16xi32>
    %add3A_141 = arith.constant 16 : i32
    %add3A_142 = vector.broadcast %add3A_141 : i32 to vector<16xi32>
    %add3A_143 = arith.addi %broadcast_in_dim3A_137, %add3A_142 : vector<16xi32>
    %select_n3A_144 = arith.select %lt3A_140, %add3A_143, %broadcast_in_dim3A_137 : vector<16xi1>, vector<16xi32>
    %broadcast_in_dim3A_145 = vector.shape_cast %select_n3A_144 : vector<16xi32> to vector<16x1xi32>
    %gather3A_146 = vector.shape_cast %broadcast_in_dim3A_145 : vector<16x1xi32> to vector<16xi32>
    %gather3A_147 = tpu.dynamic_gather %select_n3A[%gather3A_146] in [0] : vector<16xf32>, vector<16xi32> -> vector<16xf32>
    %lt3A_148 = arith.cmpf olt, %gather3A_147, %select_n3A : vector<16xf32>
    %jit3A_149 = arith.constant 1 : i32
    %jit3A_150 = arith.constant 0 : i32
    %broadcast_in_dim3A_151 = vector.broadcast %jit3A_149 : i32 to vector<16xi32>
    %broadcast_in_dim3A_152 = vector.broadcast %jit3A_150 : i32 to vector<16xi32>
    %select_n3A_153 = arith.select %lt3A_148, %broadcast_in_dim3A_151, %broadcast_in_dim3A_152 : vector<16xi1>, vector<16xi32>
    %add3A_154 = arith.addi %add3A_135, %select_n3A_153 : vector<16xi32>
    %eq3A_155 = arith.cmpf oeq, %gather3A_147, %select_n3A : vector<16xf32>
    %gt3A_156 = arith.constant 4 : i32
    %gt3A_157 = vector.broadcast %gt3A_156 : i32 to vector<16xi32>
    %gt3A_158 = arith.cmpi sgt, %iota3A, %gt3A_157 : vector<16xi32>
    %jit3A_159 = arith.constant 1 : i32
    %jit3A_160 = arith.constant 0 : i32
    %broadcast_in_dim3A_161 = vector.broadcast %jit3A_159 : i32 to vector<16xi32>
    %broadcast_in_dim3A_162 = vector.broadcast %jit3A_160 : i32 to vector<16xi32>
    %select_n3A_163 = arith.select %gt3A_158, %broadcast_in_dim3A_161, %broadcast_in_dim3A_162 : vector<16xi1>, vector<16xi32>
    %jit3A_164 = arith.constant 0 : i32
    %broadcast_in_dim3A_165 = vector.broadcast %jit3A_164 : i32 to vector<16xi32>
    %select_n3A_166 = arith.select %eq3A_155, %select_n3A_163, %broadcast_in_dim3A_165 : vector<16xi1>, vector<16xi32>
    %add3A_167 = arith.addi %add3A_154, %select_n3A_166 : vector<16xi32>
    %broadcast_in_dim3A_168 = arith.constant 5 : i32
    %broadcast_in_dim3A_169 = vector.broadcast %broadcast_in_dim3A_168 : i32 to vector<16xi32>
    %lt3A_170 = arith.constant 0 : i32
    %lt3A_171 = vector.broadcast %lt3A_170 : i32 to vector<16xi32>
    %lt3A_172 = arith.cmpi slt, %broadcast_in_dim3A_169, %lt3A_171 : vector<16xi32>
    %add3A_173 = arith.constant 16 : i32
    %add3A_174 = vector.broadcast %add3A_173 : i32 to vector<16xi32>
    %add3A_175 = arith.addi %broadcast_in_dim3A_169, %add3A_174 : vector<16xi32>
    %select_n3A_176 = arith.select %lt3A_172, %add3A_175, %broadcast_in_dim3A_169 : vector<16xi1>, vector<16xi32>
    %broadcast_in_dim3A_177 = vector.shape_cast %select_n3A_176 : vector<16xi32> to vector<16x1xi32>
    %gather3A_178 = vector.shape_cast %broadcast_in_dim3A_177 : vector<16x1xi32> to vector<16xi32>
    %gather3A_179 = tpu.dynamic_gather %select_n3A[%gather3A_178] in [0] : vector<16xf32>, vector<16xi32> -> vector<16xf32>
    %lt3A_180 = arith.cmpf olt, %gather3A_179, %select_n3A : vector<16xf32>
    %jit3A_181 = arith.constant 1 : i32
    %jit3A_182 = arith.constant 0 : i32
    %broadcast_in_dim3A_183 = vector.broadcast %jit3A_181 : i32 to vector<16xi32>
    %broadcast_in_dim3A_184 = vector.broadcast %jit3A_182 : i32 to vector<16xi32>
    %select_n3A_185 = arith.select %lt3A_180, %broadcast_in_dim3A_183, %broadcast_in_dim3A_184 : vector<16xi1>, vector<16xi32>
    %add3A_186 = arith.addi %add3A_167, %select_n3A_185 : vector<16xi32>
    %eq3A_187 = arith.cmpf oeq, %gather3A_179, %select_n3A : vector<16xf32>
    %gt3A_188 = arith.constant 5 : i32
    %gt3A_189 = vector.broadcast %gt3A_188 : i32 to vector<16xi32>
    %gt3A_190 = arith.cmpi sgt, %iota3A, %gt3A_189 : vector<16xi32>
    %jit3A_191 = arith.constant 1 : i32
    %jit3A_192 = arith.constant 0 : i32
    %broadcast_in_dim3A_193 = vector.broadcast %jit3A_191 : i32 to vector<16xi32>
    %broadcast_in_dim3A_194 = vector.broadcast %jit3A_192 : i32 to vector<16xi32>
    %select_n3A_195 = arith.select %gt3A_190, %broadcast_in_dim3A_193, %broadcast_in_dim3A_194 : vector<16xi1>, vector<16xi32>
    %jit3A_196 = arith.constant 0 : i32
    %broadcast_in_dim3A_197 = vector.broadcast %jit3A_196 : i32 to vector<16xi32>
    %select_n3A_198 = arith.select %eq3A_187, %select_n3A_195, %broadcast_in_dim3A_197 : vector<16xi1>, vector<16xi32>
    %add3A_199 = arith.addi %add3A_186, %select_n3A_198 : vector<16xi32>
    %broadcast_in_dim3A_200 = arith.constant 6 : i32
    %broadcast_in_dim3A_201 = vector.broadcast %broadcast_in_dim3A_200 : i32 to vector<16xi32>
    %lt3A_202 = arith.constant 0 : i32
    %lt3A_203 = vector.broadcast %lt3A_202 : i32 to vector<16xi32>
    %lt3A_204 = arith.cmpi slt, %broadcast_in_dim3A_201, %lt3A_203 : vector<16xi32>
    %add3A_205 = arith.constant 16 : i32
    %add3A_206 = vector.broadcast %add3A_205 : i32 to vector<16xi32>
    %add3A_207 = arith.addi %broadcast_in_dim3A_201, %add3A_206 : vector<16xi32>
    %select_n3A_208 = arith.select %lt3A_204, %add3A_207, %broadcast_in_dim3A_201 : vector<16xi1>, vector<16xi32>
    %broadcast_in_dim3A_209 = vector.shape_cast %select_n3A_208 : vector<16xi32> to vector<16x1xi32>
    %gather3A_210 = vector.shape_cast %broadcast_in_dim3A_209 : vector<16x1xi32> to vector<16xi32>
    %gather3A_211 = tpu.dynamic_gather %select_n3A[%gather3A_210] in [0] : vector<16xf32>, vector<16xi32> -> vector<16xf32>
    %lt3A_212 = arith.cmpf olt, %gather3A_211, %select_n3A : vector<16xf32>
    %jit3A_213 = arith.constant 1 : i32
    %jit3A_214 = arith.constant 0 : i32
    %broadcast_in_dim3A_215 = vector.broadcast %jit3A_213 : i32 to vector<16xi32>
    %broadcast_in_dim3A_216 = vector.broadcast %jit3A_214 : i32 to vector<16xi32>
    %select_n3A_217 = arith.select %lt3A_212, %broadcast_in_dim3A_215, %broadcast_in_dim3A_216 : vector<16xi1>, vector<16xi32>
    %add3A_218 = arith.addi %add3A_199, %select_n3A_217 : vector<16xi32>
    %eq3A_219 = arith.cmpf oeq, %gather3A_211, %select_n3A : vector<16xf32>
    %gt3A_220 = arith.constant 6 : i32
    %gt3A_221 = vector.broadcast %gt3A_220 : i32 to vector<16xi32>
    %gt3A_222 = arith.cmpi sgt, %iota3A, %gt3A_221 : vector<16xi32>
    %jit3A_223 = arith.constant 1 : i32
    %jit3A_224 = arith.constant 0 : i32
    %broadcast_in_dim3A_225 = vector.broadcast %jit3A_223 : i32 to vector<16xi32>
    %broadcast_in_dim3A_226 = vector.broadcast %jit3A_224 : i32 to vector<16xi32>
    %select_n3A_227 = arith.select %gt3A_222, %broadcast_in_dim3A_225, %broadcast_in_dim3A_226 : vector<16xi1>, vector<16xi32>
    %jit3A_228 = arith.constant 0 : i32
    %broadcast_in_dim3A_229 = vector.broadcast %jit3A_228 : i32 to vector<16xi32>
    %select_n3A_230 = arith.select %eq3A_219, %select_n3A_227, %broadcast_in_dim3A_229 : vector<16xi1>, vector<16xi32>
    %add3A_231 = arith.addi %add3A_218, %select_n3A_230 : vector<16xi32>
    %broadcast_in_dim3A_232 = arith.constant 7 : i32
    %broadcast_in_dim3A_233 = vector.broadcast %broadcast_in_dim3A_232 : i32 to vector<16xi32>
    %lt3A_234 = arith.constant 0 : i32
    %lt3A_235 = vector.broadcast %lt3A_234 : i32 to vector<16xi32>
    %lt3A_236 = arith.cmpi slt, %broadcast_in_dim3A_233, %lt3A_235 : vector<16xi32>
    %add3A_237 = arith.constant 16 : i32
    %add3A_238 = vector.broadcast %add3A_237 : i32 to vector<16xi32>
    %add3A_239 = arith.addi %broadcast_in_dim3A_233, %add3A_238 : vector<16xi32>
    %select_n3A_240 = arith.select %lt3A_236, %add3A_239, %broadcast_in_dim3A_233 : vector<16xi1>, vector<16xi32>
    %broadcast_in_dim3A_241 = vector.shape_cast %select_n3A_240 : vector<16xi32> to vector<16x1xi32>
    %gather3A_242 = vector.shape_cast %broadcast_in_dim3A_241 : vector<16x1xi32> to vector<16xi32>
    %gather3A_243 = tpu.dynamic_gather %select_n3A[%gather3A_242] in [0] : vector<16xf32>, vector<16xi32> -> vector<16xf32>
    %lt3A_244 = arith.cmpf olt, %gather3A_243, %select_n3A : vector<16xf32>
    %jit3A_245 = arith.constant 1 : i32
    %jit3A_246 = arith.constant 0 : i32
    %broadcast_in_dim3A_247 = vector.broadcast %jit3A_245 : i32 to vector<16xi32>
    %broadcast_in_dim3A_248 = vector.broadcast %jit3A_246 : i32 to vector<16xi32>
    %select_n3A_249 = arith.select %lt3A_244, %broadcast_in_dim3A_247, %broadcast_in_dim3A_248 : vector<16xi1>, vector<16xi32>
    %add3A_250 = arith.addi %add3A_231, %select_n3A_249 : vector<16xi32>
    %eq3A_251 = arith.cmpf oeq, %gather3A_243, %select_n3A : vector<16xf32>
    %gt3A_252 = arith.constant 7 : i32
    %gt3A_253 = vector.broadcast %gt3A_252 : i32 to vector<16xi32>
    %gt3A_254 = arith.cmpi sgt, %iota3A, %gt3A_253 : vector<16xi32>
    %jit3A_255 = arith.constant 1 : i32
    %jit3A_256 = arith.constant 0 : i32
    %broadcast_in_dim3A_257 = vector.broadcast %jit3A_255 : i32 to vector<16xi32>
    %broadcast_in_dim3A_258 = vector.broadcast %jit3A_256 : i32 to vector<16xi32>
    %select_n3A_259 = arith.select %gt3A_254, %broadcast_in_dim3A_257, %broadcast_in_dim3A_258 : vector<16xi1>, vector<16xi32>
    %jit3A_260 = arith.constant 0 : i32
    %broadcast_in_dim3A_261 = vector.broadcast %jit3A_260 : i32 to vector<16xi32>
    %select_n3A_262 = arith.select %eq3A_251, %select_n3A_259, %broadcast_in_dim3A_261 : vector<16xi1>, vector<16xi32>
    %add3A_263 = arith.addi %add3A_250, %select_n3A_262 : vector<16xi32>
    %broadcast_in_dim3A_264 = arith.constant 8 : i32
    %broadcast_in_dim3A_265 = vector.broadcast %broadcast_in_dim3A_264 : i32 to vector<16xi32>
    %lt3A_266 = arith.constant 0 : i32
    %lt3A_267 = vector.broadcast %lt3A_266 : i32 to vector<16xi32>
    %lt3A_268 = arith.cmpi slt, %broadcast_in_dim3A_265, %lt3A_267 : vector<16xi32>
    %add3A_269 = arith.constant 16 : i32
    %add3A_270 = vector.broadcast %add3A_269 : i32 to vector<16xi32>
    %add3A_271 = arith.addi %broadcast_in_dim3A_265, %add3A_270 : vector<16xi32>
    %select_n3A_272 = arith.select %lt3A_268, %add3A_271, %broadcast_in_dim3A_265 : vector<16xi1>, vector<16xi32>
    %broadcast_in_dim3A_273 = vector.shape_cast %select_n3A_272 : vector<16xi32> to vector<16x1xi32>
    %gather3A_274 = vector.shape_cast %broadcast_in_dim3A_273 : vector<16x1xi32> to vector<16xi32>
    %gather3A_275 = tpu.dynamic_gather %select_n3A[%gather3A_274] in [0] : vector<16xf32>, vector<16xi32> -> vector<16xf32>
    %lt3A_276 = arith.cmpf olt, %gather3A_275, %select_n3A : vector<16xf32>
    %jit3A_277 = arith.constant 1 : i32
    %jit3A_278 = arith.constant 0 : i32
    %broadcast_in_dim3A_279 = vector.broadcast %jit3A_277 : i32 to vector<16xi32>
    %broadcast_in_dim3A_280 = vector.broadcast %jit3A_278 : i32 to vector<16xi32>
    %select_n3A_281 = arith.select %lt3A_276, %broadcast_in_dim3A_279, %broadcast_in_dim3A_280 : vector<16xi1>, vector<16xi32>
    %add3A_282 = arith.addi %add3A_263, %select_n3A_281 : vector<16xi32>
    %eq3A_283 = arith.cmpf oeq, %gather3A_275, %select_n3A : vector<16xf32>
    %gt3A_284 = arith.constant 8 : i32
    %gt3A_285 = vector.broadcast %gt3A_284 : i32 to vector<16xi32>
    %gt3A_286 = arith.cmpi sgt, %iota3A, %gt3A_285 : vector<16xi32>
    %jit3A_287 = arith.constant 1 : i32
    %jit3A_288 = arith.constant 0 : i32
    %broadcast_in_dim3A_289 = vector.broadcast %jit3A_287 : i32 to vector<16xi32>
    %broadcast_in_dim3A_290 = vector.broadcast %jit3A_288 : i32 to vector<16xi32>
    %select_n3A_291 = arith.select %gt3A_286, %broadcast_in_dim3A_289, %broadcast_in_dim3A_290 : vector<16xi1>, vector<16xi32>
    %jit3A_292 = arith.constant 0 : i32
    %broadcast_in_dim3A_293 = vector.broadcast %jit3A_292 : i32 to vector<16xi32>
    %select_n3A_294 = arith.select %eq3A_283, %select_n3A_291, %broadcast_in_dim3A_293 : vector<16xi1>, vector<16xi32>
    %add3A_295 = arith.addi %add3A_282, %select_n3A_294 : vector<16xi32>
    %broadcast_in_dim3A_296 = arith.constant 9 : i32
    %broadcast_in_dim3A_297 = vector.broadcast %broadcast_in_dim3A_296 : i32 to vector<16xi32>
    %lt3A_298 = arith.constant 0 : i32
    %lt3A_299 = vector.broadcast %lt3A_298 : i32 to vector<16xi32>
    %lt3A_300 = arith.cmpi slt, %broadcast_in_dim3A_297, %lt3A_299 : vector<16xi32>
    %add3A_301 = arith.constant 16 : i32
    %add3A_302 = vector.broadcast %add3A_301 : i32 to vector<16xi32>
    %add3A_303 = arith.addi %broadcast_in_dim3A_297, %add3A_302 : vector<16xi32>
    %select_n3A_304 = arith.select %lt3A_300, %add3A_303, %broadcast_in_dim3A_297 : vector<16xi1>, vector<16xi32>
    %broadcast_in_dim3A_305 = vector.shape_cast %select_n3A_304 : vector<16xi32> to vector<16x1xi32>
    %gather3A_306 = vector.shape_cast %broadcast_in_dim3A_305 : vector<16x1xi32> to vector<16xi32>
    %gather3A_307 = tpu.dynamic_gather %select_n3A[%gather3A_306] in [0] : vector<16xf32>, vector<16xi32> -> vector<16xf32>
    %lt3A_308 = arith.cmpf olt, %gather3A_307, %select_n3A : vector<16xf32>
    %jit3A_309 = arith.constant 1 : i32
    %jit3A_310 = arith.constant 0 : i32
    %broadcast_in_dim3A_311 = vector.broadcast %jit3A_309 : i32 to vector<16xi32>
    %broadcast_in_dim3A_312 = vector.broadcast %jit3A_310 : i32 to vector<16xi32>
    %select_n3A_313 = arith.select %lt3A_308, %broadcast_in_dim3A_311, %broadcast_in_dim3A_312 : vector<16xi1>, vector<16xi32>
    %add3A_314 = arith.addi %add3A_295, %select_n3A_313 : vector<16xi32>
    %eq3A_315 = arith.cmpf oeq, %gather3A_307, %select_n3A : vector<16xf32>
    %gt3A_316 = arith.constant 9 : i32
    %gt3A_317 = vector.broadcast %gt3A_316 : i32 to vector<16xi32>
    %gt3A_318 = arith.cmpi sgt, %iota3A, %gt3A_317 : vector<16xi32>
    %jit3A_319 = arith.constant 1 : i32
    %jit3A_320 = arith.constant 0 : i32
    %broadcast_in_dim3A_321 = vector.broadcast %jit3A_319 : i32 to vector<16xi32>
    %broadcast_in_dim3A_322 = vector.broadcast %jit3A_320 : i32 to vector<16xi32>
    %select_n3A_323 = arith.select %gt3A_318, %broadcast_in_dim3A_321, %broadcast_in_dim3A_322 : vector<16xi1>, vector<16xi32>
    %jit3A_324 = arith.constant 0 : i32
    %broadcast_in_dim3A_325 = vector.broadcast %jit3A_324 : i32 to vector<16xi32>
    %select_n3A_326 = arith.select %eq3A_315, %select_n3A_323, %broadcast_in_dim3A_325 : vector<16xi1>, vector<16xi32>
    %add3A_327 = arith.addi %add3A_314, %select_n3A_326 : vector<16xi32>
    %broadcast_in_dim3A_328 = arith.constant 10 : i32
    %broadcast_in_dim3A_329 = vector.broadcast %broadcast_in_dim3A_328 : i32 to vector<16xi32>
    %lt3A_330 = arith.constant 0 : i32
    %lt3A_331 = vector.broadcast %lt3A_330 : i32 to vector<16xi32>
    %lt3A_332 = arith.cmpi slt, %broadcast_in_dim3A_329, %lt3A_331 : vector<16xi32>
    %add3A_333 = arith.constant 16 : i32
    %add3A_334 = vector.broadcast %add3A_333 : i32 to vector<16xi32>
    %add3A_335 = arith.addi %broadcast_in_dim3A_329, %add3A_334 : vector<16xi32>
    %select_n3A_336 = arith.select %lt3A_332, %add3A_335, %broadcast_in_dim3A_329 : vector<16xi1>, vector<16xi32>
    %broadcast_in_dim3A_337 = vector.shape_cast %select_n3A_336 : vector<16xi32> to vector<16x1xi32>
    %gather3A_338 = vector.shape_cast %broadcast_in_dim3A_337 : vector<16x1xi32> to vector<16xi32>
    %gather3A_339 = tpu.dynamic_gather %select_n3A[%gather3A_338] in [0] : vector<16xf32>, vector<16xi32> -> vector<16xf32>
    %lt3A_340 = arith.cmpf olt, %gather3A_339, %select_n3A : vector<16xf32>
    %jit3A_341 = arith.constant 1 : i32
    %jit3A_342 = arith.constant 0 : i32
    %broadcast_in_dim3A_343 = vector.broadcast %jit3A_341 : i32 to vector<16xi32>
    %broadcast_in_dim3A_344 = vector.broadcast %jit3A_342 : i32 to vector<16xi32>
    %select_n3A_345 = arith.select %lt3A_340, %broadcast_in_dim3A_343, %broadcast_in_dim3A_344 : vector<16xi1>, vector<16xi32>
    %add3A_346 = arith.addi %add3A_327, %select_n3A_345 : vector<16xi32>
    %eq3A_347 = arith.cmpf oeq, %gather3A_339, %select_n3A : vector<16xf32>
    %gt3A_348 = arith.constant 10 : i32
    %gt3A_349 = vector.broadcast %gt3A_348 : i32 to vector<16xi32>
    %gt3A_350 = arith.cmpi sgt, %iota3A, %gt3A_349 : vector<16xi32>
    %jit3A_351 = arith.constant 1 : i32
    %jit3A_352 = arith.constant 0 : i32
    %broadcast_in_dim3A_353 = vector.broadcast %jit3A_351 : i32 to vector<16xi32>
    %broadcast_in_dim3A_354 = vector.broadcast %jit3A_352 : i32 to vector<16xi32>
    %select_n3A_355 = arith.select %gt3A_350, %broadcast_in_dim3A_353, %broadcast_in_dim3A_354 : vector<16xi1>, vector<16xi32>
    %jit3A_356 = arith.constant 0 : i32
    %broadcast_in_dim3A_357 = vector.broadcast %jit3A_356 : i32 to vector<16xi32>
    %select_n3A_358 = arith.select %eq3A_347, %select_n3A_355, %broadcast_in_dim3A_357 : vector<16xi1>, vector<16xi32>
    %add3A_359 = arith.addi %add3A_346, %select_n3A_358 : vector<16xi32>
    %broadcast_in_dim3A_360 = arith.constant 11 : i32
    %broadcast_in_dim3A_361 = vector.broadcast %broadcast_in_dim3A_360 : i32 to vector<16xi32>
    %lt3A_362 = arith.constant 0 : i32
    %lt3A_363 = vector.broadcast %lt3A_362 : i32 to vector<16xi32>
    %lt3A_364 = arith.cmpi slt, %broadcast_in_dim3A_361, %lt3A_363 : vector<16xi32>
    %add3A_365 = arith.constant 16 : i32
    %add3A_366 = vector.broadcast %add3A_365 : i32 to vector<16xi32>
    %add3A_367 = arith.addi %broadcast_in_dim3A_361, %add3A_366 : vector<16xi32>
    %select_n3A_368 = arith.select %lt3A_364, %add3A_367, %broadcast_in_dim3A_361 : vector<16xi1>, vector<16xi32>
    %broadcast_in_dim3A_369 = vector.shape_cast %select_n3A_368 : vector<16xi32> to vector<16x1xi32>
    %gather3A_370 = vector.shape_cast %broadcast_in_dim3A_369 : vector<16x1xi32> to vector<16xi32>
    %gather3A_371 = tpu.dynamic_gather %select_n3A[%gather3A_370] in [0] : vector<16xf32>, vector<16xi32> -> vector<16xf32>
    %lt3A_372 = arith.cmpf olt, %gather3A_371, %select_n3A : vector<16xf32>
    %jit3A_373 = arith.constant 1 : i32
    %jit3A_374 = arith.constant 0 : i32
    %broadcast_in_dim3A_375 = vector.broadcast %jit3A_373 : i32 to vector<16xi32>
    %broadcast_in_dim3A_376 = vector.broadcast %jit3A_374 : i32 to vector<16xi32>
    %select_n3A_377 = arith.select %lt3A_372, %broadcast_in_dim3A_375, %broadcast_in_dim3A_376 : vector<16xi1>, vector<16xi32>
    %add3A_378 = arith.addi %add3A_359, %select_n3A_377 : vector<16xi32>
    %eq3A_379 = arith.cmpf oeq, %gather3A_371, %select_n3A : vector<16xf32>
    %gt3A_380 = arith.constant 11 : i32
    %gt3A_381 = vector.broadcast %gt3A_380 : i32 to vector<16xi32>
    %gt3A_382 = arith.cmpi sgt, %iota3A, %gt3A_381 : vector<16xi32>
    %jit3A_383 = arith.constant 1 : i32
    %jit3A_384 = arith.constant 0 : i32
    %broadcast_in_dim3A_385 = vector.broadcast %jit3A_383 : i32 to vector<16xi32>
    %broadcast_in_dim3A_386 = vector.broadcast %jit3A_384 : i32 to vector<16xi32>
    %select_n3A_387 = arith.select %gt3A_382, %broadcast_in_dim3A_385, %broadcast_in_dim3A_386 : vector<16xi1>, vector<16xi32>
    %jit3A_388 = arith.constant 0 : i32
    %broadcast_in_dim3A_389 = vector.broadcast %jit3A_388 : i32 to vector<16xi32>
    %select_n3A_390 = arith.select %eq3A_379, %select_n3A_387, %broadcast_in_dim3A_389 : vector<16xi1>, vector<16xi32>
    %add3A_391 = arith.addi %add3A_378, %select_n3A_390 : vector<16xi32>
    %broadcast_in_dim3A_392 = arith.constant 12 : i32
    %broadcast_in_dim3A_393 = vector.broadcast %broadcast_in_dim3A_392 : i32 to vector<16xi32>
    %lt3A_394 = arith.constant 0 : i32
    %lt3A_395 = vector.broadcast %lt3A_394 : i32 to vector<16xi32>
    %lt3A_396 = arith.cmpi slt, %broadcast_in_dim3A_393, %lt3A_395 : vector<16xi32>
    %add3A_397 = arith.constant 16 : i32
    %add3A_398 = vector.broadcast %add3A_397 : i32 to vector<16xi32>
    %add3A_399 = arith.addi %broadcast_in_dim3A_393, %add3A_398 : vector<16xi32>
    %select_n3A_400 = arith.select %lt3A_396, %add3A_399, %broadcast_in_dim3A_393 : vector<16xi1>, vector<16xi32>
    %broadcast_in_dim3A_401 = vector.shape_cast %select_n3A_400 : vector<16xi32> to vector<16x1xi32>
    %gather3A_402 = vector.shape_cast %broadcast_in_dim3A_401 : vector<16x1xi32> to vector<16xi32>
    %gather3A_403 = tpu.dynamic_gather %select_n3A[%gather3A_402] in [0] : vector<16xf32>, vector<16xi32> -> vector<16xf32>
    %lt3A_404 = arith.cmpf olt, %gather3A_403, %select_n3A : vector<16xf32>
    %jit3A_405 = arith.constant 1 : i32
    %jit3A_406 = arith.constant 0 : i32
    %broadcast_in_dim3A_407 = vector.broadcast %jit3A_405 : i32 to vector<16xi32>
    %broadcast_in_dim3A_408 = vector.broadcast %jit3A_406 : i32 to vector<16xi32>
    %select_n3A_409 = arith.select %lt3A_404, %broadcast_in_dim3A_407, %broadcast_in_dim3A_408 : vector<16xi1>, vector<16xi32>
    %add3A_410 = arith.addi %add3A_391, %select_n3A_409 : vector<16xi32>
    %eq3A_411 = arith.cmpf oeq, %gather3A_403, %select_n3A : vector<16xf32>
    %gt3A_412 = arith.constant 12 : i32
    %gt3A_413 = vector.broadcast %gt3A_412 : i32 to vector<16xi32>
    %gt3A_414 = arith.cmpi sgt, %iota3A, %gt3A_413 : vector<16xi32>
    %jit3A_415 = arith.constant 1 : i32
    %jit3A_416 = arith.constant 0 : i32
    %broadcast_in_dim3A_417 = vector.broadcast %jit3A_415 : i32 to vector<16xi32>
    %broadcast_in_dim3A_418 = vector.broadcast %jit3A_416 : i32 to vector<16xi32>
    %select_n3A_419 = arith.select %gt3A_414, %broadcast_in_dim3A_417, %broadcast_in_dim3A_418 : vector<16xi1>, vector<16xi32>
    %jit3A_420 = arith.constant 0 : i32
    %broadcast_in_dim3A_421 = vector.broadcast %jit3A_420 : i32 to vector<16xi32>
    %select_n3A_422 = arith.select %eq3A_411, %select_n3A_419, %broadcast_in_dim3A_421 : vector<16xi1>, vector<16xi32>
    %add3A_423 = arith.addi %add3A_410, %select_n3A_422 : vector<16xi32>
    %broadcast_in_dim3A_424 = arith.constant 13 : i32
    %broadcast_in_dim3A_425 = vector.broadcast %broadcast_in_dim3A_424 : i32 to vector<16xi32>
    %lt3A_426 = arith.constant 0 : i32
    %lt3A_427 = vector.broadcast %lt3A_426 : i32 to vector<16xi32>
    %lt3A_428 = arith.cmpi slt, %broadcast_in_dim3A_425, %lt3A_427 : vector<16xi32>
    %add3A_429 = arith.constant 16 : i32
    %add3A_430 = vector.broadcast %add3A_429 : i32 to vector<16xi32>
    %add3A_431 = arith.addi %broadcast_in_dim3A_425, %add3A_430 : vector<16xi32>
    %select_n3A_432 = arith.select %lt3A_428, %add3A_431, %broadcast_in_dim3A_425 : vector<16xi1>, vector<16xi32>
    %broadcast_in_dim3A_433 = vector.shape_cast %select_n3A_432 : vector<16xi32> to vector<16x1xi32>
    %gather3A_434 = vector.shape_cast %broadcast_in_dim3A_433 : vector<16x1xi32> to vector<16xi32>
    %gather3A_435 = tpu.dynamic_gather %select_n3A[%gather3A_434] in [0] : vector<16xf32>, vector<16xi32> -> vector<16xf32>
    %lt3A_436 = arith.cmpf olt, %gather3A_435, %select_n3A : vector<16xf32>
    %jit3A_437 = arith.constant 1 : i32
    %jit3A_438 = arith.constant 0 : i32
    %broadcast_in_dim3A_439 = vector.broadcast %jit3A_437 : i32 to vector<16xi32>
    %broadcast_in_dim3A_440 = vector.broadcast %jit3A_438 : i32 to vector<16xi32>
    %select_n3A_441 = arith.select %lt3A_436, %broadcast_in_dim3A_439, %broadcast_in_dim3A_440 : vector<16xi1>, vector<16xi32>
    %add3A_442 = arith.addi %add3A_423, %select_n3A_441 : vector<16xi32>
    %eq3A_443 = arith.cmpf oeq, %gather3A_435, %select_n3A : vector<16xf32>
    %gt3A_444 = arith.constant 13 : i32
    %gt3A_445 = vector.broadcast %gt3A_444 : i32 to vector<16xi32>
    %gt3A_446 = arith.cmpi sgt, %iota3A, %gt3A_445 : vector<16xi32>
    %jit3A_447 = arith.constant 1 : i32
    %jit3A_448 = arith.constant 0 : i32
    %broadcast_in_dim3A_449 = vector.broadcast %jit3A_447 : i32 to vector<16xi32>
    %broadcast_in_dim3A_450 = vector.broadcast %jit3A_448 : i32 to vector<16xi32>
    %select_n3A_451 = arith.select %gt3A_446, %broadcast_in_dim3A_449, %broadcast_in_dim3A_450 : vector<16xi1>, vector<16xi32>
    %jit3A_452 = arith.constant 0 : i32
    %broadcast_in_dim3A_453 = vector.broadcast %jit3A_452 : i32 to vector<16xi32>
    %select_n3A_454 = arith.select %eq3A_443, %select_n3A_451, %broadcast_in_dim3A_453 : vector<16xi1>, vector<16xi32>
    %add3A_455 = arith.addi %add3A_442, %select_n3A_454 : vector<16xi32>
    %broadcast_in_dim3A_456 = arith.constant 14 : i32
    %broadcast_in_dim3A_457 = vector.broadcast %broadcast_in_dim3A_456 : i32 to vector<16xi32>
    %lt3A_458 = arith.constant 0 : i32
    %lt3A_459 = vector.broadcast %lt3A_458 : i32 to vector<16xi32>
    %lt3A_460 = arith.cmpi slt, %broadcast_in_dim3A_457, %lt3A_459 : vector<16xi32>
    %add3A_461 = arith.constant 16 : i32
    %add3A_462 = vector.broadcast %add3A_461 : i32 to vector<16xi32>
    %add3A_463 = arith.addi %broadcast_in_dim3A_457, %add3A_462 : vector<16xi32>
    %select_n3A_464 = arith.select %lt3A_460, %add3A_463, %broadcast_in_dim3A_457 : vector<16xi1>, vector<16xi32>
    %broadcast_in_dim3A_465 = vector.shape_cast %select_n3A_464 : vector<16xi32> to vector<16x1xi32>
    %gather3A_466 = vector.shape_cast %broadcast_in_dim3A_465 : vector<16x1xi32> to vector<16xi32>
    %gather3A_467 = tpu.dynamic_gather %select_n3A[%gather3A_466] in [0] : vector<16xf32>, vector<16xi32> -> vector<16xf32>
    %lt3A_468 = arith.cmpf olt, %gather3A_467, %select_n3A : vector<16xf32>
    %jit3A_469 = arith.constant 1 : i32
    %jit3A_470 = arith.constant 0 : i32
    %broadcast_in_dim3A_471 = vector.broadcast %jit3A_469 : i32 to vector<16xi32>
    %broadcast_in_dim3A_472 = vector.broadcast %jit3A_470 : i32 to vector<16xi32>
    %select_n3A_473 = arith.select %lt3A_468, %broadcast_in_dim3A_471, %broadcast_in_dim3A_472 : vector<16xi1>, vector<16xi32>
    %add3A_474 = arith.addi %add3A_455, %select_n3A_473 : vector<16xi32>
    %eq3A_475 = arith.cmpf oeq, %gather3A_467, %select_n3A : vector<16xf32>
    %gt3A_476 = arith.constant 14 : i32
    %gt3A_477 = vector.broadcast %gt3A_476 : i32 to vector<16xi32>
    %gt3A_478 = arith.cmpi sgt, %iota3A, %gt3A_477 : vector<16xi32>
    %jit3A_479 = arith.constant 1 : i32
    %jit3A_480 = arith.constant 0 : i32
    %broadcast_in_dim3A_481 = vector.broadcast %jit3A_479 : i32 to vector<16xi32>
    %broadcast_in_dim3A_482 = vector.broadcast %jit3A_480 : i32 to vector<16xi32>
    %select_n3A_483 = arith.select %gt3A_478, %broadcast_in_dim3A_481, %broadcast_in_dim3A_482 : vector<16xi1>, vector<16xi32>
    %jit3A_484 = arith.constant 0 : i32
    %broadcast_in_dim3A_485 = vector.broadcast %jit3A_484 : i32 to vector<16xi32>
    %select_n3A_486 = arith.select %eq3A_475, %select_n3A_483, %broadcast_in_dim3A_485 : vector<16xi1>, vector<16xi32>
    %add3A_487 = arith.addi %add3A_474, %select_n3A_486 : vector<16xi32>
    %broadcast_in_dim3A_488 = arith.constant 15 : i32
    %broadcast_in_dim3A_489 = vector.broadcast %broadcast_in_dim3A_488 : i32 to vector<16xi32>
    %lt3A_490 = arith.constant 0 : i32
    %lt3A_491 = vector.broadcast %lt3A_490 : i32 to vector<16xi32>
    %lt3A_492 = arith.cmpi slt, %broadcast_in_dim3A_489, %lt3A_491 : vector<16xi32>
    %add3A_493 = arith.constant 16 : i32
    %add3A_494 = vector.broadcast %add3A_493 : i32 to vector<16xi32>
    %add3A_495 = arith.addi %broadcast_in_dim3A_489, %add3A_494 : vector<16xi32>
    %select_n3A_496 = arith.select %lt3A_492, %add3A_495, %broadcast_in_dim3A_489 : vector<16xi1>, vector<16xi32>
    %broadcast_in_dim3A_497 = vector.shape_cast %select_n3A_496 : vector<16xi32> to vector<16x1xi32>
    %gather3A_498 = vector.shape_cast %broadcast_in_dim3A_497 : vector<16x1xi32> to vector<16xi32>
    %gather3A_499 = tpu.dynamic_gather %select_n3A[%gather3A_498] in [0] : vector<16xf32>, vector<16xi32> -> vector<16xf32>
    %lt3A_500 = arith.cmpf olt, %gather3A_499, %select_n3A : vector<16xf32>
    %jit3A_501 = arith.constant 1 : i32
    %jit3A_502 = arith.constant 0 : i32
    %broadcast_in_dim3A_503 = vector.broadcast %jit3A_501 : i32 to vector<16xi32>
    %broadcast_in_dim3A_504 = vector.broadcast %jit3A_502 : i32 to vector<16xi32>
    %select_n3A_505 = arith.select %lt3A_500, %broadcast_in_dim3A_503, %broadcast_in_dim3A_504 : vector<16xi1>, vector<16xi32>
    %add3A_506 = arith.addi %add3A_487, %select_n3A_505 : vector<16xi32>
    %eq3A_507 = arith.cmpf oeq, %gather3A_499, %select_n3A : vector<16xf32>
    %gt3A_508 = arith.constant 15 : i32
    %gt3A_509 = vector.broadcast %gt3A_508 : i32 to vector<16xi32>
    %gt3A_510 = arith.cmpi sgt, %iota3A, %gt3A_509 : vector<16xi32>
    %jit3A_511 = arith.constant 1 : i32
    %jit3A_512 = arith.constant 0 : i32
    %broadcast_in_dim3A_513 = vector.broadcast %jit3A_511 : i32 to vector<16xi32>
    %broadcast_in_dim3A_514 = vector.broadcast %jit3A_512 : i32 to vector<16xi32>
    %select_n3A_515 = arith.select %gt3A_510, %broadcast_in_dim3A_513, %broadcast_in_dim3A_514 : vector<16xi1>, vector<16xi32>
    %jit3A_516 = arith.constant 0 : i32
    %broadcast_in_dim3A_517 = vector.broadcast %jit3A_516 : i32 to vector<16xi32>
    %select_n3A_518 = arith.select %eq3A_507, %select_n3A_515, %broadcast_in_dim3A_517 : vector<16xi1>, vector<16xi32>
    %add3A_519 = arith.addi %add3A_506, %select_n3A_518 : vector<16xi32>
    %broadcast_in_dim3A_520 = arith.constant 0 : i32
    %broadcast_in_dim3A_521 = vector.broadcast %broadcast_in_dim3A_520 : i32 to vector<16xi32>
    %broadcast_in_dim3A_522 = arith.constant 0 : i32
    %broadcast_in_dim3A_523 = vector.broadcast %broadcast_in_dim3A_522 : i32 to vector<16xi32>
    %lt3A_524 = arith.constant 0 : i32
    %lt3A_525 = vector.broadcast %lt3A_524 : i32 to vector<16xi32>
    %lt3A_526 = arith.cmpi slt, %broadcast_in_dim3A_523, %lt3A_525 : vector<16xi32>
    %add3A_527 = arith.constant 16 : i32
    %add3A_528 = vector.broadcast %add3A_527 : i32 to vector<16xi32>
    %add3A_529 = arith.addi %broadcast_in_dim3A_523, %add3A_528 : vector<16xi32>
    %select_n3A_530 = arith.select %lt3A_526, %add3A_529, %broadcast_in_dim3A_523 : vector<16xi1>, vector<16xi32>
    %broadcast_in_dim3A_531 = vector.shape_cast %select_n3A_530 : vector<16xi32> to vector<16x1xi32>
    %gather3A_532 = vector.shape_cast %broadcast_in_dim3A_531 : vector<16x1xi32> to vector<16xi32>
    %gather3A_533 = tpu.dynamic_gather %add3A_519[%gather3A_532] in [0] : vector<16xi32>, vector<16xi32> -> vector<16xi32>
    %eq3A_534 = arith.cmpi eq, %iota3A, %gather3A_533 : vector<16xi32>
    %jit3A_535 = arith.constant 0 : i32
    %jit3A_536 = arith.constant 0 : i32
    %broadcast_in_dim3A_537 = vector.broadcast %jit3A_535 : i32 to vector<16xi32>
    %broadcast_in_dim3A_538 = vector.broadcast %jit3A_536 : i32 to vector<16xi32>
    %select_n3A_539 = arith.select %eq3A_534, %broadcast_in_dim3A_537, %broadcast_in_dim3A_538 : vector<16xi1>, vector<16xi32>
    %add3A_540 = arith.addi %broadcast_in_dim3A_521, %select_n3A_539 : vector<16xi32>
    %broadcast_in_dim3A_541 = arith.constant 1 : i32
    %broadcast_in_dim3A_542 = vector.broadcast %broadcast_in_dim3A_541 : i32 to vector<16xi32>
    %lt3A_543 = arith.constant 0 : i32
    %lt3A_544 = vector.broadcast %lt3A_543 : i32 to vector<16xi32>
    %lt3A_545 = arith.cmpi slt, %broadcast_in_dim3A_542, %lt3A_544 : vector<16xi32>
    %add3A_546 = arith.constant 16 : i32
    %add3A_547 = vector.broadcast %add3A_546 : i32 to vector<16xi32>
    %add3A_548 = arith.addi %broadcast_in_dim3A_542, %add3A_547 : vector<16xi32>
    %select_n3A_549 = arith.select %lt3A_545, %add3A_548, %broadcast_in_dim3A_542 : vector<16xi1>, vector<16xi32>
    %broadcast_in_dim3A_550 = vector.shape_cast %select_n3A_549 : vector<16xi32> to vector<16x1xi32>
    %gather3A_551 = vector.shape_cast %broadcast_in_dim3A_550 : vector<16x1xi32> to vector<16xi32>
    %gather3A_552 = tpu.dynamic_gather %add3A_519[%gather3A_551] in [0] : vector<16xi32>, vector<16xi32> -> vector<16xi32>
    %eq3A_553 = arith.cmpi eq, %iota3A, %gather3A_552 : vector<16xi32>
    %jit3A_554 = arith.constant 1 : i32
    %jit3A_555 = arith.constant 0 : i32
    %broadcast_in_dim3A_556 = vector.broadcast %jit3A_554 : i32 to vector<16xi32>
    %broadcast_in_dim3A_557 = vector.broadcast %jit3A_555 : i32 to vector<16xi32>
    %select_n3A_558 = arith.select %eq3A_553, %broadcast_in_dim3A_556, %broadcast_in_dim3A_557 : vector<16xi1>, vector<16xi32>
    %add3A_559 = arith.addi %add3A_540, %select_n3A_558 : vector<16xi32>
    %broadcast_in_dim3A_560 = arith.constant 2 : i32
    %broadcast_in_dim3A_561 = vector.broadcast %broadcast_in_dim3A_560 : i32 to vector<16xi32>
    %lt3A_562 = arith.constant 0 : i32
    %lt3A_563 = vector.broadcast %lt3A_562 : i32 to vector<16xi32>
    %lt3A_564 = arith.cmpi slt, %broadcast_in_dim3A_561, %lt3A_563 : vector<16xi32>
    %add3A_565 = arith.constant 16 : i32
    %add3A_566 = vector.broadcast %add3A_565 : i32 to vector<16xi32>
    %add3A_567 = arith.addi %broadcast_in_dim3A_561, %add3A_566 : vector<16xi32>
    %select_n3A_568 = arith.select %lt3A_564, %add3A_567, %broadcast_in_dim3A_561 : vector<16xi1>, vector<16xi32>
    %broadcast_in_dim3A_569 = vector.shape_cast %select_n3A_568 : vector<16xi32> to vector<16x1xi32>
    %gather3A_570 = vector.shape_cast %broadcast_in_dim3A_569 : vector<16x1xi32> to vector<16xi32>
    %gather3A_571 = tpu.dynamic_gather %add3A_519[%gather3A_570] in [0] : vector<16xi32>, vector<16xi32> -> vector<16xi32>
    %eq3A_572 = arith.cmpi eq, %iota3A, %gather3A_571 : vector<16xi32>
    %jit3A_573 = arith.constant 2 : i32
    %jit3A_574 = arith.constant 0 : i32
    %broadcast_in_dim3A_575 = vector.broadcast %jit3A_573 : i32 to vector<16xi32>
    %broadcast_in_dim3A_576 = vector.broadcast %jit3A_574 : i32 to vector<16xi32>
    %select_n3A_577 = arith.select %eq3A_572, %broadcast_in_dim3A_575, %broadcast_in_dim3A_576 : vector<16xi1>, vector<16xi32>
    %add3A_578 = arith.addi %add3A_559, %select_n3A_577 : vector<16xi32>
    %broadcast_in_dim3A_579 = arith.constant 3 : i32
    %broadcast_in_dim3A_580 = vector.broadcast %broadcast_in_dim3A_579 : i32 to vector<16xi32>
    %lt3A_581 = arith.constant 0 : i32
    %lt3A_582 = vector.broadcast %lt3A_581 : i32 to vector<16xi32>
    %lt3A_583 = arith.cmpi slt, %broadcast_in_dim3A_580, %lt3A_582 : vector<16xi32>
    %add3A_584 = arith.constant 16 : i32
    %add3A_585 = vector.broadcast %add3A_584 : i32 to vector<16xi32>
    %add3A_586 = arith.addi %broadcast_in_dim3A_580, %add3A_585 : vector<16xi32>
    %select_n3A_587 = arith.select %lt3A_583, %add3A_586, %broadcast_in_dim3A_580 : vector<16xi1>, vector<16xi32>
    %broadcast_in_dim3A_588 = vector.shape_cast %select_n3A_587 : vector<16xi32> to vector<16x1xi32>
    %gather3A_589 = vector.shape_cast %broadcast_in_dim3A_588 : vector<16x1xi32> to vector<16xi32>
    %gather3A_590 = tpu.dynamic_gather %add3A_519[%gather3A_589] in [0] : vector<16xi32>, vector<16xi32> -> vector<16xi32>
    %eq3A_591 = arith.cmpi eq, %iota3A, %gather3A_590 : vector<16xi32>
    %jit3A_592 = arith.constant 3 : i32
    %jit3A_593 = arith.constant 0 : i32
    %broadcast_in_dim3A_594 = vector.broadcast %jit3A_592 : i32 to vector<16xi32>
    %broadcast_in_dim3A_595 = vector.broadcast %jit3A_593 : i32 to vector<16xi32>
    %select_n3A_596 = arith.select %eq3A_591, %broadcast_in_dim3A_594, %broadcast_in_dim3A_595 : vector<16xi1>, vector<16xi32>
    %add3A_597 = arith.addi %add3A_578, %select_n3A_596 : vector<16xi32>
    %broadcast_in_dim3A_598 = arith.constant 4 : i32
    %broadcast_in_dim3A_599 = vector.broadcast %broadcast_in_dim3A_598 : i32 to vector<16xi32>
    %lt3A_600 = arith.constant 0 : i32
    %lt3A_601 = vector.broadcast %lt3A_600 : i32 to vector<16xi32>
    %lt3A_602 = arith.cmpi slt, %broadcast_in_dim3A_599, %lt3A_601 : vector<16xi32>
    %add3A_603 = arith.constant 16 : i32
    %add3A_604 = vector.broadcast %add3A_603 : i32 to vector<16xi32>
    %add3A_605 = arith.addi %broadcast_in_dim3A_599, %add3A_604 : vector<16xi32>
    %select_n3A_606 = arith.select %lt3A_602, %add3A_605, %broadcast_in_dim3A_599 : vector<16xi1>, vector<16xi32>
    %broadcast_in_dim3A_607 = vector.shape_cast %select_n3A_606 : vector<16xi32> to vector<16x1xi32>
    %gather3A_608 = vector.shape_cast %broadcast_in_dim3A_607 : vector<16x1xi32> to vector<16xi32>
    %gather3A_609 = tpu.dynamic_gather %add3A_519[%gather3A_608] in [0] : vector<16xi32>, vector<16xi32> -> vector<16xi32>
    %eq3A_610 = arith.cmpi eq, %iota3A, %gather3A_609 : vector<16xi32>
    %jit3A_611 = arith.constant 4 : i32
    %jit3A_612 = arith.constant 0 : i32
    %broadcast_in_dim3A_613 = vector.broadcast %jit3A_611 : i32 to vector<16xi32>
    %broadcast_in_dim3A_614 = vector.broadcast %jit3A_612 : i32 to vector<16xi32>
    %select_n3A_615 = arith.select %eq3A_610, %broadcast_in_dim3A_613, %broadcast_in_dim3A_614 : vector<16xi1>, vector<16xi32>
    %add3A_616 = arith.addi %add3A_597, %select_n3A_615 : vector<16xi32>
    %broadcast_in_dim3A_617 = arith.constant 5 : i32
    %broadcast_in_dim3A_618 = vector.broadcast %broadcast_in_dim3A_617 : i32 to vector<16xi32>
    %lt3A_619 = arith.constant 0 : i32
    %lt3A_620 = vector.broadcast %lt3A_619 : i32 to vector<16xi32>
    %lt3A_621 = arith.cmpi slt, %broadcast_in_dim3A_618, %lt3A_620 : vector<16xi32>
    %add3A_622 = arith.constant 16 : i32
    %add3A_623 = vector.broadcast %add3A_622 : i32 to vector<16xi32>
    %add3A_624 = arith.addi %broadcast_in_dim3A_618, %add3A_623 : vector<16xi32>
    %select_n3A_625 = arith.select %lt3A_621, %add3A_624, %broadcast_in_dim3A_618 : vector<16xi1>, vector<16xi32>
    %broadcast_in_dim3A_626 = vector.shape_cast %select_n3A_625 : vector<16xi32> to vector<16x1xi32>
    %gather3A_627 = vector.shape_cast %broadcast_in_dim3A_626 : vector<16x1xi32> to vector<16xi32>
    %gather3A_628 = tpu.dynamic_gather %add3A_519[%gather3A_627] in [0] : vector<16xi32>, vector<16xi32> -> vector<16xi32>
    %eq3A_629 = arith.cmpi eq, %iota3A, %gather3A_628 : vector<16xi32>
    %jit3A_630 = arith.constant 5 : i32
    %jit3A_631 = arith.constant 0 : i32
    %broadcast_in_dim3A_632 = vector.broadcast %jit3A_630 : i32 to vector<16xi32>
    %broadcast_in_dim3A_633 = vector.broadcast %jit3A_631 : i32 to vector<16xi32>
    %select_n3A_634 = arith.select %eq3A_629, %broadcast_in_dim3A_632, %broadcast_in_dim3A_633 : vector<16xi1>, vector<16xi32>
    %add3A_635 = arith.addi %add3A_616, %select_n3A_634 : vector<16xi32>
    %broadcast_in_dim3A_636 = arith.constant 6 : i32
    %broadcast_in_dim3A_637 = vector.broadcast %broadcast_in_dim3A_636 : i32 to vector<16xi32>
    %lt3A_638 = arith.constant 0 : i32
    %lt3A_639 = vector.broadcast %lt3A_638 : i32 to vector<16xi32>
    %lt3A_640 = arith.cmpi slt, %broadcast_in_dim3A_637, %lt3A_639 : vector<16xi32>
    %add3A_641 = arith.constant 16 : i32
    %add3A_642 = vector.broadcast %add3A_641 : i32 to vector<16xi32>
    %add3A_643 = arith.addi %broadcast_in_dim3A_637, %add3A_642 : vector<16xi32>
    %select_n3A_644 = arith.select %lt3A_640, %add3A_643, %broadcast_in_dim3A_637 : vector<16xi1>, vector<16xi32>
    %broadcast_in_dim3A_645 = vector.shape_cast %select_n3A_644 : vector<16xi32> to vector<16x1xi32>
    %gather3A_646 = vector.shape_cast %broadcast_in_dim3A_645 : vector<16x1xi32> to vector<16xi32>
    %gather3A_647 = tpu.dynamic_gather %add3A_519[%gather3A_646] in [0] : vector<16xi32>, vector<16xi32> -> vector<16xi32>
    %eq3A_648 = arith.cmpi eq, %iota3A, %gather3A_647 : vector<16xi32>
    %jit3A_649 = arith.constant 6 : i32
    %jit3A_650 = arith.constant 0 : i32
    %broadcast_in_dim3A_651 = vector.broadcast %jit3A_649 : i32 to vector<16xi32>
    %broadcast_in_dim3A_652 = vector.broadcast %jit3A_650 : i32 to vector<16xi32>
    %select_n3A_653 = arith.select %eq3A_648, %broadcast_in_dim3A_651, %broadcast_in_dim3A_652 : vector<16xi1>, vector<16xi32>
    %add3A_654 = arith.addi %add3A_635, %select_n3A_653 : vector<16xi32>
    %broadcast_in_dim3A_655 = arith.constant 7 : i32
    %broadcast_in_dim3A_656 = vector.broadcast %broadcast_in_dim3A_655 : i32 to vector<16xi32>
    %lt3A_657 = arith.constant 0 : i32
    %lt3A_658 = vector.broadcast %lt3A_657 : i32 to vector<16xi32>
    %lt3A_659 = arith.cmpi slt, %broadcast_in_dim3A_656, %lt3A_658 : vector<16xi32>
    %add3A_660 = arith.constant 16 : i32
    %add3A_661 = vector.broadcast %add3A_660 : i32 to vector<16xi32>
    %add3A_662 = arith.addi %broadcast_in_dim3A_656, %add3A_661 : vector<16xi32>
    %select_n3A_663 = arith.select %lt3A_659, %add3A_662, %broadcast_in_dim3A_656 : vector<16xi1>, vector<16xi32>
    %broadcast_in_dim3A_664 = vector.shape_cast %select_n3A_663 : vector<16xi32> to vector<16x1xi32>
    %gather3A_665 = vector.shape_cast %broadcast_in_dim3A_664 : vector<16x1xi32> to vector<16xi32>
    %gather3A_666 = tpu.dynamic_gather %add3A_519[%gather3A_665] in [0] : vector<16xi32>, vector<16xi32> -> vector<16xi32>
    %eq3A_667 = arith.cmpi eq, %iota3A, %gather3A_666 : vector<16xi32>
    %jit3A_668 = arith.constant 7 : i32
    %jit3A_669 = arith.constant 0 : i32
    %broadcast_in_dim3A_670 = vector.broadcast %jit3A_668 : i32 to vector<16xi32>
    %broadcast_in_dim3A_671 = vector.broadcast %jit3A_669 : i32 to vector<16xi32>
    %select_n3A_672 = arith.select %eq3A_667, %broadcast_in_dim3A_670, %broadcast_in_dim3A_671 : vector<16xi1>, vector<16xi32>
    %add3A_673 = arith.addi %add3A_654, %select_n3A_672 : vector<16xi32>
    %broadcast_in_dim3A_674 = arith.constant 8 : i32
    %broadcast_in_dim3A_675 = vector.broadcast %broadcast_in_dim3A_674 : i32 to vector<16xi32>
    %lt3A_676 = arith.constant 0 : i32
    %lt3A_677 = vector.broadcast %lt3A_676 : i32 to vector<16xi32>
    %lt3A_678 = arith.cmpi slt, %broadcast_in_dim3A_675, %lt3A_677 : vector<16xi32>
    %add3A_679 = arith.constant 16 : i32
    %add3A_680 = vector.broadcast %add3A_679 : i32 to vector<16xi32>
    %add3A_681 = arith.addi %broadcast_in_dim3A_675, %add3A_680 : vector<16xi32>
    %select_n3A_682 = arith.select %lt3A_678, %add3A_681, %broadcast_in_dim3A_675 : vector<16xi1>, vector<16xi32>
    %broadcast_in_dim3A_683 = vector.shape_cast %select_n3A_682 : vector<16xi32> to vector<16x1xi32>
    %gather3A_684 = vector.shape_cast %broadcast_in_dim3A_683 : vector<16x1xi32> to vector<16xi32>
    %gather3A_685 = tpu.dynamic_gather %add3A_519[%gather3A_684] in [0] : vector<16xi32>, vector<16xi32> -> vector<16xi32>
    %eq3A_686 = arith.cmpi eq, %iota3A, %gather3A_685 : vector<16xi32>
    %jit3A_687 = arith.constant 8 : i32
    %jit3A_688 = arith.constant 0 : i32
    %broadcast_in_dim3A_689 = vector.broadcast %jit3A_687 : i32 to vector<16xi32>
    %broadcast_in_dim3A_690 = vector.broadcast %jit3A_688 : i32 to vector<16xi32>
    %select_n3A_691 = arith.select %eq3A_686, %broadcast_in_dim3A_689, %broadcast_in_dim3A_690 : vector<16xi1>, vector<16xi32>
    %add3A_692 = arith.addi %add3A_673, %select_n3A_691 : vector<16xi32>
    %broadcast_in_dim3A_693 = arith.constant 9 : i32
    %broadcast_in_dim3A_694 = vector.broadcast %broadcast_in_dim3A_693 : i32 to vector<16xi32>
    %lt3A_695 = arith.constant 0 : i32
    %lt3A_696 = vector.broadcast %lt3A_695 : i32 to vector<16xi32>
    %lt3A_697 = arith.cmpi slt, %broadcast_in_dim3A_694, %lt3A_696 : vector<16xi32>
    %add3A_698 = arith.constant 16 : i32
    %add3A_699 = vector.broadcast %add3A_698 : i32 to vector<16xi32>
    %add3A_700 = arith.addi %broadcast_in_dim3A_694, %add3A_699 : vector<16xi32>
    %select_n3A_701 = arith.select %lt3A_697, %add3A_700, %broadcast_in_dim3A_694 : vector<16xi1>, vector<16xi32>
    %broadcast_in_dim3A_702 = vector.shape_cast %select_n3A_701 : vector<16xi32> to vector<16x1xi32>
    %gather3A_703 = vector.shape_cast %broadcast_in_dim3A_702 : vector<16x1xi32> to vector<16xi32>
    %gather3A_704 = tpu.dynamic_gather %add3A_519[%gather3A_703] in [0] : vector<16xi32>, vector<16xi32> -> vector<16xi32>
    %eq3A_705 = arith.cmpi eq, %iota3A, %gather3A_704 : vector<16xi32>
    %jit3A_706 = arith.constant 9 : i32
    %jit3A_707 = arith.constant 0 : i32
    %broadcast_in_dim3A_708 = vector.broadcast %jit3A_706 : i32 to vector<16xi32>
    %broadcast_in_dim3A_709 = vector.broadcast %jit3A_707 : i32 to vector<16xi32>
    %select_n3A_710 = arith.select %eq3A_705, %broadcast_in_dim3A_708, %broadcast_in_dim3A_709 : vector<16xi1>, vector<16xi32>
    %add3A_711 = arith.addi %add3A_692, %select_n3A_710 : vector<16xi32>
    %broadcast_in_dim3A_712 = arith.constant 10 : i32
    %broadcast_in_dim3A_713 = vector.broadcast %broadcast_in_dim3A_712 : i32 to vector<16xi32>
    %lt3A_714 = arith.constant 0 : i32
    %lt3A_715 = vector.broadcast %lt3A_714 : i32 to vector<16xi32>
    %lt3A_716 = arith.cmpi slt, %broadcast_in_dim3A_713, %lt3A_715 : vector<16xi32>
    %add3A_717 = arith.constant 16 : i32
    %add3A_718 = vector.broadcast %add3A_717 : i32 to vector<16xi32>
    %add3A_719 = arith.addi %broadcast_in_dim3A_713, %add3A_718 : vector<16xi32>
    %select_n3A_720 = arith.select %lt3A_716, %add3A_719, %broadcast_in_dim3A_713 : vector<16xi1>, vector<16xi32>
    %broadcast_in_dim3A_721 = vector.shape_cast %select_n3A_720 : vector<16xi32> to vector<16x1xi32>
    %gather3A_722 = vector.shape_cast %broadcast_in_dim3A_721 : vector<16x1xi32> to vector<16xi32>
    %gather3A_723 = tpu.dynamic_gather %add3A_519[%gather3A_722] in [0] : vector<16xi32>, vector<16xi32> -> vector<16xi32>
    %eq3A_724 = arith.cmpi eq, %iota3A, %gather3A_723 : vector<16xi32>
    %jit3A_725 = arith.constant 10 : i32
    %jit3A_726 = arith.constant 0 : i32
    %broadcast_in_dim3A_727 = vector.broadcast %jit3A_725 : i32 to vector<16xi32>
    %broadcast_in_dim3A_728 = vector.broadcast %jit3A_726 : i32 to vector<16xi32>
    %select_n3A_729 = arith.select %eq3A_724, %broadcast_in_dim3A_727, %broadcast_in_dim3A_728 : vector<16xi1>, vector<16xi32>
    %add3A_730 = arith.addi %add3A_711, %select_n3A_729 : vector<16xi32>
    %broadcast_in_dim3A_731 = arith.constant 11 : i32
    %broadcast_in_dim3A_732 = vector.broadcast %broadcast_in_dim3A_731 : i32 to vector<16xi32>
    %lt3A_733 = arith.constant 0 : i32
    %lt3A_734 = vector.broadcast %lt3A_733 : i32 to vector<16xi32>
    %lt3A_735 = arith.cmpi slt, %broadcast_in_dim3A_732, %lt3A_734 : vector<16xi32>
    %add3A_736 = arith.constant 16 : i32
    %add3A_737 = vector.broadcast %add3A_736 : i32 to vector<16xi32>
    %add3A_738 = arith.addi %broadcast_in_dim3A_732, %add3A_737 : vector<16xi32>
    %select_n3A_739 = arith.select %lt3A_735, %add3A_738, %broadcast_in_dim3A_732 : vector<16xi1>, vector<16xi32>
    %broadcast_in_dim3A_740 = vector.shape_cast %select_n3A_739 : vector<16xi32> to vector<16x1xi32>
    %gather3A_741 = vector.shape_cast %broadcast_in_dim3A_740 : vector<16x1xi32> to vector<16xi32>
    %gather3A_742 = tpu.dynamic_gather %add3A_519[%gather3A_741] in [0] : vector<16xi32>, vector<16xi32> -> vector<16xi32>
    %eq3A_743 = arith.cmpi eq, %iota3A, %gather3A_742 : vector<16xi32>
    %jit3A_744 = arith.constant 11 : i32
    %jit3A_745 = arith.constant 0 : i32
    %broadcast_in_dim3A_746 = vector.broadcast %jit3A_744 : i32 to vector<16xi32>
    %broadcast_in_dim3A_747 = vector.broadcast %jit3A_745 : i32 to vector<16xi32>
    %select_n3A_748 = arith.select %eq3A_743, %broadcast_in_dim3A_746, %broadcast_in_dim3A_747 : vector<16xi1>, vector<16xi32>
    %add3A_749 = arith.addi %add3A_730, %select_n3A_748 : vector<16xi32>
    %broadcast_in_dim3A_750 = arith.constant 12 : i32
    %broadcast_in_dim3A_751 = vector.broadcast %broadcast_in_dim3A_750 : i32 to vector<16xi32>
    %lt3A_752 = arith.constant 0 : i32
    %lt3A_753 = vector.broadcast %lt3A_752 : i32 to vector<16xi32>
    %lt3A_754 = arith.cmpi slt, %broadcast_in_dim3A_751, %lt3A_753 : vector<16xi32>
    %add3A_755 = arith.constant 16 : i32
    %add3A_756 = vector.broadcast %add3A_755 : i32 to vector<16xi32>
    %add3A_757 = arith.addi %broadcast_in_dim3A_751, %add3A_756 : vector<16xi32>
    %select_n3A_758 = arith.select %lt3A_754, %add3A_757, %broadcast_in_dim3A_751 : vector<16xi1>, vector<16xi32>
    %broadcast_in_dim3A_759 = vector.shape_cast %select_n3A_758 : vector<16xi32> to vector<16x1xi32>
    %gather3A_760 = vector.shape_cast %broadcast_in_dim3A_759 : vector<16x1xi32> to vector<16xi32>
    %gather3A_761 = tpu.dynamic_gather %add3A_519[%gather3A_760] in [0] : vector<16xi32>, vector<16xi32> -> vector<16xi32>
    %eq3A_762 = arith.cmpi eq, %iota3A, %gather3A_761 : vector<16xi32>
    %jit3A_763 = arith.constant 12 : i32
    %jit3A_764 = arith.constant 0 : i32
    %broadcast_in_dim3A_765 = vector.broadcast %jit3A_763 : i32 to vector<16xi32>
    %broadcast_in_dim3A_766 = vector.broadcast %jit3A_764 : i32 to vector<16xi32>
    %select_n3A_767 = arith.select %eq3A_762, %broadcast_in_dim3A_765, %broadcast_in_dim3A_766 : vector<16xi1>, vector<16xi32>
    %add3A_768 = arith.addi %add3A_749, %select_n3A_767 : vector<16xi32>
    %broadcast_in_dim3A_769 = arith.constant 13 : i32
    %broadcast_in_dim3A_770 = vector.broadcast %broadcast_in_dim3A_769 : i32 to vector<16xi32>
    %lt3A_771 = arith.constant 0 : i32
    %lt3A_772 = vector.broadcast %lt3A_771 : i32 to vector<16xi32>
    %lt3A_773 = arith.cmpi slt, %broadcast_in_dim3A_770, %lt3A_772 : vector<16xi32>
    %add3A_774 = arith.constant 16 : i32
    %add3A_775 = vector.broadcast %add3A_774 : i32 to vector<16xi32>
    %add3A_776 = arith.addi %broadcast_in_dim3A_770, %add3A_775 : vector<16xi32>
    %select_n3A_777 = arith.select %lt3A_773, %add3A_776, %broadcast_in_dim3A_770 : vector<16xi1>, vector<16xi32>
    %broadcast_in_dim3A_778 = vector.shape_cast %select_n3A_777 : vector<16xi32> to vector<16x1xi32>
    %gather3A_779 = vector.shape_cast %broadcast_in_dim3A_778 : vector<16x1xi32> to vector<16xi32>
    %gather3A_780 = tpu.dynamic_gather %add3A_519[%gather3A_779] in [0] : vector<16xi32>, vector<16xi32> -> vector<16xi32>
    %eq3A_781 = arith.cmpi eq, %iota3A, %gather3A_780 : vector<16xi32>
    %jit3A_782 = arith.constant 13 : i32
    %jit3A_783 = arith.constant 0 : i32
    %broadcast_in_dim3A_784 = vector.broadcast %jit3A_782 : i32 to vector<16xi32>
    %broadcast_in_dim3A_785 = vector.broadcast %jit3A_783 : i32 to vector<16xi32>
    %select_n3A_786 = arith.select %eq3A_781, %broadcast_in_dim3A_784, %broadcast_in_dim3A_785 : vector<16xi1>, vector<16xi32>
    %add3A_787 = arith.addi %add3A_768, %select_n3A_786 : vector<16xi32>
    %broadcast_in_dim3A_788 = arith.constant 14 : i32
    %broadcast_in_dim3A_789 = vector.broadcast %broadcast_in_dim3A_788 : i32 to vector<16xi32>
    %lt3A_790 = arith.constant 0 : i32
    %lt3A_791 = vector.broadcast %lt3A_790 : i32 to vector<16xi32>
    %lt3A_792 = arith.cmpi slt, %broadcast_in_dim3A_789, %lt3A_791 : vector<16xi32>
    %add3A_793 = arith.constant 16 : i32
    %add3A_794 = vector.broadcast %add3A_793 : i32 to vector<16xi32>
    %add3A_795 = arith.addi %broadcast_in_dim3A_789, %add3A_794 : vector<16xi32>
    %select_n3A_796 = arith.select %lt3A_792, %add3A_795, %broadcast_in_dim3A_789 : vector<16xi1>, vector<16xi32>
    %broadcast_in_dim3A_797 = vector.shape_cast %select_n3A_796 : vector<16xi32> to vector<16x1xi32>
    %gather3A_798 = vector.shape_cast %broadcast_in_dim3A_797 : vector<16x1xi32> to vector<16xi32>
    %gather3A_799 = tpu.dynamic_gather %add3A_519[%gather3A_798] in [0] : vector<16xi32>, vector<16xi32> -> vector<16xi32>
    %eq3A_800 = arith.cmpi eq, %iota3A, %gather3A_799 : vector<16xi32>
    %jit3A_801 = arith.constant 14 : i32
    %jit3A_802 = arith.constant 0 : i32
    %broadcast_in_dim3A_803 = vector.broadcast %jit3A_801 : i32 to vector<16xi32>
    %broadcast_in_dim3A_804 = vector.broadcast %jit3A_802 : i32 to vector<16xi32>
    %select_n3A_805 = arith.select %eq3A_800, %broadcast_in_dim3A_803, %broadcast_in_dim3A_804 : vector<16xi1>, vector<16xi32>
    %add3A_806 = arith.addi %add3A_787, %select_n3A_805 : vector<16xi32>
    %broadcast_in_dim3A_807 = arith.constant 15 : i32
    %broadcast_in_dim3A_808 = vector.broadcast %broadcast_in_dim3A_807 : i32 to vector<16xi32>
    %lt3A_809 = arith.constant 0 : i32
    %lt3A_810 = vector.broadcast %lt3A_809 : i32 to vector<16xi32>
    %lt3A_811 = arith.cmpi slt, %broadcast_in_dim3A_808, %lt3A_810 : vector<16xi32>
    %add3A_812 = arith.constant 16 : i32
    %add3A_813 = vector.broadcast %add3A_812 : i32 to vector<16xi32>
    %add3A_814 = arith.addi %broadcast_in_dim3A_808, %add3A_813 : vector<16xi32>
    %select_n3A_815 = arith.select %lt3A_811, %add3A_814, %broadcast_in_dim3A_808 : vector<16xi1>, vector<16xi32>
    %broadcast_in_dim3A_816 = vector.shape_cast %select_n3A_815 : vector<16xi32> to vector<16x1xi32>
    %gather3A_817 = vector.shape_cast %broadcast_in_dim3A_816 : vector<16x1xi32> to vector<16xi32>
    %gather3A_818 = tpu.dynamic_gather %add3A_519[%gather3A_817] in [0] : vector<16xi32>, vector<16xi32> -> vector<16xi32>
    %eq3A_819 = arith.cmpi eq, %iota3A, %gather3A_818 : vector<16xi32>
    %jit3A_820 = arith.constant 15 : i32
    %jit3A_821 = arith.constant 0 : i32
    %broadcast_in_dim3A_822 = vector.broadcast %jit3A_820 : i32 to vector<16xi32>
    %broadcast_in_dim3A_823 = vector.broadcast %jit3A_821 : i32 to vector<16xi32>
    %select_n3A_824 = arith.select %eq3A_819, %broadcast_in_dim3A_822, %broadcast_in_dim3A_823 : vector<16xi1>, vector<16xi32>
    %add3A_825 = arith.addi %add3A_806, %select_n3A_824 : vector<16xi32>
    %lt3A_826 = arith.constant 0 : i32
    %lt3A_827 = vector.broadcast %lt3A_826 : i32 to vector<16xi32>
    %lt3A_828 = arith.cmpi slt, %add3A_825, %lt3A_827 : vector<16xi32>
    %add3A_829 = arith.constant 16 : i32
    %add3A_830 = vector.broadcast %add3A_829 : i32 to vector<16xi32>
    %add3A_831 = arith.addi %add3A_825, %add3A_830 : vector<16xi32>
    %select_n3A_832 = arith.select %lt3A_828, %add3A_831, %add3A_825 : vector<16xi1>, vector<16xi32>
    %broadcast_in_dim3A_833 = vector.shape_cast %select_n3A_832 : vector<16xi32> to vector<16x1xi32>
    %gather3A_834 = vector.shape_cast %broadcast_in_dim3A_833 : vector<16x1xi32> to vector<16xi32>
    %gather3A_835 = tpu.dynamic_gather %select_n3A[%gather3A_834] in [0] : vector<16xf32>, vector<16xi32> -> vector<16xf32>
    %sub3A = arith.constant 1 : i32
    %sub3A_836 = vector.broadcast %sub3A : i32 to vector<16xi32>
    %sub3A_837 = arith.subi %iota3A, %sub3A_836 : vector<16xi32>
    %max3A = arith.constant 0 : i32
    %max3A_838 = vector.broadcast %max3A : i32 to vector<16xi32>
    %max3A_839 = arith.maxsi %sub3A_837, %max3A_838 : vector<16xi32>
    %lt3A_840 = arith.constant 0 : i32
    %lt3A_841 = vector.broadcast %lt3A_840 : i32 to vector<16xi32>
    %lt3A_842 = arith.cmpi slt, %max3A_839, %lt3A_841 : vector<16xi32>
    %add3A_843 = arith.constant 16 : i32
    %add3A_844 = vector.broadcast %add3A_843 : i32 to vector<16xi32>
    %add3A_845 = arith.addi %max3A_839, %add3A_844 : vector<16xi32>
    %select_n3A_846 = arith.select %lt3A_842, %add3A_845, %max3A_839 : vector<16xi1>, vector<16xi32>
    %broadcast_in_dim3A_847 = vector.shape_cast %select_n3A_846 : vector<16xi32> to vector<16x1xi32>
    %gather3A_848 = vector.shape_cast %broadcast_in_dim3A_847 : vector<16x1xi32> to vector<16xi32>
    %gather3A_849 = tpu.dynamic_gather %gather3A_835[%gather3A_848] in [0] : vector<16xf32>, vector<16xi32> -> vector<16xf32>
    %eq3A_850 = arith.constant 0 : i32
    %eq3A_851 = vector.broadcast %eq3A_850 : i32 to vector<16xi32>
    %eq3A_852 = arith.cmpi eq, %iota3A, %eq3A_851 : vector<16xi32>
    %gt3A_853 = arith.cmpf ogt, %gather3A_835, %gather3A_849 : vector<16xf32>
    %jit3A_854 = arith.constant 1 : i32
    %jit3A_855 = arith.constant 0 : i32
    %broadcast_in_dim3A_856 = vector.broadcast %jit3A_854 : i32 to vector<16xi32>
    %broadcast_in_dim3A_857 = vector.broadcast %jit3A_855 : i32 to vector<16xi32>
    %select_n3A_858 = arith.select %gt3A_853, %broadcast_in_dim3A_856, %broadcast_in_dim3A_857 : vector<16xi1>, vector<16xi32>
    %jit3A_859 = arith.constant 1 : i32
    %broadcast_in_dim3A_860 = vector.broadcast %jit3A_859 : i32 to vector<16xi32>
    %select_n3A_861 = arith.select %eq3A_852, %broadcast_in_dim3A_860, %select_n3A_858 : vector<16xi1>, vector<16xi32>
    %sub3A_862 = arith.constant 1 : i32
    %sub3A_863 = vector.broadcast %sub3A_862 : i32 to vector<16xi32>
    %sub3A_864 = arith.subi %iota3A, %sub3A_863 : vector<16xi32>
    %max3A_865 = arith.constant 0 : i32
    %max3A_866 = vector.broadcast %max3A_865 : i32 to vector<16xi32>
    %max3A_867 = arith.maxsi %sub3A_864, %max3A_866 : vector<16xi32>
    %lt3A_868 = arith.constant 0 : i32
    %lt3A_869 = vector.broadcast %lt3A_868 : i32 to vector<16xi32>
    %lt3A_870 = arith.cmpi slt, %max3A_867, %lt3A_869 : vector<16xi32>
    %add3A_871 = arith.constant 16 : i32
    %add3A_872 = vector.broadcast %add3A_871 : i32 to vector<16xi32>
    %add3A_873 = arith.addi %max3A_867, %add3A_872 : vector<16xi32>
    %select_n3A_874 = arith.select %lt3A_870, %add3A_873, %max3A_867 : vector<16xi1>, vector<16xi32>
    %broadcast_in_dim3A_875 = vector.shape_cast %select_n3A_874 : vector<16xi32> to vector<16x1xi32>
    %gather3A_876 = vector.shape_cast %broadcast_in_dim3A_875 : vector<16x1xi32> to vector<16xi32>
    %gather3A_877 = tpu.dynamic_gather %select_n3A_861[%gather3A_876] in [0] : vector<16xi32>, vector<16xi32> -> vector<16xi32>
    %ge3A = arith.constant 1 : i32
    %ge3A_878 = vector.broadcast %ge3A : i32 to vector<16xi32>
    %ge3A_879 = arith.cmpi sge, %iota3A, %ge3A_878 : vector<16xi32>
    %jit3A_880 = arith.constant 0 : i32
    %broadcast_in_dim3A_881 = vector.broadcast %jit3A_880 : i32 to vector<16xi32>
    %select_n3A_882 = arith.select %ge3A_879, %gather3A_877, %broadcast_in_dim3A_881 : vector<16xi1>, vector<16xi32>
    %add3A_883 = arith.addi %select_n3A_861, %select_n3A_882 : vector<16xi32>
    %sub3A_884 = arith.constant 2 : i32
    %sub3A_885 = vector.broadcast %sub3A_884 : i32 to vector<16xi32>
    %sub3A_886 = arith.subi %iota3A, %sub3A_885 : vector<16xi32>
    %max3A_887 = arith.constant 0 : i32
    %max3A_888 = vector.broadcast %max3A_887 : i32 to vector<16xi32>
    %max3A_889 = arith.maxsi %sub3A_886, %max3A_888 : vector<16xi32>
    %lt3A_890 = arith.constant 0 : i32
    %lt3A_891 = vector.broadcast %lt3A_890 : i32 to vector<16xi32>
    %lt3A_892 = arith.cmpi slt, %max3A_889, %lt3A_891 : vector<16xi32>
    %add3A_893 = arith.constant 16 : i32
    %add3A_894 = vector.broadcast %add3A_893 : i32 to vector<16xi32>
    %add3A_895 = arith.addi %max3A_889, %add3A_894 : vector<16xi32>
    %select_n3A_896 = arith.select %lt3A_892, %add3A_895, %max3A_889 : vector<16xi1>, vector<16xi32>
    %broadcast_in_dim3A_897 = vector.shape_cast %select_n3A_896 : vector<16xi32> to vector<16x1xi32>
    %gather3A_898 = vector.shape_cast %broadcast_in_dim3A_897 : vector<16x1xi32> to vector<16xi32>
    %gather3A_899 = tpu.dynamic_gather %add3A_883[%gather3A_898] in [0] : vector<16xi32>, vector<16xi32> -> vector<16xi32>
    %ge3A_900 = arith.constant 2 : i32
    %ge3A_901 = vector.broadcast %ge3A_900 : i32 to vector<16xi32>
    %ge3A_902 = arith.cmpi sge, %iota3A, %ge3A_901 : vector<16xi32>
    %jit3A_903 = arith.constant 0 : i32
    %broadcast_in_dim3A_904 = vector.broadcast %jit3A_903 : i32 to vector<16xi32>
    %select_n3A_905 = arith.select %ge3A_902, %gather3A_899, %broadcast_in_dim3A_904 : vector<16xi1>, vector<16xi32>
    %add3A_906 = arith.addi %add3A_883, %select_n3A_905 : vector<16xi32>
    %sub3A_907 = arith.constant 4 : i32
    %sub3A_908 = vector.broadcast %sub3A_907 : i32 to vector<16xi32>
    %sub3A_909 = arith.subi %iota3A, %sub3A_908 : vector<16xi32>
    %max3A_910 = arith.constant 0 : i32
    %max3A_911 = vector.broadcast %max3A_910 : i32 to vector<16xi32>
    %max3A_912 = arith.maxsi %sub3A_909, %max3A_911 : vector<16xi32>
    %lt3A_913 = arith.constant 0 : i32
    %lt3A_914 = vector.broadcast %lt3A_913 : i32 to vector<16xi32>
    %lt3A_915 = arith.cmpi slt, %max3A_912, %lt3A_914 : vector<16xi32>
    %add3A_916 = arith.constant 16 : i32
    %add3A_917 = vector.broadcast %add3A_916 : i32 to vector<16xi32>
    %add3A_918 = arith.addi %max3A_912, %add3A_917 : vector<16xi32>
    %select_n3A_919 = arith.select %lt3A_915, %add3A_918, %max3A_912 : vector<16xi1>, vector<16xi32>
    %broadcast_in_dim3A_920 = vector.shape_cast %select_n3A_919 : vector<16xi32> to vector<16x1xi32>
    %gather3A_921 = vector.shape_cast %broadcast_in_dim3A_920 : vector<16x1xi32> to vector<16xi32>
    %gather3A_922 = tpu.dynamic_gather %add3A_906[%gather3A_921] in [0] : vector<16xi32>, vector<16xi32> -> vector<16xi32>
    %ge3A_923 = arith.constant 4 : i32
    %ge3A_924 = vector.broadcast %ge3A_923 : i32 to vector<16xi32>
    %ge3A_925 = arith.cmpi sge, %iota3A, %ge3A_924 : vector<16xi32>
    %jit3A_926 = arith.constant 0 : i32
    %broadcast_in_dim3A_927 = vector.broadcast %jit3A_926 : i32 to vector<16xi32>
    %select_n3A_928 = arith.select %ge3A_925, %gather3A_922, %broadcast_in_dim3A_927 : vector<16xi1>, vector<16xi32>
    %add3A_929 = arith.addi %add3A_906, %select_n3A_928 : vector<16xi32>
    %sub3A_930 = arith.constant 8 : i32
    %sub3A_931 = vector.broadcast %sub3A_930 : i32 to vector<16xi32>
    %sub3A_932 = arith.subi %iota3A, %sub3A_931 : vector<16xi32>
    %max3A_933 = arith.constant 0 : i32
    %max3A_934 = vector.broadcast %max3A_933 : i32 to vector<16xi32>
    %max3A_935 = arith.maxsi %sub3A_932, %max3A_934 : vector<16xi32>
    %lt3A_936 = arith.constant 0 : i32
    %lt3A_937 = vector.broadcast %lt3A_936 : i32 to vector<16xi32>
    %lt3A_938 = arith.cmpi slt, %max3A_935, %lt3A_937 : vector<16xi32>
    %add3A_939 = arith.constant 16 : i32
    %add3A_940 = vector.broadcast %add3A_939 : i32 to vector<16xi32>
    %add3A_941 = arith.addi %max3A_935, %add3A_940 : vector<16xi32>
    %select_n3A_942 = arith.select %lt3A_938, %add3A_941, %max3A_935 : vector<16xi1>, vector<16xi32>
    %broadcast_in_dim3A_943 = vector.shape_cast %select_n3A_942 : vector<16xi32> to vector<16x1xi32>
    %gather3A_944 = vector.shape_cast %broadcast_in_dim3A_943 : vector<16x1xi32> to vector<16xi32>
    %gather3A_945 = tpu.dynamic_gather %add3A_929[%gather3A_944] in [0] : vector<16xi32>, vector<16xi32> -> vector<16xi32>
    %ge3A_946 = arith.constant 8 : i32
    %ge3A_947 = vector.broadcast %ge3A_946 : i32 to vector<16xi32>
    %ge3A_948 = arith.cmpi sge, %iota3A, %ge3A_947 : vector<16xi32>
    %jit3A_949 = arith.constant 0 : i32
    %broadcast_in_dim3A_950 = vector.broadcast %jit3A_949 : i32 to vector<16xi32>
    %select_n3A_951 = arith.select %ge3A_948, %gather3A_945, %broadcast_in_dim3A_950 : vector<16xi1>, vector<16xi32>
    %add3A_952 = arith.addi %add3A_929, %select_n3A_951 : vector<16xi32>
    %sub3A_953 = arith.subi %add3A_952, %select_n3A_861 : vector<16xi32>
    %broadcast_in_dim3A_954 = arith.constant 15 : i32
    %broadcast_in_dim3A_955 = vector.broadcast %broadcast_in_dim3A_954 : i32 to vector<16xi32>
    %lt3A_956 = arith.constant 0 : i32
    %lt3A_957 = vector.broadcast %lt3A_956 : i32 to vector<16xi32>
    %lt3A_958 = arith.cmpi slt, %broadcast_in_dim3A_955, %lt3A_957 : vector<16xi32>
    %add3A_959 = arith.constant 16 : i32
    %add3A_960 = vector.broadcast %add3A_959 : i32 to vector<16xi32>
    %add3A_961 = arith.addi %broadcast_in_dim3A_955, %add3A_960 : vector<16xi32>
    %select_n3A_962 = arith.select %lt3A_958, %add3A_961, %broadcast_in_dim3A_955 : vector<16xi1>, vector<16xi32>
    %broadcast_in_dim3A_963 = vector.shape_cast %select_n3A_962 : vector<16xi32> to vector<16x1xi32>
    %gather3A_964 = vector.shape_cast %broadcast_in_dim3A_963 : vector<16x1xi32> to vector<16xi32>
    %gather3A_965 = tpu.dynamic_gather %add3A_952[%gather3A_964] in [0] : vector<16xi32>, vector<16xi32> -> vector<16xi32>
    %broadcast_in_dim3A_966 = arith.constant 0 : i32
    %broadcast_in_dim3A_967 = vector.broadcast %broadcast_in_dim3A_966 : i32 to vector<16xi32>
    %get3A_968 = arith.constant 0 : index
    %get3A_969 = tpu.vector_load %arg11[%get3A_968] {strides = array<i32>} : memref<272xi32, #tpu.memory_space<vmem>>, vector<16xi32>,
    %get3A_970 = vector.shape_cast %get3A_969 : vector<16xi32> to vector<16xi32>
    %eq3A_971 = arith.constant 0 : i32
    %eq3A_972 = vector.broadcast %eq3A_971 : i32 to vector<16xi32>
    %eq3A_973 = arith.cmpi eq, %gather3A_965, %eq3A_972 : vector<16xi32>
    %jit3A_974 = arith.constant 1 : i32
    %jit3A_975 = arith.constant 0 : i32
    %broadcast_in_dim3A_976 = vector.broadcast %jit3A_974 : i32 to vector<16xi32>
    %broadcast_in_dim3A_977 = vector.broadcast %jit3A_975 : i32 to vector<16xi32>
    %select_n3A_978 = arith.select %eq3A_973, %broadcast_in_dim3A_976, %broadcast_in_dim3A_977 : vector<16xi1>, vector<16xi32>
    %mul3A_979 = arith.muli %get3A_970, %select_n3A_978 : vector<16xi32>
    %add3A_980 = arith.addi %broadcast_in_dim3A_967, %mul3A_979 : vector<16xi32>
    %get3A_981 = arith.constant 16 : index
    %get3A_982 = tpu.vector_load %arg11[%get3A_981] {strides = array<i32>} : memref<272xi32, #tpu.memory_space<vmem>>, vector<16xi32>,
    %get3A_983 = vector.shape_cast %get3A_982 : vector<16xi32> to vector<16xi32>
    %eq3A_984 = arith.constant 1 : i32
    %eq3A_985 = vector.broadcast %eq3A_984 : i32 to vector<16xi32>
    %eq3A_986 = arith.cmpi eq, %gather3A_965, %eq3A_985 : vector<16xi32>
    %jit3A_987 = arith.constant 1 : i32
    %jit3A_988 = arith.constant 0 : i32
    %broadcast_in_dim3A_989 = vector.broadcast %jit3A_987 : i32 to vector<16xi32>
    %broadcast_in_dim3A_990 = vector.broadcast %jit3A_988 : i32 to vector<16xi32>
    %select_n3A_991 = arith.select %eq3A_986, %broadcast_in_dim3A_989, %broadcast_in_dim3A_990 : vector<16xi1>, vector<16xi32>
    %mul3A_992 = arith.muli %get3A_983, %select_n3A_991 : vector<16xi32>
    %add3A_993 = arith.addi %add3A_980, %mul3A_992 : vector<16xi32>
    %get3A_994 = arith.constant 32 : index
    %get3A_995 = tpu.vector_load %arg11[%get3A_994] {strides = array<i32>} : memref<272xi32, #tpu.memory_space<vmem>>, vector<16xi32>,
    %get3A_996 = vector.shape_cast %get3A_995 : vector<16xi32> to vector<16xi32>
    %eq3A_997 = arith.constant 2 : i32
    %eq3A_998 = vector.broadcast %eq3A_997 : i32 to vector<16xi32>
    %eq3A_999 = arith.cmpi eq, %gather3A_965, %eq3A_998 : vector<16xi32>
    %jit3A_1000 = arith.constant 1 : i32
    %jit3A_1001 = arith.constant 0 : i32
    %broadcast_in_dim3A_1002 = vector.broadcast %jit3A_1000 : i32 to vector<16xi32>
    %broadcast_in_dim3A_1003 = vector.broadcast %jit3A_1001 : i32 to vector<16xi32>
    %select_n3A_1004 = arith.select %eq3A_999, %broadcast_in_dim3A_1002, %broadcast_in_dim3A_1003 : vector<16xi1>, vector<16xi32>
    %mul3A_1005 = arith.muli %get3A_996, %select_n3A_1004 : vector<16xi32>
    %add3A_1006 = arith.addi %add3A_993, %mul3A_1005 : vector<16xi32>
    %get3A_1007 = arith.constant 48 : index
    %get3A_1008 = tpu.vector_load %arg11[%get3A_1007] {strides = array<i32>} : memref<272xi32, #tpu.memory_space<vmem>>, vector<16xi32>,
    %get3A_1009 = vector.shape_cast %get3A_1008 : vector<16xi32> to vector<16xi32>
    %eq3A_1010 = arith.constant 3 : i32
    %eq3A_1011 = vector.broadcast %eq3A_1010 : i32 to vector<16xi32>
    %eq3A_1012 = arith.cmpi eq, %gather3A_965, %eq3A_1011 : vector<16xi32>
    %jit3A_1013 = arith.constant 1 : i32
    %jit3A_1014 = arith.constant 0 : i32
    %broadcast_in_dim3A_1015 = vector.broadcast %jit3A_1013 : i32 to vector<16xi32>
    %broadcast_in_dim3A_1016 = vector.broadcast %jit3A_1014 : i32 to vector<16xi32>
    %select_n3A_1017 = arith.select %eq3A_1012, %broadcast_in_dim3A_1015, %broadcast_in_dim3A_1016 : vector<16xi1>, vector<16xi32>
    %mul3A_1018 = arith.muli %get3A_1009, %select_n3A_1017 : vector<16xi32>
    %add3A_1019 = arith.addi %add3A_1006, %mul3A_1018 : vector<16xi32>
    %get3A_1020 = arith.constant 64 : index
    %get3A_1021 = tpu.vector_load %arg11[%get3A_1020] {strides = array<i32>} : memref<272xi32, #tpu.memory_space<vmem>>, vector<16xi32>,
    %get3A_1022 = vector.shape_cast %get3A_1021 : vector<16xi32> to vector<16xi32>
    %eq3A_1023 = arith.constant 4 : i32
    %eq3A_1024 = vector.broadcast %eq3A_1023 : i32 to vector<16xi32>
    %eq3A_1025 = arith.cmpi eq, %gather3A_965, %eq3A_1024 : vector<16xi32>
    %jit3A_1026 = arith.constant 1 : i32
    %jit3A_1027 = arith.constant 0 : i32
    %broadcast_in_dim3A_1028 = vector.broadcast %jit3A_1026 : i32 to vector<16xi32>
    %broadcast_in_dim3A_1029 = vector.broadcast %jit3A_1027 : i32 to vector<16xi32>
    %select_n3A_1030 = arith.select %eq3A_1025, %broadcast_in_dim3A_1028, %broadcast_in_dim3A_1029 : vector<16xi1>, vector<16xi32>
    %mul3A_1031 = arith.muli %get3A_1022, %select_n3A_1030 : vector<16xi32>
    %add3A_1032 = arith.addi %add3A_1019, %mul3A_1031 : vector<16xi32>
    %get3A_1033 = arith.constant 80 : index
    %get3A_1034 = tpu.vector_load %arg11[%get3A_1033] {strides = array<i32>} : memref<272xi32, #tpu.memory_space<vmem>>, vector<16xi32>,
    %get3A_1035 = vector.shape_cast %get3A_1034 : vector<16xi32> to vector<16xi32>
    %eq3A_1036 = arith.constant 5 : i32
    %eq3A_1037 = vector.broadcast %eq3A_1036 : i32 to vector<16xi32>
    %eq3A_1038 = arith.cmpi eq, %gather3A_965, %eq3A_1037 : vector<16xi32>
    %jit3A_1039 = arith.constant 1 : i32
    %jit3A_1040 = arith.constant 0 : i32
    %broadcast_in_dim3A_1041 = vector.broadcast %jit3A_1039 : i32 to vector<16xi32>
    %broadcast_in_dim3A_1042 = vector.broadcast %jit3A_1040 : i32 to vector<16xi32>
    %select_n3A_1043 = arith.select %eq3A_1038, %broadcast_in_dim3A_1041, %broadcast_in_dim3A_1042 : vector<16xi1>, vector<16xi32>
    %mul3A_1044 = arith.muli %get3A_1035, %select_n3A_1043 : vector<16xi32>
    %add3A_1045 = arith.addi %add3A_1032, %mul3A_1044 : vector<16xi32>
    %get3A_1046 = arith.constant 96 : index
    %get3A_1047 = tpu.vector_load %arg11[%get3A_1046] {strides = array<i32>} : memref<272xi32, #tpu.memory_space<vmem>>, vector<16xi32>,
    %get3A_1048 = vector.shape_cast %get3A_1047 : vector<16xi32> to vector<16xi32>
    %eq3A_1049 = arith.constant 6 : i32
    %eq3A_1050 = vector.broadcast %eq3A_1049 : i32 to vector<16xi32>
    %eq3A_1051 = arith.cmpi eq, %gather3A_965, %eq3A_1050 : vector<16xi32>
    %jit3A_1052 = arith.constant 1 : i32
    %jit3A_1053 = arith.constant 0 : i32
    %broadcast_in_dim3A_1054 = vector.broadcast %jit3A_1052 : i32 to vector<16xi32>
    %broadcast_in_dim3A_1055 = vector.broadcast %jit3A_1053 : i32 to vector<16xi32>
    %select_n3A_1056 = arith.select %eq3A_1051, %broadcast_in_dim3A_1054, %broadcast_in_dim3A_1055 : vector<16xi1>, vector<16xi32>
    %mul3A_1057 = arith.muli %get3A_1048, %select_n3A_1056 : vector<16xi32>
    %add3A_1058 = arith.addi %add3A_1045, %mul3A_1057 : vector<16xi32>
    %get3A_1059 = arith.constant 112 : index
    %get3A_1060 = tpu.vector_load %arg11[%get3A_1059] {strides = array<i32>} : memref<272xi32, #tpu.memory_space<vmem>>, vector<16xi32>,
    %get3A_1061 = vector.shape_cast %get3A_1060 : vector<16xi32> to vector<16xi32>
    %eq3A_1062 = arith.constant 7 : i32
    %eq3A_1063 = vector.broadcast %eq3A_1062 : i32 to vector<16xi32>
    %eq3A_1064 = arith.cmpi eq, %gather3A_965, %eq3A_1063 : vector<16xi32>
    %jit3A_1065 = arith.constant 1 : i32
    %jit3A_1066 = arith.constant 0 : i32
    %broadcast_in_dim3A_1067 = vector.broadcast %jit3A_1065 : i32 to vector<16xi32>
    %broadcast_in_dim3A_1068 = vector.broadcast %jit3A_1066 : i32 to vector<16xi32>
    %select_n3A_1069 = arith.select %eq3A_1064, %broadcast_in_dim3A_1067, %broadcast_in_dim3A_1068 : vector<16xi1>, vector<16xi32>
    %mul3A_1070 = arith.muli %get3A_1061, %select_n3A_1069 : vector<16xi32>
    %add3A_1071 = arith.addi %add3A_1058, %mul3A_1070 : vector<16xi32>
    %get3A_1072 = arith.constant 128 : index
    %get3A_1073 = tpu.vector_load %arg11[%get3A_1072] {strides = array<i32>} : memref<272xi32, #tpu.memory_space<vmem>>, vector<16xi32>,
    %get3A_1074 = vector.shape_cast %get3A_1073 : vector<16xi32> to vector<16xi32>
    %eq3A_1075 = arith.constant 8 : i32
    %eq3A_1076 = vector.broadcast %eq3A_1075 : i32 to vector<16xi32>
    %eq3A_1077 = arith.cmpi eq, %gather3A_965, %eq3A_1076 : vector<16xi32>
    %jit3A_1078 = arith.constant 1 : i32
    %jit3A_1079 = arith.constant 0 : i32
    %broadcast_in_dim3A_1080 = vector.broadcast %jit3A_1078 : i32 to vector<16xi32>
    %broadcast_in_dim3A_1081 = vector.broadcast %jit3A_1079 : i32 to vector<16xi32>
    %select_n3A_1082 = arith.select %eq3A_1077, %broadcast_in_dim3A_1080, %broadcast_in_dim3A_1081 : vector<16xi1>, vector<16xi32>
    %mul3A_1083 = arith.muli %get3A_1074, %select_n3A_1082 : vector<16xi32>
    %add3A_1084 = arith.addi %add3A_1071, %mul3A_1083 : vector<16xi32>
    %get3A_1085 = arith.constant 144 : index
    %get3A_1086 = tpu.vector_load %arg11[%get3A_1085] {strides = array<i32>} : memref<272xi32, #tpu.memory_space<vmem>>, vector<16xi32>,
    %get3A_1087 = vector.shape_cast %get3A_1086 : vector<16xi32> to vector<16xi32>
    %eq3A_1088 = arith.constant 9 : i32
    %eq3A_1089 = vector.broadcast %eq3A_1088 : i32 to vector<16xi32>
    %eq3A_1090 = arith.cmpi eq, %gather3A_965, %eq3A_1089 : vector<16xi32>
    %jit3A_1091 = arith.constant 1 : i32
    %jit3A_1092 = arith.constant 0 : i32
    %broadcast_in_dim3A_1093 = vector.broadcast %jit3A_1091 : i32 to vector<16xi32>
    %broadcast_in_dim3A_1094 = vector.broadcast %jit3A_1092 : i32 to vector<16xi32>
    %select_n3A_1095 = arith.select %eq3A_1090, %broadcast_in_dim3A_1093, %broadcast_in_dim3A_1094 : vector<16xi1>, vector<16xi32>
    %mul3A_1096 = arith.muli %get3A_1087, %select_n3A_1095 : vector<16xi32>
    %add3A_1097 = arith.addi %add3A_1084, %mul3A_1096 : vector<16xi32>
    %get3A_1098 = arith.constant 160 : index
    %get3A_1099 = tpu.vector_load %arg11[%get3A_1098] {strides = array<i32>} : memref<272xi32, #tpu.memory_space<vmem>>, vector<16xi32>,
    %get3A_1100 = vector.shape_cast %get3A_1099 : vector<16xi32> to vector<16xi32>
    %eq3A_1101 = arith.constant 10 : i32
    %eq3A_1102 = vector.broadcast %eq3A_1101 : i32 to vector<16xi32>
    %eq3A_1103 = arith.cmpi eq, %gather3A_965, %eq3A_1102 : vector<16xi32>
    %jit3A_1104 = arith.constant 1 : i32
    %jit3A_1105 = arith.constant 0 : i32
    %broadcast_in_dim3A_1106 = vector.broadcast %jit3A_1104 : i32 to vector<16xi32>
    %broadcast_in_dim3A_1107 = vector.broadcast %jit3A_1105 : i32 to vector<16xi32>
    %select_n3A_1108 = arith.select %eq3A_1103, %broadcast_in_dim3A_1106, %broadcast_in_dim3A_1107 : vector<16xi1>, vector<16xi32>
    %mul3A_1109 = arith.muli %get3A_1100, %select_n3A_1108 : vector<16xi32>
    %add3A_1110 = arith.addi %add3A_1097, %mul3A_1109 : vector<16xi32>
    %get3A_1111 = arith.constant 176 : index
    %get3A_1112 = tpu.vector_load %arg11[%get3A_1111] {strides = array<i32>} : memref<272xi32, #tpu.memory_space<vmem>>, vector<16xi32>,
    %get3A_1113 = vector.shape_cast %get3A_1112 : vector<16xi32> to vector<16xi32>
    %eq3A_1114 = arith.constant 11 : i32
    %eq3A_1115 = vector.broadcast %eq3A_1114 : i32 to vector<16xi32>
    %eq3A_1116 = arith.cmpi eq, %gather3A_965, %eq3A_1115 : vector<16xi32>
    %jit3A_1117 = arith.constant 1 : i32
    %jit3A_1118 = arith.constant 0 : i32
    %broadcast_in_dim3A_1119 = vector.broadcast %jit3A_1117 : i32 to vector<16xi32>
    %broadcast_in_dim3A_1120 = vector.broadcast %jit3A_1118 : i32 to vector<16xi32>
    %select_n3A_1121 = arith.select %eq3A_1116, %broadcast_in_dim3A_1119, %broadcast_in_dim3A_1120 : vector<16xi1>, vector<16xi32>
    %mul3A_1122 = arith.muli %get3A_1113, %select_n3A_1121 : vector<16xi32>
    %add3A_1123 = arith.addi %add3A_1110, %mul3A_1122 : vector<16xi32>
    %get3A_1124 = arith.constant 192 : index
    %get3A_1125 = tpu.vector_load %arg11[%get3A_1124] {strides = array<i32>} : memref<272xi32, #tpu.memory_space<vmem>>, vector<16xi32>,
    %get3A_1126 = vector.shape_cast %get3A_1125 : vector<16xi32> to vector<16xi32>
    %eq3A_1127 = arith.constant 12 : i32
    %eq3A_1128 = vector.broadcast %eq3A_1127 : i32 to vector<16xi32>
    %eq3A_1129 = arith.cmpi eq, %gather3A_965, %eq3A_1128 : vector<16xi32>
    %jit3A_1130 = arith.constant 1 : i32
    %jit3A_1131 = arith.constant 0 : i32
    %broadcast_in_dim3A_1132 = vector.broadcast %jit3A_1130 : i32 to vector<16xi32>
    %broadcast_in_dim3A_1133 = vector.broadcast %jit3A_1131 : i32 to vector<16xi32>
    %select_n3A_1134 = arith.select %eq3A_1129, %broadcast_in_dim3A_1132, %broadcast_in_dim3A_1133 : vector<16xi1>, vector<16xi32>
    %mul3A_1135 = arith.muli %get3A_1126, %select_n3A_1134 : vector<16xi32>
    %add3A_1136 = arith.addi %add3A_1123, %mul3A_1135 : vector<16xi32>
    %get3A_1137 = arith.constant 208 : index
    %get3A_1138 = tpu.vector_load %arg11[%get3A_1137] {strides = array<i32>} : memref<272xi32, #tpu.memory_space<vmem>>, vector<16xi32>,
    %get3A_1139 = vector.shape_cast %get3A_1138 : vector<16xi32> to vector<16xi32>
    %eq3A_1140 = arith.constant 13 : i32
    %eq3A_1141 = vector.broadcast %eq3A_1140 : i32 to vector<16xi32>
    %eq3A_1142 = arith.cmpi eq, %gather3A_965, %eq3A_1141 : vector<16xi32>
    %jit3A_1143 = arith.constant 1 : i32
    %jit3A_1144 = arith.constant 0 : i32
    %broadcast_in_dim3A_1145 = vector.broadcast %jit3A_1143 : i32 to vector<16xi32>
    %broadcast_in_dim3A_1146 = vector.broadcast %jit3A_1144 : i32 to vector<16xi32>
    %select_n3A_1147 = arith.select %eq3A_1142, %broadcast_in_dim3A_1145, %broadcast_in_dim3A_1146 : vector<16xi1>, vector<16xi32>
    %mul3A_1148 = arith.muli %get3A_1139, %select_n3A_1147 : vector<16xi32>
    %add3A_1149 = arith.addi %add3A_1136, %mul3A_1148 : vector<16xi32>
    %get3A_1150 = arith.constant 224 : index
    %get3A_1151 = tpu.vector_load %arg11[%get3A_1150] {strides = array<i32>} : memref<272xi32, #tpu.memory_space<vmem>>, vector<16xi32>,
    %get3A_1152 = vector.shape_cast %get3A_1151 : vector<16xi32> to vector<16xi32>
    %eq3A_1153 = arith.constant 14 : i32
    %eq3A_1154 = vector.broadcast %eq3A_1153 : i32 to vector<16xi32>
    %eq3A_1155 = arith.cmpi eq, %gather3A_965, %eq3A_1154 : vector<16xi32>
    %jit3A_1156 = arith.constant 1 : i32
    %jit3A_1157 = arith.constant 0 : i32
    %broadcast_in_dim3A_1158 = vector.broadcast %jit3A_1156 : i32 to vector<16xi32>
    %broadcast_in_dim3A_1159 = vector.broadcast %jit3A_1157 : i32 to vector<16xi32>
    %select_n3A_1160 = arith.select %eq3A_1155, %broadcast_in_dim3A_1158, %broadcast_in_dim3A_1159 : vector<16xi1>, vector<16xi32>
    %mul3A_1161 = arith.muli %get3A_1152, %select_n3A_1160 : vector<16xi32>
    %add3A_1162 = arith.addi %add3A_1149, %mul3A_1161 : vector<16xi32>
    %get3A_1163 = arith.constant 240 : index
    %get3A_1164 = tpu.vector_load %arg11[%get3A_1163] {strides = array<i32>} : memref<272xi32, #tpu.memory_space<vmem>>, vector<16xi32>,
    %get3A_1165 = vector.shape_cast %get3A_1164 : vector<16xi32> to vector<16xi32>
    %eq3A_1166 = arith.constant 15 : i32
    %eq3A_1167 = vector.broadcast %eq3A_1166 : i32 to vector<16xi32>
    %eq3A_1168 = arith.cmpi eq, %gather3A_965, %eq3A_1167 : vector<16xi32>
    %jit3A_1169 = arith.constant 1 : i32
    %jit3A_1170 = arith.constant 0 : i32
    %broadcast_in_dim3A_1171 = vector.broadcast %jit3A_1169 : i32 to vector<16xi32>
    %broadcast_in_dim3A_1172 = vector.broadcast %jit3A_1170 : i32 to vector<16xi32>
    %select_n3A_1173 = arith.select %eq3A_1168, %broadcast_in_dim3A_1171, %broadcast_in_dim3A_1172 : vector<16xi1>, vector<16xi32>
    %mul3A_1174 = arith.muli %get3A_1165, %select_n3A_1173 : vector<16xi32>
    %add3A_1175 = arith.addi %add3A_1162, %mul3A_1174 : vector<16xi32>
    %get3A_1176 = arith.constant 256 : index
    %get3A_1177 = tpu.vector_load %arg11[%get3A_1176] {strides = array<i32>} : memref<272xi32, #tpu.memory_space<vmem>>, vector<16xi32>,
    %get3A_1178 = vector.shape_cast %get3A_1177 : vector<16xi32> to vector<16xi32>
    %eq3A_1179 = arith.constant 16 : i32
    %eq3A_1180 = vector.broadcast %eq3A_1179 : i32 to vector<16xi32>
    %eq3A_1181 = arith.cmpi eq, %gather3A_965, %eq3A_1180 : vector<16xi32>
    %jit3A_1182 = arith.constant 1 : i32
    %jit3A_1183 = arith.constant 0 : i32
    %broadcast_in_dim3A_1184 = vector.broadcast %jit3A_1182 : i32 to vector<16xi32>
    %broadcast_in_dim3A_1185 = vector.broadcast %jit3A_1183 : i32 to vector<16xi32>
    %select_n3A_1186 = arith.select %eq3A_1181, %broadcast_in_dim3A_1184, %broadcast_in_dim3A_1185 : vector<16xi1>, vector<16xi32>
    %mul3A_1187 = arith.muli %get3A_1178, %select_n3A_1186 : vector<16xi32>
    %add3A_1188 = arith.addi %add3A_1175, %mul3A_1187 : vector<16xi32>
    %lt3A_1189 = arith.constant 0 : i32
    %lt3A_1190 = vector.broadcast %lt3A_1189 : i32 to vector<16xi32>
    %lt3A_1191 = arith.cmpi slt, %sub3A_953, %lt3A_1190 : vector<16xi32>
    %add3A_1192 = arith.constant 16 : i32
    %add3A_1193 = vector.broadcast %add3A_1192 : i32 to vector<16xi32>
    %add3A_1194 = arith.addi %sub3A_953, %add3A_1193 : vector<16xi32>
    %select_n3A_1195 = arith.select %lt3A_1191, %add3A_1194, %sub3A_953 : vector<16xi1>, vector<16xi32>
    %broadcast_in_dim3A_1196 = vector.shape_cast %select_n3A_1195 : vector<16xi32> to vector<16x1xi32>
    %gather3A_1197 = vector.shape_cast %broadcast_in_dim3A_1196 : vector<16x1xi32> to vector<16xi32>
    %gather3A_1198 = tpu.dynamic_gather %add3A_1188[%gather3A_1197] in [0] : vector<16xi32>, vector<16xi32> -> vector<16xi32>
    %lt3A_1199 = arith.constant 2 : i32
    %lt3A_1200 = vector.broadcast %lt3A_1199 : i32 to vector<16xi32>
    %lt3A_1201 = arith.cmpi slt, %gather3A_965, %lt3A_1200 : vector<16xi32>
    %jit3A_1202 = arith.constant 1 : i32
    %jit3A_1203 = arith.constant 0 : i32
    %broadcast_in_dim3A_1204 = vector.broadcast %jit3A_1202 : i32 to vector<16xi32>
    %broadcast_in_dim3A_1205 = vector.broadcast %jit3A_1203 : i32 to vector<16xi32>
    %select_n3A_1206 = arith.select %lt3A_1201, %broadcast_in_dim3A_1204, %broadcast_in_dim3A_1205 : vector<16xi1>, vector<16xi32>
    %sub3A_1207 = arith.subi %iota3A, %gather3A_1198 : vector<16xi32>
    %mul3A_1208 = arith.muli %sub3A_1207, %select_n3A_1206 : vector<16xi32>
    %add3A_1209 = arith.addi %gather3A_1198, %mul3A_1208 : vector<16xi32>
    %sub3A_1210 = arith.constant 15 : i32
    %sub3A_1211 = vector.broadcast %sub3A_1210 : i32 to vector<16xi32>
    %sub3A_1212 = arith.subi %sub3A_1211, %add3A_1209 : vector<16xi32>
    %add3A_1213 = arith.constant 0 : i32
    %add3A_1214 = arith.addi %mul3A_2, %add3A_1213 : i32
    %dma_start3A_1215 = arith.constant 0 : i32
    %dma_start3A_1216 = arith.constant 0 : i32
    %dma_start3A_1217 = tpu.memref_slice %arg7[%dma_start3A_1215, %dma_start3A_1216] : memref<2x16384xf32, #tpu.memory_space<vmem>> -> memref<1x16384xf32, #tpu.memory_space<vmem>>
    %dma_start3A_1218 = tpu.memref_squeeze %dma_start3A_1217 : memref<1x16384xf32, #tpu.memory_space<vmem>> -> memref<16384xf32, #tpu.memory_space<vmem>>
    %dma_start3A_1219 = tpu.memref_slice %arg2[%add3A_1214] : memref<4194304xf32, #tpu.memory_space<hbm>> -> memref<16384xf32, #tpu.memory_space<hbm>>
    %dma_start3A_1220 = arith.constant 0 : i32
    %dma_start3A_1221 = tpu.memref_slice %arg7[%dma_start3A_1215, %dma_start3A_1220] : memref<2x16384xf32, #tpu.memory_space<vmem>> -> memref<1x16384xf32, #tpu.memory_space<vmem>>
    %dma_start3A_1222 = tpu.memref_squeeze %dma_start3A_1221 : memref<1x16384xf32, #tpu.memory_space<vmem>> -> memref<16384xf32, #tpu.memory_space<vmem>>
    %dma_start3A_1223 = tpu.memref_slice %arg2[%add3A_1214] : memref<4194304xf32, #tpu.memory_space<hbm>> -> memref<16384xf32, #tpu.memory_space<hbm>>
    tpu.enqueue_dma source(%dma_start3A_1223 : memref<16384xf32, #tpu.memory_space<hbm>>) target(%dma_start3A_1222 : memref<16384xf32, #tpu.memory_space<vmem>>) target_semaphore(%arg13 : memref<!tpu.dma_semaphore, #tpu.memory_space<semaphore_mem>>)
    %add3A_1224 = arith.constant 16384 : i32
    %add3A_1225 = arith.addi %mul3A_2, %add3A_1224 : i32
    %dma_start3A_1226 = arith.constant 1 : i32
    %dma_start3A_1227 = arith.constant 0 : i32
    %dma_start3A_1228 = tpu.memref_slice %arg7[%dma_start3A_1226, %dma_start3A_1227] : memref<2x16384xf32, #tpu.memory_space<vmem>> -> memref<1x16384xf32, #tpu.memory_space<vmem>>
    %dma_start3A_1229 = tpu.memref_squeeze %dma_start3A_1228 : memref<1x16384xf32, #tpu.memory_space<vmem>> -> memref<16384xf32, #tpu.memory_space<vmem>>
    %dma_start3A_1230 = tpu.memref_slice %arg2[%add3A_1225] : memref<4194304xf32, #tpu.memory_space<hbm>> -> memref<16384xf32, #tpu.memory_space<hbm>>
    %dma_start3A_1231 = arith.constant 0 : i32
    %dma_start3A_1232 = tpu.memref_slice %arg7[%dma_start3A_1226, %dma_start3A_1231] : memref<2x16384xf32, #tpu.memory_space<vmem>> -> memref<1x16384xf32, #tpu.memory_space<vmem>>
    %dma_start3A_1233 = tpu.memref_squeeze %dma_start3A_1232 : memref<1x16384xf32, #tpu.memory_space<vmem>> -> memref<16384xf32, #tpu.memory_space<vmem>>
    %dma_start3A_1234 = tpu.memref_slice %arg2[%add3A_1225] : memref<4194304xf32, #tpu.memory_space<hbm>> -> memref<16384xf32, #tpu.memory_space<hbm>>
    tpu.enqueue_dma source(%dma_start3A_1234 : memref<16384xf32, #tpu.memory_space<hbm>>) target(%dma_start3A_1233 : memref<16384xf32, #tpu.memory_space<vmem>>) target_semaphore(%arg14 : memref<!tpu.dma_semaphore, #tpu.memory_space<semaphore_mem>>)
    %broadcast_in_dim3A_1235 = arith.constant 7 : i32
    %broadcast_in_dim3A_1236 = vector.broadcast %broadcast_in_dim3A_1235 : i32 to vector<16xi32>
    %lt3A_1237 = arith.constant 0 : i32
    %lt3A_1238 = vector.broadcast %lt3A_1237 : i32 to vector<16xi32>
    %lt3A_1239 = arith.cmpi slt, %broadcast_in_dim3A_1236, %lt3A_1238 : vector<16xi32>
    %add3A_1240 = arith.constant 16 : i32
    %add3A_1241 = vector.broadcast %add3A_1240 : i32 to vector<16xi32>
    %add3A_1242 = arith.addi %broadcast_in_dim3A_1236, %add3A_1241 : vector<16xi32>
    %select_n3A_1243 = arith.select %lt3A_1239, %add3A_1242, %broadcast_in_dim3A_1236 : vector<16xi1>, vector<16xi32>
    %broadcast_in_dim3A_1244 = vector.shape_cast %select_n3A_1243 : vector<16xi32> to vector<16x1xi32>
    %gather3A_1245 = vector.shape_cast %broadcast_in_dim3A_1244 : vector<16x1xi32> to vector<16xi32>
    %gather3A_1246 = tpu.dynamic_gather %gather3A_835[%gather3A_1245] in [0] : vector<16xf32>, vector<16xi32> -> vector<16xf32>
    %broadcast_in_dim3A_1247 = arith.constant 3 : i32
    %broadcast_in_dim3A_1248 = vector.broadcast %broadcast_in_dim3A_1247 : i32 to vector<16xi32>
    %lt3A_1249 = arith.constant 0 : i32
    %lt3A_1250 = vector.broadcast %lt3A_1249 : i32 to vector<16xi32>
    %lt3A_1251 = arith.cmpi slt, %broadcast_in_dim3A_1248, %lt3A_1250 : vector<16xi32>
    %add3A_1252 = arith.constant 16 : i32
    %add3A_1253 = vector.broadcast %add3A_1252 : i32 to vector<16xi32>
    %add3A_1254 = arith.addi %broadcast_in_dim3A_1248, %add3A_1253 : vector<16xi32>
    %select_n3A_1255 = arith.select %lt3A_1251, %add3A_1254, %broadcast_in_dim3A_1248 : vector<16xi1>, vector<16xi32>
    %broadcast_in_dim3A_1256 = vector.shape_cast %select_n3A_1255 : vector<16xi32> to vector<16x1xi32>
    %gather3A_1257 = vector.shape_cast %broadcast_in_dim3A_1256 : vector<16x1xi32> to vector<16xi32>
    %gather3A_1258 = tpu.dynamic_gather %gather3A_835[%gather3A_1257] in [0] : vector<16xf32>, vector<16xi32> -> vector<16xf32>
    %broadcast_in_dim3A_1259 = arith.constant 11 : i32
    %broadcast_in_dim3A_1260 = vector.broadcast %broadcast_in_dim3A_1259 : i32 to vector<16xi32>
    %lt3A_1261 = arith.constant 0 : i32
    %lt3A_1262 = vector.broadcast %lt3A_1261 : i32 to vector<16xi32>
    %lt3A_1263 = arith.cmpi slt, %broadcast_in_dim3A_1260, %lt3A_1262 : vector<16xi32>
    %add3A_1264 = arith.constant 16 : i32
    %add3A_1265 = vector.broadcast %add3A_1264 : i32 to vector<16xi32>
    %add3A_1266 = arith.addi %broadcast_in_dim3A_1260, %add3A_1265 : vector<16xi32>
    %select_n3A_1267 = arith.select %lt3A_1263, %add3A_1266, %broadcast_in_dim3A_1260 : vector<16xi1>, vector<16xi32>
    %broadcast_in_dim3A_1268 = vector.shape_cast %select_n3A_1267 : vector<16xi32> to vector<16x1xi32>
    %gather3A_1269 = vector.shape_cast %broadcast_in_dim3A_1268 : vector<16x1xi32> to vector<16xi32>
    %gather3A_1270 = tpu.dynamic_gather %gather3A_835[%gather3A_1269] in [0] : vector<16xf32>, vector<16xi32> -> vector<16xf32>
    %broadcast_in_dim3A_1271 = arith.constant 0xFF800000 : f32
    %broadcast_in_dim3A_1272 = vector.broadcast %broadcast_in_dim3A_1271 : f32 to vector<16xf32>
    %scan3A = arith.constant 0 : i32
    %scan3A_1273 = arith.constant 4 : i32
    %scan3A_1274 = arith.addi %scan3A, %scan3A_1273 : i32
    %scan3A_1275 = arith.constant 1 : i32
    %scan3A_1276 = scf.for %scan3A_1308 = %scan3A to %scan3A_1274 step %scan3A_1275 iter_args(%scan3A_1309 = %broadcast_in_dim3A_1272) -> (vector<16xf32>)  : i32 {
      %mul3A_1310 = arith.constant 2 : i32
      %mul3A_1311 = arith.muli %mul3A_1310, %scan3A_1308 : i32
      %add3A_1312 = arith.constant 0 : i32
      %add3A_1313 = arith.addi %mul3A_1311, %add3A_1312 : i32
      %mul3A_1314 = arith.constant 16384 : i32
      %mul3A_1315 = arith.muli %add3A_1313, %mul3A_1314 : i32
      %add3A_1316 = arith.addi %mul3A_2, %mul3A_1315 : i32
      %dma_wait3A_1317 = arith.constant 0 : i32
      %dma_wait3A_1318 = arith.constant 0 : i32
      %dma_wait3A_1319 = tpu.memref_slice %arg7[%dma_wait3A_1317, %dma_wait3A_1318] : memref<2x16384xf32, #tpu.memory_space<vmem>> -> memref<1x16384xf32, #tpu.memory_space<vmem>>
      %dma_wait3A_1320 = tpu.memref_squeeze %dma_wait3A_1319 : memref<1x16384xf32, #tpu.memory_space<vmem>> -> memref<16384xf32, #tpu.memory_space<vmem>>
      %dma_wait3A_1321 = tpu.memref_slice %arg2[%add3A_1316] : memref<4194304xf32, #tpu.memory_space<hbm>> -> memref<16384xf32, #tpu.memory_space<hbm>>
      %dma_wait3A_1322 = arith.constant 0 : i32
      %dma_wait3A_1323 = tpu.memref_slice %arg7[%dma_wait3A_1317, %dma_wait3A_1322] : memref<2x16384xf32, #tpu.memory_space<vmem>> -> memref<1x16384xf32, #tpu.memory_space<vmem>>
      %dma_wait3A_1324 = tpu.memref_squeeze %dma_wait3A_1323 : memref<1x16384xf32, #tpu.memory_space<vmem>> -> memref<16384xf32, #tpu.memory_space<vmem>>
      %dma_wait3A_1325 = tpu.memref_slice %arg2[%add3A_1316] : memref<4194304xf32, #tpu.memory_space<hbm>> -> memref<16384xf32, #tpu.memory_space<hbm>>
      tpu.wait_dma2 semaphore(%arg13 : memref<!tpu.dma_semaphore, #tpu.memory_space<semaphore_mem>>) src(%dma_wait3A_1325 : memref<16384xf32, #tpu.memory_space<hbm>>) dst(%dma_wait3A_1324 : memref<16384xf32, #tpu.memory_space<vmem>>)
      %gt3A_1326 = arith.constant 0 : i32
      %gt3A_1327 = arith.cmpi sgt, %scan3A_1308, %gt3A_1326 : i32
      %convert_element_type3A_1328 = arith.extui %gt3A_1327 : i1 to i32
      %cond3A_1329 = arith.constant 0 : i32
      %cond3A_1330 = arith.cmpi ne, %convert_element_type3A_1328, %cond3A_1329 : i32
      scf.if %cond3A_1330 {
        %sub3A_1398 = arith.constant 2 : i32
        %sub3A_1399 = arith.subi %add3A_1313, %sub3A_1398 : i32
        %mul3A_1400 = arith.constant 16384 : i32
        %mul3A_1401 = arith.muli %sub3A_1399, %mul3A_1400 : i32
        %add3A_1402 = arith.addi %mul3A_2, %mul3A_1401 : i32
        %dma_wait3A_1403 = arith.constant 0 : i32
        %dma_wait3A_1404 = arith.constant 0 : i32
        %dma_wait3A_1405 = tpu.memref_slice %arg8[%dma_wait3A_1403, %dma_wait3A_1404] : memref<2x16384xi32, #tpu.memory_space<vmem>> -> memref<1x16384xi32, #tpu.memory_space<vmem>>
        %dma_wait3A_1406 = tpu.memref_squeeze %dma_wait3A_1405 : memref<1x16384xi32, #tpu.memory_space<vmem>> -> memref<16384xi32, #tpu.memory_space<vmem>>
        %dma_wait3A_1407 = tpu.memref_slice %arg5[%add3A_1402] : memref<4194304xi32, #tpu.memory_space<hbm>> -> memref<16384xi32, #tpu.memory_space<hbm>>
        %dma_wait3A_1408 = tpu.memref_slice %arg5[%add3A_1402] : memref<4194304xi32, #tpu.memory_space<hbm>> -> memref<16384xi32, #tpu.memory_space<hbm>>
        %dma_wait3A_1409 = arith.constant 0 : i32
        %dma_wait3A_1410 = tpu.memref_slice %arg8[%dma_wait3A_1403, %dma_wait3A_1409] : memref<2x16384xi32, #tpu.memory_space<vmem>> -> memref<1x16384xi32, #tpu.memory_space<vmem>>
        %dma_wait3A_1411 = tpu.memref_squeeze %dma_wait3A_1410 : memref<1x16384xi32, #tpu.memory_space<vmem>> -> memref<16384xi32, #tpu.memory_space<vmem>>
        tpu.wait_dma2 semaphore(%arg15 : memref<!tpu.dma_semaphore, #tpu.memory_space<semaphore_mem>>) src(%dma_wait3A_1411 : memref<16384xi32, #tpu.memory_space<vmem>>) dst(%dma_wait3A_1408 : memref<16384xi32, #tpu.memory_space<hbm>>)
      } else {
      }
      %scan3A_1331 = arith.constant 0 : i32
      %scan3A_1332 = arith.constant 128 : i32
      %scan3A_1333 = arith.addi %scan3A_1331, %scan3A_1332 : i32
      %scan3A_1334 = arith.constant 1 : i32
      %scan3A_1335 = scf.for %scan3A_1398 = %scan3A_1331 to %scan3A_1333 step %scan3A_1334 iter_args(%scan3A_1399 = %scan3A_1309) -> (vector<16xf32>)  : i32 {
        %mul3A_1400 = arith.constant 8 : i32
        %mul3A_1401 = arith.muli %scan3A_1398, %mul3A_1400 : i32
        %add3A_1402 = arith.constant 0 : i32
        %add3A_1403 = arith.addi %mul3A_1401, %add3A_1402 : i32
        %mul3A_1404 = arith.constant 16 : i32
        %mul3A_1405 = arith.muli %add3A_1403, %mul3A_1404 : i32
        %get3A_1406 = arith.constant 0 : i32
        %get3A_1407 = arith.index_cast %get3A_1406 : i32 to index
        %get3A_1408 = arith.index_cast %mul3A_1405 : i32 to index
        %get3A_1409 = tpu.vector_load %arg7[%get3A_1407, %get3A_1408] {strides = array<i32>} : memref<2x16384xf32, #tpu.memory_space<vmem>>, vector<1x16xf32>,
        %get3A_1410 = vector.shape_cast %get3A_1409 : vector<1x16xf32> to vector<16xf32>
        %max3A_1411 = arith.maximumf %scan3A_1399, %get3A_1410 : vector<16xf32>
        %gt3A_1412 = arith.cmpf ogt, %get3A_1410, %gather3A_1246 : vector<16xf32>
        %jit3A_1413 = arith.constant 8 : i32
        %jit3A_1414 = arith.constant 0 : i32
        %broadcast_in_dim3A_1415 = vector.broadcast %jit3A_1413 : i32 to vector<16xi32>
        %broadcast_in_dim3A_1416 = vector.broadcast %jit3A_1414 : i32 to vector<16xi32>
        %select_n3A_1417 = arith.select %gt3A_1412, %broadcast_in_dim3A_1415, %broadcast_in_dim3A_1416 : vector<16xi1>, vector<16xi32>
        %select_n3A_1418 = arith.select %gt3A_1412, %gather3A_1270, %gather3A_1258 : vector<16xi1>, vector<16xf32>
        %gt3A_1419 = arith.cmpf ogt, %get3A_1410, %select_n3A_1418 : vector<16xf32>
        %jit3A_1420 = arith.constant 4 : i32
        %jit3A_1421 = arith.constant 0 : i32
        %broadcast_in_dim3A_1422 = vector.broadcast %jit3A_1420 : i32 to vector<16xi32>
        %broadcast_in_dim3A_1423 = vector.broadcast %jit3A_1421 : i32 to vector<16xi32>
        %select_n3A_1424 = arith.select %gt3A_1419, %broadcast_in_dim3A_1422, %broadcast_in_dim3A_1423 : vector<16xi1>, vector<16xi32>
        %add3A_1425 = arith.addi %select_n3A_1417, %select_n3A_1424 : vector<16xi32>
        %add3A_1426 = arith.constant 1 : i32
        %add3A_1427 = vector.broadcast %add3A_1426 : i32 to vector<16xi32>
        %add3A_1428 = arith.addi %add3A_1425, %add3A_1427 : vector<16xi32>
        %lt3A_1429 = arith.constant 0 : i32
        %lt3A_1430 = vector.broadcast %lt3A_1429 : i32 to vector<16xi32>
        %lt3A_1431 = arith.cmpi slt, %add3A_1428, %lt3A_1430 : vector<16xi32>
        %add3A_1432 = arith.constant 16 : i32
        %add3A_1433 = vector.broadcast %add3A_1432 : i32 to vector<16xi32>
        %add3A_1434 = arith.addi %add3A_1428, %add3A_1433 : vector<16xi32>
        %select_n3A_1435 = arith.select %lt3A_1431, %add3A_1434, %add3A_1428 : vector<16xi1>, vector<16xi32>
        %broadcast_in_dim3A_1436 = vector.shape_cast %select_n3A_1435 : vector<16xi32> to vector<16x1xi32>
        %gather3A_1437 = vector.shape_cast %broadcast_in_dim3A_1436 : vector<16x1xi32> to vector<16xi32>
        %gather3A_1438 = tpu.dynamic_gather %gather3A_835[%gather3A_1437] in [0] : vector<16xf32>, vector<16xi32> -> vector<16xf32>
        %gt3A_1439 = arith.cmpf ogt, %get3A_1410, %gather3A_1438 : vector<16xf32>
        %jit3A_1440 = arith.constant 2 : i32
        %jit3A_1441 = arith.constant 0 : i32
        %broadcast_in_dim3A_1442 = vector.broadcast %jit3A_1440 : i32 to vector<16xi32>
        %broadcast_in_dim3A_1443 = vector.broadcast %jit3A_1441 : i32 to vector<16xi32>
        %select_n3A_1444 = arith.select %gt3A_1439, %broadcast_in_dim3A_1442, %broadcast_in_dim3A_1443 : vector<16xi1>, vector<16xi32>
        %add3A_1445 = arith.addi %add3A_1425, %select_n3A_1444 : vector<16xi32>
        %lt3A_1446 = arith.constant 0 : i32
        %lt3A_1447 = vector.broadcast %lt3A_1446 : i32 to vector<16xi32>
        %lt3A_1448 = arith.cmpi slt, %add3A_1445, %lt3A_1447 : vector<16xi32>
        %add3A_1449 = arith.constant 16 : i32
        %add3A_1450 = vector.broadcast %add3A_1449 : i32 to vector<16xi32>
        %add3A_1451 = arith.addi %add3A_1445, %add3A_1450 : vector<16xi32>
        %select_n3A_1452 = arith.select %lt3A_1448, %add3A_1451, %add3A_1445 : vector<16xi1>, vector<16xi32>
        %broadcast_in_dim3A_1453 = vector.shape_cast %select_n3A_1452 : vector<16xi32> to vector<16x1xi32>
        %gather3A_1454 = vector.shape_cast %broadcast_in_dim3A_1453 : vector<16x1xi32> to vector<16xi32>
        %gather3A_1455 = tpu.dynamic_gather %gather3A_835[%gather3A_1454] in [0] : vector<16xf32>, vector<16xi32> -> vector<16xf32>
        %gt3A_1456 = arith.cmpf ogt, %get3A_1410, %gather3A_1455 : vector<16xf32>
        %jit3A_1457 = arith.constant 1 : i32
        %jit3A_1458 = arith.constant 0 : i32
        %broadcast_in_dim3A_1459 = vector.broadcast %jit3A_1457 : i32 to vector<16xi32>
        %broadcast_in_dim3A_1460 = vector.broadcast %jit3A_1458 : i32 to vector<16xi32>
        %select_n3A_1461 = arith.select %gt3A_1456, %broadcast_in_dim3A_1459, %broadcast_in_dim3A_1460 : vector<16xi1>, vector<16xi32>
        %add3A_1462 = arith.addi %add3A_1445, %select_n3A_1461 : vector<16xi32>
        %lt3A_1463 = arith.constant 0 : i32
        %lt3A_1464 = vector.broadcast %lt3A_1463 : i32 to vector<16xi32>
        %lt3A_1465 = arith.cmpi slt, %add3A_1462, %lt3A_1464 : vector<16xi32>
        %add3A_1466 = arith.constant 16 : i32
        %add3A_1467 = vector.broadcast %add3A_1466 : i32 to vector<16xi32>
        %add3A_1468 = arith.addi %add3A_1462, %add3A_1467 : vector<16xi32>
        %select_n3A_1469 = arith.select %lt3A_1465, %add3A_1468, %add3A_1462 : vector<16xi1>, vector<16xi32>
        %broadcast_in_dim3A_1470 = vector.shape_cast %select_n3A_1469 : vector<16xi32> to vector<16x1xi32>
        %gather3A_1471 = vector.shape_cast %broadcast_in_dim3A_1470 : vector<16x1xi32> to vector<16xi32>
        %gather3A_1472 = tpu.dynamic_gather %sub3A_1212[%gather3A_1471] in [0] : vector<16xi32>, vector<16xi32> -> vector<16xi32>
        %swap3A_1473 = arith.constant 0 : i32
        %swap3A_1474 = arith.index_cast %swap3A_1473 : i32 to index
        %swap3A_1475 = arith.index_cast %mul3A_1405 : i32 to index
        %swap3A_1476 = tpu.vector_load %arg8[%swap3A_1474, %swap3A_1475] {strides = array<i32>} : memref<2x16384xi32, #tpu.memory_space<vmem>>, vector<1x16xi32>,
        %swap3A_1477 = vector.shape_cast %swap3A_1476 : vector<1x16xi32> to vector<16xi32>
        %swap3A_1478 = vector.shape_cast %gather3A_1472 : vector<16xi32> to vector<1x16xi32>
        tpu.vector_store %arg8[%swap3A_1474, %swap3A_1475], %swap3A_1478 {strides = array<i32>} : memref<2x16384xi32, #tpu.memory_space<vmem>>, vector<1x16xi32>,
        %mul3A_1479 = arith.constant 8 : i32
        %mul3A_1480 = arith.muli %scan3A_1398, %mul3A_1479 : i32
        %add3A_1481 = arith.constant 1 : i32
        %add3A_1482 = arith.addi %mul3A_1480, %add3A_1481 : i32
        %mul3A_1483 = arith.constant 16 : i32
        %mul3A_1484 = arith.muli %add3A_1482, %mul3A_1483 : i32
        %get3A_1485 = arith.constant 0 : i32
        %get3A_1486 = arith.index_cast %get3A_1485 : i32 to index
        %get3A_1487 = arith.index_cast %mul3A_1484 : i32 to index
        %get3A_1488 = tpu.vector_load %arg7[%get3A_1486, %get3A_1487] {strides = array<i32>} : memref<2x16384xf32, #tpu.memory_space<vmem>>, vector<1x16xf32>,
        %get3A_1489 = vector.shape_cast %get3A_1488 : vector<1x16xf32> to vector<16xf32>
        %max3A_1490 = arith.maximumf %max3A_1411, %get3A_1489 : vector<16xf32>
        %gt3A_1491 = arith.cmpf ogt, %get3A_1489, %gather3A_1246 : vector<16xf32>
        %jit3A_1492 = arith.constant 8 : i32
        %jit3A_1493 = arith.constant 0 : i32
        %broadcast_in_dim3A_1494 = vector.broadcast %jit3A_1492 : i32 to vector<16xi32>
        %broadcast_in_dim3A_1495 = vector.broadcast %jit3A_1493 : i32 to vector<16xi32>
        %select_n3A_1496 = arith.select %gt3A_1491, %broadcast_in_dim3A_1494, %broadcast_in_dim3A_1495 : vector<16xi1>, vector<16xi32>
        %select_n3A_1497 = arith.select %gt3A_1491, %gather3A_1270, %gather3A_1258 : vector<16xi1>, vector<16xf32>
        %gt3A_1498 = arith.cmpf ogt, %get3A_1489, %select_n3A_1497 : vector<16xf32>
        %jit3A_1499 = arith.constant 4 : i32
        %jit3A_1500 = arith.constant 0 : i32
        %broadcast_in_dim3A_1501 = vector.broadcast %jit3A_1499 : i32 to vector<16xi32>
        %broadcast_in_dim3A_1502 = vector.broadcast %jit3A_1500 : i32 to vector<16xi32>
        %select_n3A_1503 = arith.select %gt3A_1498, %broadcast_in_dim3A_1501, %broadcast_in_dim3A_1502 : vector<16xi1>, vector<16xi32>
        %add3A_1504 = arith.addi %select_n3A_1496, %select_n3A_1503 : vector<16xi32>
        %add3A_1505 = arith.constant 1 : i32
        %add3A_1506 = vector.broadcast %add3A_1505 : i32 to vector<16xi32>
        %add3A_1507 = arith.addi %add3A_1504, %add3A_1506 : vector<16xi32>
        %lt3A_1508 = arith.constant 0 : i32
        %lt3A_1509 = vector.broadcast %lt3A_1508 : i32 to vector<16xi32>
        %lt3A_1510 = arith.cmpi slt, %add3A_1507, %lt3A_1509 : vector<16xi32>
        %add3A_1511 = arith.constant 16 : i32
        %add3A_1512 = vector.broadcast %add3A_1511 : i32 to vector<16xi32>
        %add3A_1513 = arith.addi %add3A_1507, %add3A_1512 : vector<16xi32>
        %select_n3A_1514 = arith.select %lt3A_1510, %add3A_1513, %add3A_1507 : vector<16xi1>, vector<16xi32>
        %broadcast_in_dim3A_1515 = vector.shape_cast %select_n3A_1514 : vector<16xi32> to vector<16x1xi32>
        %gather3A_1516 = vector.shape_cast %broadcast_in_dim3A_1515 : vector<16x1xi32> to vector<16xi32>
        %gather3A_1517 = tpu.dynamic_gather %gather3A_835[%gather3A_1516] in [0] : vector<16xf32>, vector<16xi32> -> vector<16xf32>
        %gt3A_1518 = arith.cmpf ogt, %get3A_1489, %gather3A_1517 : vector<16xf32>
        %jit3A_1519 = arith.constant 2 : i32
        %jit3A_1520 = arith.constant 0 : i32
        %broadcast_in_dim3A_1521 = vector.broadcast %jit3A_1519 : i32 to vector<16xi32>
        %broadcast_in_dim3A_1522 = vector.broadcast %jit3A_1520 : i32 to vector<16xi32>
        %select_n3A_1523 = arith.select %gt3A_1518, %broadcast_in_dim3A_1521, %broadcast_in_dim3A_1522 : vector<16xi1>, vector<16xi32>
        %add3A_1524 = arith.addi %add3A_1504, %select_n3A_1523 : vector<16xi32>
        %lt3A_1525 = arith.constant 0 : i32
        %lt3A_1526 = vector.broadcast %lt3A_1525 : i32 to vector<16xi32>
        %lt3A_1527 = arith.cmpi slt, %add3A_1524, %lt3A_1526 : vector<16xi32>
        %add3A_1528 = arith.constant 16 : i32
        %add3A_1529 = vector.broadcast %add3A_1528 : i32 to vector<16xi32>
        %add3A_1530 = arith.addi %add3A_1524, %add3A_1529 : vector<16xi32>
        %select_n3A_1531 = arith.select %lt3A_1527, %add3A_1530, %add3A_1524 : vector<16xi1>, vector<16xi32>
        %broadcast_in_dim3A_1532 = vector.shape_cast %select_n3A_1531 : vector<16xi32> to vector<16x1xi32>
        %gather3A_1533 = vector.shape_cast %broadcast_in_dim3A_1532 : vector<16x1xi32> to vector<16xi32>
        %gather3A_1534 = tpu.dynamic_gather %gather3A_835[%gather3A_1533] in [0] : vector<16xf32>, vector<16xi32> -> vector<16xf32>
        %gt3A_1535 = arith.cmpf ogt, %get3A_1489, %gather3A_1534 : vector<16xf32>
        %jit3A_1536 = arith.constant 1 : i32
        %jit3A_1537 = arith.constant 0 : i32
        %broadcast_in_dim3A_1538 = vector.broadcast %jit3A_1536 : i32 to vector<16xi32>
        %broadcast_in_dim3A_1539 = vector.broadcast %jit3A_1537 : i32 to vector<16xi32>
        %select_n3A_1540 = arith.select %gt3A_1535, %broadcast_in_dim3A_1538, %broadcast_in_dim3A_1539 : vector<16xi1>, vector<16xi32>
        %add3A_1541 = arith.addi %add3A_1524, %select_n3A_1540 : vector<16xi32>
        %lt3A_1542 = arith.constant 0 : i32
        %lt3A_1543 = vector.broadcast %lt3A_1542 : i32 to vector<16xi32>
        %lt3A_1544 = arith.cmpi slt, %add3A_1541, %lt3A_1543 : vector<16xi32>
        %add3A_1545 = arith.constant 16 : i32
        %add3A_1546 = vector.broadcast %add3A_1545 : i32 to vector<16xi32>
        %add3A_1547 = arith.addi %add3A_1541, %add3A_1546 : vector<16xi32>
        %select_n3A_1548 = arith.select %lt3A_1544, %add3A_1547, %add3A_1541 : vector<16xi1>, vector<16xi32>
        %broadcast_in_dim3A_1549 = vector.shape_cast %select_n3A_1548 : vector<16xi32> to vector<16x1xi32>
        %gather3A_1550 = vector.shape_cast %broadcast_in_dim3A_1549 : vector<16x1xi32> to vector<16xi32>
        %gather3A_1551 = tpu.dynamic_gather %sub3A_1212[%gather3A_1550] in [0] : vector<16xi32>, vector<16xi32> -> vector<16xi32>
        %swap3A_1552 = arith.constant 0 : i32
        %swap3A_1553 = arith.index_cast %swap3A_1552 : i32 to index
        %swap3A_1554 = arith.index_cast %mul3A_1484 : i32 to index
        %swap3A_1555 = tpu.vector_load %arg8[%swap3A_1553, %swap3A_1554] {strides = array<i32>} : memref<2x16384xi32, #tpu.memory_space<vmem>>, vector<1x16xi32>,
        %swap3A_1556 = vector.shape_cast %swap3A_1555 : vector<1x16xi32> to vector<16xi32>
        %swap3A_1557 = vector.shape_cast %gather3A_1551 : vector<16xi32> to vector<1x16xi32>
        tpu.vector_store %arg8[%swap3A_1553, %swap3A_1554], %swap3A_1557 {strides = array<i32>} : memref<2x16384xi32, #tpu.memory_space<vmem>>, vector<1x16xi32>,
        %mul3A_1558 = arith.constant 8 : i32
        %mul3A_1559 = arith.muli %scan3A_1398, %mul3A_1558 : i32
        %add3A_1560 = arith.constant 2 : i32
        %add3A_1561 = arith.addi %mul3A_1559, %add3A_1560 : i32
        %mul3A_1562 = arith.constant 16 : i32
        %mul3A_1563 = arith.muli %add3A_1561, %mul3A_1562 : i32
        %get3A_1564 = arith.constant 0 : i32
        %get3A_1565 = arith.index_cast %get3A_1564 : i32 to index
        %get3A_1566 = arith.index_cast %mul3A_1563 : i32 to index
        %get3A_1567 = tpu.vector_load %arg7[%get3A_1565, %get3A_1566] {strides = array<i32>} : memref<2x16384xf32, #tpu.memory_space<vmem>>, vector<1x16xf32>,
        %get3A_1568 = vector.shape_cast %get3A_1567 : vector<1x16xf32> to vector<16xf32>
        %max3A_1569 = arith.maximumf %max3A_1490, %get3A_1568 : vector<16xf32>
        %gt3A_1570 = arith.cmpf ogt, %get3A_1568, %gather3A_1246 : vector<16xf32>
        %jit3A_1571 = arith.constant 8 : i32
        %jit3A_1572 = arith.constant 0 : i32
        %broadcast_in_dim3A_1573 = vector.broadcast %jit3A_1571 : i32 to vector<16xi32>
        %broadcast_in_dim3A_1574 = vector.broadcast %jit3A_1572 : i32 to vector<16xi32>
        %select_n3A_1575 = arith.select %gt3A_1570, %broadcast_in_dim3A_1573, %broadcast_in_dim3A_1574 : vector<16xi1>, vector<16xi32>
        %select_n3A_1576 = arith.select %gt3A_1570, %gather3A_1270, %gather3A_1258 : vector<16xi1>, vector<16xf32>
        %gt3A_1577 = arith.cmpf ogt, %get3A_1568, %select_n3A_1576 : vector<16xf32>
        %jit3A_1578 = arith.constant 4 : i32
        %jit3A_1579 = arith.constant 0 : i32
        %broadcast_in_dim3A_1580 = vector.broadcast %jit3A_1578 : i32 to vector<16xi32>
        %broadcast_in_dim3A_1581 = vector.broadcast %jit3A_1579 : i32 to vector<16xi32>
        %select_n3A_1582 = arith.select %gt3A_1577, %broadcast_in_dim3A_1580, %broadcast_in_dim3A_1581 : vector<16xi1>, vector<16xi32>
        %add3A_1583 = arith.addi %select_n3A_1575, %select_n3A_1582 : vector<16xi32>
        %add3A_1584 = arith.constant 1 : i32
        %add3A_1585 = vector.broadcast %add3A_1584 : i32 to vector<16xi32>
        %add3A_1586 = arith.addi %add3A_1583, %add3A_1585 : vector<16xi32>
        %lt3A_1587 = arith.constant 0 : i32
        %lt3A_1588 = vector.broadcast %lt3A_1587 : i32 to vector<16xi32>
        %lt3A_1589 = arith.cmpi slt, %add3A_1586, %lt3A_1588 : vector<16xi32>
        %add3A_1590 = arith.constant 16 : i32
        %add3A_1591 = vector.broadcast %add3A_1590 : i32 to vector<16xi32>
        %add3A_1592 = arith.addi %add3A_1586, %add3A_1591 : vector<16xi32>
        %select_n3A_1593 = arith.select %lt3A_1589, %add3A_1592, %add3A_1586 : vector<16xi1>, vector<16xi32>
        %broadcast_in_dim3A_1594 = vector.shape_cast %select_n3A_1593 : vector<16xi32> to vector<16x1xi32>
        %gather3A_1595 = vector.shape_cast %broadcast_in_dim3A_1594 : vector<16x1xi32> to vector<16xi32>
        %gather3A_1596 = tpu.dynamic_gather %gather3A_835[%gather3A_1595] in [0] : vector<16xf32>, vector<16xi32> -> vector<16xf32>
        %gt3A_1597 = arith.cmpf ogt, %get3A_1568, %gather3A_1596 : vector<16xf32>
        %jit3A_1598 = arith.constant 2 : i32
        %jit3A_1599 = arith.constant 0 : i32
        %broadcast_in_dim3A_1600 = vector.broadcast %jit3A_1598 : i32 to vector<16xi32>
        %broadcast_in_dim3A_1601 = vector.broadcast %jit3A_1599 : i32 to vector<16xi32>
        %select_n3A_1602 = arith.select %gt3A_1597, %broadcast_in_dim3A_1600, %broadcast_in_dim3A_1601 : vector<16xi1>, vector<16xi32>
        %add3A_1603 = arith.addi %add3A_1583, %select_n3A_1602 : vector<16xi32>
        %lt3A_1604 = arith.constant 0 : i32
        %lt3A_1605 = vector.broadcast %lt3A_1604 : i32 to vector<16xi32>
        %lt3A_1606 = arith.cmpi slt, %add3A_1603, %lt3A_1605 : vector<16xi32>
        %add3A_1607 = arith.constant 16 : i32
        %add3A_1608 = vector.broadcast %add3A_1607 : i32 to vector<16xi32>
        %add3A_1609 = arith.addi %add3A_1603, %add3A_1608 : vector<16xi32>
        %select_n3A_1610 = arith.select %lt3A_1606, %add3A_1609, %add3A_1603 : vector<16xi1>, vector<16xi32>
        %broadcast_in_dim3A_1611 = vector.shape_cast %select_n3A_1610 : vector<16xi32> to vector<16x1xi32>
        %gather3A_1612 = vector.shape_cast %broadcast_in_dim3A_1611 : vector<16x1xi32> to vector<16xi32>
        %gather3A_1613 = tpu.dynamic_gather %gather3A_835[%gather3A_1612] in [0] : vector<16xf32>, vector<16xi32> -> vector<16xf32>
        %gt3A_1614 = arith.cmpf ogt, %get3A_1568, %gather3A_1613 : vector<16xf32>
        %jit3A_1615 = arith.constant 1 : i32
        %jit3A_1616 = arith.constant 0 : i32
        %broadcast_in_dim3A_1617 = vector.broadcast %jit3A_1615 : i32 to vector<16xi32>
        %broadcast_in_dim3A_1618 = vector.broadcast %jit3A_1616 : i32 to vector<16xi32>
        %select_n3A_1619 = arith.select %gt3A_1614, %broadcast_in_dim3A_1617, %broadcast_in_dim3A_1618 : vector<16xi1>, vector<16xi32>
        %add3A_1620 = arith.addi %add3A_1603, %select_n3A_1619 : vector<16xi32>
        %lt3A_1621 = arith.constant 0 : i32
        %lt3A_1622 = vector.broadcast %lt3A_1621 : i32 to vector<16xi32>
        %lt3A_1623 = arith.cmpi slt, %add3A_1620, %lt3A_1622 : vector<16xi32>
        %add3A_1624 = arith.constant 16 : i32
        %add3A_1625 = vector.broadcast %add3A_1624 : i32 to vector<16xi32>
        %add3A_1626 = arith.addi %add3A_1620, %add3A_1625 : vector<16xi32>
        %select_n3A_1627 = arith.select %lt3A_1623, %add3A_1626, %add3A_1620 : vector<16xi1>, vector<16xi32>
        %broadcast_in_dim3A_1628 = vector.shape_cast %select_n3A_1627 : vector<16xi32> to vector<16x1xi32>
        %gather3A_1629 = vector.shape_cast %broadcast_in_dim3A_1628 : vector<16x1xi32> to vector<16xi32>
        %gather3A_1630 = tpu.dynamic_gather %sub3A_1212[%gather3A_1629] in [0] : vector<16xi32>, vector<16xi32> -> vector<16xi32>
        %swap3A_1631 = arith.constant 0 : i32
        %swap3A_1632 = arith.index_cast %swap3A_1631 : i32 to index
        %swap3A_1633 = arith.index_cast %mul3A_1563 : i32 to index
        %swap3A_1634 = tpu.vector_load %arg8[%swap3A_1632, %swap3A_1633] {strides = array<i32>} : memref<2x16384xi32, #tpu.memory_space<vmem>>, vector<1x16xi32>,
        %swap3A_1635 = vector.shape_cast %swap3A_1634 : vector<1x16xi32> to vector<16xi32>
        %swap3A_1636 = vector.shape_cast %gather3A_1630 : vector<16xi32> to vector<1x16xi32>
        tpu.vector_store %arg8[%swap3A_1632, %swap3A_1633], %swap3A_1636 {strides = array<i32>} : memref<2x16384xi32, #tpu.memory_space<vmem>>, vector<1x16xi32>,
        %mul3A_1637 = arith.constant 8 : i32
        %mul3A_1638 = arith.muli %scan3A_1398, %mul3A_1637 : i32
        %add3A_1639 = arith.constant 3 : i32
        %add3A_1640 = arith.addi %mul3A_1638, %add3A_1639 : i32
        %mul3A_1641 = arith.constant 16 : i32
        %mul3A_1642 = arith.muli %add3A_1640, %mul3A_1641 : i32
        %get3A_1643 = arith.constant 0 : i32
        %get3A_1644 = arith.index_cast %get3A_1643 : i32 to index
        %get3A_1645 = arith.index_cast %mul3A_1642 : i32 to index
        %get3A_1646 = tpu.vector_load %arg7[%get3A_1644, %get3A_1645] {strides = array<i32>} : memref<2x16384xf32, #tpu.memory_space<vmem>>, vector<1x16xf32>,
        %get3A_1647 = vector.shape_cast %get3A_1646 : vector<1x16xf32> to vector<16xf32>
        %max3A_1648 = arith.maximumf %max3A_1569, %get3A_1647 : vector<16xf32>
        %gt3A_1649 = arith.cmpf ogt, %get3A_1647, %gather3A_1246 : vector<16xf32>
        %jit3A_1650 = arith.constant 8 : i32
        %jit3A_1651 = arith.constant 0 : i32
        %broadcast_in_dim3A_1652 = vector.broadcast %jit3A_1650 : i32 to vector<16xi32>
        %broadcast_in_dim3A_1653 = vector.broadcast %jit3A_1651 : i32 to vector<16xi32>
        %select_n3A_1654 = arith.select %gt3A_1649, %broadcast_in_dim3A_1652, %broadcast_in_dim3A_1653 : vector<16xi1>, vector<16xi32>
        %select_n3A_1655 = arith.select %gt3A_1649, %gather3A_1270, %gather3A_1258 : vector<16xi1>, vector<16xf32>
        %gt3A_1656 = arith.cmpf ogt, %get3A_1647, %select_n3A_1655 : vector<16xf32>
        %jit3A_1657 = arith.constant 4 : i32
        %jit3A_1658 = arith.constant 0 : i32
        %broadcast_in_dim3A_1659 = vector.broadcast %jit3A_1657 : i32 to vector<16xi32>
        %broadcast_in_dim3A_1660 = vector.broadcast %jit3A_1658 : i32 to vector<16xi32>
        %select_n3A_1661 = arith.select %gt3A_1656, %broadcast_in_dim3A_1659, %broadcast_in_dim3A_1660 : vector<16xi1>, vector<16xi32>
        %add3A_1662 = arith.addi %select_n3A_1654, %select_n3A_1661 : vector<16xi32>
        %add3A_1663 = arith.constant 1 : i32
        %add3A_1664 = vector.broadcast %add3A_1663 : i32 to vector<16xi32>
        %add3A_1665 = arith.addi %add3A_1662, %add3A_1664 : vector<16xi32>
        %lt3A_1666 = arith.constant 0 : i32
        %lt3A_1667 = vector.broadcast %lt3A_1666 : i32 to vector<16xi32>
        %lt3A_1668 = arith.cmpi slt, %add3A_1665, %lt3A_1667 : vector<16xi32>
        %add3A_1669 = arith.constant 16 : i32
        %add3A_1670 = vector.broadcast %add3A_1669 : i32 to vector<16xi32>
        %add3A_1671 = arith.addi %add3A_1665, %add3A_1670 : vector<16xi32>
        %select_n3A_1672 = arith.select %lt3A_1668, %add3A_1671, %add3A_1665 : vector<16xi1>, vector<16xi32>
        %broadcast_in_dim3A_1673 = vector.shape_cast %select_n3A_1672 : vector<16xi32> to vector<16x1xi32>
        %gather3A_1674 = vector.shape_cast %broadcast_in_dim3A_1673 : vector<16x1xi32> to vector<16xi32>
        %gather3A_1675 = tpu.dynamic_gather %gather3A_835[%gather3A_1674] in [0] : vector<16xf32>, vector<16xi32> -> vector<16xf32>
        %gt3A_1676 = arith.cmpf ogt, %get3A_1647, %gather3A_1675 : vector<16xf32>
        %jit3A_1677 = arith.constant 2 : i32
        %jit3A_1678 = arith.constant 0 : i32
        %broadcast_in_dim3A_1679 = vector.broadcast %jit3A_1677 : i32 to vector<16xi32>
        %broadcast_in_dim3A_1680 = vector.broadcast %jit3A_1678 : i32 to vector<16xi32>
        %select_n3A_1681 = arith.select %gt3A_1676, %broadcast_in_dim3A_1679, %broadcast_in_dim3A_1680 : vector<16xi1>, vector<16xi32>
        %add3A_1682 = arith.addi %add3A_1662, %select_n3A_1681 : vector<16xi32>
        %lt3A_1683 = arith.constant 0 : i32
        %lt3A_1684 = vector.broadcast %lt3A_1683 : i32 to vector<16xi32>
        %lt3A_1685 = arith.cmpi slt, %add3A_1682, %lt3A_1684 : vector<16xi32>
        %add3A_1686 = arith.constant 16 : i32
        %add3A_1687 = vector.broadcast %add3A_1686 : i32 to vector<16xi32>
        %add3A_1688 = arith.addi %add3A_1682, %add3A_1687 : vector<16xi32>
        %select_n3A_1689 = arith.select %lt3A_1685, %add3A_1688, %add3A_1682 : vector<16xi1>, vector<16xi32>
        %broadcast_in_dim3A_1690 = vector.shape_cast %select_n3A_1689 : vector<16xi32> to vector<16x1xi32>
        %gather3A_1691 = vector.shape_cast %broadcast_in_dim3A_1690 : vector<16x1xi32> to vector<16xi32>
        %gather3A_1692 = tpu.dynamic_gather %gather3A_835[%gather3A_1691] in [0] : vector<16xf32>, vector<16xi32> -> vector<16xf32>
        %gt3A_1693 = arith.cmpf ogt, %get3A_1647, %gather3A_1692 : vector<16xf32>
        %jit3A_1694 = arith.constant 1 : i32
        %jit3A_1695 = arith.constant 0 : i32
        %broadcast_in_dim3A_1696 = vector.broadcast %jit3A_1694 : i32 to vector<16xi32>
        %broadcast_in_dim3A_1697 = vector.broadcast %jit3A_1695 : i32 to vector<16xi32>
        %select_n3A_1698 = arith.select %gt3A_1693, %broadcast_in_dim3A_1696, %broadcast_in_dim3A_1697 : vector<16xi1>, vector<16xi32>
        %add3A_1699 = arith.addi %add3A_1682, %select_n3A_1698 : vector<16xi32>
        %lt3A_1700 = arith.constant 0 : i32
        %lt3A_1701 = vector.broadcast %lt3A_1700 : i32 to vector<16xi32>
        %lt3A_1702 = arith.cmpi slt, %add3A_1699, %lt3A_1701 : vector<16xi32>
        %add3A_1703 = arith.constant 16 : i32
        %add3A_1704 = vector.broadcast %add3A_1703 : i32 to vector<16xi32>
        %add3A_1705 = arith.addi %add3A_1699, %add3A_1704 : vector<16xi32>
        %select_n3A_1706 = arith.select %lt3A_1702, %add3A_1705, %add3A_1699 : vector<16xi1>, vector<16xi32>
        %broadcast_in_dim3A_1707 = vector.shape_cast %select_n3A_1706 : vector<16xi32> to vector<16x1xi32>
        %gather3A_1708 = vector.shape_cast %broadcast_in_dim3A_1707 : vector<16x1xi32> to vector<16xi32>
        %gather3A_1709 = tpu.dynamic_gather %sub3A_1212[%gather3A_1708] in [0] : vector<16xi32>, vector<16xi32> -> vector<16xi32>
        %swap3A_1710 = arith.constant 0 : i32
        %swap3A_1711 = arith.index_cast %swap3A_1710 : i32 to index
        %swap3A_1712 = arith.index_cast %mul3A_1642 : i32 to index
        %swap3A_1713 = tpu.vector_load %arg8[%swap3A_1711, %swap3A_1712] {strides = array<i32>} : memref<2x16384xi32, #tpu.memory_space<vmem>>, vector<1x16xi32>,
        %swap3A_1714 = vector.shape_cast %swap3A_1713 : vector<1x16xi32> to vector<16xi32>
        %swap3A_1715 = vector.shape_cast %gather3A_1709 : vector<16xi32> to vector<1x16xi32>
        tpu.vector_store %arg8[%swap3A_1711, %swap3A_1712], %swap3A_1715 {strides = array<i32>} : memref<2x16384xi32, #tpu.memory_space<vmem>>, vector<1x16xi32>,
        %mul3A_1716 = arith.constant 8 : i32
        %mul3A_1717 = arith.muli %scan3A_1398, %mul3A_1716 : i32
        %add3A_1718 = arith.constant 4 : i32
        %add3A_1719 = arith.addi %mul3A_1717, %add3A_1718 : i32
        %mul3A_1720 = arith.constant 16 : i32
        %mul3A_1721 = arith.muli %add3A_1719, %mul3A_1720 : i32
        %get3A_1722 = arith.constant 0 : i32
        %get3A_1723 = arith.index_cast %get3A_1722 : i32 to index
        %get3A_1724 = arith.index_cast %mul3A_1721 : i32 to index
        %get3A_1725 = tpu.vector_load %arg7[%get3A_1723, %get3A_1724] {strides = array<i32>} : memref<2x16384xf32, #tpu.memory_space<vmem>>, vector<1x16xf32>,
        %get3A_1726 = vector.shape_cast %get3A_1725 : vector<1x16xf32> to vector<16xf32>
        %max3A_1727 = arith.maximumf %max3A_1648, %get3A_1726 : vector<16xf32>
        %gt3A_1728 = arith.cmpf ogt, %get3A_1726, %gather3A_1246 : vector<16xf32>
        %jit3A_1729 = arith.constant 8 : i32
        %jit3A_1730 = arith.constant 0 : i32
        %broadcast_in_dim3A_1731 = vector.broadcast %jit3A_1729 : i32 to vector<16xi32>
        %broadcast_in_dim3A_1732 = vector.broadcast %jit3A_1730 : i32 to vector<16xi32>
        %select_n3A_1733 = arith.select %gt3A_1728, %broadcast_in_dim3A_1731, %broadcast_in_dim3A_1732 : vector<16xi1>, vector<16xi32>
        %select_n3A_1734 = arith.select %gt3A_1728, %gather3A_1270, %gather3A_1258 : vector<16xi1>, vector<16xf32>
        %gt3A_1735 = arith.cmpf ogt, %get3A_1726, %select_n3A_1734 : vector<16xf32>
        %jit3A_1736 = arith.constant 4 : i32
        %jit3A_1737 = arith.constant 0 : i32
        %broadcast_in_dim3A_1738 = vector.broadcast %jit3A_1736 : i32 to vector<16xi32>
        %broadcast_in_dim3A_1739 = vector.broadcast %jit3A_1737 : i32 to vector<16xi32>
        %select_n3A_1740 = arith.select %gt3A_1735, %broadcast_in_dim3A_1738, %broadcast_in_dim3A_1739 : vector<16xi1>, vector<16xi32>
        %add3A_1741 = arith.addi %select_n3A_1733, %select_n3A_1740 : vector<16xi32>
        %add3A_1742 = arith.constant 1 : i32
        %add3A_1743 = vector.broadcast %add3A_1742 : i32 to vector<16xi32>
        %add3A_1744 = arith.addi %add3A_1741, %add3A_1743 : vector<16xi32>
        %lt3A_1745 = arith.constant 0 : i32
        %lt3A_1746 = vector.broadcast %lt3A_1745 : i32 to vector<16xi32>
        %lt3A_1747 = arith.cmpi slt, %add3A_1744, %lt3A_1746 : vector<16xi32>
        %add3A_1748 = arith.constant 16 : i32
        %add3A_1749 = vector.broadcast %add3A_1748 : i32 to vector<16xi32>
        %add3A_1750 = arith.addi %add3A_1744, %add3A_1749 : vector<16xi32>
        %select_n3A_1751 = arith.select %lt3A_1747, %add3A_1750, %add3A_1744 : vector<16xi1>, vector<16xi32>
        %broadcast_in_dim3A_1752 = vector.shape_cast %select_n3A_1751 : vector<16xi32> to vector<16x1xi32>
        %gather3A_1753 = vector.shape_cast %broadcast_in_dim3A_1752 : vector<16x1xi32> to vector<16xi32>
        %gather3A_1754 = tpu.dynamic_gather %gather3A_835[%gather3A_1753] in [0] : vector<16xf32>, vector<16xi32> -> vector<16xf32>
        %gt3A_1755 = arith.cmpf ogt, %get3A_1726, %gather3A_1754 : vector<16xf32>
        %jit3A_1756 = arith.constant 2 : i32
        %jit3A_1757 = arith.constant 0 : i32
        %broadcast_in_dim3A_1758 = vector.broadcast %jit3A_1756 : i32 to vector<16xi32>
        %broadcast_in_dim3A_1759 = vector.broadcast %jit3A_1757 : i32 to vector<16xi32>
        %select_n3A_1760 = arith.select %gt3A_1755, %broadcast_in_dim3A_1758, %broadcast_in_dim3A_1759 : vector<16xi1>, vector<16xi32>
        %add3A_1761 = arith.addi %add3A_1741, %select_n3A_1760 : vector<16xi32>
        %lt3A_1762 = arith.constant 0 : i32
        %lt3A_1763 = vector.broadcast %lt3A_1762 : i32 to vector<16xi32>
        %lt3A_1764 = arith.cmpi slt, %add3A_1761, %lt3A_1763 : vector<16xi32>
        %add3A_1765 = arith.constant 16 : i32
        %add3A_1766 = vector.broadcast %add3A_1765 : i32 to vector<16xi32>
        %add3A_1767 = arith.addi %add3A_1761, %add3A_1766 : vector<16xi32>
        %select_n3A_1768 = arith.select %lt3A_1764, %add3A_1767, %add3A_1761 : vector<16xi1>, vector<16xi32>
        %broadcast_in_dim3A_1769 = vector.shape_cast %select_n3A_1768 : vector<16xi32> to vector<16x1xi32>
        %gather3A_1770 = vector.shape_cast %broadcast_in_dim3A_1769 : vector<16x1xi32> to vector<16xi32>
        %gather3A_1771 = tpu.dynamic_gather %gather3A_835[%gather3A_1770] in [0] : vector<16xf32>, vector<16xi32> -> vector<16xf32>
        %gt3A_1772 = arith.cmpf ogt, %get3A_1726, %gather3A_1771 : vector<16xf32>
        %jit3A_1773 = arith.constant 1 : i32
        %jit3A_1774 = arith.constant 0 : i32
        %broadcast_in_dim3A_1775 = vector.broadcast %jit3A_1773 : i32 to vector<16xi32>
        %broadcast_in_dim3A_1776 = vector.broadcast %jit3A_1774 : i32 to vector<16xi32>
        %select_n3A_1777 = arith.select %gt3A_1772, %broadcast_in_dim3A_1775, %broadcast_in_dim3A_1776 : vector<16xi1>, vector<16xi32>
        %add3A_1778 = arith.addi %add3A_1761, %select_n3A_1777 : vector<16xi32>
        %lt3A_1779 = arith.constant 0 : i32
        %lt3A_1780 = vector.broadcast %lt3A_1779 : i32 to vector<16xi32>
        %lt3A_1781 = arith.cmpi slt, %add3A_1778, %lt3A_1780 : vector<16xi32>
        %add3A_1782 = arith.constant 16 : i32
        %add3A_1783 = vector.broadcast %add3A_1782 : i32 to vector<16xi32>
        %add3A_1784 = arith.addi %add3A_1778, %add3A_1783 : vector<16xi32>
        %select_n3A_1785 = arith.select %lt3A_1781, %add3A_1784, %add3A_1778 : vector<16xi1>, vector<16xi32>
        %broadcast_in_dim3A_1786 = vector.shape_cast %select_n3A_1785 : vector<16xi32> to vector<16x1xi32>
        %gather3A_1787 = vector.shape_cast %broadcast_in_dim3A_1786 : vector<16x1xi32> to vector<16xi32>
        %gather3A_1788 = tpu.dynamic_gather %sub3A_1212[%gather3A_1787] in [0] : vector<16xi32>, vector<16xi32> -> vector<16xi32>
        %swap3A_1789 = arith.constant 0 : i32
        %swap3A_1790 = arith.index_cast %swap3A_1789 : i32 to index
        %swap3A_1791 = arith.index_cast %mul3A_1721 : i32 to index
        %swap3A_1792 = tpu.vector_load %arg8[%swap3A_1790, %swap3A_1791] {strides = array<i32>} : memref<2x16384xi32, #tpu.memory_space<vmem>>, vector<1x16xi32>,
        %swap3A_1793 = vector.shape_cast %swap3A_1792 : vector<1x16xi32> to vector<16xi32>
        %swap3A_1794 = vector.shape_cast %gather3A_1788 : vector<16xi32> to vector<1x16xi32>
        tpu.vector_store %arg8[%swap3A_1790, %swap3A_1791], %swap3A_1794 {strides = array<i32>} : memref<2x16384xi32, #tpu.memory_space<vmem>>, vector<1x16xi32>,
        %mul3A_1795 = arith.constant 8 : i32
        %mul3A_1796 = arith.muli %scan3A_1398, %mul3A_1795 : i32
        %add3A_1797 = arith.constant 5 : i32
        %add3A_1798 = arith.addi %mul3A_1796, %add3A_1797 : i32
        %mul3A_1799 = arith.constant 16 : i32
        %mul3A_1800 = arith.muli %add3A_1798, %mul3A_1799 : i32
        %get3A_1801 = arith.constant 0 : i32
        %get3A_1802 = arith.index_cast %get3A_1801 : i32 to index
        %get3A_1803 = arith.index_cast %mul3A_1800 : i32 to index
        %get3A_1804 = tpu.vector_load %arg7[%get3A_1802, %get3A_1803] {strides = array<i32>} : memref<2x16384xf32, #tpu.memory_space<vmem>>, vector<1x16xf32>,
        %get3A_1805 = vector.shape_cast %get3A_1804 : vector<1x16xf32> to vector<16xf32>
        %max3A_1806 = arith.maximumf %max3A_1727, %get3A_1805 : vector<16xf32>
        %gt3A_1807 = arith.cmpf ogt, %get3A_1805, %gather3A_1246 : vector<16xf32>
        %jit3A_1808 = arith.constant 8 : i32
        %jit3A_1809 = arith.constant 0 : i32
        %broadcast_in_dim3A_1810 = vector.broadcast %jit3A_1808 : i32 to vector<16xi32>
        %broadcast_in_dim3A_1811 = vector.broadcast %jit3A_1809 : i32 to vector<16xi32>
        %select_n3A_1812 = arith.select %gt3A_1807, %broadcast_in_dim3A_1810, %broadcast_in_dim3A_1811 : vector<16xi1>, vector<16xi32>
        %select_n3A_1813 = arith.select %gt3A_1807, %gather3A_1270, %gather3A_1258 : vector<16xi1>, vector<16xf32>
        %gt3A_1814 = arith.cmpf ogt, %get3A_1805, %select_n3A_1813 : vector<16xf32>
        %jit3A_1815 = arith.constant 4 : i32
        %jit3A_1816 = arith.constant 0 : i32
        %broadcast_in_dim3A_1817 = vector.broadcast %jit3A_1815 : i32 to vector<16xi32>
        %broadcast_in_dim3A_1818 = vector.broadcast %jit3A_1816 : i32 to vector<16xi32>
        %select_n3A_1819 = arith.select %gt3A_1814, %broadcast_in_dim3A_1817, %broadcast_in_dim3A_1818 : vector<16xi1>, vector<16xi32>
        %add3A_1820 = arith.addi %select_n3A_1812, %select_n3A_1819 : vector<16xi32>
        %add3A_1821 = arith.constant 1 : i32
        %add3A_1822 = vector.broadcast %add3A_1821 : i32 to vector<16xi32>
        %add3A_1823 = arith.addi %add3A_1820, %add3A_1822 : vector<16xi32>
        %lt3A_1824 = arith.constant 0 : i32
        %lt3A_1825 = vector.broadcast %lt3A_1824 : i32 to vector<16xi32>
        %lt3A_1826 = arith.cmpi slt, %add3A_1823, %lt3A_1825 : vector<16xi32>
        %add3A_1827 = arith.constant 16 : i32
        %add3A_1828 = vector.broadcast %add3A_1827 : i32 to vector<16xi32>
        %add3A_1829 = arith.addi %add3A_1823, %add3A_1828 : vector<16xi32>
        %select_n3A_1830 = arith.select %lt3A_1826, %add3A_1829, %add3A_1823 : vector<16xi1>, vector<16xi32>
        %broadcast_in_dim3A_1831 = vector.shape_cast %select_n3A_1830 : vector<16xi32> to vector<16x1xi32>
        %gather3A_1832 = vector.shape_cast %broadcast_in_dim3A_1831 : vector<16x1xi32> to vector<16xi32>
        %gather3A_1833 = tpu.dynamic_gather %gather3A_835[%gather3A_1832] in [0] : vector<16xf32>, vector<16xi32> -> vector<16xf32>
        %gt3A_1834 = arith.cmpf ogt, %get3A_1805, %gather3A_1833 : vector<16xf32>
        %jit3A_1835 = arith.constant 2 : i32
        %jit3A_1836 = arith.constant 0 : i32
        %broadcast_in_dim3A_1837 = vector.broadcast %jit3A_1835 : i32 to vector<16xi32>
        %broadcast_in_dim3A_1838 = vector.broadcast %jit3A_1836 : i32 to vector<16xi32>
        %select_n3A_1839 = arith.select %gt3A_1834, %broadcast_in_dim3A_1837, %broadcast_in_dim3A_1838 : vector<16xi1>, vector<16xi32>
        %add3A_1840 = arith.addi %add3A_1820, %select_n3A_1839 : vector<16xi32>
        %lt3A_1841 = arith.constant 0 : i32
        %lt3A_1842 = vector.broadcast %lt3A_1841 : i32 to vector<16xi32>
        %lt3A_1843 = arith.cmpi slt, %add3A_1840, %lt3A_1842 : vector<16xi32>
        %add3A_1844 = arith.constant 16 : i32
        %add3A_1845 = vector.broadcast %add3A_1844 : i32 to vector<16xi32>
        %add3A_1846 = arith.addi %add3A_1840, %add3A_1845 : vector<16xi32>
        %select_n3A_1847 = arith.select %lt3A_1843, %add3A_1846, %add3A_1840 : vector<16xi1>, vector<16xi32>
        %broadcast_in_dim3A_1848 = vector.shape_cast %select_n3A_1847 : vector<16xi32> to vector<16x1xi32>
        %gather3A_1849 = vector.shape_cast %broadcast_in_dim3A_1848 : vector<16x1xi32> to vector<16xi32>
        %gather3A_1850 = tpu.dynamic_gather %gather3A_835[%gather3A_1849] in [0] : vector<16xf32>, vector<16xi32> -> vector<16xf32>
        %gt3A_1851 = arith.cmpf ogt, %get3A_1805, %gather3A_1850 : vector<16xf32>
        %jit3A_1852 = arith.constant 1 : i32
        %jit3A_1853 = arith.constant 0 : i32
        %broadcast_in_dim3A_1854 = vector.broadcast %jit3A_1852 : i32 to vector<16xi32>
        %broadcast_in_dim3A_1855 = vector.broadcast %jit3A_1853 : i32 to vector<16xi32>
        %select_n3A_1856 = arith.select %gt3A_1851, %broadcast_in_dim3A_1854, %broadcast_in_dim3A_1855 : vector<16xi1>, vector<16xi32>
        %add3A_1857 = arith.addi %add3A_1840, %select_n3A_1856 : vector<16xi32>
        %lt3A_1858 = arith.constant 0 : i32
        %lt3A_1859 = vector.broadcast %lt3A_1858 : i32 to vector<16xi32>
        %lt3A_1860 = arith.cmpi slt, %add3A_1857, %lt3A_1859 : vector<16xi32>
        %add3A_1861 = arith.constant 16 : i32
        %add3A_1862 = vector.broadcast %add3A_1861 : i32 to vector<16xi32>
        %add3A_1863 = arith.addi %add3A_1857, %add3A_1862 : vector<16xi32>
        %select_n3A_1864 = arith.select %lt3A_1860, %add3A_1863, %add3A_1857 : vector<16xi1>, vector<16xi32>
        %broadcast_in_dim3A_1865 = vector.shape_cast %select_n3A_1864 : vector<16xi32> to vector<16x1xi32>
        %gather3A_1866 = vector.shape_cast %broadcast_in_dim3A_1865 : vector<16x1xi32> to vector<16xi32>
        %gather3A_1867 = tpu.dynamic_gather %sub3A_1212[%gather3A_1866] in [0] : vector<16xi32>, vector<16xi32> -> vector<16xi32>
        %swap3A_1868 = arith.constant 0 : i32
        %swap3A_1869 = arith.index_cast %swap3A_1868 : i32 to index
        %swap3A_1870 = arith.index_cast %mul3A_1800 : i32 to index
        %swap3A_1871 = tpu.vector_load %arg8[%swap3A_1869, %swap3A_1870] {strides = array<i32>} : memref<2x16384xi32, #tpu.memory_space<vmem>>, vector<1x16xi32>,
        %swap3A_1872 = vector.shape_cast %swap3A_1871 : vector<1x16xi32> to vector<16xi32>
        %swap3A_1873 = vector.shape_cast %gather3A_1867 : vector<16xi32> to vector<1x16xi32>
        tpu.vector_store %arg8[%swap3A_1869, %swap3A_1870], %swap3A_1873 {strides = array<i32>} : memref<2x16384xi32, #tpu.memory_space<vmem>>, vector<1x16xi32>,
        %mul3A_1874 = arith.constant 8 : i32
        %mul3A_1875 = arith.muli %scan3A_1398, %mul3A_1874 : i32
        %add3A_1876 = arith.constant 6 : i32
        %add3A_1877 = arith.addi %mul3A_1875, %add3A_1876 : i32
        %mul3A_1878 = arith.constant 16 : i32
        %mul3A_1879 = arith.muli %add3A_1877, %mul3A_1878 : i32
        %get3A_1880 = arith.constant 0 : i32
        %get3A_1881 = arith.index_cast %get3A_1880 : i32 to index
        %get3A_1882 = arith.index_cast %mul3A_1879 : i32 to index
        %get3A_1883 = tpu.vector_load %arg7[%get3A_1881, %get3A_1882] {strides = array<i32>} : memref<2x16384xf32, #tpu.memory_space<vmem>>, vector<1x16xf32>,
        %get3A_1884 = vector.shape_cast %get3A_1883 : vector<1x16xf32> to vector<16xf32>
        %max3A_1885 = arith.maximumf %max3A_1806, %get3A_1884 : vector<16xf32>
        %gt3A_1886 = arith.cmpf ogt, %get3A_1884, %gather3A_1246 : vector<16xf32>
        %jit3A_1887 = arith.constant 8 : i32
        %jit3A_1888 = arith.constant 0 : i32
        %broadcast_in_dim3A_1889 = vector.broadcast %jit3A_1887 : i32 to vector<16xi32>
        %broadcast_in_dim3A_1890 = vector.broadcast %jit3A_1888 : i32 to vector<16xi32>
        %select_n3A_1891 = arith.select %gt3A_1886, %broadcast_in_dim3A_1889, %broadcast_in_dim3A_1890 : vector<16xi1>, vector<16xi32>
        %select_n3A_1892 = arith.select %gt3A_1886, %gather3A_1270, %gather3A_1258 : vector<16xi1>, vector<16xf32>
        %gt3A_1893 = arith.cmpf ogt, %get3A_1884, %select_n3A_1892 : vector<16xf32>
        %jit3A_1894 = arith.constant 4 : i32
        %jit3A_1895 = arith.constant 0 : i32
        %broadcast_in_dim3A_1896 = vector.broadcast %jit3A_1894 : i32 to vector<16xi32>
        %broadcast_in_dim3A_1897 = vector.broadcast %jit3A_1895 : i32 to vector<16xi32>
        %select_n3A_1898 = arith.select %gt3A_1893, %broadcast_in_dim3A_1896, %broadcast_in_dim3A_1897 : vector<16xi1>, vector<16xi32>
        %add3A_1899 = arith.addi %select_n3A_1891, %select_n3A_1898 : vector<16xi32>
        %add3A_1900 = arith.constant 1 : i32
        %add3A_1901 = vector.broadcast %add3A_1900 : i32 to vector<16xi32>
        %add3A_1902 = arith.addi %add3A_1899, %add3A_1901 : vector<16xi32>
        %lt3A_1903 = arith.constant 0 : i32
        %lt3A_1904 = vector.broadcast %lt3A_1903 : i32 to vector<16xi32>
        %lt3A_1905 = arith.cmpi slt, %add3A_1902, %lt3A_1904 : vector<16xi32>
        %add3A_1906 = arith.constant 16 : i32
        %add3A_1907 = vector.broadcast %add3A_1906 : i32 to vector<16xi32>
        %add3A_1908 = arith.addi %add3A_1902, %add3A_1907 : vector<16xi32>
        %select_n3A_1909 = arith.select %lt3A_1905, %add3A_1908, %add3A_1902 : vector<16xi1>, vector<16xi32>
        %broadcast_in_dim3A_1910 = vector.shape_cast %select_n3A_1909 : vector<16xi32> to vector<16x1xi32>
        %gather3A_1911 = vector.shape_cast %broadcast_in_dim3A_1910 : vector<16x1xi32> to vector<16xi32>
        %gather3A_1912 = tpu.dynamic_gather %gather3A_835[%gather3A_1911] in [0] : vector<16xf32>, vector<16xi32> -> vector<16xf32>
        %gt3A_1913 = arith.cmpf ogt, %get3A_1884, %gather3A_1912 : vector<16xf32>
        %jit3A_1914 = arith.constant 2 : i32
        %jit3A_1915 = arith.constant 0 : i32
        %broadcast_in_dim3A_1916 = vector.broadcast %jit3A_1914 : i32 to vector<16xi32>
        %broadcast_in_dim3A_1917 = vector.broadcast %jit3A_1915 : i32 to vector<16xi32>
        %select_n3A_1918 = arith.select %gt3A_1913, %broadcast_in_dim3A_1916, %broadcast_in_dim3A_1917 : vector<16xi1>, vector<16xi32>
        %add3A_1919 = arith.addi %add3A_1899, %select_n3A_1918 : vector<16xi32>
        %lt3A_1920 = arith.constant 0 : i32
        %lt3A_1921 = vector.broadcast %lt3A_1920 : i32 to vector<16xi32>
        %lt3A_1922 = arith.cmpi slt, %add3A_1919, %lt3A_1921 : vector<16xi32>
        %add3A_1923 = arith.constant 16 : i32
        %add3A_1924 = vector.broadcast %add3A_1923 : i32 to vector<16xi32>
        %add3A_1925 = arith.addi %add3A_1919, %add3A_1924 : vector<16xi32>
        %select_n3A_1926 = arith.select %lt3A_1922, %add3A_1925, %add3A_1919 : vector<16xi1>, vector<16xi32>
        %broadcast_in_dim3A_1927 = vector.shape_cast %select_n3A_1926 : vector<16xi32> to vector<16x1xi32>
        %gather3A_1928 = vector.shape_cast %broadcast_in_dim3A_1927 : vector<16x1xi32> to vector<16xi32>
        %gather3A_1929 = tpu.dynamic_gather %gather3A_835[%gather3A_1928] in [0] : vector<16xf32>, vector<16xi32> -> vector<16xf32>
        %gt3A_1930 = arith.cmpf ogt, %get3A_1884, %gather3A_1929 : vector<16xf32>
        %jit3A_1931 = arith.constant 1 : i32
        %jit3A_1932 = arith.constant 0 : i32
        %broadcast_in_dim3A_1933 = vector.broadcast %jit3A_1931 : i32 to vector<16xi32>
        %broadcast_in_dim3A_1934 = vector.broadcast %jit3A_1932 : i32 to vector<16xi32>
        %select_n3A_1935 = arith.select %gt3A_1930, %broadcast_in_dim3A_1933, %broadcast_in_dim3A_1934 : vector<16xi1>, vector<16xi32>
        %add3A_1936 = arith.addi %add3A_1919, %select_n3A_1935 : vector<16xi32>
        %lt3A_1937 = arith.constant 0 : i32
        %lt3A_1938 = vector.broadcast %lt3A_1937 : i32 to vector<16xi32>
        %lt3A_1939 = arith.cmpi slt, %add3A_1936, %lt3A_1938 : vector<16xi32>
        %add3A_1940 = arith.constant 16 : i32
        %add3A_1941 = vector.broadcast %add3A_1940 : i32 to vector<16xi32>
        %add3A_1942 = arith.addi %add3A_1936, %add3A_1941 : vector<16xi32>
        %select_n3A_1943 = arith.select %lt3A_1939, %add3A_1942, %add3A_1936 : vector<16xi1>, vector<16xi32>
        %broadcast_in_dim3A_1944 = vector.shape_cast %select_n3A_1943 : vector<16xi32> to vector<16x1xi32>
        %gather3A_1945 = vector.shape_cast %broadcast_in_dim3A_1944 : vector<16x1xi32> to vector<16xi32>
        %gather3A_1946 = tpu.dynamic_gather %sub3A_1212[%gather3A_1945] in [0] : vector<16xi32>, vector<16xi32> -> vector<16xi32>
        %swap3A_1947 = arith.constant 0 : i32
        %swap3A_1948 = arith.index_cast %swap3A_1947 : i32 to index
        %swap3A_1949 = arith.index_cast %mul3A_1879 : i32 to index
        %swap3A_1950 = tpu.vector_load %arg8[%swap3A_1948, %swap3A_1949] {strides = array<i32>} : memref<2x16384xi32, #tpu.memory_space<vmem>>, vector<1x16xi32>,
        %swap3A_1951 = vector.shape_cast %swap3A_1950 : vector<1x16xi32> to vector<16xi32>
        %swap3A_1952 = vector.shape_cast %gather3A_1946 : vector<16xi32> to vector<1x16xi32>
        tpu.vector_store %arg8[%swap3A_1948, %swap3A_1949], %swap3A_1952 {strides = array<i32>} : memref<2x16384xi32, #tpu.memory_space<vmem>>, vector<1x16xi32>,
        %mul3A_1953 = arith.constant 8 : i32
        %mul3A_1954 = arith.muli %scan3A_1398, %mul3A_1953 : i32
        %add3A_1955 = arith.constant 7 : i32
        %add3A_1956 = arith.addi %mul3A_1954, %add3A_1955 : i32
        %mul3A_1957 = arith.constant 16 : i32
        %mul3A_1958 = arith.muli %add3A_1956, %mul3A_1957 : i32
        %get3A_1959 = arith.constant 0 : i32
        %get3A_1960 = arith.index_cast %get3A_1959 : i32 to index
        %get3A_1961 = arith.index_cast %mul3A_1958 : i32 to index
        %get3A_1962 = tpu.vector_load %arg7[%get3A_1960, %get3A_1961] {strides = array<i32>} : memref<2x16384xf32, #tpu.memory_space<vmem>>, vector<1x16xf32>,
        %get3A_1963 = vector.shape_cast %get3A_1962 : vector<1x16xf32> to vector<16xf32>
        %max3A_1964 = arith.maximumf %max3A_1885, %get3A_1963 : vector<16xf32>
        %gt3A_1965 = arith.cmpf ogt, %get3A_1963, %gather3A_1246 : vector<16xf32>
        %jit3A_1966 = arith.constant 8 : i32
        %jit3A_1967 = arith.constant 0 : i32
        %broadcast_in_dim3A_1968 = vector.broadcast %jit3A_1966 : i32 to vector<16xi32>
        %broadcast_in_dim3A_1969 = vector.broadcast %jit3A_1967 : i32 to vector<16xi32>
        %select_n3A_1970 = arith.select %gt3A_1965, %broadcast_in_dim3A_1968, %broadcast_in_dim3A_1969 : vector<16xi1>, vector<16xi32>
        %select_n3A_1971 = arith.select %gt3A_1965, %gather3A_1270, %gather3A_1258 : vector<16xi1>, vector<16xf32>
        %gt3A_1972 = arith.cmpf ogt, %get3A_1963, %select_n3A_1971 : vector<16xf32>
        %jit3A_1973 = arith.constant 4 : i32
        %jit3A_1974 = arith.constant 0 : i32
        %broadcast_in_dim3A_1975 = vector.broadcast %jit3A_1973 : i32 to vector<16xi32>
        %broadcast_in_dim3A_1976 = vector.broadcast %jit3A_1974 : i32 to vector<16xi32>
        %select_n3A_1977 = arith.select %gt3A_1972, %broadcast_in_dim3A_1975, %broadcast_in_dim3A_1976 : vector<16xi1>, vector<16xi32>
        %add3A_1978 = arith.addi %select_n3A_1970, %select_n3A_1977 : vector<16xi32>
        %add3A_1979 = arith.constant 1 : i32
        %add3A_1980 = vector.broadcast %add3A_1979 : i32 to vector<16xi32>
        %add3A_1981 = arith.addi %add3A_1978, %add3A_1980 : vector<16xi32>
        %lt3A_1982 = arith.constant 0 : i32
        %lt3A_1983 = vector.broadcast %lt3A_1982 : i32 to vector<16xi32>
        %lt3A_1984 = arith.cmpi slt, %add3A_1981, %lt3A_1983 : vector<16xi32>
        %add3A_1985 = arith.constant 16 : i32
        %add3A_1986 = vector.broadcast %add3A_1985 : i32 to vector<16xi32>
        %add3A_1987 = arith.addi %add3A_1981, %add3A_1986 : vector<16xi32>
        %select_n3A_1988 = arith.select %lt3A_1984, %add3A_1987, %add3A_1981 : vector<16xi1>, vector<16xi32>
        %broadcast_in_dim3A_1989 = vector.shape_cast %select_n3A_1988 : vector<16xi32> to vector<16x1xi32>
        %gather3A_1990 = vector.shape_cast %broadcast_in_dim3A_1989 : vector<16x1xi32> to vector<16xi32>
        %gather3A_1991 = tpu.dynamic_gather %gather3A_835[%gather3A_1990] in [0] : vector<16xf32>, vector<16xi32> -> vector<16xf32>
        %gt3A_1992 = arith.cmpf ogt, %get3A_1963, %gather3A_1991 : vector<16xf32>
        %jit3A_1993 = arith.constant 2 : i32
        %jit3A_1994 = arith.constant 0 : i32
        %broadcast_in_dim3A_1995 = vector.broadcast %jit3A_1993 : i32 to vector<16xi32>
        %broadcast_in_dim3A_1996 = vector.broadcast %jit3A_1994 : i32 to vector<16xi32>
        %select_n3A_1997 = arith.select %gt3A_1992, %broadcast_in_dim3A_1995, %broadcast_in_dim3A_1996 : vector<16xi1>, vector<16xi32>
        %add3A_1998 = arith.addi %add3A_1978, %select_n3A_1997 : vector<16xi32>
        %lt3A_1999 = arith.constant 0 : i32
        %lt3A_2000 = vector.broadcast %lt3A_1999 : i32 to vector<16xi32>
        %lt3A_2001 = arith.cmpi slt, %add3A_1998, %lt3A_2000 : vector<16xi32>
        %add3A_2002 = arith.constant 16 : i32
        %add3A_2003 = vector.broadcast %add3A_2002 : i32 to vector<16xi32>
        %add3A_2004 = arith.addi %add3A_1998, %add3A_2003 : vector<16xi32>
        %select_n3A_2005 = arith.select %lt3A_2001, %add3A_2004, %add3A_1998 : vector<16xi1>, vector<16xi32>
        %broadcast_in_dim3A_2006 = vector.shape_cast %select_n3A_2005 : vector<16xi32> to vector<16x1xi32>
        %gather3A_2007 = vector.shape_cast %broadcast_in_dim3A_2006 : vector<16x1xi32> to vector<16xi32>
        %gather3A_2008 = tpu.dynamic_gather %gather3A_835[%gather3A_2007] in [0] : vector<16xf32>, vector<16xi32> -> vector<16xf32>
        %gt3A_2009 = arith.cmpf ogt, %get3A_1963, %gather3A_2008 : vector<16xf32>
        %jit3A_2010 = arith.constant 1 : i32
        %jit3A_2011 = arith.constant 0 : i32
        %broadcast_in_dim3A_2012 = vector.broadcast %jit3A_2010 : i32 to vector<16xi32>
        %broadcast_in_dim3A_2013 = vector.broadcast %jit3A_2011 : i32 to vector<16xi32>
        %select_n3A_2014 = arith.select %gt3A_2009, %broadcast_in_dim3A_2012, %broadcast_in_dim3A_2013 : vector<16xi1>, vector<16xi32>
        %add3A_2015 = arith.addi %add3A_1998, %select_n3A_2014 : vector<16xi32>
        %lt3A_2016 = arith.constant 0 : i32
        %lt3A_2017 = vector.broadcast %lt3A_2016 : i32 to vector<16xi32>
        %lt3A_2018 = arith.cmpi slt, %add3A_2015, %lt3A_2017 : vector<16xi32>
        %add3A_2019 = arith.constant 16 : i32
        %add3A_2020 = vector.broadcast %add3A_2019 : i32 to vector<16xi32>
        %add3A_2021 = arith.addi %add3A_2015, %add3A_2020 : vector<16xi32>
        %select_n3A_2022 = arith.select %lt3A_2018, %add3A_2021, %add3A_2015 : vector<16xi1>, vector<16xi32>
        %broadcast_in_dim3A_2023 = vector.shape_cast %select_n3A_2022 : vector<16xi32> to vector<16x1xi32>
        %gather3A_2024 = vector.shape_cast %broadcast_in_dim3A_2023 : vector<16x1xi32> to vector<16xi32>
        %gather3A_2025 = tpu.dynamic_gather %sub3A_1212[%gather3A_2024] in [0] : vector<16xi32>, vector<16xi32> -> vector<16xi32>
        %swap3A_2026 = arith.constant 0 : i32
        %swap3A_2027 = arith.index_cast %swap3A_2026 : i32 to index
        %swap3A_2028 = arith.index_cast %mul3A_1958 : i32 to index
        %swap3A_2029 = tpu.vector_load %arg8[%swap3A_2027, %swap3A_2028] {strides = array<i32>} : memref<2x16384xi32, #tpu.memory_space<vmem>>, vector<1x16xi32>,
        %swap3A_2030 = vector.shape_cast %swap3A_2029 : vector<1x16xi32> to vector<16xi32>
        %swap3A_2031 = vector.shape_cast %gather3A_2025 : vector<16xi32> to vector<1x16xi32>
        tpu.vector_store %arg8[%swap3A_2027, %swap3A_2028], %swap3A_2031 {strides = array<i32>} : memref<2x16384xi32, #tpu.memory_space<vmem>>, vector<1x16xi32>,
        scf.yield %max3A_1964 : vector<16xf32>
      }
      %scan3A_1336 = arith.constant 128 : i32
      %mul3A_1337 = arith.constant 16384 : i32
      %mul3A_1338 = arith.muli %add3A_1313, %mul3A_1337 : i32
      %add3A_1339 = arith.addi %mul3A_2, %mul3A_1338 : i32
      %dma_start3A_1340 = arith.constant 0 : i32
      %dma_start3A_1341 = arith.constant 0 : i32
      %dma_start3A_1342 = tpu.memref_slice %arg8[%dma_start3A_1340, %dma_start3A_1341] : memref<2x16384xi32, #tpu.memory_space<vmem>> -> memref<1x16384xi32, #tpu.memory_space<vmem>>
      %dma_start3A_1343 = tpu.memref_squeeze %dma_start3A_1342 : memref<1x16384xi32, #tpu.memory_space<vmem>> -> memref<16384xi32, #tpu.memory_space<vmem>>
      %dma_start3A_1344 = tpu.memref_slice %arg5[%add3A_1339] : memref<4194304xi32, #tpu.memory_space<hbm>> -> memref<16384xi32, #tpu.memory_space<hbm>>
      %dma_start3A_1345 = tpu.memref_slice %arg5[%add3A_1339] : memref<4194304xi32, #tpu.memory_space<hbm>> -> memref<16384xi32, #tpu.memory_space<hbm>>
      %dma_start3A_1346 = arith.constant 0 : i32
      %dma_start3A_1347 = tpu.memref_slice %arg8[%dma_start3A_1340, %dma_start3A_1346] : memref<2x16384xi32, #tpu.memory_space<vmem>> -> memref<1x16384xi32, #tpu.memory_space<vmem>>
      %dma_start3A_1348 = tpu.memref_squeeze %dma_start3A_1347 : memref<1x16384xi32, #tpu.memory_space<vmem>> -> memref<16384xi32, #tpu.memory_space<vmem>>
      tpu.enqueue_dma source(%dma_start3A_1348 : memref<16384xi32, #tpu.memory_space<vmem>>) target(%dma_start3A_1345 : memref<16384xi32, #tpu.memory_space<hbm>>) target_semaphore(%arg15 : memref<!tpu.dma_semaphore, #tpu.memory_space<semaphore_mem>>)
      %lt3A_1349 = arith.constant 3 : i32
      %lt3A_1350 = arith.cmpi slt, %scan3A_1308, %lt3A_1349 : i32
      %convert_element_type3A_1351 = arith.extui %lt3A_1350 : i1 to i32
      %cond3A_1352 = arith.constant 0 : i32
      %cond3A_1353 = arith.cmpi ne, %convert_element_type3A_1351, %cond3A_1352 : i32
      scf.if %cond3A_1353 {
        %add3A_1398 = arith.constant 2 : i32
        %add3A_1399 = arith.addi %add3A_1313, %add3A_1398 : i32
        %mul3A_1400 = arith.constant 16384 : i32
        %mul3A_1401 = arith.muli %add3A_1399, %mul3A_1400 : i32
        %add3A_1402 = arith.addi %mul3A_2, %mul3A_1401 : i32
        %dma_start3A_1403 = arith.constant 0 : i32
        %dma_start3A_1404 = arith.constant 0 : i32
        %dma_start3A_1405 = tpu.memref_slice %arg7[%dma_start3A_1403, %dma_start3A_1404] : memref<2x16384xf32, #tpu.memory_space<vmem>> -> memref<1x16384xf32, #tpu.memory_space<vmem>>
        %dma_start3A_1406 = tpu.memref_squeeze %dma_start3A_1405 : memref<1x16384xf32, #tpu.memory_space<vmem>> -> memref<16384xf32, #tpu.memory_space<vmem>>
        %dma_start3A_1407 = tpu.memref_slice %arg2[%add3A_1402] : memref<4194304xf32, #tpu.memory_space<hbm>> -> memref<16384xf32, #tpu.memory_space<hbm>>
        %dma_start3A_1408 = arith.constant 0 : i32
        %dma_start3A_1409 = tpu.memref_slice %arg7[%dma_start3A_1403, %dma_start3A_1408] : memref<2x16384xf32, #tpu.memory_space<vmem>> -> memref<1x16384xf32, #tpu.memory_space<vmem>>
        %dma_start3A_1410 = tpu.memref_squeeze %dma_start3A_1409 : memref<1x16384xf32, #tpu.memory_space<vmem>> -> memref<16384xf32, #tpu.memory_space<vmem>>
        %dma_start3A_1411 = tpu.memref_slice %arg2[%add3A_1402] : memref<4194304xf32, #tpu.memory_space<hbm>> -> memref<16384xf32, #tpu.memory_space<hbm>>
        tpu.enqueue_dma source(%dma_start3A_1411 : memref<16384xf32, #tpu.memory_space<hbm>>) target(%dma_start3A_1410 : memref<16384xf32, #tpu.memory_space<vmem>>) target_semaphore(%arg13 : memref<!tpu.dma_semaphore, #tpu.memory_space<semaphore_mem>>)
      } else {
      }
      %mul3A_1354 = arith.constant 2 : i32
      %mul3A_1355 = arith.muli %mul3A_1354, %scan3A_1308 : i32
      %add3A_1356 = arith.constant 1 : i32
      %add3A_1357 = arith.addi %mul3A_1355, %add3A_1356 : i32
      %mul3A_1358 = arith.constant 16384 : i32
      %mul3A_1359 = arith.muli %add3A_1357, %mul3A_1358 : i32
      %add3A_1360 = arith.addi %mul3A_2, %mul3A_1359 : i32
      %dma_wait3A_1361 = arith.constant 1 : i32
      %dma_wait3A_1362 = arith.constant 0 : i32
      %dma_wait3A_1363 = tpu.memref_slice %arg7[%dma_wait3A_1361, %dma_wait3A_1362] : memref<2x16384xf32, #tpu.memory_space<vmem>> -> memref<1x16384xf32, #tpu.memory_space<vmem>>
      %dma_wait3A_1364 = tpu.memref_squeeze %dma_wait3A_1363 : memref<1x16384xf32, #tpu.memory_space<vmem>> -> memref<16384xf32, #tpu.memory_space<vmem>>
      %dma_wait3A_1365 = tpu.memref_slice %arg2[%add3A_1360] : memref<4194304xf32, #tpu.memory_space<hbm>> -> memref<16384xf32, #tpu.memory_space<hbm>>
      %dma_wait3A_1366 = arith.constant 0 : i32
      %dma_wait3A_1367 = tpu.memref_slice %arg7[%dma_wait3A_1361, %dma_wait3A_1366] : memref<2x16384xf32, #tpu.memory_space<vmem>> -> memref<1x16384xf32, #tpu.memory_space<vmem>>
      %dma_wait3A_1368 = tpu.memref_squeeze %dma_wait3A_1367 : memref<1x16384xf32, #tpu.memory_space<vmem>> -> memref<16384xf32, #tpu.memory_space<vmem>>
      %dma_wait3A_1369 = tpu.memref_slice %arg2[%add3A_1360] : memref<4194304xf32, #tpu.memory_space<hbm>> -> memref<16384xf32, #tpu.memory_space<hbm>>
      tpu.wait_dma2 semaphore(%arg14 : memref<!tpu.dma_semaphore, #tpu.memory_space<semaphore_mem>>) src(%dma_wait3A_1369 : memref<16384xf32, #tpu.memory_space<hbm>>) dst(%dma_wait3A_1368 : memref<16384xf32, #tpu.memory_space<vmem>>)
      %gt3A_1370 = arith.constant 0 : i32
      %gt3A_1371 = arith.cmpi sgt, %scan3A_1308, %gt3A_1370 : i32
      %convert_element_type3A_1372 = arith.extui %gt3A_1371 : i1 to i32
      %cond3A_1373 = arith.constant 0 : i32
      %cond3A_1374 = arith.cmpi ne, %convert_element_type3A_1372, %cond3A_1373 : i32
      scf.if %cond3A_1374 {
        %sub3A_1398 = arith.constant 2 : i32
        %sub3A_1399 = arith.subi %add3A_1357, %sub3A_1398 : i32
        %mul3A_1400 = arith.constant 16384 : i32
        %mul3A_1401 = arith.muli %sub3A_1399, %mul3A_1400 : i32
        %add3A_1402 = arith.addi %mul3A_2, %mul3A_1401 : i32
        %dma_wait3A_1403 = arith.constant 1 : i32
        %dma_wait3A_1404 = arith.constant 0 : i32
        %dma_wait3A_1405 = tpu.memref_slice %arg8[%dma_wait3A_1403, %dma_wait3A_1404] : memref<2x16384xi32, #tpu.memory_space<vmem>> -> memref<1x16384xi32, #tpu.memory_space<vmem>>
        %dma_wait3A_1406 = tpu.memref_squeeze %dma_wait3A_1405 : memref<1x16384xi32, #tpu.memory_space<vmem>> -> memref<16384xi32, #tpu.memory_space<vmem>>
        %dma_wait3A_1407 = tpu.memref_slice %arg5[%add3A_1402] : memref<4194304xi32, #tpu.memory_space<hbm>> -> memref<16384xi32, #tpu.memory_space<hbm>>
        %dma_wait3A_1408 = tpu.memref_slice %arg5[%add3A_1402] : memref<4194304xi32, #tpu.memory_space<hbm>> -> memref<16384xi32, #tpu.memory_space<hbm>>
        %dma_wait3A_1409 = arith.constant 0 : i32
        %dma_wait3A_1410 = tpu.memref_slice %arg8[%dma_wait3A_1403, %dma_wait3A_1409] : memref<2x16384xi32, #tpu.memory_space<vmem>> -> memref<1x16384xi32, #tpu.memory_space<vmem>>
        %dma_wait3A_1411 = tpu.memref_squeeze %dma_wait3A_1410 : memref<1x16384xi32, #tpu.memory_space<vmem>> -> memref<16384xi32, #tpu.memory_space<vmem>>
        tpu.wait_dma2 semaphore(%arg16 : memref<!tpu.dma_semaphore, #tpu.memory_space<semaphore_mem>>) src(%dma_wait3A_1411 : memref<16384xi32, #tpu.memory_space<vmem>>) dst(%dma_wait3A_1408 : memref<16384xi32, #tpu.memory_space<hbm>>)
      } else {
      }
      %scan3A_1375 = arith.constant 0 : i32
      %scan3A_1376 = arith.constant 128 : i32
      %scan3A_1377 = arith.addi %scan3A_1375, %scan3A_1376 : i32
      %scan3A_1378 = arith.constant 1 : i32
      %scan3A_1379 = scf.for %scan3A_1398 = %scan3A_1375 to %scan3A_1377 step %scan3A_1378 iter_args(%scan3A_1399 = %scan3A_1335) -> (vector<16xf32>)  : i32 {
        %mul3A_1400 = arith.constant 8 : i32
        %mul3A_1401 = arith.muli %scan3A_1398, %mul3A_1400 : i32
        %add3A_1402 = arith.constant 0 : i32
        %add3A_1403 = arith.addi %mul3A_1401, %add3A_1402 : i32
        %mul3A_1404 = arith.constant 16 : i32
        %mul3A_1405 = arith.muli %add3A_1403, %mul3A_1404 : i32
        %get3A_1406 = arith.constant 1 : i32
        %get3A_1407 = arith.index_cast %get3A_1406 : i32 to index
        %get3A_1408 = arith.index_cast %mul3A_1405 : i32 to index
        %get3A_1409 = tpu.vector_load %arg7[%get3A_1407, %get3A_1408] {strides = array<i32>} : memref<2x16384xf32, #tpu.memory_space<vmem>>, vector<1x16xf32>,
        %get3A_1410 = vector.shape_cast %get3A_1409 : vector<1x16xf32> to vector<16xf32>
        %max3A_1411 = arith.maximumf %scan3A_1399, %get3A_1410 : vector<16xf32>
        %gt3A_1412 = arith.cmpf ogt, %get3A_1410, %gather3A_1246 : vector<16xf32>
        %jit3A_1413 = arith.constant 8 : i32
        %jit3A_1414 = arith.constant 0 : i32
        %broadcast_in_dim3A_1415 = vector.broadcast %jit3A_1413 : i32 to vector<16xi32>
        %broadcast_in_dim3A_1416 = vector.broadcast %jit3A_1414 : i32 to vector<16xi32>
        %select_n3A_1417 = arith.select %gt3A_1412, %broadcast_in_dim3A_1415, %broadcast_in_dim3A_1416 : vector<16xi1>, vector<16xi32>
        %select_n3A_1418 = arith.select %gt3A_1412, %gather3A_1270, %gather3A_1258 : vector<16xi1>, vector<16xf32>
        %gt3A_1419 = arith.cmpf ogt, %get3A_1410, %select_n3A_1418 : vector<16xf32>
        %jit3A_1420 = arith.constant 4 : i32
        %jit3A_1421 = arith.constant 0 : i32
        %broadcast_in_dim3A_1422 = vector.broadcast %jit3A_1420 : i32 to vector<16xi32>
        %broadcast_in_dim3A_1423 = vector.broadcast %jit3A_1421 : i32 to vector<16xi32>
        %select_n3A_1424 = arith.select %gt3A_1419, %broadcast_in_dim3A_1422, %broadcast_in_dim3A_1423 : vector<16xi1>, vector<16xi32>
        %add3A_1425 = arith.addi %select_n3A_1417, %select_n3A_1424 : vector<16xi32>
        %add3A_1426 = arith.constant 1 : i32
        %add3A_1427 = vector.broadcast %add3A_1426 : i32 to vector<16xi32>
        %add3A_1428 = arith.addi %add3A_1425, %add3A_1427 : vector<16xi32>
        %lt3A_1429 = arith.constant 0 : i32
        %lt3A_1430 = vector.broadcast %lt3A_1429 : i32 to vector<16xi32>
        %lt3A_1431 = arith.cmpi slt, %add3A_1428, %lt3A_1430 : vector<16xi32>
        %add3A_1432 = arith.constant 16 : i32
        %add3A_1433 = vector.broadcast %add3A_1432 : i32 to vector<16xi32>
        %add3A_1434 = arith.addi %add3A_1428, %add3A_1433 : vector<16xi32>
        %select_n3A_1435 = arith.select %lt3A_1431, %add3A_1434, %add3A_1428 : vector<16xi1>, vector<16xi32>
        %broadcast_in_dim3A_1436 = vector.shape_cast %select_n3A_1435 : vector<16xi32> to vector<16x1xi32>
        %gather3A_1437 = vector.shape_cast %broadcast_in_dim3A_1436 : vector<16x1xi32> to vector<16xi32>
        %gather3A_1438 = tpu.dynamic_gather %gather3A_835[%gather3A_1437] in [0] : vector<16xf32>, vector<16xi32> -> vector<16xf32>
        %gt3A_1439 = arith.cmpf ogt, %get3A_1410, %gather3A_1438 : vector<16xf32>
        %jit3A_1440 = arith.constant 2 : i32
        %jit3A_1441 = arith.constant 0 : i32
        %broadcast_in_dim3A_1442 = vector.broadcast %jit3A_1440 : i32 to vector<16xi32>
        %broadcast_in_dim3A_1443 = vector.broadcast %jit3A_1441 : i32 to vector<16xi32>
        %select_n3A_1444 = arith.select %gt3A_1439, %broadcast_in_dim3A_1442, %broadcast_in_dim3A_1443 : vector<16xi1>, vector<16xi32>
        %add3A_1445 = arith.addi %add3A_1425, %select_n3A_1444 : vector<16xi32>
        %lt3A_1446 = arith.constant 0 : i32
        %lt3A_1447 = vector.broadcast %lt3A_1446 : i32 to vector<16xi32>
        %lt3A_1448 = arith.cmpi slt, %add3A_1445, %lt3A_1447 : vector<16xi32>
        %add3A_1449 = arith.constant 16 : i32
        %add3A_1450 = vector.broadcast %add3A_1449 : i32 to vector<16xi32>
        %add3A_1451 = arith.addi %add3A_1445, %add3A_1450 : vector<16xi32>
        %select_n3A_1452 = arith.select %lt3A_1448, %add3A_1451, %add3A_1445 : vector<16xi1>, vector<16xi32>
        %broadcast_in_dim3A_1453 = vector.shape_cast %select_n3A_1452 : vector<16xi32> to vector<16x1xi32>
        %gather3A_1454 = vector.shape_cast %broadcast_in_dim3A_1453 : vector<16x1xi32> to vector<16xi32>
        %gather3A_1455 = tpu.dynamic_gather %gather3A_835[%gather3A_1454] in [0] : vector<16xf32>, vector<16xi32> -> vector<16xf32>
        %gt3A_1456 = arith.cmpf ogt, %get3A_1410, %gather3A_1455 : vector<16xf32>
        %jit3A_1457 = arith.constant 1 : i32
        %jit3A_1458 = arith.constant 0 : i32
        %broadcast_in_dim3A_1459 = vector.broadcast %jit3A_1457 : i32 to vector<16xi32>
        %broadcast_in_dim3A_1460 = vector.broadcast %jit3A_1458 : i32 to vector<16xi32>
        %select_n3A_1461 = arith.select %gt3A_1456, %broadcast_in_dim3A_1459, %broadcast_in_dim3A_1460 : vector<16xi1>, vector<16xi32>
        %add3A_1462 = arith.addi %add3A_1445, %select_n3A_1461 : vector<16xi32>
        %lt3A_1463 = arith.constant 0 : i32
        %lt3A_1464 = vector.broadcast %lt3A_1463 : i32 to vector<16xi32>
        %lt3A_1465 = arith.cmpi slt, %add3A_1462, %lt3A_1464 : vector<16xi32>
        %add3A_1466 = arith.constant 16 : i32
        %add3A_1467 = vector.broadcast %add3A_1466 : i32 to vector<16xi32>
        %add3A_1468 = arith.addi %add3A_1462, %add3A_1467 : vector<16xi32>
        %select_n3A_1469 = arith.select %lt3A_1465, %add3A_1468, %add3A_1462 : vector<16xi1>, vector<16xi32>
        %broadcast_in_dim3A_1470 = vector.shape_cast %select_n3A_1469 : vector<16xi32> to vector<16x1xi32>
        %gather3A_1471 = vector.shape_cast %broadcast_in_dim3A_1470 : vector<16x1xi32> to vector<16xi32>
        %gather3A_1472 = tpu.dynamic_gather %sub3A_1212[%gather3A_1471] in [0] : vector<16xi32>, vector<16xi32> -> vector<16xi32>
        %swap3A_1473 = arith.constant 1 : i32
        %swap3A_1474 = arith.index_cast %swap3A_1473 : i32 to index
        %swap3A_1475 = arith.index_cast %mul3A_1405 : i32 to index
        %swap3A_1476 = tpu.vector_load %arg8[%swap3A_1474, %swap3A_1475] {strides = array<i32>} : memref<2x16384xi32, #tpu.memory_space<vmem>>, vector<1x16xi32>,
        %swap3A_1477 = vector.shape_cast %swap3A_1476 : vector<1x16xi32> to vector<16xi32>
        %swap3A_1478 = vector.shape_cast %gather3A_1472 : vector<16xi32> to vector<1x16xi32>
        tpu.vector_store %arg8[%swap3A_1474, %swap3A_1475], %swap3A_1478 {strides = array<i32>} : memref<2x16384xi32, #tpu.memory_space<vmem>>, vector<1x16xi32>,
        %mul3A_1479 = arith.constant 8 : i32
        %mul3A_1480 = arith.muli %scan3A_1398, %mul3A_1479 : i32
        %add3A_1481 = arith.constant 1 : i32
        %add3A_1482 = arith.addi %mul3A_1480, %add3A_1481 : i32
        %mul3A_1483 = arith.constant 16 : i32
        %mul3A_1484 = arith.muli %add3A_1482, %mul3A_1483 : i32
        %get3A_1485 = arith.constant 1 : i32
        %get3A_1486 = arith.index_cast %get3A_1485 : i32 to index
        %get3A_1487 = arith.index_cast %mul3A_1484 : i32 to index
        %get3A_1488 = tpu.vector_load %arg7[%get3A_1486, %get3A_1487] {strides = array<i32>} : memref<2x16384xf32, #tpu.memory_space<vmem>>, vector<1x16xf32>,
        %get3A_1489 = vector.shape_cast %get3A_1488 : vector<1x16xf32> to vector<16xf32>
        %max3A_1490 = arith.maximumf %max3A_1411, %get3A_1489 : vector<16xf32>
        %gt3A_1491 = arith.cmpf ogt, %get3A_1489, %gather3A_1246 : vector<16xf32>
        %jit3A_1492 = arith.constant 8 : i32
        %jit3A_1493 = arith.constant 0 : i32
        %broadcast_in_dim3A_1494 = vector.broadcast %jit3A_1492 : i32 to vector<16xi32>
        %broadcast_in_dim3A_1495 = vector.broadcast %jit3A_1493 : i32 to vector<16xi32>
        %select_n3A_1496 = arith.select %gt3A_1491, %broadcast_in_dim3A_1494, %broadcast_in_dim3A_1495 : vector<16xi1>, vector<16xi32>
        %select_n3A_1497 = arith.select %gt3A_1491, %gather3A_1270, %gather3A_1258 : vector<16xi1>, vector<16xf32>
        %gt3A_1498 = arith.cmpf ogt, %get3A_1489, %select_n3A_1497 : vector<16xf32>
        %jit3A_1499 = arith.constant 4 : i32
        %jit3A_1500 = arith.constant 0 : i32
        %broadcast_in_dim3A_1501 = vector.broadcast %jit3A_1499 : i32 to vector<16xi32>
        %broadcast_in_dim3A_1502 = vector.broadcast %jit3A_1500 : i32 to vector<16xi32>
        %select_n3A_1503 = arith.select %gt3A_1498, %broadcast_in_dim3A_1501, %broadcast_in_dim3A_1502 : vector<16xi1>, vector<16xi32>
        %add3A_1504 = arith.addi %select_n3A_1496, %select_n3A_1503 : vector<16xi32>
        %add3A_1505 = arith.constant 1 : i32
        %add3A_1506 = vector.broadcast %add3A_1505 : i32 to vector<16xi32>
        %add3A_1507 = arith.addi %add3A_1504, %add3A_1506 : vector<16xi32>
        %lt3A_1508 = arith.constant 0 : i32
        %lt3A_1509 = vector.broadcast %lt3A_1508 : i32 to vector<16xi32>
        %lt3A_1510 = arith.cmpi slt, %add3A_1507, %lt3A_1509 : vector<16xi32>
        %add3A_1511 = arith.constant 16 : i32
        %add3A_1512 = vector.broadcast %add3A_1511 : i32 to vector<16xi32>
        %add3A_1513 = arith.addi %add3A_1507, %add3A_1512 : vector<16xi32>
        %select_n3A_1514 = arith.select %lt3A_1510, %add3A_1513, %add3A_1507 : vector<16xi1>, vector<16xi32>
        %broadcast_in_dim3A_1515 = vector.shape_cast %select_n3A_1514 : vector<16xi32> to vector<16x1xi32>
        %gather3A_1516 = vector.shape_cast %broadcast_in_dim3A_1515 : vector<16x1xi32> to vector<16xi32>
        %gather3A_1517 = tpu.dynamic_gather %gather3A_835[%gather3A_1516] in [0] : vector<16xf32>, vector<16xi32> -> vector<16xf32>
        %gt3A_1518 = arith.cmpf ogt, %get3A_1489, %gather3A_1517 : vector<16xf32>
        %jit3A_1519 = arith.constant 2 : i32
        %jit3A_1520 = arith.constant 0 : i32
        %broadcast_in_dim3A_1521 = vector.broadcast %jit3A_1519 : i32 to vector<16xi32>
        %broadcast_in_dim3A_1522 = vector.broadcast %jit3A_1520 : i32 to vector<16xi32>
        %select_n3A_1523 = arith.select %gt3A_1518, %broadcast_in_dim3A_1521, %broadcast_in_dim3A_1522 : vector<16xi1>, vector<16xi32>
        %add3A_1524 = arith.addi %add3A_1504, %select_n3A_1523 : vector<16xi32>
        %lt3A_1525 = arith.constant 0 : i32
        %lt3A_1526 = vector.broadcast %lt3A_1525 : i32 to vector<16xi32>
        %lt3A_1527 = arith.cmpi slt, %add3A_1524, %lt3A_1526 : vector<16xi32>
        %add3A_1528 = arith.constant 16 : i32
        %add3A_1529 = vector.broadcast %add3A_1528 : i32 to vector<16xi32>
        %add3A_1530 = arith.addi %add3A_1524, %add3A_1529 : vector<16xi32>
        %select_n3A_1531 = arith.select %lt3A_1527, %add3A_1530, %add3A_1524 : vector<16xi1>, vector<16xi32>
        %broadcast_in_dim3A_1532 = vector.shape_cast %select_n3A_1531 : vector<16xi32> to vector<16x1xi32>
        %gather3A_1533 = vector.shape_cast %broadcast_in_dim3A_1532 : vector<16x1xi32> to vector<16xi32>
        %gather3A_1534 = tpu.dynamic_gather %gather3A_835[%gather3A_1533] in [0] : vector<16xf32>, vector<16xi32> -> vector<16xf32>
        %gt3A_1535 = arith.cmpf ogt, %get3A_1489, %gather3A_1534 : vector<16xf32>
        %jit3A_1536 = arith.constant 1 : i32
        %jit3A_1537 = arith.constant 0 : i32
        %broadcast_in_dim3A_1538 = vector.broadcast %jit3A_1536 : i32 to vector<16xi32>
        %broadcast_in_dim3A_1539 = vector.broadcast %jit3A_1537 : i32 to vector<16xi32>
        %select_n3A_1540 = arith.select %gt3A_1535, %broadcast_in_dim3A_1538, %broadcast_in_dim3A_1539 : vector<16xi1>, vector<16xi32>
        %add3A_1541 = arith.addi %add3A_1524, %select_n3A_1540 : vector<16xi32>
        %lt3A_1542 = arith.constant 0 : i32
        %lt3A_1543 = vector.broadcast %lt3A_1542 : i32 to vector<16xi32>
        %lt3A_1544 = arith.cmpi slt, %add3A_1541, %lt3A_1543 : vector<16xi32>
        %add3A_1545 = arith.constant 16 : i32
        %add3A_1546 = vector.broadcast %add3A_1545 : i32 to vector<16xi32>
        %add3A_1547 = arith.addi %add3A_1541, %add3A_1546 : vector<16xi32>
        %select_n3A_1548 = arith.select %lt3A_1544, %add3A_1547, %add3A_1541 : vector<16xi1>, vector<16xi32>
        %broadcast_in_dim3A_1549 = vector.shape_cast %select_n3A_1548 : vector<16xi32> to vector<16x1xi32>
        %gather3A_1550 = vector.shape_cast %broadcast_in_dim3A_1549 : vector<16x1xi32> to vector<16xi32>
        %gather3A_1551 = tpu.dynamic_gather %sub3A_1212[%gather3A_1550] in [0] : vector<16xi32>, vector<16xi32> -> vector<16xi32>
        %swap3A_1552 = arith.constant 1 : i32
        %swap3A_1553 = arith.index_cast %swap3A_1552 : i32 to index
        %swap3A_1554 = arith.index_cast %mul3A_1484 : i32 to index
        %swap3A_1555 = tpu.vector_load %arg8[%swap3A_1553, %swap3A_1554] {strides = array<i32>} : memref<2x16384xi32, #tpu.memory_space<vmem>>, vector<1x16xi32>,
        %swap3A_1556 = vector.shape_cast %swap3A_1555 : vector<1x16xi32> to vector<16xi32>
        %swap3A_1557 = vector.shape_cast %gather3A_1551 : vector<16xi32> to vector<1x16xi32>
        tpu.vector_store %arg8[%swap3A_1553, %swap3A_1554], %swap3A_1557 {strides = array<i32>} : memref<2x16384xi32, #tpu.memory_space<vmem>>, vector<1x16xi32>,
        %mul3A_1558 = arith.constant 8 : i32
        %mul3A_1559 = arith.muli %scan3A_1398, %mul3A_1558 : i32
        %add3A_1560 = arith.constant 2 : i32
        %add3A_1561 = arith.addi %mul3A_1559, %add3A_1560 : i32
        %mul3A_1562 = arith.constant 16 : i32
        %mul3A_1563 = arith.muli %add3A_1561, %mul3A_1562 : i32
        %get3A_1564 = arith.constant 1 : i32
        %get3A_1565 = arith.index_cast %get3A_1564 : i32 to index
        %get3A_1566 = arith.index_cast %mul3A_1563 : i32 to index
        %get3A_1567 = tpu.vector_load %arg7[%get3A_1565, %get3A_1566] {strides = array<i32>} : memref<2x16384xf32, #tpu.memory_space<vmem>>, vector<1x16xf32>,
        %get3A_1568 = vector.shape_cast %get3A_1567 : vector<1x16xf32> to vector<16xf32>
        %max3A_1569 = arith.maximumf %max3A_1490, %get3A_1568 : vector<16xf32>
        %gt3A_1570 = arith.cmpf ogt, %get3A_1568, %gather3A_1246 : vector<16xf32>
        %jit3A_1571 = arith.constant 8 : i32
        %jit3A_1572 = arith.constant 0 : i32
        %broadcast_in_dim3A_1573 = vector.broadcast %jit3A_1571 : i32 to vector<16xi32>
        %broadcast_in_dim3A_1574 = vector.broadcast %jit3A_1572 : i32 to vector<16xi32>
        %select_n3A_1575 = arith.select %gt3A_1570, %broadcast_in_dim3A_1573, %broadcast_in_dim3A_1574 : vector<16xi1>, vector<16xi32>
        %select_n3A_1576 = arith.select %gt3A_1570, %gather3A_1270, %gather3A_1258 : vector<16xi1>, vector<16xf32>
        %gt3A_1577 = arith.cmpf ogt, %get3A_1568, %select_n3A_1576 : vector<16xf32>
        %jit3A_1578 = arith.constant 4 : i32
        %jit3A_1579 = arith.constant 0 : i32
        %broadcast_in_dim3A_1580 = vector.broadcast %jit3A_1578 : i32 to vector<16xi32>
        %broadcast_in_dim3A_1581 = vector.broadcast %jit3A_1579 : i32 to vector<16xi32>
        %select_n3A_1582 = arith.select %gt3A_1577, %broadcast_in_dim3A_1580, %broadcast_in_dim3A_1581 : vector<16xi1>, vector<16xi32>
        %add3A_1583 = arith.addi %select_n3A_1575, %select_n3A_1582 : vector<16xi32>
        %add3A_1584 = arith.constant 1 : i32
        %add3A_1585 = vector.broadcast %add3A_1584 : i32 to vector<16xi32>
        %add3A_1586 = arith.addi %add3A_1583, %add3A_1585 : vector<16xi32>
        %lt3A_1587 = arith.constant 0 : i32
        %lt3A_1588 = vector.broadcast %lt3A_1587 : i32 to vector<16xi32>
        %lt3A_1589 = arith.cmpi slt, %add3A_1586, %lt3A_1588 : vector<16xi32>
        %add3A_1590 = arith.constant 16 : i32
        %add3A_1591 = vector.broadcast %add3A_1590 : i32 to vector<16xi32>
        %add3A_1592 = arith.addi %add3A_1586, %add3A_1591 : vector<16xi32>
        %select_n3A_1593 = arith.select %lt3A_1589, %add3A_1592, %add3A_1586 : vector<16xi1>, vector<16xi32>
        %broadcast_in_dim3A_1594 = vector.shape_cast %select_n3A_1593 : vector<16xi32> to vector<16x1xi32>
        %gather3A_1595 = vector.shape_cast %broadcast_in_dim3A_1594 : vector<16x1xi32> to vector<16xi32>
        %gather3A_1596 = tpu.dynamic_gather %gather3A_835[%gather3A_1595] in [0] : vector<16xf32>, vector<16xi32> -> vector<16xf32>
        %gt3A_1597 = arith.cmpf ogt, %get3A_1568, %gather3A_1596 : vector<16xf32>
        %jit3A_1598 = arith.constant 2 : i32
        %jit3A_1599 = arith.constant 0 : i32
        %broadcast_in_dim3A_1600 = vector.broadcast %jit3A_1598 : i32 to vector<16xi32>
        %broadcast_in_dim3A_1601 = vector.broadcast %jit3A_1599 : i32 to vector<16xi32>
        %select_n3A_1602 = arith.select %gt3A_1597, %broadcast_in_dim3A_1600, %broadcast_in_dim3A_1601 : vector<16xi1>, vector<16xi32>
        %add3A_1603 = arith.addi %add3A_1583, %select_n3A_1602 : vector<16xi32>
        %lt3A_1604 = arith.constant 0 : i32
        %lt3A_1605 = vector.broadcast %lt3A_1604 : i32 to vector<16xi32>
        %lt3A_1606 = arith.cmpi slt, %add3A_1603, %lt3A_1605 : vector<16xi32>
        %add3A_1607 = arith.constant 16 : i32
        %add3A_1608 = vector.broadcast %add3A_1607 : i32 to vector<16xi32>
        %add3A_1609 = arith.addi %add3A_1603, %add3A_1608 : vector<16xi32>
        %select_n3A_1610 = arith.select %lt3A_1606, %add3A_1609, %add3A_1603 : vector<16xi1>, vector<16xi32>
        %broadcast_in_dim3A_1611 = vector.shape_cast %select_n3A_1610 : vector<16xi32> to vector<16x1xi32>
        %gather3A_1612 = vector.shape_cast %broadcast_in_dim3A_1611 : vector<16x1xi32> to vector<16xi32>
        %gather3A_1613 = tpu.dynamic_gather %gather3A_835[%gather3A_1612] in [0] : vector<16xf32>, vector<16xi32> -> vector<16xf32>
        %gt3A_1614 = arith.cmpf ogt, %get3A_1568, %gather3A_1613 : vector<16xf32>
        %jit3A_1615 = arith.constant 1 : i32
        %jit3A_1616 = arith.constant 0 : i32
        %broadcast_in_dim3A_1617 = vector.broadcast %jit3A_1615 : i32 to vector<16xi32>
        %broadcast_in_dim3A_1618 = vector.broadcast %jit3A_1616 : i32 to vector<16xi32>
        %select_n3A_1619 = arith.select %gt3A_1614, %broadcast_in_dim3A_1617, %broadcast_in_dim3A_1618 : vector<16xi1>, vector<16xi32>
        %add3A_1620 = arith.addi %add3A_1603, %select_n3A_1619 : vector<16xi32>
        %lt3A_1621 = arith.constant 0 : i32
        %lt3A_1622 = vector.broadcast %lt3A_1621 : i32 to vector<16xi32>
        %lt3A_1623 = arith.cmpi slt, %add3A_1620, %lt3A_1622 : vector<16xi32>
        %add3A_1624 = arith.constant 16 : i32
        %add3A_1625 = vector.broadcast %add3A_1624 : i32 to vector<16xi32>
        %add3A_1626 = arith.addi %add3A_1620, %add3A_1625 : vector<16xi32>
        %select_n3A_1627 = arith.select %lt3A_1623, %add3A_1626, %add3A_1620 : vector<16xi1>, vector<16xi32>
        %broadcast_in_dim3A_1628 = vector.shape_cast %select_n3A_1627 : vector<16xi32> to vector<16x1xi32>
        %gather3A_1629 = vector.shape_cast %broadcast_in_dim3A_1628 : vector<16x1xi32> to vector<16xi32>
        %gather3A_1630 = tpu.dynamic_gather %sub3A_1212[%gather3A_1629] in [0] : vector<16xi32>, vector<16xi32> -> vector<16xi32>
        %swap3A_1631 = arith.constant 1 : i32
        %swap3A_1632 = arith.index_cast %swap3A_1631 : i32 to index
        %swap3A_1633 = arith.index_cast %mul3A_1563 : i32 to index
        %swap3A_1634 = tpu.vector_load %arg8[%swap3A_1632, %swap3A_1633] {strides = array<i32>} : memref<2x16384xi32, #tpu.memory_space<vmem>>, vector<1x16xi32>,
        %swap3A_1635 = vector.shape_cast %swap3A_1634 : vector<1x16xi32> to vector<16xi32>
        %swap3A_1636 = vector.shape_cast %gather3A_1630 : vector<16xi32> to vector<1x16xi32>
        tpu.vector_store %arg8[%swap3A_1632, %swap3A_1633], %swap3A_1636 {strides = array<i32>} : memref<2x16384xi32, #tpu.memory_space<vmem>>, vector<1x16xi32>,
        %mul3A_1637 = arith.constant 8 : i32
        %mul3A_1638 = arith.muli %scan3A_1398, %mul3A_1637 : i32
        %add3A_1639 = arith.constant 3 : i32
        %add3A_1640 = arith.addi %mul3A_1638, %add3A_1639 : i32
        %mul3A_1641 = arith.constant 16 : i32
        %mul3A_1642 = arith.muli %add3A_1640, %mul3A_1641 : i32
        %get3A_1643 = arith.constant 1 : i32
        %get3A_1644 = arith.index_cast %get3A_1643 : i32 to index
        %get3A_1645 = arith.index_cast %mul3A_1642 : i32 to index
        %get3A_1646 = tpu.vector_load %arg7[%get3A_1644, %get3A_1645] {strides = array<i32>} : memref<2x16384xf32, #tpu.memory_space<vmem>>, vector<1x16xf32>,
        %get3A_1647 = vector.shape_cast %get3A_1646 : vector<1x16xf32> to vector<16xf32>
        %max3A_1648 = arith.maximumf %max3A_1569, %get3A_1647 : vector<16xf32>
        %gt3A_1649 = arith.cmpf ogt, %get3A_1647, %gather3A_1246 : vector<16xf32>
        %jit3A_1650 = arith.constant 8 : i32
        %jit3A_1651 = arith.constant 0 : i32
        %broadcast_in_dim3A_1652 = vector.broadcast %jit3A_1650 : i32 to vector<16xi32>
        %broadcast_in_dim3A_1653 = vector.broadcast %jit3A_1651 : i32 to vector<16xi32>
        %select_n3A_1654 = arith.select %gt3A_1649, %broadcast_in_dim3A_1652, %broadcast_in_dim3A_1653 : vector<16xi1>, vector<16xi32>
        %select_n3A_1655 = arith.select %gt3A_1649, %gather3A_1270, %gather3A_1258 : vector<16xi1>, vector<16xf32>
        %gt3A_1656 = arith.cmpf ogt, %get3A_1647, %select_n3A_1655 : vector<16xf32>
        %jit3A_1657 = arith.constant 4 : i32
        %jit3A_1658 = arith.constant 0 : i32
        %broadcast_in_dim3A_1659 = vector.broadcast %jit3A_1657 : i32 to vector<16xi32>
        %broadcast_in_dim3A_1660 = vector.broadcast %jit3A_1658 : i32 to vector<16xi32>
        %select_n3A_1661 = arith.select %gt3A_1656, %broadcast_in_dim3A_1659, %broadcast_in_dim3A_1660 : vector<16xi1>, vector<16xi32>
        %add3A_1662 = arith.addi %select_n3A_1654, %select_n3A_1661 : vector<16xi32>
        %add3A_1663 = arith.constant 1 : i32
        %add3A_1664 = vector.broadcast %add3A_1663 : i32 to vector<16xi32>
        %add3A_1665 = arith.addi %add3A_1662, %add3A_1664 : vector<16xi32>
        %lt3A_1666 = arith.constant 0 : i32
        %lt3A_1667 = vector.broadcast %lt3A_1666 : i32 to vector<16xi32>
        %lt3A_1668 = arith.cmpi slt, %add3A_1665, %lt3A_1667 : vector<16xi32>
        %add3A_1669 = arith.constant 16 : i32
        %add3A_1670 = vector.broadcast %add3A_1669 : i32 to vector<16xi32>
        %add3A_1671 = arith.addi %add3A_1665, %add3A_1670 : vector<16xi32>
        %select_n3A_1672 = arith.select %lt3A_1668, %add3A_1671, %add3A_1665 : vector<16xi1>, vector<16xi32>
        %broadcast_in_dim3A_1673 = vector.shape_cast %select_n3A_1672 : vector<16xi32> to vector<16x1xi32>
        %gather3A_1674 = vector.shape_cast %broadcast_in_dim3A_1673 : vector<16x1xi32> to vector<16xi32>
        %gather3A_1675 = tpu.dynamic_gather %gather3A_835[%gather3A_1674] in [0] : vector<16xf32>, vector<16xi32> -> vector<16xf32>
        %gt3A_1676 = arith.cmpf ogt, %get3A_1647, %gather3A_1675 : vector<16xf32>
        %jit3A_1677 = arith.constant 2 : i32
        %jit3A_1678 = arith.constant 0 : i32
        %broadcast_in_dim3A_1679 = vector.broadcast %jit3A_1677 : i32 to vector<16xi32>
        %broadcast_in_dim3A_1680 = vector.broadcast %jit3A_1678 : i32 to vector<16xi32>
        %select_n3A_1681 = arith.select %gt3A_1676, %broadcast_in_dim3A_1679, %broadcast_in_dim3A_1680 : vector<16xi1>, vector<16xi32>
        %add3A_1682 = arith.addi %add3A_1662, %select_n3A_1681 : vector<16xi32>
        %lt3A_1683 = arith.constant 0 : i32
        %lt3A_1684 = vector.broadcast %lt3A_1683 : i32 to vector<16xi32>
        %lt3A_1685 = arith.cmpi slt, %add3A_1682, %lt3A_1684 : vector<16xi32>
        %add3A_1686 = arith.constant 16 : i32
        %add3A_1687 = vector.broadcast %add3A_1686 : i32 to vector<16xi32>
        %add3A_1688 = arith.addi %add3A_1682, %add3A_1687 : vector<16xi32>
        %select_n3A_1689 = arith.select %lt3A_1685, %add3A_1688, %add3A_1682 : vector<16xi1>, vector<16xi32>
        %broadcast_in_dim3A_1690 = vector.shape_cast %select_n3A_1689 : vector<16xi32> to vector<16x1xi32>
        %gather3A_1691 = vector.shape_cast %broadcast_in_dim3A_1690 : vector<16x1xi32> to vector<16xi32>
        %gather3A_1692 = tpu.dynamic_gather %gather3A_835[%gather3A_1691] in [0] : vector<16xf32>, vector<16xi32> -> vector<16xf32>
        %gt3A_1693 = arith.cmpf ogt, %get3A_1647, %gather3A_1692 : vector<16xf32>
        %jit3A_1694 = arith.constant 1 : i32
        %jit3A_1695 = arith.constant 0 : i32
        %broadcast_in_dim3A_1696 = vector.broadcast %jit3A_1694 : i32 to vector<16xi32>
        %broadcast_in_dim3A_1697 = vector.broadcast %jit3A_1695 : i32 to vector<16xi32>
        %select_n3A_1698 = arith.select %gt3A_1693, %broadcast_in_dim3A_1696, %broadcast_in_dim3A_1697 : vector<16xi1>, vector<16xi32>
        %add3A_1699 = arith.addi %add3A_1682, %select_n3A_1698 : vector<16xi32>
        %lt3A_1700 = arith.constant 0 : i32
        %lt3A_1701 = vector.broadcast %lt3A_1700 : i32 to vector<16xi32>
        %lt3A_1702 = arith.cmpi slt, %add3A_1699, %lt3A_1701 : vector<16xi32>
        %add3A_1703 = arith.constant 16 : i32
        %add3A_1704 = vector.broadcast %add3A_1703 : i32 to vector<16xi32>
        %add3A_1705 = arith.addi %add3A_1699, %add3A_1704 : vector<16xi32>
        %select_n3A_1706 = arith.select %lt3A_1702, %add3A_1705, %add3A_1699 : vector<16xi1>, vector<16xi32>
        %broadcast_in_dim3A_1707 = vector.shape_cast %select_n3A_1706 : vector<16xi32> to vector<16x1xi32>
        %gather3A_1708 = vector.shape_cast %broadcast_in_dim3A_1707 : vector<16x1xi32> to vector<16xi32>
        %gather3A_1709 = tpu.dynamic_gather %sub3A_1212[%gather3A_1708] in [0] : vector<16xi32>, vector<16xi32> -> vector<16xi32>
        %swap3A_1710 = arith.constant 1 : i32
        %swap3A_1711 = arith.index_cast %swap3A_1710 : i32 to index
        %swap3A_1712 = arith.index_cast %mul3A_1642 : i32 to index
        %swap3A_1713 = tpu.vector_load %arg8[%swap3A_1711, %swap3A_1712] {strides = array<i32>} : memref<2x16384xi32, #tpu.memory_space<vmem>>, vector<1x16xi32>,
        %swap3A_1714 = vector.shape_cast %swap3A_1713 : vector<1x16xi32> to vector<16xi32>
        %swap3A_1715 = vector.shape_cast %gather3A_1709 : vector<16xi32> to vector<1x16xi32>
        tpu.vector_store %arg8[%swap3A_1711, %swap3A_1712], %swap3A_1715 {strides = array<i32>} : memref<2x16384xi32, #tpu.memory_space<vmem>>, vector<1x16xi32>,
        %mul3A_1716 = arith.constant 8 : i32
        %mul3A_1717 = arith.muli %scan3A_1398, %mul3A_1716 : i32
        %add3A_1718 = arith.constant 4 : i32
        %add3A_1719 = arith.addi %mul3A_1717, %add3A_1718 : i32
        %mul3A_1720 = arith.constant 16 : i32
        %mul3A_1721 = arith.muli %add3A_1719, %mul3A_1720 : i32
        %get3A_1722 = arith.constant 1 : i32
        %get3A_1723 = arith.index_cast %get3A_1722 : i32 to index
        %get3A_1724 = arith.index_cast %mul3A_1721 : i32 to index
        %get3A_1725 = tpu.vector_load %arg7[%get3A_1723, %get3A_1724] {strides = array<i32>} : memref<2x16384xf32, #tpu.memory_space<vmem>>, vector<1x16xf32>,
        %get3A_1726 = vector.shape_cast %get3A_1725 : vector<1x16xf32> to vector<16xf32>
        %max3A_1727 = arith.maximumf %max3A_1648, %get3A_1726 : vector<16xf32>
        %gt3A_1728 = arith.cmpf ogt, %get3A_1726, %gather3A_1246 : vector<16xf32>
        %jit3A_1729 = arith.constant 8 : i32
        %jit3A_1730 = arith.constant 0 : i32
        %broadcast_in_dim3A_1731 = vector.broadcast %jit3A_1729 : i32 to vector<16xi32>
        %broadcast_in_dim3A_1732 = vector.broadcast %jit3A_1730 : i32 to vector<16xi32>
        %select_n3A_1733 = arith.select %gt3A_1728, %broadcast_in_dim3A_1731, %broadcast_in_dim3A_1732 : vector<16xi1>, vector<16xi32>
        %select_n3A_1734 = arith.select %gt3A_1728, %gather3A_1270, %gather3A_1258 : vector<16xi1>, vector<16xf32>
        %gt3A_1735 = arith.cmpf ogt, %get3A_1726, %select_n3A_1734 : vector<16xf32>
        %jit3A_1736 = arith.constant 4 : i32
        %jit3A_1737 = arith.constant 0 : i32
        %broadcast_in_dim3A_1738 = vector.broadcast %jit3A_1736 : i32 to vector<16xi32>
        %broadcast_in_dim3A_1739 = vector.broadcast %jit3A_1737 : i32 to vector<16xi32>
        %select_n3A_1740 = arith.select %gt3A_1735, %broadcast_in_dim3A_1738, %broadcast_in_dim3A_1739 : vector<16xi1>, vector<16xi32>
        %add3A_1741 = arith.addi %select_n3A_1733, %select_n3A_1740 : vector<16xi32>
        %add3A_1742 = arith.constant 1 : i32
        %add3A_1743 = vector.broadcast %add3A_1742 : i32 to vector<16xi32>
        %add3A_1744 = arith.addi %add3A_1741, %add3A_1743 : vector<16xi32>
        %lt3A_1745 = arith.constant 0 : i32
        %lt3A_1746 = vector.broadcast %lt3A_1745 : i32 to vector<16xi32>
        %lt3A_1747 = arith.cmpi slt, %add3A_1744, %lt3A_1746 : vector<16xi32>
        %add3A_1748 = arith.constant 16 : i32
        %add3A_1749 = vector.broadcast %add3A_1748 : i32 to vector<16xi32>
        %add3A_1750 = arith.addi %add3A_1744, %add3A_1749 : vector<16xi32>
        %select_n3A_1751 = arith.select %lt3A_1747, %add3A_1750, %add3A_1744 : vector<16xi1>, vector<16xi32>
        %broadcast_in_dim3A_1752 = vector.shape_cast %select_n3A_1751 : vector<16xi32> to vector<16x1xi32>
        %gather3A_1753 = vector.shape_cast %broadcast_in_dim3A_1752 : vector<16x1xi32> to vector<16xi32>
        %gather3A_1754 = tpu.dynamic_gather %gather3A_835[%gather3A_1753] in [0] : vector<16xf32>, vector<16xi32> -> vector<16xf32>
        %gt3A_1755 = arith.cmpf ogt, %get3A_1726, %gather3A_1754 : vector<16xf32>
        %jit3A_1756 = arith.constant 2 : i32
        %jit3A_1757 = arith.constant 0 : i32
        %broadcast_in_dim3A_1758 = vector.broadcast %jit3A_1756 : i32 to vector<16xi32>
        %broadcast_in_dim3A_1759 = vector.broadcast %jit3A_1757 : i32 to vector<16xi32>
        %select_n3A_1760 = arith.select %gt3A_1755, %broadcast_in_dim3A_1758, %broadcast_in_dim3A_1759 : vector<16xi1>, vector<16xi32>
        %add3A_1761 = arith.addi %add3A_1741, %select_n3A_1760 : vector<16xi32>
        %lt3A_1762 = arith.constant 0 : i32
        %lt3A_1763 = vector.broadcast %lt3A_1762 : i32 to vector<16xi32>
        %lt3A_1764 = arith.cmpi slt, %add3A_1761, %lt3A_1763 : vector<16xi32>
        %add3A_1765 = arith.constant 16 : i32
        %add3A_1766 = vector.broadcast %add3A_1765 : i32 to vector<16xi32>
        %add3A_1767 = arith.addi %add3A_1761, %add3A_1766 : vector<16xi32>
        %select_n3A_1768 = arith.select %lt3A_1764, %add3A_1767, %add3A_1761 : vector<16xi1>, vector<16xi32>
        %broadcast_in_dim3A_1769 = vector.shape_cast %select_n3A_1768 : vector<16xi32> to vector<16x1xi32>
        %gather3A_1770 = vector.shape_cast %broadcast_in_dim3A_1769 : vector<16x1xi32> to vector<16xi32>
        %gather3A_1771 = tpu.dynamic_gather %gather3A_835[%gather3A_1770] in [0] : vector<16xf32>, vector<16xi32> -> vector<16xf32>
        %gt3A_1772 = arith.cmpf ogt, %get3A_1726, %gather3A_1771 : vector<16xf32>
        %jit3A_1773 = arith.constant 1 : i32
        %jit3A_1774 = arith.constant 0 : i32
        %broadcast_in_dim3A_1775 = vector.broadcast %jit3A_1773 : i32 to vector<16xi32>
        %broadcast_in_dim3A_1776 = vector.broadcast %jit3A_1774 : i32 to vector<16xi32>
        %select_n3A_1777 = arith.select %gt3A_1772, %broadcast_in_dim3A_1775, %broadcast_in_dim3A_1776 : vector<16xi1>, vector<16xi32>
        %add3A_1778 = arith.addi %add3A_1761, %select_n3A_1777 : vector<16xi32>
        %lt3A_1779 = arith.constant 0 : i32
        %lt3A_1780 = vector.broadcast %lt3A_1779 : i32 to vector<16xi32>
        %lt3A_1781 = arith.cmpi slt, %add3A_1778, %lt3A_1780 : vector<16xi32>
        %add3A_1782 = arith.constant 16 : i32
        %add3A_1783 = vector.broadcast %add3A_1782 : i32 to vector<16xi32>
        %add3A_1784 = arith.addi %add3A_1778, %add3A_1783 : vector<16xi32>
        %select_n3A_1785 = arith.select %lt3A_1781, %add3A_1784, %add3A_1778 : vector<16xi1>, vector<16xi32>
        %broadcast_in_dim3A_1786 = vector.shape_cast %select_n3A_1785 : vector<16xi32> to vector<16x1xi32>
        %gather3A_1787 = vector.shape_cast %broadcast_in_dim3A_1786 : vector<16x1xi32> to vector<16xi32>
        %gather3A_1788 = tpu.dynamic_gather %sub3A_1212[%gather3A_1787] in [0] : vector<16xi32>, vector<16xi32> -> vector<16xi32>
        %swap3A_1789 = arith.constant 1 : i32
        %swap3A_1790 = arith.index_cast %swap3A_1789 : i32 to index
        %swap3A_1791 = arith.index_cast %mul3A_1721 : i32 to index
        %swap3A_1792 = tpu.vector_load %arg8[%swap3A_1790, %swap3A_1791] {strides = array<i32>} : memref<2x16384xi32, #tpu.memory_space<vmem>>, vector<1x16xi32>,
        %swap3A_1793 = vector.shape_cast %swap3A_1792 : vector<1x16xi32> to vector<16xi32>
        %swap3A_1794 = vector.shape_cast %gather3A_1788 : vector<16xi32> to vector<1x16xi32>
        tpu.vector_store %arg8[%swap3A_1790, %swap3A_1791], %swap3A_1794 {strides = array<i32>} : memref<2x16384xi32, #tpu.memory_space<vmem>>, vector<1x16xi32>,
        %mul3A_1795 = arith.constant 8 : i32
        %mul3A_1796 = arith.muli %scan3A_1398, %mul3A_1795 : i32
        %add3A_1797 = arith.constant 5 : i32
        %add3A_1798 = arith.addi %mul3A_1796, %add3A_1797 : i32
        %mul3A_1799 = arith.constant 16 : i32
        %mul3A_1800 = arith.muli %add3A_1798, %mul3A_1799 : i32
        %get3A_1801 = arith.constant 1 : i32
        %get3A_1802 = arith.index_cast %get3A_1801 : i32 to index
        %get3A_1803 = arith.index_cast %mul3A_1800 : i32 to index
        %get3A_1804 = tpu.vector_load %arg7[%get3A_1802, %get3A_1803] {strides = array<i32>} : memref<2x16384xf32, #tpu.memory_space<vmem>>, vector<1x16xf32>,
        %get3A_1805 = vector.shape_cast %get3A_1804 : vector<1x16xf32> to vector<16xf32>
        %max3A_1806 = arith.maximumf %max3A_1727, %get3A_1805 : vector<16xf32>
        %gt3A_1807 = arith.cmpf ogt, %get3A_1805, %gather3A_1246 : vector<16xf32>
        %jit3A_1808 = arith.constant 8 : i32
        %jit3A_1809 = arith.constant 0 : i32
        %broadcast_in_dim3A_1810 = vector.broadcast %jit3A_1808 : i32 to vector<16xi32>
        %broadcast_in_dim3A_1811 = vector.broadcast %jit3A_1809 : i32 to vector<16xi32>
        %select_n3A_1812 = arith.select %gt3A_1807, %broadcast_in_dim3A_1810, %broadcast_in_dim3A_1811 : vector<16xi1>, vector<16xi32>
        %select_n3A_1813 = arith.select %gt3A_1807, %gather3A_1270, %gather3A_1258 : vector<16xi1>, vector<16xf32>
        %gt3A_1814 = arith.cmpf ogt, %get3A_1805, %select_n3A_1813 : vector<16xf32>
        %jit3A_1815 = arith.constant 4 : i32
        %jit3A_1816 = arith.constant 0 : i32
        %broadcast_in_dim3A_1817 = vector.broadcast %jit3A_1815 : i32 to vector<16xi32>
        %broadcast_in_dim3A_1818 = vector.broadcast %jit3A_1816 : i32 to vector<16xi32>
        %select_n3A_1819 = arith.select %gt3A_1814, %broadcast_in_dim3A_1817, %broadcast_in_dim3A_1818 : vector<16xi1>, vector<16xi32>
        %add3A_1820 = arith.addi %select_n3A_1812, %select_n3A_1819 : vector<16xi32>
        %add3A_1821 = arith.constant 1 : i32
        %add3A_1822 = vector.broadcast %add3A_1821 : i32 to vector<16xi32>
        %add3A_1823 = arith.addi %add3A_1820, %add3A_1822 : vector<16xi32>
        %lt3A_1824 = arith.constant 0 : i32
        %lt3A_1825 = vector.broadcast %lt3A_1824 : i32 to vector<16xi32>
        %lt3A_1826 = arith.cmpi slt, %add3A_1823, %lt3A_1825 : vector<16xi32>
        %add3A_1827 = arith.constant 16 : i32
        %add3A_1828 = vector.broadcast %add3A_1827 : i32 to vector<16xi32>
        %add3A_1829 = arith.addi %add3A_1823, %add3A_1828 : vector<16xi32>
        %select_n3A_1830 = arith.select %lt3A_1826, %add3A_1829, %add3A_1823 : vector<16xi1>, vector<16xi32>
        %broadcast_in_dim3A_1831 = vector.shape_cast %select_n3A_1830 : vector<16xi32> to vector<16x1xi32>
        %gather3A_1832 = vector.shape_cast %broadcast_in_dim3A_1831 : vector<16x1xi32> to vector<16xi32>
        %gather3A_1833 = tpu.dynamic_gather %gather3A_835[%gather3A_1832] in [0] : vector<16xf32>, vector<16xi32> -> vector<16xf32>
        %gt3A_1834 = arith.cmpf ogt, %get3A_1805, %gather3A_1833 : vector<16xf32>
        %jit3A_1835 = arith.constant 2 : i32
        %jit3A_1836 = arith.constant 0 : i32
        %broadcast_in_dim3A_1837 = vector.broadcast %jit3A_1835 : i32 to vector<16xi32>
        %broadcast_in_dim3A_1838 = vector.broadcast %jit3A_1836 : i32 to vector<16xi32>
        %select_n3A_1839 = arith.select %gt3A_1834, %broadcast_in_dim3A_1837, %broadcast_in_dim3A_1838 : vector<16xi1>, vector<16xi32>
        %add3A_1840 = arith.addi %add3A_1820, %select_n3A_1839 : vector<16xi32>
        %lt3A_1841 = arith.constant 0 : i32
        %lt3A_1842 = vector.broadcast %lt3A_1841 : i32 to vector<16xi32>
        %lt3A_1843 = arith.cmpi slt, %add3A_1840, %lt3A_1842 : vector<16xi32>
        %add3A_1844 = arith.constant 16 : i32
        %add3A_1845 = vector.broadcast %add3A_1844 : i32 to vector<16xi32>
        %add3A_1846 = arith.addi %add3A_1840, %add3A_1845 : vector<16xi32>
        %select_n3A_1847 = arith.select %lt3A_1843, %add3A_1846, %add3A_1840 : vector<16xi1>, vector<16xi32>
        %broadcast_in_dim3A_1848 = vector.shape_cast %select_n3A_1847 : vector<16xi32> to vector<16x1xi32>
        %gather3A_1849 = vector.shape_cast %broadcast_in_dim3A_1848 : vector<16x1xi32> to vector<16xi32>
        %gather3A_1850 = tpu.dynamic_gather %gather3A_835[%gather3A_1849] in [0] : vector<16xf32>, vector<16xi32> -> vector<16xf32>
        %gt3A_1851 = arith.cmpf ogt, %get3A_1805, %gather3A_1850 : vector<16xf32>
        %jit3A_1852 = arith.constant 1 : i32
        %jit3A_1853 = arith.constant 0 : i32
        %broadcast_in_dim3A_1854 = vector.broadcast %jit3A_1852 : i32 to vector<16xi32>
        %broadcast_in_dim3A_1855 = vector.broadcast %jit3A_1853 : i32 to vector<16xi32>
        %select_n3A_1856 = arith.select %gt3A_1851, %broadcast_in_dim3A_1854, %broadcast_in_dim3A_1855 : vector<16xi1>, vector<16xi32>
        %add3A_1857 = arith.addi %add3A_1840, %select_n3A_1856 : vector<16xi32>
        %lt3A_1858 = arith.constant 0 : i32
        %lt3A_1859 = vector.broadcast %lt3A_1858 : i32 to vector<16xi32>
        %lt3A_1860 = arith.cmpi slt, %add3A_1857, %lt3A_1859 : vector<16xi32>
        %add3A_1861 = arith.constant 16 : i32
        %add3A_1862 = vector.broadcast %add3A_1861 : i32 to vector<16xi32>
        %add3A_1863 = arith.addi %add3A_1857, %add3A_1862 : vector<16xi32>
        %select_n3A_1864 = arith.select %lt3A_1860, %add3A_1863, %add3A_1857 : vector<16xi1>, vector<16xi32>
        %broadcast_in_dim3A_1865 = vector.shape_cast %select_n3A_1864 : vector<16xi32> to vector<16x1xi32>
        %gather3A_1866 = vector.shape_cast %broadcast_in_dim3A_1865 : vector<16x1xi32> to vector<16xi32>
        %gather3A_1867 = tpu.dynamic_gather %sub3A_1212[%gather3A_1866] in [0] : vector<16xi32>, vector<16xi32> -> vector<16xi32>
        %swap3A_1868 = arith.constant 1 : i32
        %swap3A_1869 = arith.index_cast %swap3A_1868 : i32 to index
        %swap3A_1870 = arith.index_cast %mul3A_1800 : i32 to index
        %swap3A_1871 = tpu.vector_load %arg8[%swap3A_1869, %swap3A_1870] {strides = array<i32>} : memref<2x16384xi32, #tpu.memory_space<vmem>>, vector<1x16xi32>,
        %swap3A_1872 = vector.shape_cast %swap3A_1871 : vector<1x16xi32> to vector<16xi32>
        %swap3A_1873 = vector.shape_cast %gather3A_1867 : vector<16xi32> to vector<1x16xi32>
        tpu.vector_store %arg8[%swap3A_1869, %swap3A_1870], %swap3A_1873 {strides = array<i32>} : memref<2x16384xi32, #tpu.memory_space<vmem>>, vector<1x16xi32>,
        %mul3A_1874 = arith.constant 8 : i32
        %mul3A_1875 = arith.muli %scan3A_1398, %mul3A_1874 : i32
        %add3A_1876 = arith.constant 6 : i32
        %add3A_1877 = arith.addi %mul3A_1875, %add3A_1876 : i32
        %mul3A_1878 = arith.constant 16 : i32
        %mul3A_1879 = arith.muli %add3A_1877, %mul3A_1878 : i32
        %get3A_1880 = arith.constant 1 : i32
        %get3A_1881 = arith.index_cast %get3A_1880 : i32 to index
        %get3A_1882 = arith.index_cast %mul3A_1879 : i32 to index
        %get3A_1883 = tpu.vector_load %arg7[%get3A_1881, %get3A_1882] {strides = array<i32>} : memref<2x16384xf32, #tpu.memory_space<vmem>>, vector<1x16xf32>,
        %get3A_1884 = vector.shape_cast %get3A_1883 : vector<1x16xf32> to vector<16xf32>
        %max3A_1885 = arith.maximumf %max3A_1806, %get3A_1884 : vector<16xf32>
        %gt3A_1886 = arith.cmpf ogt, %get3A_1884, %gather3A_1246 : vector<16xf32>
        %jit3A_1887 = arith.constant 8 : i32
        %jit3A_1888 = arith.constant 0 : i32
        %broadcast_in_dim3A_1889 = vector.broadcast %jit3A_1887 : i32 to vector<16xi32>
        %broadcast_in_dim3A_1890 = vector.broadcast %jit3A_1888 : i32 to vector<16xi32>
        %select_n3A_1891 = arith.select %gt3A_1886, %broadcast_in_dim3A_1889, %broadcast_in_dim3A_1890 : vector<16xi1>, vector<16xi32>
        %select_n3A_1892 = arith.select %gt3A_1886, %gather3A_1270, %gather3A_1258 : vector<16xi1>, vector<16xf32>
        %gt3A_1893 = arith.cmpf ogt, %get3A_1884, %select_n3A_1892 : vector<16xf32>
        %jit3A_1894 = arith.constant 4 : i32
        %jit3A_1895 = arith.constant 0 : i32
        %broadcast_in_dim3A_1896 = vector.broadcast %jit3A_1894 : i32 to vector<16xi32>
        %broadcast_in_dim3A_1897 = vector.broadcast %jit3A_1895 : i32 to vector<16xi32>
        %select_n3A_1898 = arith.select %gt3A_1893, %broadcast_in_dim3A_1896, %broadcast_in_dim3A_1897 : vector<16xi1>, vector<16xi32>
        %add3A_1899 = arith.addi %select_n3A_1891, %select_n3A_1898 : vector<16xi32>
        %add3A_1900 = arith.constant 1 : i32
        %add3A_1901 = vector.broadcast %add3A_1900 : i32 to vector<16xi32>
        %add3A_1902 = arith.addi %add3A_1899, %add3A_1901 : vector<16xi32>
        %lt3A_1903 = arith.constant 0 : i32
        %lt3A_1904 = vector.broadcast %lt3A_1903 : i32 to vector<16xi32>
        %lt3A_1905 = arith.cmpi slt, %add3A_1902, %lt3A_1904 : vector<16xi32>
        %add3A_1906 = arith.constant 16 : i32
        %add3A_1907 = vector.broadcast %add3A_1906 : i32 to vector<16xi32>
        %add3A_1908 = arith.addi %add3A_1902, %add3A_1907 : vector<16xi32>
        %select_n3A_1909 = arith.select %lt3A_1905, %add3A_1908, %add3A_1902 : vector<16xi1>, vector<16xi32>
        %broadcast_in_dim3A_1910 = vector.shape_cast %select_n3A_1909 : vector<16xi32> to vector<16x1xi32>
        %gather3A_1911 = vector.shape_cast %broadcast_in_dim3A_1910 : vector<16x1xi32> to vector<16xi32>
        %gather3A_1912 = tpu.dynamic_gather %gather3A_835[%gather3A_1911] in [0] : vector<16xf32>, vector<16xi32> -> vector<16xf32>
        %gt3A_1913 = arith.cmpf ogt, %get3A_1884, %gather3A_1912 : vector<16xf32>
        %jit3A_1914 = arith.constant 2 : i32
        %jit3A_1915 = arith.constant 0 : i32
        %broadcast_in_dim3A_1916 = vector.broadcast %jit3A_1914 : i32 to vector<16xi32>
        %broadcast_in_dim3A_1917 = vector.broadcast %jit3A_1915 : i32 to vector<16xi32>
        %select_n3A_1918 = arith.select %gt3A_1913, %broadcast_in_dim3A_1916, %broadcast_in_dim3A_1917 : vector<16xi1>, vector<16xi32>
        %add3A_1919 = arith.addi %add3A_1899, %select_n3A_1918 : vector<16xi32>
        %lt3A_1920 = arith.constant 0 : i32
        %lt3A_1921 = vector.broadcast %lt3A_1920 : i32 to vector<16xi32>
        %lt3A_1922 = arith.cmpi slt, %add3A_1919, %lt3A_1921 : vector<16xi32>
        %add3A_1923 = arith.constant 16 : i32
        %add3A_1924 = vector.broadcast %add3A_1923 : i32 to vector<16xi32>
        %add3A_1925 = arith.addi %add3A_1919, %add3A_1924 : vector<16xi32>
        %select_n3A_1926 = arith.select %lt3A_1922, %add3A_1925, %add3A_1919 : vector<16xi1>, vector<16xi32>
        %broadcast_in_dim3A_1927 = vector.shape_cast %select_n3A_1926 : vector<16xi32> to vector<16x1xi32>
        %gather3A_1928 = vector.shape_cast %broadcast_in_dim3A_1927 : vector<16x1xi32> to vector<16xi32>
        %gather3A_1929 = tpu.dynamic_gather %gather3A_835[%gather3A_1928] in [0] : vector<16xf32>, vector<16xi32> -> vector<16xf32>
        %gt3A_1930 = arith.cmpf ogt, %get3A_1884, %gather3A_1929 : vector<16xf32>
        %jit3A_1931 = arith.constant 1 : i32
        %jit3A_1932 = arith.constant 0 : i32
        %broadcast_in_dim3A_1933 = vector.broadcast %jit3A_1931 : i32 to vector<16xi32>
        %broadcast_in_dim3A_1934 = vector.broadcast %jit3A_1932 : i32 to vector<16xi32>
        %select_n3A_1935 = arith.select %gt3A_1930, %broadcast_in_dim3A_1933, %broadcast_in_dim3A_1934 : vector<16xi1>, vector<16xi32>
        %add3A_1936 = arith.addi %add3A_1919, %select_n3A_1935 : vector<16xi32>
        %lt3A_1937 = arith.constant 0 : i32
        %lt3A_1938 = vector.broadcast %lt3A_1937 : i32 to vector<16xi32>
        %lt3A_1939 = arith.cmpi slt, %add3A_1936, %lt3A_1938 : vector<16xi32>
        %add3A_1940 = arith.constant 16 : i32
        %add3A_1941 = vector.broadcast %add3A_1940 : i32 to vector<16xi32>
        %add3A_1942 = arith.addi %add3A_1936, %add3A_1941 : vector<16xi32>
        %select_n3A_1943 = arith.select %lt3A_1939, %add3A_1942, %add3A_1936 : vector<16xi1>, vector<16xi32>
        %broadcast_in_dim3A_1944 = vector.shape_cast %select_n3A_1943 : vector<16xi32> to vector<16x1xi32>
        %gather3A_1945 = vector.shape_cast %broadcast_in_dim3A_1944 : vector<16x1xi32> to vector<16xi32>
        %gather3A_1946 = tpu.dynamic_gather %sub3A_1212[%gather3A_1945] in [0] : vector<16xi32>, vector<16xi32> -> vector<16xi32>
        %swap3A_1947 = arith.constant 1 : i32
        %swap3A_1948 = arith.index_cast %swap3A_1947 : i32 to index
        %swap3A_1949 = arith.index_cast %mul3A_1879 : i32 to index
        %swap3A_1950 = tpu.vector_load %arg8[%swap3A_1948, %swap3A_1949] {strides = array<i32>} : memref<2x16384xi32, #tpu.memory_space<vmem>>, vector<1x16xi32>,
        %swap3A_1951 = vector.shape_cast %swap3A_1950 : vector<1x16xi32> to vector<16xi32>
        %swap3A_1952 = vector.shape_cast %gather3A_1946 : vector<16xi32> to vector<1x16xi32>
        tpu.vector_store %arg8[%swap3A_1948, %swap3A_1949], %swap3A_1952 {strides = array<i32>} : memref<2x16384xi32, #tpu.memory_space<vmem>>, vector<1x16xi32>,
        %mul3A_1953 = arith.constant 8 : i32
        %mul3A_1954 = arith.muli %scan3A_1398, %mul3A_1953 : i32
        %add3A_1955 = arith.constant 7 : i32
        %add3A_1956 = arith.addi %mul3A_1954, %add3A_1955 : i32
        %mul3A_1957 = arith.constant 16 : i32
        %mul3A_1958 = arith.muli %add3A_1956, %mul3A_1957 : i32
        %get3A_1959 = arith.constant 1 : i32
        %get3A_1960 = arith.index_cast %get3A_1959 : i32 to index
        %get3A_1961 = arith.index_cast %mul3A_1958 : i32 to index
        %get3A_1962 = tpu.vector_load %arg7[%get3A_1960, %get3A_1961] {strides = array<i32>} : memref<2x16384xf32, #tpu.memory_space<vmem>>, vector<1x16xf32>,
        %get3A_1963 = vector.shape_cast %get3A_1962 : vector<1x16xf32> to vector<16xf32>
        %max3A_1964 = arith.maximumf %max3A_1885, %get3A_1963 : vector<16xf32>
        %gt3A_1965 = arith.cmpf ogt, %get3A_1963, %gather3A_1246 : vector<16xf32>
        %jit3A_1966 = arith.constant 8 : i32
        %jit3A_1967 = arith.constant 0 : i32
        %broadcast_in_dim3A_1968 = vector.broadcast %jit3A_1966 : i32 to vector<16xi32>
        %broadcast_in_dim3A_1969 = vector.broadcast %jit3A_1967 : i32 to vector<16xi32>
        %select_n3A_1970 = arith.select %gt3A_1965, %broadcast_in_dim3A_1968, %broadcast_in_dim3A_1969 : vector<16xi1>, vector<16xi32>
        %select_n3A_1971 = arith.select %gt3A_1965, %gather3A_1270, %gather3A_1258 : vector<16xi1>, vector<16xf32>
        %gt3A_1972 = arith.cmpf ogt, %get3A_1963, %select_n3A_1971 : vector<16xf32>
        %jit3A_1973 = arith.constant 4 : i32
        %jit3A_1974 = arith.constant 0 : i32
        %broadcast_in_dim3A_1975 = vector.broadcast %jit3A_1973 : i32 to vector<16xi32>
        %broadcast_in_dim3A_1976 = vector.broadcast %jit3A_1974 : i32 to vector<16xi32>
        %select_n3A_1977 = arith.select %gt3A_1972, %broadcast_in_dim3A_1975, %broadcast_in_dim3A_1976 : vector<16xi1>, vector<16xi32>
        %add3A_1978 = arith.addi %select_n3A_1970, %select_n3A_1977 : vector<16xi32>
        %add3A_1979 = arith.constant 1 : i32
        %add3A_1980 = vector.broadcast %add3A_1979 : i32 to vector<16xi32>
        %add3A_1981 = arith.addi %add3A_1978, %add3A_1980 : vector<16xi32>
        %lt3A_1982 = arith.constant 0 : i32
        %lt3A_1983 = vector.broadcast %lt3A_1982 : i32 to vector<16xi32>
        %lt3A_1984 = arith.cmpi slt, %add3A_1981, %lt3A_1983 : vector<16xi32>
        %add3A_1985 = arith.constant 16 : i32
        %add3A_1986 = vector.broadcast %add3A_1985 : i32 to vector<16xi32>
        %add3A_1987 = arith.addi %add3A_1981, %add3A_1986 : vector<16xi32>
        %select_n3A_1988 = arith.select %lt3A_1984, %add3A_1987, %add3A_1981 : vector<16xi1>, vector<16xi32>
        %broadcast_in_dim3A_1989 = vector.shape_cast %select_n3A_1988 : vector<16xi32> to vector<16x1xi32>
        %gather3A_1990 = vector.shape_cast %broadcast_in_dim3A_1989 : vector<16x1xi32> to vector<16xi32>
        %gather3A_1991 = tpu.dynamic_gather %gather3A_835[%gather3A_1990] in [0] : vector<16xf32>, vector<16xi32> -> vector<16xf32>
        %gt3A_1992 = arith.cmpf ogt, %get3A_1963, %gather3A_1991 : vector<16xf32>
        %jit3A_1993 = arith.constant 2 : i32
        %jit3A_1994 = arith.constant 0 : i32
        %broadcast_in_dim3A_1995 = vector.broadcast %jit3A_1993 : i32 to vector<16xi32>
        %broadcast_in_dim3A_1996 = vector.broadcast %jit3A_1994 : i32 to vector<16xi32>
        %select_n3A_1997 = arith.select %gt3A_1992, %broadcast_in_dim3A_1995, %broadcast_in_dim3A_1996 : vector<16xi1>, vector<16xi32>
        %add3A_1998 = arith.addi %add3A_1978, %select_n3A_1997 : vector<16xi32>
        %lt3A_1999 = arith.constant 0 : i32
        %lt3A_2000 = vector.broadcast %lt3A_1999 : i32 to vector<16xi32>
        %lt3A_2001 = arith.cmpi slt, %add3A_1998, %lt3A_2000 : vector<16xi32>
        %add3A_2002 = arith.constant 16 : i32
        %add3A_2003 = vector.broadcast %add3A_2002 : i32 to vector<16xi32>
        %add3A_2004 = arith.addi %add3A_1998, %add3A_2003 : vector<16xi32>
        %select_n3A_2005 = arith.select %lt3A_2001, %add3A_2004, %add3A_1998 : vector<16xi1>, vector<16xi32>
        %broadcast_in_dim3A_2006 = vector.shape_cast %select_n3A_2005 : vector<16xi32> to vector<16x1xi32>
        %gather3A_2007 = vector.shape_cast %broadcast_in_dim3A_2006 : vector<16x1xi32> to vector<16xi32>
        %gather3A_2008 = tpu.dynamic_gather %gather3A_835[%gather3A_2007] in [0] : vector<16xf32>, vector<16xi32> -> vector<16xf32>
        %gt3A_2009 = arith.cmpf ogt, %get3A_1963, %gather3A_2008 : vector<16xf32>
        %jit3A_2010 = arith.constant 1 : i32
        %jit3A_2011 = arith.constant 0 : i32
        %broadcast_in_dim3A_2012 = vector.broadcast %jit3A_2010 : i32 to vector<16xi32>
        %broadcast_in_dim3A_2013 = vector.broadcast %jit3A_2011 : i32 to vector<16xi32>
        %select_n3A_2014 = arith.select %gt3A_2009, %broadcast_in_dim3A_2012, %broadcast_in_dim3A_2013 : vector<16xi1>, vector<16xi32>
        %add3A_2015 = arith.addi %add3A_1998, %select_n3A_2014 : vector<16xi32>
        %lt3A_2016 = arith.constant 0 : i32
        %lt3A_2017 = vector.broadcast %lt3A_2016 : i32 to vector<16xi32>
        %lt3A_2018 = arith.cmpi slt, %add3A_2015, %lt3A_2017 : vector<16xi32>
        %add3A_2019 = arith.constant 16 : i32
        %add3A_2020 = vector.broadcast %add3A_2019 : i32 to vector<16xi32>
        %add3A_2021 = arith.addi %add3A_2015, %add3A_2020 : vector<16xi32>
        %select_n3A_2022 = arith.select %lt3A_2018, %add3A_2021, %add3A_2015 : vector<16xi1>, vector<16xi32>
        %broadcast_in_dim3A_2023 = vector.shape_cast %select_n3A_2022 : vector<16xi32> to vector<16x1xi32>
        %gather3A_2024 = vector.shape_cast %broadcast_in_dim3A_2023 : vector<16x1xi32> to vector<16xi32>
        %gather3A_2025 = tpu.dynamic_gather %sub3A_1212[%gather3A_2024] in [0] : vector<16xi32>, vector<16xi32> -> vector<16xi32>
        %swap3A_2026 = arith.constant 1 : i32
        %swap3A_2027 = arith.index_cast %swap3A_2026 : i32 to index
        %swap3A_2028 = arith.index_cast %mul3A_1958 : i32 to index
        %swap3A_2029 = tpu.vector_load %arg8[%swap3A_2027, %swap3A_2028] {strides = array<i32>} : memref<2x16384xi32, #tpu.memory_space<vmem>>, vector<1x16xi32>,
        %swap3A_2030 = vector.shape_cast %swap3A_2029 : vector<1x16xi32> to vector<16xi32>
        %swap3A_2031 = vector.shape_cast %gather3A_2025 : vector<16xi32> to vector<1x16xi32>
        tpu.vector_store %arg8[%swap3A_2027, %swap3A_2028], %swap3A_2031 {strides = array<i32>} : memref<2x16384xi32, #tpu.memory_space<vmem>>, vector<1x16xi32>,
        scf.yield %max3A_1964 : vector<16xf32>
      }
      %scan3A_1380 = arith.constant 128 : i32
      %mul3A_1381 = arith.constant 16384 : i32
      %mul3A_1382 = arith.muli %add3A_1357, %mul3A_1381 : i32
      %add3A_1383 = arith.addi %mul3A_2, %mul3A_1382 : i32
      %dma_start3A_1384 = arith.constant 1 : i32
      %dma_start3A_1385 = arith.constant 0 : i32
      %dma_start3A_1386 = tpu.memref_slice %arg8[%dma_start3A_1384, %dma_start3A_1385] : memref<2x16384xi32, #tpu.memory_space<vmem>> -> memref<1x16384xi32, #tpu.memory_space<vmem>>
      %dma_start3A_1387 = tpu.memref_squeeze %dma_start3A_1386 : memref<1x16384xi32, #tpu.memory_space<vmem>> -> memref<16384xi32, #tpu.memory_space<vmem>>
      %dma_start3A_1388 = tpu.memref_slice %arg5[%add3A_1383] : memref<4194304xi32, #tpu.memory_space<hbm>> -> memref<16384xi32, #tpu.memory_space<hbm>>
      %dma_start3A_1389 = tpu.memref_slice %arg5[%add3A_1383] : memref<4194304xi32, #tpu.memory_space<hbm>> -> memref<16384xi32, #tpu.memory_space<hbm>>
      %dma_start3A_1390 = arith.constant 0 : i32
      %dma_start3A_1391 = tpu.memref_slice %arg8[%dma_start3A_1384, %dma_start3A_1390] : memref<2x16384xi32, #tpu.memory_space<vmem>> -> memref<1x16384xi32, #tpu.memory_space<vmem>>
      %dma_start3A_1392 = tpu.memref_squeeze %dma_start3A_1391 : memref<1x16384xi32, #tpu.memory_space<vmem>> -> memref<16384xi32, #tpu.memory_space<vmem>>
      tpu.enqueue_dma source(%dma_start3A_1392 : memref<16384xi32, #tpu.memory_space<vmem>>) target(%dma_start3A_1389 : memref<16384xi32, #tpu.memory_space<hbm>>) target_semaphore(%arg16 : memref<!tpu.dma_semaphore, #tpu.memory_space<semaphore_mem>>)
      %lt3A_1393 = arith.constant 3 : i32
      %lt3A_1394 = arith.cmpi slt, %scan3A_1308, %lt3A_1393 : i32
      %convert_element_type3A_1395 = arith.extui %lt3A_1394 : i1 to i32
      %cond3A_1396 = arith.constant 0 : i32
      %cond3A_1397 = arith.cmpi ne, %convert_element_type3A_1395, %cond3A_1396 : i32
      scf.if %cond3A_1397 {
        %add3A_1398 = arith.constant 2 : i32
        %add3A_1399 = arith.addi %add3A_1357, %add3A_1398 : i32
        %mul3A_1400 = arith.constant 16384 : i32
        %mul3A_1401 = arith.muli %add3A_1399, %mul3A_1400 : i32
        %add3A_1402 = arith.addi %mul3A_2, %mul3A_1401 : i32
        %dma_start3A_1403 = arith.constant 1 : i32
        %dma_start3A_1404 = arith.constant 0 : i32
        %dma_start3A_1405 = tpu.memref_slice %arg7[%dma_start3A_1403, %dma_start3A_1404] : memref<2x16384xf32, #tpu.memory_space<vmem>> -> memref<1x16384xf32, #tpu.memory_space<vmem>>
        %dma_start3A_1406 = tpu.memref_squeeze %dma_start3A_1405 : memref<1x16384xf32, #tpu.memory_space<vmem>> -> memref<16384xf32, #tpu.memory_space<vmem>>
        %dma_start3A_1407 = tpu.memref_slice %arg2[%add3A_1402] : memref<4194304xf32, #tpu.memory_space<hbm>> -> memref<16384xf32, #tpu.memory_space<hbm>>
        %dma_start3A_1408 = arith.constant 0 : i32
        %dma_start3A_1409 = tpu.memref_slice %arg7[%dma_start3A_1403, %dma_start3A_1408] : memref<2x16384xf32, #tpu.memory_space<vmem>> -> memref<1x16384xf32, #tpu.memory_space<vmem>>
        %dma_start3A_1410 = tpu.memref_squeeze %dma_start3A_1409 : memref<1x16384xf32, #tpu.memory_space<vmem>> -> memref<16384xf32, #tpu.memory_space<vmem>>
        %dma_start3A_1411 = tpu.memref_slice %arg2[%add3A_1402] : memref<4194304xf32, #tpu.memory_space<hbm>> -> memref<16384xf32, #tpu.memory_space<hbm>>
        tpu.enqueue_dma source(%dma_start3A_1411 : memref<16384xf32, #tpu.memory_space<hbm>>) target(%dma_start3A_1410 : memref<16384xf32, #tpu.memory_space<vmem>>) target_semaphore(%arg14 : memref<!tpu.dma_semaphore, #tpu.memory_space<semaphore_mem>>)
      } else {
      }
      scf.yield %scan3A_1379 : vector<16xf32>
    }
    %scan3A_1277 = arith.constant 4 : i32
    %swap3A = arith.constant 0 : index
    %swap3A_1278 = tpu.vector_load %arg12[%swap3A] {strides = array<i32>} : memref<16xf32, #tpu.memory_space<vmem>>, vector<16xf32>,
    %swap3A_1279 = vector.shape_cast %swap3A_1278 : vector<16xf32> to vector<16xf32>
    %swap3A_1280 = vector.shape_cast %scan3A_1276 : vector<16xf32> to vector<16xf32>
    tpu.vector_store %arg12[%swap3A], %swap3A_1280 {strides = array<i32>} : memref<16xf32, #tpu.memory_space<vmem>>, vector<16xf32>,
    %mul3A_1281 = arith.constant 16 : i32
    %mul3A_1282 = arith.muli %add3A, %mul3A_1281 : i32
    "tpu.region"() ({
      %run_scoped3A = tpu.sem_alloc : memref<!tpu.dma_semaphore, #tpu.memory_space<semaphore_mem>>
      %dma_start3A_1308 = tpu.memref_slice %arg6[%mul3A_1282] : memref<528xf32, #tpu.memory_space<hbm>> -> memref<16xf32, #tpu.memory_space<hbm>>
      %dma_start3A_1309 = tpu.memref_slice %arg6[%mul3A_1282] : memref<528xf32, #tpu.memory_space<hbm>> -> memref<16xf32, #tpu.memory_space<hbm>>
      tpu.enqueue_dma source(%arg12 : memref<16xf32, #tpu.memory_space<vmem>>) target(%dma_start3A_1309 : memref<16xf32, #tpu.memory_space<hbm>>) target_semaphore(%run_scoped3A : memref<!tpu.dma_semaphore, #tpu.memory_space<semaphore_mem>>)
      %dma_wait3A_1310 = tpu.memref_slice %arg6[%mul3A_1282] : memref<528xf32, #tpu.memory_space<hbm>> -> memref<16xf32, #tpu.memory_space<hbm>>
      %dma_wait3A_1311 = tpu.memref_slice %arg6[%mul3A_1282] : memref<528xf32, #tpu.memory_space<hbm>> -> memref<16xf32, #tpu.memory_space<hbm>>
      tpu.wait_dma2 semaphore(%run_scoped3A : memref<!tpu.dma_semaphore, #tpu.memory_space<semaphore_mem>>) src(%arg12 : memref<16xf32, #tpu.memory_space<vmem>>) dst(%dma_wait3A_1311 : memref<16xf32, #tpu.memory_space<hbm>>)
      tpu.yield
    }) : () -> ()
    %eq3A_1283 = arith.constant 0 : i32
    %eq3A_1284 = arith.cmpi eq, %add3A, %eq3A_1283 : i32
    %convert_element_type3A = arith.extui %eq3A_1284 : i1 to i32
    %cond3A = arith.constant 0 : i32
    %cond3A_1285 = arith.cmpi ne, %convert_element_type3A, %cond3A : i32
    scf.if %cond3A_1285 {
      %swap3A_1308 = arith.constant 0 : index
      %swap3A_1309 = tpu.vector_load %arg12[%swap3A_1308] {strides = array<i32>} : memref<16xf32, #tpu.memory_space<vmem>>, vector<16xf32>,
      %swap3A_1310 = vector.shape_cast %swap3A_1309 : vector<16xf32> to vector<16xf32>
      %swap3A_1311 = vector.shape_cast %gather3A_835 : vector<16xf32> to vector<16xf32>
      tpu.vector_store %arg12[%swap3A_1308], %swap3A_1311 {strides = array<i32>} : memref<16xf32, #tpu.memory_space<vmem>>, vector<16xf32>,
      "tpu.region"() ({
        %run_scoped3A = tpu.sem_alloc : memref<!tpu.dma_semaphore, #tpu.memory_space<semaphore_mem>>
        %dma_start3A_1312 = arith.constant 512 : i32
        %dma_start3A_1313 = tpu.memref_slice %arg6[%dma_start3A_1312] : memref<528xf32, #tpu.memory_space<hbm>> -> memref<16xf32, #tpu.memory_space<hbm>>
        %dma_start3A_1314 = arith.constant 512 : i32
        %dma_start3A_1315 = tpu.memref_slice %arg6[%dma_start3A_1314] : memref<528xf32, #tpu.memory_space<hbm>> -> memref<16xf32, #tpu.memory_space<hbm>>
        tpu.enqueue_dma source(%arg12 : memref<16xf32, #tpu.memory_space<vmem>>) target(%dma_start3A_1315 : memref<16xf32, #tpu.memory_space<hbm>>) target_semaphore(%run_scoped3A : memref<!tpu.dma_semaphore, #tpu.memory_space<semaphore_mem>>)
        %dma_wait3A_1316 = arith.constant 512 : i32
        %dma_wait3A_1317 = tpu.memref_slice %arg6[%dma_wait3A_1316] : memref<528xf32, #tpu.memory_space<hbm>> -> memref<16xf32, #tpu.memory_space<hbm>>
        %dma_wait3A_1318 = arith.constant 512 : i32
        %dma_wait3A_1319 = tpu.memref_slice %arg6[%dma_wait3A_1318] : memref<528xf32, #tpu.memory_space<hbm>> -> memref<16xf32, #tpu.memory_space<hbm>>
        tpu.wait_dma2 semaphore(%run_scoped3A : memref<!tpu.dma_semaphore, #tpu.memory_space<semaphore_mem>>) src(%arg12 : memref<16xf32, #tpu.memory_space<vmem>>) dst(%dma_wait3A_1319 : memref<16xf32, #tpu.memory_space<hbm>>)
        tpu.yield
      }) : () -> ()
    } else {
    }
    %add3A_1286 = arith.constant 98304 : i32
    %add3A_1287 = arith.addi %mul3A_2, %add3A_1286 : i32
    %dma_wait3A_1288 = arith.constant 0 : i32
    %dma_wait3A_1289 = arith.constant 0 : i32
    %dma_wait3A_1290 = tpu.memref_slice %arg8[%dma_wait3A_1288, %dma_wait3A_1289] : memref<2x16384xi32, #tpu.memory_space<vmem>> -> memref<1x16384xi32, #tpu.memory_space<vmem>>
    %dma_wait3A_1291 = tpu.memref_squeeze %dma_wait3A_1290 : memref<1x16384xi32, #tpu.memory_space<vmem>> -> memref<16384xi32, #tpu.memory_space<vmem>>
    %dma_wait3A_1292 = tpu.memref_slice %arg5[%add3A_1287] : memref<4194304xi32, #tpu.memory_space<hbm>> -> memref<16384xi32, #tpu.memory_space<hbm>>
    %dma_wait3A_1293 = tpu.memref_slice %arg5[%add3A_1287] : memref<4194304xi32, #tpu.memory_space<hbm>> -> memref<16384xi32, #tpu.memory_space<hbm>>
    %dma_wait3A_1294 = arith.constant 0 : i32
    %dma_wait3A_1295 = tpu.memref_slice %arg8[%dma_wait3A_1288, %dma_wait3A_1294] : memref<2x16384xi32, #tpu.memory_space<vmem>> -> memref<1x16384xi32, #tpu.memory_space<vmem>>
    %dma_wait3A_1296 = tpu.memref_squeeze %dma_wait3A_1295 : memref<1x16384xi32, #tpu.memory_space<vmem>> -> memref<16384xi32, #tpu.memory_space<vmem>>
    tpu.wait_dma2 semaphore(%arg15 : memref<!tpu.dma_semaphore, #tpu.memory_space<semaphore_mem>>) src(%dma_wait3A_1296 : memref<16384xi32, #tpu.memory_space<vmem>>) dst(%dma_wait3A_1293 : memref<16384xi32, #tpu.memory_space<hbm>>)
    %add3A_1297 = arith.constant 114688 : i32
    %add3A_1298 = arith.addi %mul3A_2, %add3A_1297 : i32
    %dma_wait3A_1299 = arith.constant 1 : i32
    %dma_wait3A_1300 = arith.constant 0 : i32
    %dma_wait3A_1301 = tpu.memref_slice %arg8[%dma_wait3A_1299, %dma_wait3A_1300] : memref<2x16384xi32, #tpu.memory_space<vmem>> -> memref<1x16384xi32, #tpu.memory_space<vmem>>
    %dma_wait3A_1302 = tpu.memref_squeeze %dma_wait3A_1301 : memref<1x16384xi32, #tpu.memory_space<vmem>> -> memref<16384xi32, #tpu.memory_space<vmem>>
    %dma_wait3A_1303 = tpu.memref_slice %arg5[%add3A_1298] : memref<4194304xi32, #tpu.memory_space<hbm>> -> memref<16384xi32, #tpu.memory_space<hbm>>
    %dma_wait3A_1304 = tpu.memref_slice %arg5[%add3A_1298] : memref<4194304xi32, #tpu.memory_space<hbm>> -> memref<16384xi32, #tpu.memory_space<hbm>>
    %dma_wait3A_1305 = arith.constant 0 : i32
    %dma_wait3A_1306 = tpu.memref_slice %arg8[%dma_wait3A_1299, %dma_wait3A_1305] : memref<2x16384xi32, #tpu.memory_space<vmem>> -> memref<1x16384xi32, #tpu.memory_space<vmem>>
    %dma_wait3A_1307 = tpu.memref_squeeze %dma_wait3A_1306 : memref<1x16384xi32, #tpu.memory_space<vmem>> -> memref<16384xi32, #tpu.memory_space<vmem>>
    tpu.wait_dma2 semaphore(%arg16 : memref<!tpu.dma_semaphore, #tpu.memory_space<semaphore_mem>>) src(%dma_wait3A_1307 : memref<16384xi32, #tpu.memory_space<vmem>>) dst(%dma_wait3A_1304 : memref<16384xi32, #tpu.memory_space<hbm>>)
    return
  }
}

</mosaic_0001>

<sc_bundles>
// kernel: branch_0_fun.3.cloned.1.call-start
scs
__scs_entry_jumppad:
0x0: {  	(pc) =	sbr.rel $0x88, $3  }
0x1: {  	(tag) =	ssettag $0x0;
	lr =	simm.s32 $0x1  }
0x2: {  	[smem:$0x3FA0] =	sst lr;
	_ =	strace $0xD0000000  }
0x3: {  	_ = 	snop  }
0x4: {  	_ = 	snop  }
0x5: {  	_ = 	snop  }
0x6: {  	_ = 	snop  }
0x7: {  	_ = 	snop  }
__scs_overlays_trampoline_lowered:
0x8: {  	[smem:$0x3FAF] =	sst s0  }
0x9: {  	[smem:$0x3FB0] =	sst s1  }
0xa: {  	[smem:$0x3FB1] =	sst s2  }
0xb: {  	[smem:$0x3FB2] =	sst s3  }
0xc: {  	[smem:$0x3FB3] =	sst s4  }
0xd: {  	[smem:$0x3FB4] =	sst s5  }
0xe: {  	[smem:$0x3FB5] =	sst s6  }
0xf: {  	[smem:$0x3FB6] =	sst s7  }
0x10: {  	[smem:$0x3FB7] =	sst s8  }
0x11: {  	[smem:$0x3FB8] =	sst s9;
	s0 =	simm.s32 @!p0 $0x0  }
0x12: {  	s1 =	sld [smem:$0x3F9E];
	s0 =	simm.s32 @p0 $0x1  }
0x13: {  	[smem:$0x3FB9] =	sst s0;
	s0 =	simm.s32 @!p1 $0x0  }
0x14: {  	s2 =	sld [smem:$0x3F9D];
	s0 =	simm.s32 @p1 $0x1  }
0x15: {  	[smem:$0x3FBA] =	sst s0;
	s0 =	simm.s32 @!p2 $0x0  }
0x16: {  	s3 =	sld [smem:$0x3FDB];
	s0 =	simm.s32 @p2 $0x1  }
0x17: {  	s4 =	simm.s32 $0x1BF5;
	[smem:$0x3FBC] =	sst s0  }
0x18: {  	s0 =	sld [smem:$0x3F9F];
	_ =	swait.ge [sflag:s4], $0x0  }
0x19: {  	s7 =	sld [smem:$0x3FA0]  }
0x1a: {  	s8 =	sadd.s32 $0xFFFFE003, lr  }
0x1b: {  	s9 =	sadd.s32 $0xFFFFFEF7, lr;
	s5 =	simm.s32 $0xFFFFFFFF;
	p2 =	slt.u32 s8, $0xFFFFF086  }
0x1c: {  	p1 =	slt.u32 s9, $0xF7A;
	s5 =	simm.s32 @!p2 $0x0  }
0x1d: {  	s5 =	simm.s32 @p1 $0x1;
	p0 =	seq.s32 s7, s2  }
0x1e: {  	s7 =	smul.u32 @!p0 $0xF7A, s2;
	p2 =	seq.s32 @!p0 s5, $0x0  }
0x1f: {  	s9 =	smul.u32 $0xF7A, s1;
	s8 =	simm.s32 @!p0 $0x1BF5;
	p2 =	por !p2, p0  }
0x20: {  	[sflag:s8] =	ssyncset.s32 @!p0 $0xFFFFF086;
	s6 =	sadd.s32 @!p0 s3, s7;
	s7 =	simm.s32 @!p0 $0x108  }
0x21: {  	s3 =	sadd.s32 s3, s9;
	s6 =	sadd.s32 @!p0 $0x88, s6;
	s7 =	simm.s32 @p2 $0x1082  }
0x22: {  	[simem:s7], [sflag:s8] =	dma.local @!p0 [hbm:s6], $0xF7A  }
0x23: {  	s9 =	sor.u32 $0xD0000000, s2;
	s6 =	simm.s32 $0x108;
	_ =	swait.ge @!p0 [sflag:s8], $0x0  }
0x24: {  	s3 =	sadd.s32 $0x88, s3;
	s6 =	simm.s32 @!p1 $0x1082;
	[sflag:s4] =	ssyncset.s32 $0xFFFFF086  }
0x25: {  	[simem:s6], [sflag:s4] =	dma.local [hbm:s3], $0xF7A  }
0x26: {  	[smem:$0x3FA0] =	sst s1;
	(tag) =	ssettag s2;
	_ =	strace s9  }
0x27: {  	s1 =	sld [smem:$0x3FB0]  }
0x28: {  	s2 =	sld [smem:$0x3FB1]  }
0x29: {  	s4 =	sld [smem:$0x3FB3]  }
0x2a: {  	p0 =	seq.s32 s5, $0x0;
	s5 =	sld [smem:$0x3FB4]  }
0x2b: {  	s6 =	sld [smem:$0x3FB5]  }
0x2c: {  	s7 =	sld [smem:$0x3FB6]  }
0x2d: {  	s3 =	simm.s32 $0x108;
	s8 =	sld [smem:$0x3FB7]  }
0x2e: {  	s3 =	simm.s32 @!p0 $0x1082;
	s9 =	sld [smem:$0x3FB8]  }
0x2f: {  	lr =	sadd.s32 s0, s3;
	s0 =	sld [smem:$0x3FAF]  }
0x30: {  	s3 =	sld [smem:$0x3FB2]  }
0x31: {  	[smem:$0x3FBB] =	sst s10  }
0x32: {  	s10 =	sld [smem:$0x3FB9];
	_ =	sdelay $0x3  }
0x33: {  	p0 =	seq.s32 s10, $0x1;
	s10 =	sld [smem:$0x3FBB];
	_ =	sdelay $0x3  }
0x34: {  	[smem:$0x3FBB] =	sst s10  }
0x35: {  	s10 =	sld [smem:$0x3FBA];
	_ =	sdelay $0x3  }
0x36: {  	p1 =	seq.s32 s10, $0x1;
	s10 =	sld [smem:$0x3FBB];
	_ =	sdelay $0x3  }
0x37: {  	[smem:$0x3FBB] =	sst s10  }
0x38: {  	s10 =	sld [smem:$0x3FBC]  }
0x39: {  	_ = 	snop;
	(pc) =	sbr.ind lr, $3  }
0x3a: {  	_ = 	snop  }
0x3b: {  	_ = 	snop  }
0x3c: {  	p2 =	seq.s32 s10, $0x1;
	s10 =	sld [smem:$0x3FBB]  }
0x3d: {  	_ =	shalt  }
0x3e: {  	_ =	shalt  }
0x3f: {  	_ =	shalt  }
0x40: {  	_ =	shalt  }
0x41: {  	_ =	shalt  }
0x42: {  	_ =	shalt  }
0x43: {  	_ =	shalt  }
0x44: {  	_ =	shalt  }
0x45: {  	_ =	shalt  }
0x46: {  	_ =	shalt  }
0x47: {  	_ =	shalt  }
0x48: {  	_ =	shalt  }
0x49: {  	_ =	shalt  }
0x4a: {  	_ =	shalt  }
0x4b: {  	_ =	shalt  }
0x4c: {  	_ =	shalt  }
0x4d: {  	_ =	shalt  }
0x4e: {  	_ =	shalt  }
0x4f: {  	_ =	shalt  }
0x50: {  	_ =	shalt  }
0x51: {  	_ =	shalt  }
0x52: {  	_ =	shalt  }
0x53: {  	_ =	shalt  }
0x54: {  	_ =	shalt  }
0x55: {  	_ =	shalt  }
0x56: {  	_ =	shalt  }
0x57: {  	_ =	shalt  }
0x58: {  	_ =	shalt  }
0x59: {  	_ =	shalt  }
0x5a: {  	_ =	shalt  }
0x5b: {  	_ =	shalt  }
0x5c: {  	_ =	shalt  }
0x5d: {  	_ =	shalt  }
0x5e: {  	_ =	shalt  }
0x5f: {  	_ =	shalt  }
0x60: {  	_ =	shalt  }
0x61: {  	_ =	shalt  }
0x62: {  	_ =	shalt  }
0x63: {  	_ =	shalt  }
0x64: {  	_ =	shalt  }
0x65: {  	_ =	shalt  }
0x66: {  	_ =	shalt  }
0x67: {  	_ =	shalt  }
0x68: {  	_ =	shalt  }
0x69: {  	_ =	shalt  }
0x6a: {  	_ =	shalt  }
0x6b: {  	_ =	shalt  }
0x6c: {  	_ =	shalt  }
0x6d: {  	_ =	shalt  }
0x6e: {  	_ =	shalt  }
0x6f: {  	_ =	shalt  }
0x70: {  	_ =	shalt  }
0x71: {  	_ =	shalt  }
0x72: {  	_ =	shalt  }
0x73: {  	_ =	shalt  }
0x74: {  	_ =	shalt  }
0x75: {  	_ =	shalt  }
0x76: {  	_ =	shalt  }
0x77: {  	_ =	shalt  }
0x78: {  	_ =	shalt  }
0x79: {  	_ =	shalt  }
0x7a: {  	_ =	shalt  }
0x7b: {  	_ =	shalt  }
0x7c: {  	_ =	shalt  }
0x7d: {  	_ =	shalt  }
0x7e: {  	_ =	shalt  }
0x7f: {  	_ =	shalt  }
0x80: {  	_ =	shalt  }
0x81: {  	_ =	shalt  }
0x82: {  	_ =	shalt  }
0x83: {  	_ =	shalt  }
0x84: {  	_ =	shalt  }
0x85: {  	_ =	shalt  }
0x86: {  	_ =	shalt  }
0x87: {  	_ =	shalt  }
.Lfunc_end0:
.L_simem_size_0:
called_computation_lowered:
.L_overlay_start_0:
0x88: {  	s2 =	sld [smem:$0x3FD9]  }
0x89: {  	s3 =	sld [smem:$0x3FFE];
	_ =	sdelay $0x1  }
0x8a: {  	s1 =	srdreg.scid  }
0x8b: {  	s0 =	sand.u32 $0x1, s1  }
0x8c: {  	s17 =	sshll.u32 s0, $0xA;
	s2 =	sadd.s32 s3, s2  }
0x8d: {  	s2 =	sadd.s32 s2, s17  }
0x8e: {  	[smem:$0x3FC7] =	sst s2  }
0x8f: {  	_ = 	snop  }
0x90: {  	s2 =	sld [smem:$0x3FC9]  }
0x91: {  	s18 =	sld [smem:$0x3FD0];
	(tm) =	ssettm $0x1  }
0x92: {  	s4 =	sld [smem:$0x3FFB];
	_ =	sdelay $0x3  }
0x93: {  	_ =	strace s4  }
0x94: {  	s4 =	sld [smem:$0x3FFC];
	_ =	sdelay $0x3  }
0x95: {  	_ =	strace s4  }
0x96: {  	s4 =	sld [smem:$0x3FFD];
	_ =	sdelay $0x3  }
0x97: {  	_ =	strace s4  }
0x98: {  	_ =	strace $0x8FFFFFFF  }
0x99: {  	s19 =	sld [smem:$0x3FDB];
	_ =	sdelay $0x1  }
0x9a: {  	s5 =	simm.s32 $_scs_section_size  }
0x9b: {  	s6 =	simm.s32 $_size__tile_overlayer_lowered;
	s7 =	simm.s32 $_tile_overlayer_lowered  }
0x9c: {  	s22 =	simm.s32 $0x1BFF;
	s21 =	sshll.u32 s7, $0x1;
	s4 =	sadd.s32 s5, s19  }
0x9d: {  	s8 =	simm.s32 $0x0;
	s20 =	sshll.u32 s6, $0x1;
	s6 =	sadd.s32 s21, s4  }
0x9e: {  	[timem:s8], [sflag:s22] =	dma.local [hbm:s6], s20  }
0x9f: {  	_ =	swait.ge [sflag:s22], s20  }
0xa0: {  	s5 =	ssub.s32 $0x0, s20;
	[sflag:s22] =	ssyncset.done $0x0  }
0xa1: {  	[sflag:s22] =	ssyncadd.s32 s5;
	_ =	sdelay $0x1  }
0xa2: {  	s23 =	simm.s32 $0x1B8B  }
0xa3: {  	_ =	swait.ge [sflag:s23], $0x1  }
0xa4: {  	[sflag:s23] =	ssyncset.done $0x0  }
0xa5: {  	s25 =	simm.s32 $0x1B8E;
	s24 =	sld [smem:$0x3FFE];
	[sflag:s23] =	ssyncadd.s32 $0xFFFFFFFF  }
0xa6: {  	s26 =	simm.s32 $execute0_lowered;
	[smem:$0x3FD2] =	sst s25  }
0xa7: {  	s6 =	sshll.u32 s26, $0x1;
	_ =	strace $0x80000046;
	[dreg:$0x1] =	wrdreg $0xFFFFFFFF  }
0xa8: {  	s28 =	simm.s32 $_size_execute0_lowered;
	s4 =	sadd.s32 s4, s6;
	[dreg:$0x0] =	wrdreg $0x0  }
0xa9: {  	s6 =	sshll.u32 s28, $0x1;
	[dreg:$0x2] =	wrdreg s4  }
0xaa: {  	[dreg:$0x3] =	wrdreg s6  }
0xab: {  	[dreg:$0x4] =	wrdreg $0xC0  }
0xac: {  	_ =	task [dreg:s8], $0x5FFFF  }
0xad: {  	[dreg:$0x1] =	wrdreg $0xFFFFFFFF  }
0xae: {  	[dreg:$0x0] =	wrdreg $0x60  }
0xaf: {  	[dreg:$0x2] =	wrdreg s2  }
0xb0: {  	[dreg:$0x3] =	wrdreg s24  }
0xb1: {  	[dreg:$0x4] =	wrdreg s18  }
0xb2: {  	[dreg:$0x5] =	wrdreg $0x9  }
0xb3: {  	_ =	task.clear_ibuf [dreg:s8], $0x6FFFF;
	_ =	strace $0x90000046  }
0xb4: {  	s29 =	simm.s32 $0x9;
	_ =	strace $0x80000048  }
0xb5: {  	_ =	swait.ge [sflag:s29], $0x1  }
0xb6: {  	[sflag:s29] =	ssyncadd.s32 $0xFFFFFFFF  }
0xb7: {  	_ =	strace $0x90000048  }
0xb8: {  	_ =	sfence  }
0xb9: {  	s30 =	sld [smem:$0x0];
	_ =	sdelay $0x2  }
0xba: {  	s31 =	sshll.u32 s1, $0xD;
	s1 =	sshrl.u32 s1, $0x2  }
0xbb: {  	s3 =	sand.u32 $0x4000, s31;
	s1 =	sadd.s32 s1, s30  }
0xbc: {  	s0 =	sor.u32 s3, s0;
	s1 =	sshll.u32 s1, $0x11  }
0xbd: {  	s0 =	sor.u32 s1, s0  }
0xbe: {  	s0 =	sadd.s32 $0x8F2B, s0  }
0xbf: {  	[sflag:s0] =	ssyncadd.remote.s32 $0x1  }
0xc0: {  	_ =	sfence.sel $0xFFFF  }
0xc1: {  	[dreg:$0x0] =	wrdreg $0xFFFFFFFF;
	(pc) =	sbr.abs _section_cstart, $3  }
0xc2: {  	[dreg:$0x1] =	wrdreg $0xFFFFFFFF  }
0xc3: {  	_ =	task.clear_ibuf [dreg:s8], $0x2FFFF;
	_ =	strace $0x9FFFFFFF  }
0xc4: {  	(tm) =	ssettm $0x7FFFFFFF  }
0xc5: {  	_ =	shalt  }
tec
execute0_lowered:
.L_overlay_start_1:
0x0: {  	(tag) =	ssettag $0x1  }
0x1: {  	s1 =	rddreg [dreg:$0x0]  }
0x2: {  	s7 =	rddreg [dreg:$0x1]  }
0x3: {  	s3 =	rddreg [dreg:$0x2]  }
0x4: {  	s0 =	rddreg [dreg:$0x3];
	s5 =	srdreg.scid;
	s4 =	simm.s32 $0x0  }
0x5: {  	s2 =	stileid.u32;
	s13 =	simm.s32 $0x10000;
	s14 =	simm.s32 $0x5  }
0x6: {  	s15 =	simm.s32 $0x10080;
	s16 =	simm.s32 $0x1;
	s17 =	simm.s32 $0x2  }
0x7: {  	s18 =	simm.s32 $0x4;
	s19 =	simm.s32 $0x3;
	s20 =	simm.s32 $0x0  }
0x8: {  	s5 =	sand.u32 $0x1, s5;
	[smem:$0x7FF] =	sst s4;
	s6 =	sshll.u32 s2, $0x12  }
.Ltmp0:
0x9: {  	s8 =	sshll.u32 s5, $0x11;
	_ =	strace $0x80000047;
	(pc) =	sbr.rel .LBB2_1-.Ltmp0, $4  }
0xa: {  	s9 =	ssub.s32 $0x2, s5;
	s5 =	sor.u32 s8, s6;
	s6 =	sadd.s32 $0x400, s7  }
0xb: {  	s31 =	sshrl.u32 s9, $0x1;
	s7 =	sadd.s32 $0x200, s7;
	s10 =	sshrl.u32 s5, $0x3  }
0xc: {  	s12 =	ssub.s32 s9, s31;
	s11 =	sor.u32 $0xC000, s5;
	s8 =	sadd.s32 s1, s10  }
0xd: {  	v0 =	vimm.s32 $0x7;
	v1 =	vimm.s32 $0x0;
	s10 =	sor.u32 $0x8000, s5;
	s12 =	smax.u32 s12, $0x1;
	s9 =	sadd.s32 $0x800, s8  }
.LBB2_24:
0xe: {  	s20 =	sadd.s32 $0x1, s20  }
0xf: {  	_ =	swait.ge [sflag:s19], $0x4000;
	p0 =	sne.s32 s20, s12  }
.Ltmp1:
0x10: {  	[sflag:s19] =	ssyncset.done $0x0;
	(pc) =	sbr.rel @!p0 .LBB2_25-.Ltmp1, $4  }
0x11: {  	[sflag:s19] =	ssyncadd.s32 $0xFFFFC000  }
0x12: {  	_ =	swait.ge [sflag:s18], $0x4000  }
0x13: {  	[sflag:s18] =	ssyncset.done $0x0  }
0x14: {  	[sflag:s18] =	ssyncadd.s32 $0xFFFFC000  }
.LBB2_1:
0x15: {  	[tilespmem:s13], [sflag:$0x5] =	stream.linear.gather [hbm4b:s6+s4], $0x80, $0x38;
	[tilespmem:$0x10100] =	vst v63  }
0x16: {  	_ =	swait.ge [sflag:s14], $0x80  }
0x17: {  	[sflag:s14] =	ssyncset.done $0x0  }
0x18: {  	[sflag:s14] =	ssyncadd.s32 $0xFFFFFF80  }
0x19: {  	[tilespmem:s15], [sflag:$0x5] =	stream.linear.gather [hbm4b:s7+s4], $0x80, $0x38;
	[tilespmem:$0x10100] =	vst v63  }
0x1a: {  	_ =	swait.ge [sflag:s14], $0x80  }
0x1b: {  	s21 =	simm.s32 $0x10;
	s24 =	sadd.s32 $0x0, s8;
	[sflag:s14] =	ssyncset.done $0x0  }
0x1c: {  	s22 =	simm.s32 $0x100;
	s23 =	simm.s32 $0x0;
	[sflag:s14] =	ssyncadd.s32 $0xFFFFFF80  }
.LBB2_2:
0x1d: {  	[tilespmem:s23], [sflag:$0x1] =	stream.linear.gather [hbm4b:s24+s4], $0x80, $0x38;
	[tilespmem:$0x10100] =	vst v63  }
0x1e: {  	s24 =	smov.u32 s21;
	s23 =	smov.u32 s22;
	p0 =	sne.s32 s21, $0x7F0  }
.Ltmp2:
0x1f: {  	s21 =	sadd.s32 $0x10, s21;
	(pc) =	sbr.rel @p0 .LBB2_2-.Ltmp2, $2  }
0x20: {  	_ =	sdelay $0x2  }
0x21: {  	s22 =	sadd.s32 $0x100, s22;
	s24 =	sadd.s32 s24, s8  }
0x22: {  	[tilespmem:s23], [sflag:$0x1] =	stream.linear.gather [hbm4b:s24+s4], $0x80, $0x38;
	[tilespmem:$0x10100] =	vst v63  }
0x23: {  	s21 =	simm.s32 $0x80  }
0x24: {  	s22 =	simm.s32 $0x10;
	s24 =	sadd.s32 $0x0, s9;
	s23 =	simm.s32 $0x180  }
.LBB2_4:
0x25: {  	[tilespmem:s21], [sflag:$0x2] =	stream.linear.gather [hbm4b:s24+s4], $0x80, $0x38;
	[tilespmem:$0x10100] =	vst v63  }
0x26: {  	s24 =	smov.u32 s22;
	s21 =	smov.u32 s23;
	p0 =	sne.s32 s22, $0x7F0  }
.Ltmp3:
0x27: {  	s22 =	sadd.s32 $0x10, s22;
	(pc) =	sbr.rel @p0 .LBB2_4-.Ltmp3, $2  }
0x28: {  	_ =	sdelay $0x2  }
0x29: {  	s23 =	sadd.s32 $0x100, s23;
	s24 =	sadd.s32 s24, s9  }
0x2a: {  	[tilespmem:s21], [sflag:$0x2] =	stream.linear.gather [hbm4b:s24+s4], $0x80, $0x38;
	[tilespmem:$0x10100] =	vst v63  }
0x2b: {  	v2 =	vld [tilespmem:$0x10000];
	_ =	sdelay $0x3  }
0x2c: {  	v3 =	vld [tilespmem:$0x10080]  }
0x2d: {  	s21 =	simm.s32 $0x0;
	v4 =	vperm.xlane v2, v0  }
.LBB2_6:
0x2e: {  	_ =	swait.ge [sflag:s16], $0x4000  }
0x2f: {  	p0 =	seq.s32 s21, $0x0;
	[sflag:s16] =	ssyncset.done $0x0  }
0x30: {  	s22 =	simm.s32 @!p0 $0x3;
	[sflag:s16] =	ssyncadd.s32 $0xFFFFC000  }
0x31: {  	_ =	swait.ge @!p0 [sflag:s22], $0x4000  }
0x32: {  	[sflag:s22] =	ssyncset.done @!p0 $0x0  }
0x33: {  	s24 =	simm.s32 $0x0;
	[sflag:s22] =	ssyncadd.s32 @!p0 $0xFFFFC000  }
0x34: {  	v9 =	vld [tilespmem:s24+$0x70]  }
0x35: {  	v10 =	vld [tilespmem:s24+$0x60]  }
0x36: {  	v5 =	vld [tilespmem:s24+$0x20]  }
0x37: {  	v13 =	vld [tilespmem:s24+$0x0]  }
0x38: {  	v14 =	vld [tilespmem:s24+$0x10];
	_ =	sdelay $0x3  }
0x39: {  	vm0 =	vgt.f32 v5, v4;
	vm1 =	vgt.f32 v10, v4;
	vm2 =	vgt.f32 v9, v4  }
0x3a: {  	v6 =	vld [tilespmem:s24+$0x30];
	vm3 =	vgt.f32 v13, v4;
	vm4 =	vgt.f32 v14, v4;
	v7 =	vsel vm1, $0x8, v1  }
0x3b: {  	v8 =	vsel vm2, $0x8, v1;
	v11 =	vsel vm0, $0x8, v1;
	v17 =	vsel vm4, $0x8, v1  }
0x3c: {  	v18 =	vsel vm3, $0x8, v1;
	v12 =	vor.u32 $0x3, v7;
	v15 =	vor.u32 $0x3, v8  }
0x3d: {  	v16 =	vor.u32 $0x3, v11;
	v19 =	vor.u32 $0x3, v18;
	v15 =	vperm.xlane v2, v15  }
0x3e: {  	v21 =	vor.u32 $0x3, v17;
	v16 =	vperm.xlane v2, v16;
	v12 =	vperm.xlane v2, v12  }
0x3f: {  	vm5 =	vgt.f32 v6, v4;
	v21 =	vperm.xlane v2, v21;
	v19 =	vperm.xlane v2, v19  }
0x40: {  	vm6 =	vgt.f32 v9, v15;
	v15 =	vsel vm5, $0x8, v1;
	vm7 =	vgt.f32 v10, v12  }
0x41: {  	vm8 =	vgt.f32 v5, v16;
	vm10 =	vgt.f32 v14, v21;
	v12 =	vsel vm6, $0x4, v1  }
0x42: {  	vm5 =	vgt.f32 v13, v19;
	v20 =	vsel vm7, $0x4, v1;
	v12 =	vor.u32 v8, v12  }
0x43: {  	v50 =	vsel vm8, $0x4, v1;
	v20 =	vor.u32 v7, v20;
	v7 =	vor.u32 $0x1, v12  }
0x44: {  	v8 =	vor.u32 $0x3, v15;
	v22 =	vor.u32 $0x1, v20;
	v23 =	vperm.xlane v2, v7  }
0x45: {  	v21 =	vsel vm10, $0x4, v1;
	v24 =	vperm.xlane v2, v8;
	v8 =	vld [tilespmem:s24+$0x50];
	v16 =	vperm.xlane v2, v22  }
0x46: {  	v56 =	vsel vm5, $0x4, v1;
	v53 =	vor.u32 v11, v50;
	v7 =	vld [tilespmem:s24+$0x40];
	vm9 =	vgt.f32 v9, v23  }
0x47: {  	v18 =	vor.u32 v18, v56;
	vm11 =	vgt.f32 v10, v16;
	v16 =	vsel vm9, $0x2, v1  }
0x48: {  	v59 =	vor.u32 $0x1, v18;
	v51 =	vsel vm11, $0x2, v1;
	v12 =	vor.u32 v16, v12  }
0x49: {  	v16 =	vor.u32 v17, v21;
	v17 =	vor.u32 v51, v20;
	v52 =	vperm.xlane v2, v12  }
0x4a: {  	vm13 =	vgt.f32 v6, v24;
	vm4 =	vgt.f32 v8, v4;
	v11 =	vperm.xlane v2, v17  }
0x4b: {  	vm12 =	vgt.f32 v7, v4;
	v57 =	vor.u32 $0x1, v16;
	vm14 =	vgt.f32 v9, v52  }
0x4c: {  	v58 =	vperm.xlane v2, v57;
	vm15 =	vgt.f32 v10, v11;
	v10 =	vsel vm14, $0x1, v1  }
0x4d: {  	v11 =	vsel vm15, $0x1, v1;
	v10 =	vor.u32 v10, v12;
	v12 =	vsel vm4, $0x8, v1  }
0x4e: {  	v11 =	vor.u32 v11, v17;
	v17 =	vsel vm12, $0x8, v1;
	v54 =	vor.u32 $0x3, v12  }
0x4f: {  	v55 =	vperm.xlane v3, v11;
	v11 =	vor.u32 $0x3, v17;
	v19 =	vperm.xlane v2, v54  }
0x50: {  	v24 =	vsel vm13, $0x4, v1;
	v9 =	vor.u32 $0x1, v53;
	v11 =	vperm.xlane v2, v11  }
0x51: {  	v9 =	vperm.xlane v2, v9;
	vm8 =	vgt.f32 v14, v58;
	vm6 =	vgt.f32 v8, v19  }
0x52: {  	v19 =	vperm.xlane v2, v59;
	vm7 =	vgt.f32 v7, v11;
	v11 =	vsel vm6, $0x4, v1  }
0x53: {  	v10 =	vperm.xlane v3, v10;
	v60 =	vsel vm7, $0x4, v1;
	v61 =	vor.u32 v12, v11  }
0x54: {  	vm9 =	vgt.f32 v13, v19;
	v17 =	vor.u32 v17, v60;
	v11 =	vor.u32 $0x1, v61  }
0x55: {  	v19 =	vsel vm8, $0x2, v1;
	v12 =	vsel vm9, $0x2, v1;
	v62 =	vperm.xlane v2, v11  }
0x56: {  	v18 =	vor.u32 v12, v18;
	v12 =	vor.u32 v15, v24;
	v15 =	vor.u32 $0x1, v17  }
0x57: {  	v11 =	vor.u32 v19, v16;
	v63 =	vperm.xlane v2, v18;
	v15 =	vperm.xlane v2, v15  }
0x58: {  	vm10 =	vgt.f32 v5, v9;
	v16 =	vperm.xlane v2, v11;
	v9 =	vor.u32 $0x1, v12  }
0x59: {  	vm11 =	vgt.f32 v8, v62;
	vm12 =	vgt.f32 v13, v63;
	vm13 =	vgt.f32 v7, v15  }
0x5a: {  	vm14 =	vgt.f32 v14, v16;
	v14 =	vsel vm11, $0x2, v1;
	v13 =	vsel vm12, $0x1, v1  }
0x5b: {  	v15 =	vperm.xlane v2, v9;
	v9 =	vsel vm13, $0x2, v1;
	v13 =	vor.u32 v13, v18  }
0x5c: {  	[tilespmem:s24+$0x8070] =	vst v10;
	v10 =	vor.u32 v9, v17;
	v9 =	vor.u32 v14, v61;
	v13 =	vperm.xlane v3, v13  }
0x5d: {  	s22 =	sshll.u32 s21, $0xF;
	[tilespmem:s24+$0x8060] =	vst v55;
	v16 =	vsel vm10, $0x2, v1;
	vm15 =	vgt.f32 v6, v15;
	v15 =	vperm.xlane v2, v9  }
0x5e: {  	s25 =	simm.s32 $0x400;
	s23 =	sor.u32 s5, s22;
	v14 =	vsel vm14, $0x1, v1;
	[tilespmem:s24+$0x8000] =	vst v13;
	v13 =	vor.u32 v16, v53;
	v16 =	vsel vm15, $0x2, v1  }
.LBB2_7:
0x5f: {  	s26 =	sshra.s32 s25, $0x2;
	p1 =	sne.s32 s25, $0x1FC00;
	s25 =	sadd.s32 $0x400, s25;
	v17 =	vperm.xlane v2, v13;
	v12 =	vor.u32 v16, v12;
	vm0 =	vgt.f32 v8, v15  }
0x60: {  	v16 =	vperm.xlane v2, v10;
	v15 =	vld [tilespmem:s26+$0x70];
	v8 =	vperm.xlane v2, v12;
	v18 =	vsel vm0, $0x1, v1  }
0x61: {  	v11 =	vor.u32 v14, v11;
	v19 =	vld [tilespmem:s26+$0x60];
	vm0 =	vgt.f32 v5, v17;
	v9 =	vor.u32 v18, v9  }
0x62: {  	v11 =	vperm.xlane v3, v11;
	vm1 =	vgt.f32 v7, v16;
	v5 =	vld [tilespmem:s26+$0x20];
	v14 =	vperm.xlane v3, v9  }
0x63: {  	v16 =	vsel vm0, $0x1, v1;
	vm0 =	vgt.f32 v6, v8;
	v6 =	vsel vm1, $0x1, v1;
	v9 =	vld [tilespmem:s26+$0x0]  }
0x64: {  	v8 =	vsel vm0, $0x1, v1;
	v6 =	vor.u32 v6, v10;
	v7 =	vld [tilespmem:s26+$0x40];
	[tilespmem:s24+$0x8010] =	vst v11;
	v11 =	vor.u32 v16, v13  }
0x65: {  	v12 =	vor.u32 v8, v12;
	v13 =	vperm.xlane v3, v6;
	v10 =	vld [tilespmem:s26+$0x10];
	[tilespmem:s24+$0x8050] =	vst v14  }
0x66: {  	v11 =	vperm.xlane v3, v11;
	v12 =	vperm.xlane v3, v12;
	v8 =	vld [tilespmem:s26+$0x50]  }
0x67: {  	vm2 =	vgt.f32 v15, v4;
	vm1 =	vgt.f32 v19, v4;
	vm0 =	vgt.f32 v5, v4;
	v6 =	vld [tilespmem:s26+$0x30];
	[tilespmem:s24+$0x8040] =	vst v13  }
0x68: {  	v14 =	vsel vm2, $0x8, v1;
	v13 =	vsel vm1, $0x8, v1;
	vm3 =	vgt.f32 v9, v4;
	[tilespmem:s24+$0x8030] =	vst v12  }
0x69: {  	v17 =	vor.u32 $0x3, v14;
	v12 =	vsel vm0, $0x8, v1;
	v16 =	vor.u32 $0x3, v13;
	[tilespmem:s24+$0x8020] =	vst v11;
	s24 =	smov.u32 s26  }
0x6a: {  	v17 =	vperm.xlane v2, v17;
	v11 =	vor.u32 $0x3, v12;
	vm0 =	vgt.f32 v10, v4  }
0x6b: {  	v16 =	vperm.xlane v2, v16;
	v11 =	vperm.xlane v2, v11;
	v18 =	vsel vm0, $0x8, v1  }
0x6c: {  	v20 =	vsel vm3, $0x8, v1;
	vm1 =	vgt.f32 v15, v17;
	vm0 =	vgt.f32 v6, v4  }
0x6d: {  	v17 =	vsel vm0, $0x8, v1;
	vm0 =	vgt.f32 v19, v16;
	v16 =	vsel vm1, $0x4, v1  }
0x6e: {  	v21 =	vor.u32 $0x3, v20;
	v22 =	vsel vm0, $0x4, v1;
	v14 =	vor.u32 v14, v16  }
0x6f: {  	v16 =	vor.u32 $0x3, v17;
	v13 =	vor.u32 v13, v22;
	v22 =	vor.u32 $0x1, v14  }
0x70: {  	v23 =	vor.u32 $0x3, v18;
	v24 =	vor.u32 $0x1, v13;
	v22 =	vperm.xlane v2, v22  }
0x71: {  	v23 =	vperm.xlane v2, v23;
	vm0 =	vgt.f32 v5, v11;
	v11 =	vperm.xlane v2, v24  }
0x72: {  	v16 =	vperm.xlane v2, v16;
	v24 =	vsel vm0, $0x4, v1;
	vm0 =	vgt.f32 v15, v22  }
0x73: {  	vm1 =	vgt.f32 v10, v23;
	vm2 =	vgt.f32 v19, v11;
	v11 =	vsel vm0, $0x2, v1  }
0x74: {  	v22 =	vsel vm1, $0x4, v1;
	v23 =	vsel vm2, $0x2, v1;
	v11 =	vor.u32 v11, v14  }
0x75: {  	v14 =	vor.u32 v18, v22;
	v13 =	vor.u32 v23, v13;
	v18 =	vperm.xlane v2, v11  }
0x76: {  	vm0 =	vgt.f32 v7, v4;
	v22 =	vor.u32 v12, v24;
	v12 =	vperm.xlane v2, v13  }
0x77: {  	v21 =	vperm.xlane v2, v21;
	vm1 =	vgt.f32 v6, v16;
	vm2 =	vgt.f32 v15, v18  }
0x78: {  	v15 =	vor.u32 $0x1, v22;
	vm3 =	vgt.f32 v19, v12;
	v12 =	vsel vm2, $0x1, v1  }
0x79: {  	vm2 =	vgt.f32 v8, v4;
	v16 =	vsel vm3, $0x1, v1;
	v11 =	vor.u32 v12, v11  }
0x7a: {  	v12 =	vsel vm2, $0x8, v1;
	v13 =	vor.u32 v16, v13;
	v11 =	vperm.xlane v3, v11  }
0x7b: {  	v16 =	vsel vm0, $0x8, v1;
	v18 =	vor.u32 $0x3, v12;
	v13 =	vperm.xlane v3, v13  }
0x7c: {  	vm0 =	vgt.f32 v9, v21;
	v19 =	vor.u32 $0x3, v16;
	v18 =	vperm.xlane v2, v18;
	[tilespmem:s24+$0x8070] =	vst v11  }
0x7d: {  	v23 =	vsel vm1, $0x4, v1;
	v21 =	vor.u32 $0x1, v14;
	v11 =	vsel vm0, $0x4, v1;
	[tilespmem:s24+$0x8060] =	vst v13  }
0x7e: {  	v19 =	vperm.xlane v2, v19;
	v11 =	vor.u32 v20, v11;
	v13 =	vperm.xlane v2, v21  }
0x7f: {  	v15 =	vperm.xlane v2, v15;
	vm0 =	vgt.f32 v8, v18;
	v20 =	vor.u32 $0x1, v11  }
0x80: {  	vm1 =	vgt.f32 v7, v19;
	v19 =	vsel vm0, $0x4, v1;
	v18 =	vperm.xlane v2, v20  }
0x81: {  	vm0 =	vgt.f32 v10, v13;
	v13 =	vsel vm1, $0x4, v1;
	v19 =	vor.u32 v12, v19  }
0x82: {  	v13 =	vor.u32 v16, v13;
	v12 =	vor.u32 $0x1, v19;
	vm1 =	vgt.f32 v9, v18  }
0x83: {  	v18 =	vsel vm0, $0x2, v1;
	v20 =	vperm.xlane v2, v12;
	v16 =	vsel vm1, $0x2, v1  }
0x84: {  	v12 =	vor.u32 v17, v23;
	v17 =	vor.u32 $0x1, v13;
	v16 =	vor.u32 v16, v11  }
0x85: {  	v11 =	vor.u32 v18, v14;
	v14 =	vperm.xlane v2, v17;
	v21 =	vperm.xlane v2, v16  }
0x86: {  	vm0 =	vgt.f32 v5, v15;
	vm1 =	vgt.f32 v8, v20;
	v17 =	vperm.xlane v2, v11  }
0x87: {  	vm3 =	vgt.f32 v7, v14;
	vm2 =	vgt.f32 v9, v21;
	v9 =	vor.u32 $0x1, v12  }
.Ltmp4:
0x88: {  	v15 =	vsel vm1, $0x2, v1;
	v14 =	vsel vm2, $0x1, v1;
	vm2 =	vgt.f32 v10, v17;
	(pc) =	sbr.rel @p1 .LBB2_7-.Ltmp4, $4  }
0x89: {  	v10 =	vor.u32 v14, v16;
	v14 =	vperm.xlane v2, v9;
	v9 =	vsel vm3, $0x2, v1  }
0x8a: {  	v16 =	vperm.xlane v3, v10;
	v10 =	vor.u32 v9, v13;
	v9 =	vor.u32 v15, v19  }
0x8b: {  	v13 =	vsel vm0, $0x2, v1;
	vm0 =	vgt.f32 v6, v14;
	v15 =	vperm.xlane v2, v9  }
0x8c: {  	v14 =	vsel vm2, $0x1, v1;
	v13 =	vor.u32 v13, v22;
	[tilespmem:s24+$0x8000] =	vst v16;
	v16 =	vsel vm0, $0x2, v1  }
0x8d: {  	v17 =	vperm.xlane v2, v13  }
0x8e: {  	v12 =	vor.u32 v16, v12;
	vm0 =	vgt.f32 v8, v15;
	v59 =	vperm.xlane v2, v10  }
0x8f: {  	v11 =	vor.u32 v14, v11;
	v60 =	vperm.xlane v2, v12;
	v61 =	vsel vm0, $0x1, v1  }
0x90: {  	vm14 =	vgt.f32 v5, v17;
	v5 =	vor.u32 v61, v9;
	vm1 =	vgt.f32 v7, v59  }
0x91: {  	v7 =	vperm.xlane v3, v11;
	v8 =	vsel vm1, $0x1, v1;
	vm15 =	vgt.f32 v6, v60  }
0x92: {  	v5 =	vperm.xlane v3, v5;
	v6 =	vsel vm15, $0x1, v1;
	v8 =	vor.u32 v8, v10  }
0x93: {  	v62 =	vsel vm14, $0x1, v1;
	[tilespmem:s24+$0x8010] =	vst v7;
	v6 =	vor.u32 v6, v12;
	v7 =	vperm.xlane v3, v8  }
0x94: {  	v63 =	vor.u32 v62, v13;
	[tilespmem:s24+$0x8050] =	vst v5;
	v5 =	vperm.xlane v3, v6  }
0x95: {  	s23 =	sshrl.u32 s23, $0x3;
	v6 =	vperm.xlane v3, v63;
	[tilespmem:s24+$0x8040] =	vst v7  }
0x96: {  	s26 =	simm.s32 $0x8000;
	s25 =	sadd.s32 s3, s23;
	[tilespmem:s24+$0x8030] =	vst v5  }
0x97: {  	s28 =	simm.s32 $0x8100;
	s29 =	sadd.s32 $0x0, s25;
	[tilespmem:s24+$0x8020] =	vst v6;
	s24 =	simm.s32 $0x10  }
.LBB2_9:
0x98: {  	[hbm4b:s29+s4] =	stream.linear.scatter [tilespmem:s26], [sflag:$0x3], $0x80, $0x38;
	[tilespmem:$0x10100] =	vst v63  }
0x99: {  	s29 =	smov.u32 s24;
	s26 =	smov.u32 s28;
	p1 =	sne.s32 s24, $0x7F0  }
.Ltmp5:
0x9a: {  	s24 =	sadd.s32 $0x10, s24;
	(pc) =	sbr.rel @p1 .LBB2_9-.Ltmp5, $2  }
0x9b: {  	_ =	sdelay $0x2  }
0x9c: {  	s28 =	sadd.s32 $0x100, s28;
	s29 =	sadd.s32 s29, s25  }
0x9d: {  	p1 =	sne.s32 s21, $0x3  }
.Ltmp6:
0x9e: {  	_ = 	snop;
	(pc) =	sbr.rel @p1 .LBB2_12-.Ltmp6, $2  }
0x9f: {  	_ =	sdelay $0x2  }
0xa0: {  	[hbm4b:s29+s4] =	stream.linear.scatter [tilespmem:s26], [sflag:$0x3], $0x80, $0x38;
	[tilespmem:$0x10100] =	vst v63  }
.Ltmp7:
0xa1: {  	(pc) =	sbr.rel .LBB2_15-.Ltmp7, $4  }
0xa2: {  	_ = 	snop  }
0xa3: {  	_ =	swait.ge [sflag:s17], $0x4000  }
0xa4: {  	[sflag:s17] =	ssyncset.done $0x0  }
0xa5: {  	[sflag:s17] =	ssyncadd.s32 $0xFFFFC000  }
.LBB2_12:
0xa6: {  	s24 =	sadd.s32 s22, s10  }
0xa7: {  	s24 =	sshrl.u32 s24, $0x3  }
0xa8: {  	s25 =	simm.s32 $0x0;
	s24 =	sadd.s32 s1, s24  }
0xa9: {  	s26 =	simm.s32 $0x10;
	s28 =	simm.s32 $0x100;
	s29 =	sadd.s32 $0x0, s24  }
.LBB2_13:
0xaa: {  	[tilespmem:s25], [sflag:$0x1] =	stream.linear.gather [hbm4b:s29+s4], $0x80, $0x38;
	[tilespmem:$0x10100] =	vst v63  }
0xab: {  	s29 =	smov.u32 s26;
	s25 =	smov.u32 s28;
	p1 =	sne.s32 s26, $0x7F0  }
.Ltmp8:
0xac: {  	s26 =	sadd.s32 $0x10, s26;
	(pc) =	sbr.rel @p1 .LBB2_13-.Ltmp8, $2  }
0xad: {  	_ =	sdelay $0x2  }
0xae: {  	s28 =	sadd.s32 $0x100, s28;
	s29 =	sadd.s32 s29, s24  }
.Ltmp9:
0xaf: {  	(pc) =	sbr.rel @p0 .LBB2_16-.Ltmp9, $4  }
0xb0: {  	[tilespmem:s25], [sflag:$0x1] =	stream.linear.gather [hbm4b:s29+s4], $0x80, $0x38;
	[tilespmem:$0x10100] =	vst v63  }
0xb1: {  	_ =	swait.ge [sflag:s17], $0x4000  }
0xb2: {  	[sflag:s17] =	ssyncset.done $0x0  }
0xb3: {  	[sflag:s17] =	ssyncadd.s32 $0xFFFFC000  }
.LBB2_15:
0xb4: {  	_ =	swait.ge [sflag:s18], $0x4000  }
0xb5: {  	[sflag:s18] =	ssyncset.done $0x0  }
0xb6: {  	[sflag:s18] =	ssyncadd.s32 $0xFFFFC000  }
.LBB2_16:
0xb7: {  	s24 =	simm.s32 $0x0  }
0xb8: {  	v9 =	vld [tilespmem:s24+$0xF0]  }
0xb9: {  	v10 =	vld [tilespmem:s24+$0xE0]  }
0xba: {  	v5 =	vld [tilespmem:s24+$0xA0]  }
0xbb: {  	v13 =	vld [tilespmem:s24+$0x80]  }
0xbc: {  	v14 =	vld [tilespmem:s24+$0x90];
	_ =	sdelay $0x3  }
0xbd: {  	vm0 =	vgt.f32 v5, v4;
	vm1 =	vgt.f32 v10, v4;
	vm2 =	vgt.f32 v9, v4  }
0xbe: {  	v6 =	vld [tilespmem:s24+$0xB0];
	vm3 =	vgt.f32 v13, v4;
	vm4 =	vgt.f32 v14, v4;
	v7 =	vsel vm1, $0x8, v1  }
0xbf: {  	v8 =	vsel vm2, $0x8, v1;
	v11 =	vsel vm0, $0x8, v1;
	v17 =	vsel vm4, $0x8, v1  }
0xc0: {  	v18 =	vsel vm3, $0x8, v1;
	v12 =	vor.u32 $0x3, v7;
	v15 =	vor.u32 $0x3, v8  }
0xc1: {  	v16 =	vor.u32 $0x3, v11;
	v19 =	vor.u32 $0x3, v18;
	v15 =	vperm.xlane v2, v15  }
0xc2: {  	v21 =	vor.u32 $0x3, v17;
	v16 =	vperm.xlane v2, v16;
	v12 =	vperm.xlane v2, v12  }
0xc3: {  	vm5 =	vgt.f32 v6, v4;
	v21 =	vperm.xlane v2, v21;
	v19 =	vperm.xlane v2, v19  }
0xc4: {  	vm6 =	vgt.f32 v9, v15;
	v15 =	vsel vm5, $0x8, v1;
	vm7 =	vgt.f32 v10, v12  }
0xc5: {  	vm8 =	vgt.f32 v5, v16;
	vm10 =	vgt.f32 v14, v21;
	v12 =	vsel vm6, $0x4, v1  }
0xc6: {  	vm5 =	vgt.f32 v13, v19;
	v20 =	vsel vm7, $0x4, v1;
	v12 =	vor.u32 v8, v12  }
0xc7: {  	v50 =	vsel vm8, $0x4, v1;
	v20 =	vor.u32 v7, v20;
	v7 =	vor.u32 $0x1, v12  }
0xc8: {  	v8 =	vor.u32 $0x3, v15;
	v22 =	vor.u32 $0x1, v20;
	v23 =	vperm.xlane v2, v7  }
0xc9: {  	v21 =	vsel vm10, $0x4, v1;
	v24 =	vperm.xlane v2, v8;
	v8 =	vld [tilespmem:s24+$0xD0];
	v16 =	vperm.xlane v2, v22  }
0xca: {  	v56 =	vsel vm5, $0x4, v1;
	v53 =	vor.u32 v11, v50;
	v7 =	vld [tilespmem:s24+$0xC0];
	vm9 =	vgt.f32 v9, v23  }
0xcb: {  	v18 =	vor.u32 v18, v56;
	vm11 =	vgt.f32 v10, v16;
	v16 =	vsel vm9, $0x2, v1  }
0xcc: {  	v59 =	vor.u32 $0x1, v18;
	v51 =	vsel vm11, $0x2, v1;
	v12 =	vor.u32 v16, v12  }
0xcd: {  	v16 =	vor.u32 v17, v21;
	v17 =	vor.u32 v51, v20;
	v52 =	vperm.xlane v2, v12  }
0xce: {  	vm13 =	vgt.f32 v6, v24;
	vm4 =	vgt.f32 v8, v4;
	v11 =	vperm.xlane v2, v17  }
0xcf: {  	vm12 =	vgt.f32 v7, v4;
	v57 =	vor.u32 $0x1, v16;
	vm14 =	vgt.f32 v9, v52  }
0xd0: {  	v58 =	vperm.xlane v2, v57;
	vm15 =	vgt.f32 v10, v11;
	v10 =	vsel vm14, $0x1, v1  }
0xd1: {  	v11 =	vsel vm15, $0x1, v1;
	v10 =	vor.u32 v10, v12;
	v12 =	vsel vm4, $0x8, v1  }
0xd2: {  	v11 =	vor.u32 v11, v17;
	v17 =	vsel vm12, $0x8, v1;
	v54 =	vor.u32 $0x3, v12  }
0xd3: {  	v55 =	vperm.xlane v3, v11;
	v11 =	vor.u32 $0x3, v17;
	v19 =	vperm.xlane v2, v54  }
0xd4: {  	v24 =	vsel vm13, $0x4, v1;
	v9 =	vor.u32 $0x1, v53;
	v11 =	vperm.xlane v2, v11  }
0xd5: {  	v9 =	vperm.xlane v2, v9;
	vm8 =	vgt.f32 v14, v58;
	vm6 =	vgt.f32 v8, v19  }
0xd6: {  	v19 =	vperm.xlane v2, v59;
	vm7 =	vgt.f32 v7, v11;
	v11 =	vsel vm6, $0x4, v1  }
0xd7: {  	v10 =	vperm.xlane v3, v10;
	v60 =	vsel vm7, $0x4, v1;
	v61 =	vor.u32 v12, v11  }
0xd8: {  	vm9 =	vgt.f32 v13, v19;
	v17 =	vor.u32 v17, v60;
	v11 =	vor.u32 $0x1, v61  }
0xd9: {  	v19 =	vsel vm8, $0x2, v1;
	v12 =	vsel vm9, $0x2, v1;
	v62 =	vperm.xlane v2, v11  }
0xda: {  	v18 =	vor.u32 v12, v18;
	v12 =	vor.u32 v15, v24;
	v15 =	vor.u32 $0x1, v17  }
0xdb: {  	v11 =	vor.u32 v19, v16;
	v63 =	vperm.xlane v2, v18;
	v15 =	vperm.xlane v2, v15  }
0xdc: {  	vm10 =	vgt.f32 v5, v9;
	v16 =	vperm.xlane v2, v11;
	v9 =	vor.u32 $0x1, v12  }
0xdd: {  	vm11 =	vgt.f32 v8, v62;
	vm12 =	vgt.f32 v13, v63;
	vm13 =	vgt.f32 v7, v15  }
0xde: {  	vm14 =	vgt.f32 v14, v16;
	v14 =	vsel vm11, $0x2, v1;
	v13 =	vsel vm12, $0x1, v1  }
0xdf: {  	v15 =	vperm.xlane v2, v9;
	v9 =	vsel vm13, $0x2, v1;
	v13 =	vor.u32 v13, v18  }
0xe0: {  	[tilespmem:s24+$0x80F0] =	vst v10;
	v10 =	vor.u32 v9, v17;
	v9 =	vor.u32 v14, v61;
	v13 =	vperm.xlane v3, v13  }
0xe1: {  	[tilespmem:s24+$0x80E0] =	vst v55;
	v16 =	vsel vm10, $0x2, v1;
	vm15 =	vgt.f32 v6, v15;
	v15 =	vperm.xlane v2, v9  }
0xe2: {  	s25 =	simm.s32 $0x400;
	v14 =	vsel vm14, $0x1, v1;
	[tilespmem:s24+$0x8080] =	vst v13;
	v13 =	vor.u32 v16, v53;
	v16 =	vsel vm15, $0x2, v1  }
.LBB2_17:
0xe3: {  	s26 =	sshra.s32 s25, $0x2;
	p0 =	sne.s32 s25, $0x1FC00;
	s25 =	sadd.s32 $0x400, s25;
	v17 =	vperm.xlane v2, v13;
	v12 =	vor.u32 v16, v12;
	vm0 =	vgt.f32 v8, v15  }
0xe4: {  	v16 =	vperm.xlane v2, v10;
	v15 =	vld [tilespmem:s26+$0xF0];
	v8 =	vperm.xlane v2, v12;
	v18 =	vsel vm0, $0x1, v1  }
0xe5: {  	v11 =	vor.u32 v14, v11;
	v19 =	vld [tilespmem:s26+$0xE0];
	vm0 =	vgt.f32 v5, v17;
	v9 =	vor.u32 v18, v9  }
0xe6: {  	v11 =	vperm.xlane v3, v11;
	vm1 =	vgt.f32 v7, v16;
	v5 =	vld [tilespmem:s26+$0xA0];
	v14 =	vperm.xlane v3, v9  }
0xe7: {  	v16 =	vsel vm0, $0x1, v1;
	vm0 =	vgt.f32 v6, v8;
	v6 =	vsel vm1, $0x1, v1;
	v9 =	vld [tilespmem:s26+$0x80]  }
0xe8: {  	v8 =	vsel vm0, $0x1, v1;
	v6 =	vor.u32 v6, v10;
	v7 =	vld [tilespmem:s26+$0xC0];
	[tilespmem:s24+$0x8090] =	vst v11;
	v11 =	vor.u32 v16, v13  }
0xe9: {  	v12 =	vor.u32 v8, v12;
	v13 =	vperm.xlane v3, v6;
	v10 =	vld [tilespmem:s26+$0x90];
	[tilespmem:s24+$0x80D0] =	vst v14  }
0xea: {  	v11 =	vperm.xlane v3, v11;
	v12 =	vperm.xlane v3, v12;
	v8 =	vld [tilespmem:s26+$0xD0]  }
0xeb: {  	vm2 =	vgt.f32 v15, v4;
	vm1 =	vgt.f32 v19, v4;
	vm0 =	vgt.f32 v5, v4;
	v6 =	vld [tilespmem:s26+$0xB0];
	[tilespmem:s24+$0x80C0] =	vst v13  }
0xec: {  	v14 =	vsel vm2, $0x8, v1;
	v13 =	vsel vm1, $0x8, v1;
	vm3 =	vgt.f32 v9, v4;
	[tilespmem:s24+$0x80B0] =	vst v12  }
0xed: {  	v17 =	vor.u32 $0x3, v14;
	v12 =	vsel vm0, $0x8, v1;
	v16 =	vor.u32 $0x3, v13;
	[tilespmem:s24+$0x80A0] =	vst v11;
	s24 =	smov.u32 s26  }
0xee: {  	v17 =	vperm.xlane v2, v17;
	v11 =	vor.u32 $0x3, v12;
	vm0 =	vgt.f32 v10, v4  }
0xef: {  	v16 =	vperm.xlane v2, v16;
	v11 =	vperm.xlane v2, v11;
	v18 =	vsel vm0, $0x8, v1  }
0xf0: {  	v20 =	vsel vm3, $0x8, v1;
	vm1 =	vgt.f32 v15, v17;
	vm0 =	vgt.f32 v6, v4  }
0xf1: {  	v17 =	vsel vm0, $0x8, v1;
	vm0 =	vgt.f32 v19, v16;
	v16 =	vsel vm1, $0x4, v1  }
0xf2: {  	v21 =	vor.u32 $0x3, v20;
	v22 =	vsel vm0, $0x4, v1;
	v14 =	vor.u32 v14, v16  }
0xf3: {  	v16 =	vor.u32 $0x3, v17;
	v13 =	vor.u32 v13, v22;
	v22 =	vor.u32 $0x1, v14  }
0xf4: {  	v23 =	vor.u32 $0x3, v18;
	v24 =	vor.u32 $0x1, v13;
	v22 =	vperm.xlane v2, v22  }
0xf5: {  	v23 =	vperm.xlane v2, v23;
	vm0 =	vgt.f32 v5, v11;
	v11 =	vperm.xlane v2, v24  }
0xf6: {  	v16 =	vperm.xlane v2, v16;
	v24 =	vsel vm0, $0x4, v1;
	vm0 =	vgt.f32 v15, v22  }
0xf7: {  	vm1 =	vgt.f32 v10, v23;
	vm2 =	vgt.f32 v19, v11;
	v11 =	vsel vm0, $0x2, v1  }
0xf8: {  	v22 =	vsel vm1, $0x4, v1;
	v23 =	vsel vm2, $0x2, v1;
	v11 =	vor.u32 v11, v14  }
0xf9: {  	v14 =	vor.u32 v18, v22;
	v13 =	vor.u32 v23, v13;
	v18 =	vperm.xlane v2, v11  }
0xfa: {  	vm0 =	vgt.f32 v7, v4;
	v22 =	vor.u32 v12, v24;
	v12 =	vperm.xlane v2, v13  }
0xfb: {  	v21 =	vperm.xlane v2, v21;
	vm1 =	vgt.f32 v6, v16;
	vm2 =	vgt.f32 v15, v18  }
0xfc: {  	v15 =	vor.u32 $0x1, v22;
	vm3 =	vgt.f32 v19, v12;
	v12 =	vsel vm2, $0x1, v1  }
0xfd: {  	vm2 =	vgt.f32 v8, v4;
	v16 =	vsel vm3, $0x1, v1;
	v11 =	vor.u32 v12, v11  }
0xfe: {  	v12 =	vsel vm2, $0x8, v1;
	v13 =	vor.u32 v16, v13;
	v11 =	vperm.xlane v3, v11  }
0xff: {  	v16 =	vsel vm0, $0x8, v1;
	v18 =	vor.u32 $0x3, v12;
	v13 =	vperm.xlane v3, v13  }
0x100: {  	vm0 =	vgt.f32 v9, v21;
	v19 =	vor.u32 $0x3, v16;
	v18 =	vperm.xlane v2, v18;
	[tilespmem:s24+$0x80F0] =	vst v11  }
0x101: {  	v23 =	vsel vm1, $0x4, v1;
	v21 =	vor.u32 $0x1, v14;
	v11 =	vsel vm0, $0x4, v1;
	[tilespmem:s24+$0x80E0] =	vst v13  }
0x102: {  	v19 =	vperm.xlane v2, v19;
	v11 =	vor.u32 v20, v11;
	v13 =	vperm.xlane v2, v21  }
0x103: {  	v15 =	vperm.xlane v2, v15;
	vm0 =	vgt.f32 v8, v18;
	v20 =	vor.u32 $0x1, v11  }
0x104: {  	vm1 =	vgt.f32 v7, v19;
	v19 =	vsel vm0, $0x4, v1;
	v18 =	vperm.xlane v2, v20  }
0x105: {  	vm0 =	vgt.f32 v10, v13;
	v13 =	vsel vm1, $0x4, v1;
	v19 =	vor.u32 v12, v19  }
0x106: {  	v13 =	vor.u32 v16, v13;
	v12 =	vor.u32 $0x1, v19;
	vm1 =	vgt.f32 v9, v18  }
0x107: {  	v18 =	vsel vm0, $0x2, v1;
	v20 =	vperm.xlane v2, v12;
	v16 =	vsel vm1, $0x2, v1  }
0x108: {  	v12 =	vor.u32 v17, v23;
	v17 =	vor.u32 $0x1, v13;
	v16 =	vor.u32 v16, v11  }
0x109: {  	v11 =	vor.u32 v18, v14;
	v14 =	vperm.xlane v2, v17;
	v21 =	vperm.xlane v2, v16  }
0x10a: {  	vm0 =	vgt.f32 v5, v15;
	vm1 =	vgt.f32 v8, v20;
	v17 =	vperm.xlane v2, v11  }
0x10b: {  	vm3 =	vgt.f32 v7, v14;
	vm2 =	vgt.f32 v9, v21;
	v9 =	vor.u32 $0x1, v12  }
.Ltmp10:
0x10c: {  	v15 =	vsel vm1, $0x2, v1;
	v14 =	vsel vm2, $0x1, v1;
	vm2 =	vgt.f32 v10, v17;
	(pc) =	sbr.rel @p0 .LBB2_17-.Ltmp10, $4  }
0x10d: {  	v10 =	vor.u32 v14, v16;
	v14 =	vperm.xlane v2, v9;
	v9 =	vsel vm3, $0x2, v1  }
0x10e: {  	v16 =	vperm.xlane v3, v10;
	v10 =	vor.u32 v9, v13;
	v9 =	vor.u32 v15, v19  }
0x10f: {  	v13 =	vsel vm0, $0x2, v1;
	vm0 =	vgt.f32 v6, v14;
	v15 =	vperm.xlane v2, v9  }
0x110: {  	v14 =	vsel vm2, $0x1, v1;
	v13 =	vor.u32 v13, v22;
	[tilespmem:s24+$0x8080] =	vst v16;
	v16 =	vsel vm0, $0x2, v1  }
0x111: {  	v17 =	vperm.xlane v2, v13  }
0x112: {  	v12 =	vor.u32 v16, v12;
	vm0 =	vgt.f32 v8, v15;
	v59 =	vperm.xlane v2, v10  }
0x113: {  	v11 =	vor.u32 v14, v11;
	v60 =	vperm.xlane v2, v12;
	v61 =	vsel vm0, $0x1, v1  }
0x114: {  	vm14 =	vgt.f32 v5, v17;
	v5 =	vor.u32 v61, v9;
	vm1 =	vgt.f32 v7, v59  }
0x115: {  	v7 =	vperm.xlane v3, v11;
	v8 =	vsel vm1, $0x1, v1;
	vm15 =	vgt.f32 v6, v60  }
0x116: {  	v5 =	vperm.xlane v3, v5;
	v6 =	vsel vm15, $0x1, v1;
	v8 =	vor.u32 v8, v10  }
0x117: {  	v62 =	vsel vm14, $0x1, v1;
	[tilespmem:s24+$0x8090] =	vst v7;
	v6 =	vor.u32 v6, v12;
	v7 =	vperm.xlane v3, v8  }
0x118: {  	v63 =	vor.u32 v62, v13;
	[tilespmem:s24+$0x80D0] =	vst v5;
	v5 =	vperm.xlane v3, v6  }
0x119: {  	s23 =	sadd.s32 s23, s3;
	v6 =	vperm.xlane v3, v63;
	[tilespmem:s24+$0x80C0] =	vst v7  }
0x11a: {  	s25 =	simm.s32 $0x8080;
	s23 =	sadd.s32 $0x800, s23;
	[tilespmem:s24+$0x80B0] =	vst v5  }
0x11b: {  	s26 =	simm.s32 $0x8180;
	s28 =	sadd.s32 $0x0, s23;
	[tilespmem:s24+$0x80A0] =	vst v6;
	s24 =	simm.s32 $0x10  }
.LBB2_19:
0x11c: {  	[hbm4b:s28+s4] =	stream.linear.scatter [tilespmem:s25], [sflag:$0x4], $0x80, $0x38;
	[tilespmem:$0x10100] =	vst v63  }
0x11d: {  	s28 =	smov.u32 s24;
	s25 =	smov.u32 s26;
	p0 =	sne.s32 s24, $0x7F0  }
.Ltmp11:
0x11e: {  	s24 =	sadd.s32 $0x10, s24;
	(pc) =	sbr.rel @p0 .LBB2_19-.Ltmp11, $2  }
0x11f: {  	_ =	sdelay $0x2  }
0x120: {  	s26 =	sadd.s32 $0x100, s26;
	s28 =	sadd.s32 s28, s23  }
0x121: {  	p0 =	seq.s32 s21, $0x3  }
.Ltmp12:
0x122: {  	_ = 	snop;
	(pc) =	sbr.rel @p0 .LBB2_24-.Ltmp12, $2  }
0x123: {  	_ =	sdelay $0x2  }
0x124: {  	[hbm4b:s28+s4] =	stream.linear.scatter [tilespmem:s25], [sflag:$0x4], $0x80, $0x38;
	[tilespmem:$0x10100] =	vst v63  }
0x125: {  	s22 =	sadd.s32 s22, s11  }
0x126: {  	s22 =	sshrl.u32 s22, $0x3  }
0x127: {  	s23 =	simm.s32 $0x80;
	s22 =	sadd.s32 s1, s22  }
0x128: {  	s24 =	simm.s32 $0x10;
	s25 =	simm.s32 $0x180;
	s26 =	sadd.s32 $0x0, s22  }
.LBB2_22:
0x129: {  	[tilespmem:s23], [sflag:$0x2] =	stream.linear.gather [hbm4b:s26+s4], $0x80, $0x38;
	[tilespmem:$0x10100] =	vst v63  }
0x12a: {  	s26 =	smov.u32 s24;
	s23 =	smov.u32 s25;
	p0 =	sne.s32 s24, $0x7F0  }
.Ltmp13:
0x12b: {  	s24 =	sadd.s32 $0x10, s24;
	(pc) =	sbr.rel @p0 .LBB2_22-.Ltmp13, $2  }
0x12c: {  	_ =	sdelay $0x2  }
0x12d: {  	s25 =	sadd.s32 $0x100, s25;
	s26 =	sadd.s32 s26, s22  }
.Ltmp14:
0x12e: {  	(pc) =	sbr.rel .LBB2_6-.Ltmp14, $3  }
0x12f: {  	_ =	sdelay $0x1  }
0x130: {  	[tilespmem:s23], [sflag:$0x2] =	stream.linear.gather [hbm4b:s26+s4], $0x80, $0x38;
	[tilespmem:$0x10100] =	vst v63  }
0x131: {  	s21 =	sadd.s32 $0x1, s21  }
.LBB2_25:
0x132: {  	_ =	sfence.sel $0x180000  }
0x133: {  	[bflag:$0x0] =	sbarrier.arrive $0xFFFF  }
0x134: {  	p0 =	sne.s32 s2, $0x0;
	_ =	strace $0x90000047  }
0x135: {  	s0 =	sadd.s32 @!p0 $0x100000, s0;
	[bflag:$0x2] =	sbarrier.arrive $0xFFFF  }
0x136: {  	[sflag:s0] =	ssyncadd.tile.s32 @!p0 $0x1;
	_ =	shalt  }
.Lfunc_end2:
_tile_overlayer_lowered:
.L_overlay_start_2:
0x137: {  	(tag) =	ssettag $0x2  }
0x138: {  	s0 =	rddreg [dreg:$0x0];
	s2 =	stileid.u32  }
0x139: {  	s1 =	rddreg [dreg:$0x1];
	p0 =	sne.s32 s2, $0x0  }
0x13a: {  	s3 =	rddreg [dreg:$0x2];
	[bflag:$0x3] =	sbarrier.arrive $0xFFFF;
	s2 =	simm.s32 @!p0 $0x1C05  }
0x13b: {  	[timem:s3], [sflag:s2] =	dma.local @!p0 [hbm:s0], s1  }
0x13c: {  	s0 =	simm.s32 @!p0 $0x5  }
0x13d: {  	_ =	swait.ge @!p0 [sflag:s0], s1  }
0x13e: {  	s1 =	ssub.s32 @!p0 $0x0, s1;
	[sflag:s0] =	ssyncset.done @!p0 $0x0  }
0x13f: {  	[sflag:s0] =	ssyncadd.s32 @!p0 s1  }
0x140: {  	[bflag:$0x3] =	sbarrier.arrive $0xFFFF  }
0x141: {  	_ =	shalt  }

// kernel: kernel.3.cloned.1.call-start
scs
__scs_entry_jumppad:
0x0: {  	(pc) =	sbr.rel $0x88, $3  }
0x1: {  	(tag) =	ssettag $0x0;
	lr =	simm.s32 $0x1  }
0x2: {  	[smem:$0x3FA0] =	sst lr;
	_ =	strace $0xD0000000  }
0x3: {  	_ = 	snop  }
0x4: {  	_ = 	snop  }
0x5: {  	_ = 	snop  }
0x6: {  	_ = 	snop  }
0x7: {  	_ = 	snop  }
__scs_overlays_trampoline_lowered:
0x8: {  	[smem:$0x3FAF] =	sst s0  }
0x9: {  	[smem:$0x3FB0] =	sst s1  }
0xa: {  	[smem:$0x3FB1] =	sst s2  }
0xb: {  	[smem:$0x3FB2] =	sst s3  }
0xc: {  	[smem:$0x3FB3] =	sst s4  }
0xd: {  	[smem:$0x3FB4] =	sst s5  }
0xe: {  	[smem:$0x3FB5] =	sst s6  }
0xf: {  	[smem:$0x3FB6] =	sst s7  }
0x10: {  	[smem:$0x3FB7] =	sst s8  }
0x11: {  	[smem:$0x3FB8] =	sst s9;
	s0 =	simm.s32 @!p0 $0x0  }
0x12: {  	s1 =	sld [smem:$0x3F9E];
	s0 =	simm.s32 @p0 $0x1  }
0x13: {  	[smem:$0x3FB9] =	sst s0;
	s0 =	simm.s32 @!p1 $0x0  }
0x14: {  	s2 =	sld [smem:$0x3F9D];
	s0 =	simm.s32 @p1 $0x1  }
0x15: {  	[smem:$0x3FBA] =	sst s0;
	s0 =	simm.s32 @!p2 $0x0  }
0x16: {  	s3 =	sld [smem:$0x3FDB];
	s0 =	simm.s32 @p2 $0x1  }
0x17: {  	s4 =	simm.s32 $0x1BF5;
	[smem:$0x3FBC] =	sst s0  }
0x18: {  	s0 =	sld [smem:$0x3F9F];
	_ =	swait.ge [sflag:s4], $0x0  }
0x19: {  	s7 =	sld [smem:$0x3FA0]  }
0x1a: {  	s8 =	sadd.s32 $0xFFFFE003, lr  }
0x1b: {  	s9 =	sadd.s32 $0xFFFFFEF7, lr;
	s5 =	simm.s32 $0xFFFFFFFF;
	p2 =	slt.u32 s8, $0xFFFFF086  }
0x1c: {  	p1 =	slt.u32 s9, $0xF7A;
	s5 =	simm.s32 @!p2 $0x0  }
0x1d: {  	s5 =	simm.s32 @p1 $0x1;
	p0 =	seq.s32 s7, s2  }
0x1e: {  	s7 =	smul.u32 @!p0 $0xF7A, s2;
	p2 =	seq.s32 @!p0 s5, $0x0  }
0x1f: {  	s9 =	smul.u32 $0xF7A, s1;
	s8 =	simm.s32 @!p0 $0x1BF5;
	p2 =	por !p2, p0  }
0x20: {  	[sflag:s8] =	ssyncset.s32 @!p0 $0xFFFFF086;
	s6 =	sadd.s32 @!p0 s3, s7;
	s7 =	simm.s32 @!p0 $0x108  }
0x21: {  	s3 =	sadd.s32 s3, s9;
	s6 =	sadd.s32 @!p0 $0x88, s6;
	s7 =	simm.s32 @p2 $0x1082  }
0x22: {  	[simem:s7], [sflag:s8] =	dma.local @!p0 [hbm:s6], $0xF7A  }
0x23: {  	s9 =	sor.u32 $0xD0000000, s2;
	s6 =	simm.s32 $0x108;
	_ =	swait.ge @!p0 [sflag:s8], $0x0  }
0x24: {  	s3 =	sadd.s32 $0x88, s3;
	s6 =	simm.s32 @!p1 $0x1082;
	[sflag:s4] =	ssyncset.s32 $0xFFFFF086  }
0x25: {  	[simem:s6], [sflag:s4] =	dma.local [hbm:s3], $0xF7A  }
0x26: {  	[smem:$0x3FA0] =	sst s1;
	(tag) =	ssettag s2;
	_ =	strace s9  }
0x27: {  	s1 =	sld [smem:$0x3FB0]  }
0x28: {  	s2 =	sld [smem:$0x3FB1]  }
0x29: {  	s4 =	sld [smem:$0x3FB3]  }
0x2a: {  	p0 =	seq.s32 s5, $0x0;
	s5 =	sld [smem:$0x3FB4]  }
0x2b: {  	s6 =	sld [smem:$0x3FB5]  }
0x2c: {  	s7 =	sld [smem:$0x3FB6]  }
0x2d: {  	s3 =	simm.s32 $0x108;
	s8 =	sld [smem:$0x3FB7]  }
0x2e: {  	s3 =	simm.s32 @!p0 $0x1082;
	s9 =	sld [smem:$0x3FB8]  }
0x2f: {  	lr =	sadd.s32 s0, s3;
	s0 =	sld [smem:$0x3FAF]  }
0x30: {  	s3 =	sld [smem:$0x3FB2]  }
0x31: {  	[smem:$0x3FBB] =	sst s10  }
0x32: {  	s10 =	sld [smem:$0x3FB9];
	_ =	sdelay $0x3  }
0x33: {  	p0 =	seq.s32 s10, $0x1;
	s10 =	sld [smem:$0x3FBB];
	_ =	sdelay $0x3  }
0x34: {  	[smem:$0x3FBB] =	sst s10  }
0x35: {  	s10 =	sld [smem:$0x3FBA];
	_ =	sdelay $0x3  }
0x36: {  	p1 =	seq.s32 s10, $0x1;
	s10 =	sld [smem:$0x3FBB];
	_ =	sdelay $0x3  }
0x37: {  	[smem:$0x3FBB] =	sst s10  }
0x38: {  	s10 =	sld [smem:$0x3FBC]  }
0x39: {  	_ = 	snop;
	(pc) =	sbr.ind lr, $3  }
0x3a: {  	_ = 	snop  }
0x3b: {  	_ = 	snop  }
0x3c: {  	p2 =	seq.s32 s10, $0x1;
	s10 =	sld [smem:$0x3FBB]  }
0x3d: {  	_ =	shalt  }
0x3e: {  	_ =	shalt  }
0x3f: {  	_ =	shalt  }
0x40: {  	_ =	shalt  }
0x41: {  	_ =	shalt  }
0x42: {  	_ =	shalt  }
0x43: {  	_ =	shalt  }
0x44: {  	_ =	shalt  }
0x45: {  	_ =	shalt  }
0x46: {  	_ =	shalt  }
0x47: {  	_ =	shalt  }
0x48: {  	_ =	shalt  }
0x49: {  	_ =	shalt  }
0x4a: {  	_ =	shalt  }
0x4b: {  	_ =	shalt  }
0x4c: {  	_ =	shalt  }
0x4d: {  	_ =	shalt  }
0x4e: {  	_ =	shalt  }
0x4f: {  	_ =	shalt  }
0x50: {  	_ =	shalt  }
0x51: {  	_ =	shalt  }
0x52: {  	_ =	shalt  }
0x53: {  	_ =	shalt  }
0x54: {  	_ =	shalt  }
0x55: {  	_ =	shalt  }
0x56: {  	_ =	shalt  }
0x57: {  	_ =	shalt  }
0x58: {  	_ =	shalt  }
0x59: {  	_ =	shalt  }
0x5a: {  	_ =	shalt  }
0x5b: {  	_ =	shalt  }
0x5c: {  	_ =	shalt  }
0x5d: {  	_ =	shalt  }
0x5e: {  	_ =	shalt  }
0x5f: {  	_ =	shalt  }
0x60: {  	_ =	shalt  }
0x61: {  	_ =	shalt  }
0x62: {  	_ =	shalt  }
0x63: {  	_ =	shalt  }
0x64: {  	_ =	shalt  }
0x65: {  	_ =	shalt  }
0x66: {  	_ =	shalt  }
0x67: {  	_ =	shalt  }
0x68: {  	_ =	shalt  }
0x69: {  	_ =	shalt  }
0x6a: {  	_ =	shalt  }
0x6b: {  	_ =	shalt  }
0x6c: {  	_ =	shalt  }
0x6d: {  	_ =	shalt  }
0x6e: {  	_ =	shalt  }
0x6f: {  	_ =	shalt  }
0x70: {  	_ =	shalt  }
0x71: {  	_ =	shalt  }
0x72: {  	_ =	shalt  }
0x73: {  	_ =	shalt  }
0x74: {  	_ =	shalt  }
0x75: {  	_ =	shalt  }
0x76: {  	_ =	shalt  }
0x77: {  	_ =	shalt  }
0x78: {  	_ =	shalt  }
0x79: {  	_ =	shalt  }
0x7a: {  	_ =	shalt  }
0x7b: {  	_ =	shalt  }
0x7c: {  	_ =	shalt  }
0x7d: {  	_ =	shalt  }
0x7e: {  	_ =	shalt  }
0x7f: {  	_ =	shalt  }
0x80: {  	_ =	shalt  }
0x81: {  	_ =	shalt  }
0x82: {  	_ =	shalt  }
0x83: {  	_ =	shalt  }
0x84: {  	_ =	shalt  }
0x85: {  	_ =	shalt  }
0x86: {  	_ =	shalt  }
0x87: {  	_ =	shalt  }
.Lfunc_end0:
.L_simem_size_0:
called_computation.1_lowered:
.L_overlay_start_0:
0x88: {  	s2 =	sld [smem:$0x3FD9]  }
0x89: {  	s3 =	sld [smem:$0x3FFE];
	_ =	sdelay $0x1  }
0x8a: {  	s1 =	srdreg.scid  }
0x8b: {  	s0 =	sand.u32 $0x1, s1  }
0x8c: {  	s17 =	sshll.u32 s0, $0xA;
	s2 =	sadd.s32 s3, s2  }
0x8d: {  	s2 =	sadd.s32 s2, s17  }
0x8e: {  	[smem:$0x3FC7] =	sst s2  }
0x8f: {  	_ = 	snop  }
0x90: {  	s2 =	sld [smem:$0x3FC9]  }
0x91: {  	s18 =	sld [smem:$0x3FD0];
	(tm) =	ssettm $0x1  }
0x92: {  	s4 =	sld [smem:$0x3FFB];
	_ =	sdelay $0x3  }
0x93: {  	_ =	strace s4  }
0x94: {  	s4 =	sld [smem:$0x3FFC];
	_ =	sdelay $0x3  }
0x95: {  	_ =	strace s4  }
0x96: {  	s4 =	sld [smem:$0x3FFD];
	_ =	sdelay $0x3  }
0x97: {  	_ =	strace s4  }
0x98: {  	_ =	strace $0x8FFFFFFF  }
0x99: {  	s19 =	sld [smem:$0x3FDB];
	_ =	sdelay $0x1  }
0x9a: {  	s5 =	simm.s32 $_scs_section_size  }
0x9b: {  	s6 =	simm.s32 $_size__tile_overlayer_lowered;
	s7 =	simm.s32 $_tile_overlayer_lowered  }
0x9c: {  	s22 =	simm.s32 $0x1BFF;
	s21 =	sshll.u32 s7, $0x1;
	s4 =	sadd.s32 s5, s19  }
0x9d: {  	s8 =	simm.s32 $0x0;
	s20 =	sshll.u32 s6, $0x1;
	s6 =	sadd.s32 s21, s4  }
0x9e: {  	[timem:s8], [sflag:s22] =	dma.local [hbm:s6], s20  }
0x9f: {  	_ =	swait.ge [sflag:s22], s20  }
0xa0: {  	s5 =	ssub.s32 $0x0, s20;
	[sflag:s22] =	ssyncset.done $0x0  }
0xa1: {  	[sflag:s22] =	ssyncadd.s32 s5;
	_ =	sdelay $0x1  }
0xa2: {  	s23 =	simm.s32 $0x1B8B  }
0xa3: {  	_ =	swait.ge [sflag:s23], $0x1  }
0xa4: {  	[sflag:s23] =	ssyncset.done $0x0  }
0xa5: {  	s25 =	simm.s32 $0x1B8E;
	s24 =	sld [smem:$0x3FFE];
	[sflag:s23] =	ssyncadd.s32 $0xFFFFFFFF  }
0xa6: {  	s26 =	simm.s32 $execute0_lowered;
	[smem:$0x3FD2] =	sst s25  }
0xa7: {  	s6 =	sshll.u32 s26, $0x1;
	_ =	strace $0x80000049;
	[dreg:$0x1] =	wrdreg $0xFFFFFFFF  }
0xa8: {  	s28 =	simm.s32 $_size_execute0_lowered;
	s4 =	sadd.s32 s4, s6;
	[dreg:$0x0] =	wrdreg $0x0  }
0xa9: {  	s6 =	sshll.u32 s28, $0x1;
	[dreg:$0x2] =	wrdreg s4  }
0xaa: {  	[dreg:$0x3] =	wrdreg s6  }
0xab: {  	[dreg:$0x4] =	wrdreg $0xC0  }
0xac: {  	_ =	task [dreg:s8], $0x5FFFF  }
0xad: {  	[dreg:$0x1] =	wrdreg $0xFFFFFFFF  }
0xae: {  	[dreg:$0x0] =	wrdreg $0x60  }
0xaf: {  	[dreg:$0x2] =	wrdreg s2  }
0xb0: {  	[dreg:$0x3] =	wrdreg s24  }
0xb1: {  	[dreg:$0x4] =	wrdreg s18  }
0xb2: {  	[dreg:$0x5] =	wrdreg $0x9  }
0xb3: {  	_ =	task.clear_ibuf [dreg:s8], $0x6FFFF;
	_ =	strace $0x90000049  }
0xb4: {  	s29 =	simm.s32 $0x9;
	_ =	strace $0x8000004B  }
0xb5: {  	_ =	swait.ge [sflag:s29], $0x1  }
0xb6: {  	[sflag:s29] =	ssyncadd.s32 $0xFFFFFFFF  }
0xb7: {  	_ =	strace $0x9000004B  }
0xb8: {  	_ =	sfence  }
0xb9: {  	s30 =	sld [smem:$0x0];
	_ =	sdelay $0x2  }
0xba: {  	s31 =	sshll.u32 s1, $0xD;
	s1 =	sshrl.u32 s1, $0x2  }
0xbb: {  	s3 =	sand.u32 $0x4000, s31;
	s1 =	sadd.s32 s1, s30  }
0xbc: {  	s0 =	sor.u32 s3, s0;
	s1 =	sshll.u32 s1, $0x11  }
0xbd: {  	s0 =	sor.u32 s1, s0  }
0xbe: {  	s0 =	sadd.s32 $0x8F2B, s0  }
0xbf: {  	[sflag:s0] =	ssyncadd.remote.s32 $0x1  }
0xc0: {  	_ =	sfence.sel $0xFFFF  }
0xc1: {  	[dreg:$0x0] =	wrdreg $0xFFFFFFFF;
	(pc) =	sbr.abs _section_cstart, $3  }
0xc2: {  	[dreg:$0x1] =	wrdreg $0xFFFFFFFF  }
0xc3: {  	_ =	task.clear_ibuf [dreg:s8], $0x2FFFF;
	_ =	strace $0x9FFFFFFF  }
0xc4: {  	(tm) =	ssettm $0x7FFFFFFF  }
0xc5: {  	_ =	shalt  }
tec
execute0_lowered:
.L_overlay_start_1:
0x0: {  	(tag) =	ssettag $0x1  }
0x1: {  	v0 =	vlaneseq.u32;
	vm0 =	vcmask $0x300;
	v1 =	vimm.s32 $0x1  }
0x2: {  	v2 =	vimm.s32 $0x0;
	v5 =	vimm.s32 $0x2;
	v7 =	vimm.s32 $0x3  }
0x3: {  	v9 =	vimm.s32 $0x4;
	v11 =	vimm.s32 $0x5;
	v13 =	vimm.s32 $0x6  }
0x4: {  	v15 =	vimm.s32 $0x7;
	v17 =	vimm.s32 $0x8;
	vm1 =	vcmask $0x2700  }
0x5: {  	v19 =	vimm.s32 $0x9;
	v21 =	vimm.s32 $0xA;
	v23 =	vimm.s32 $0xB  }
0x6: {  	v25 =	vimm.s32 $0xC;
	v27 =	vimm.s32 $0xD;
	v29 =	vimm.s32 $0xE  }
0x7: {  	v30 =	vimm.s32 $0x65432100;
	v31 =	vimm.s32 $0xEDCBA987;
	v32 =	vimm.s32 $0xDCBA9876  }
0x8: {  	v33 =	vimm.s32 $0x54321000;
	v34 =	vimm.s32 $0xBA987654;
	v35 =	vimm.s32 $0xE40000  }
0x9: {  	v36 =	vimm.s32 $0x32100000;
	v61 =	vimm.s32 $0x7060504;
	vm2 =	vmmov $0xff  }
0xa: {  	v3 =	vsel vm0, $0x0, v1;
	vm0 =	vcmask $0x700;
	v16 =	vshrl.u32 v0, $0x3  }
0xb: {  	v20 =	vsel vm1, $0x0, v1;
	vm1 =	vcmask $0x2F00;
	v30 =	vunpack.c.l.s4.s8 v30  }
0xc: {  	v31 =	vunpack.c.l.s4.s8 v31;
	v32 =	vunpack.c.l.s4.s8 v32;
	v33 =	vunpack.c.l.s4.s8 v33  }
0xd: {  	v34 =	vunpack.c.l.s4.s8 v34;
	v35 =	vunpack.c.l.s2.s4 v35;
	v36 =	vunpack.c.l.s4.s8 v36  }
0xe: {  	v62 =	vunpack.c.0.s8.s32 v61;
	v63 =	vmul.u32 $0xFFFFFFFF, v0;
	v4 =	vsel vm0, $0x0, v1  }
0xf: {  	s0 =	rddreg [dreg:$0x0];
	vm0 =	vcmask $0xB00;
	v24 =	vsel vm1, $0x0, v1;
	vm1 =	vcmask $0x3700  }
0x10: {  	s1 =	rddreg [dreg:$0x1];
	v6 =	vsel vm0, $0x0, v1;
	vm0 =	vcmask $0xF00;
	v28 =	vsel vm1, $0x0, v1  }
0x11: {  	s3 =	rddreg [dreg:$0x2];
	s5 =	simm.s32 $0x0;
	s2 =	srdreg.scid;
	v30 =	vunpack.c.0.s8.s32 v30;
	v31 =	vunpack.c.0.s8.s32 v31;
	v32 =	vunpack.c.0.s8.s32 v32  }
0x12: {  	s4 =	stileid.u32;
	s15 =	simm.s32 $0x10000;
	s16 =	simm.s32 $0x5;
	v33 =	vunpack.c.0.s8.s32 v33;
	v34 =	vunpack.c.0.s8.s32 v34;
	v35 =	vunpack.c.l.s4.s8 v35  }
0x13: {  	s18 =	simm.s32 $0x10;
	s19 =	simm.s32 $0x10080;
	s20 =	simm.s32 $0x1;
	v60 =	vunpack.c.0.s8.s32 v36;
	v8 =	vsel vm0, $0x0, v1;
	vm0 =	vcmask $0x1300  }
0x14: {  	s21 =	simm.s32 $0x2;
	s22 =	simm.s32 $0x4;
	s23 =	simm.s32 $0x10280;
	vm1 =	vmmov $0xf;
	v36 =	vadd.s32 $0xF, v63;
	v10 =	vsel vm0, $0x0, v1  }
0x15: {  	s24 =	simm.s32 $0x3;
	s25 =	simm.s32 $0x0;
	[smem:$0x7FF] =	sst s5;
	vm0 =	vcmask $0x1700;
	v31 =	vand.u32 $0xF, v31;
	v32 =	vand.u32 $0xF, v32  }
0x16: {  	s2 =	sand.u32 $0x1, s2;
	s4 =	sshll.u32 s4, $0x1;
	s6 =	sadd.s32 $0x200, s1;
	v34 =	vand.u32 $0xF, v34;
	v12 =	vsel vm0, $0x0, v1;
	vm0 =	vcmask $0x1B00  }
0x17: {  	s13 =	sadd.s32 $0x440, s1;
	_ =	strace $0x8000004A;
	s4 =	sor.u32 s2, s4;
	v35 =	vunpack.c.0.s8.s32 v35;
	v14 =	vsel vm0, $0x0, v1;
	vm0 =	vcmask $0x2300  }
.Ltmp0:
0x18: {  	s2 =	ssub.s32 $0x2, s2;
	s7 =	sshll.u32 s4, $0x1;
	v30 =	vcombine.low v30, v31;
	v18 =	vsel vm0, $0x0, v1;
	vm0 =	vcmask $0x2B00;
	(pc) =	sbr.rel .LBB2_1-.Ltmp0, $4  }
0x19: {  	s31 =	sshrl.u32 s2, $0x1;
	s8 =	sshll.u32 s4, $0xE;
	p0 =	sne.s32 s4, $0x0;
	v31 =	vcombine.low v33, v32;
	v22 =	vsel vm0, $0x0, v1;
	vm0 =	vcmask $0x3300  }
0x1a: {  	s12 =	sadd.s32 s7, s1;
	s7 =	sshll.u32 s4, $0x11;
	s8 =	sadd.s32 s0, s8;
	v33 =	vcombine.low v60, v34;
	v26 =	vsel vm0, $0x0, v1;
	vm0 =	vcmask $0x3B00  }
0x1b: {  	s2 =	ssub.s32 s2, s31;
	s9 =	sadd.s32 $0x800, s8;
	s10 =	sor.u32 $0x8000, s7;
	v35 =	vand.u32 $0x3, v35;
	v32 =	vsel vm0, $0x0, v1;
	vm0 =	vcmask $0x3F30  }
0x1c: {  	s11 =	sor.u32 $0xC000, s7;
	s12 =	sadd.s32 $0x400, s12;
	s14 =	smax.u32 s2, $0x1;
	v34 =	vsel vm0, v62, v35;
	v35 =	vimm.s32 $0xF;
	vm0 =	vmmov $0x3  }
.LBB2_24:
0x1d: {  	[tilespmem:$0x10280] =	vst v42  }
0x1e: {  	[hbm4b:s12+s5] =	stream.linear.scatter [tilespmem:s23], [sflag:$0x5], $0x10, $0x38;
	[tilespmem:$0x10300] =	vst v63  }
0x1f: {  	_ =	swait.ge [sflag:s16], $0x10  }
0x20: {  	[sflag:s16] =	ssyncset.done $0x0  }
0x21: {  	[sflag:s16] =	ssyncadd.s32 $0xFFFFFFF0  }
0x22: {  	s2 =	simm.s32 @!p0 $0x0;
	s4 =	simm.s32 @!p0 $0x10280;
	[tilespmem:$0x10280] =	vst @!p0 v37  }
0x23: {  	[hbm4b:s13+s2] =	stream.linear.scatter @!p0 [tilespmem:s4], [sflag:$0x5], $0x10, $0x38;
	[tilespmem:$0x10300] =	vst v63  }
0x24: {  	s2 =	simm.s32 @!p0 $0x5  }
0x25: {  	_ =	swait.ge @!p0 [sflag:s2], $0x10  }
0x26: {  	[sflag:s2] =	ssyncset.done @!p0 $0x0  }
0x27: {  	s25 =	sadd.s32 $0x1, s25;
	[sflag:s2] =	ssyncadd.s32 @!p0 $0xFFFFFFF0  }
0x28: {  	p1 =	sne.s32 s25, s14;
	_ =	swait.ge [sflag:s24], $0x4000  }
.Ltmp1:
0x29: {  	[sflag:s24] =	ssyncset.done $0x0;
	(pc) =	sbr.rel @!p1 .LBB2_25-.Ltmp1, $4  }
0x2a: {  	[sflag:s24] =	ssyncadd.s32 $0xFFFFC000  }
0x2b: {  	_ =	swait.ge [sflag:s22], $0x4000  }
0x2c: {  	[sflag:s22] =	ssyncset.done $0x0  }
0x2d: {  	[sflag:s22] =	ssyncadd.s32 $0xFFFFC000  }
.LBB2_1:
0x2e: {  	[tilespmem:s15], [sflag:$0x5] =	stream.linear.gather [hbm4b:s6+s5], $0x80, $0x38;
	[tilespmem:$0x10300] =	vst v63  }
0x2f: {  	_ =	swait.ge [sflag:s16], $0x80  }
0x30: {  	[sflag:s16] =	ssyncset.done $0x0  }
0x31: {  	s2 =	simm.s32 $0x10100;
	[sflag:s16] =	ssyncadd.s32 $0xFFFFFF80  }
0x32: {  	[tilespmem:s2], [sflag:$0x5] =	stream.linear.gather [hbm4b:s1+s5], $0x180, $0x38;
	[tilespmem:$0x10300] =	vst v63  }
0x33: {  	_ =	swait.ge [sflag:s16], $0x180  }
0x34: {  	[sflag:s16] =	ssyncset.done $0x0  }
0x35: {  	[sflag:s16] =	ssyncadd.s32 $0xFFFFFE80  }
0x36: {  	[tilespmem:s19], [sflag:$0x1] =	stream.indirect.gather [hbm4b:s0+s18], $0x1, s15, s18, $0xb8;
	[tilespmem:$0x10300] =	vst v63  }
0x37: {  	_ =	swait.ge [sflag:s20], $0x10  }
0x38: {  	[sflag:s20] =	ssyncset.done $0x0  }
0x39: {  	[sflag:s20] =	ssyncadd.s32 $0xFFFFFFF0  }
0x3a: {  	v37 =	vld [tilespmem:$0x10080];
	_ =	sdelay $0x3  }
0x3b: {  	vm3 =	veq.s32 v0, $0xF  }
0x3c: {  	v37 =	vsel vm3, $0x7F800000, v37  }
0x3d: {  	v38 =	vperm.xlane v37, v2;
	v39 =	vperm.xlane v37, v1  }
0x3e: {  	v41 =	vperm.xlane v37, v5;
	v47 =	vperm.xlane v37, v7  }
0x3f: {  	v51 =	vperm.xlane v37, v9;
	v53 =	vperm.xlane v37, v11  }
0x40: {  	v57 =	vperm.xlane v37, v13;
	vm3 =	vlt.f32 v38, v37;
	vm4 =	veq.f32 v38, v37  }
0x41: {  	v59 =	vperm.xlane v37, v15;
	v45 =	vsel vm3, $0x1, v2;
	v40 =	vnsel vm4, $0x0, v3  }
0x42: {  	v63 =	vperm.xlane v37, v17;
	vm3 =	vlt.f32 v39, v37;
	v38 =	vadd.s32 v45, v40  }
0x43: {  	v46 =	vsel vm3, $0x1, v2;
	vm3 =	veq.f32 v39, v37;
	v45 =	vperm.xlane v37, v19  }
0x44: {  	v38 =	vadd.s32 v46, v38;
	v39 =	vnsel vm3, $0x0, v4;
	vm3 =	vlt.f32 v41, v37  }
0x45: {  	v38 =	vadd.s32 v39, v38;
	v48 =	vsel vm3, $0x1, v2;
	vm3 =	veq.f32 v41, v37  }
0x46: {  	v38 =	vadd.s32 v48, v38;
	v49 =	vnsel vm3, $0x0, v6;
	vm3 =	vlt.f32 v47, v37  }
0x47: {  	v38 =	vadd.s32 v49, v38;
	v50 =	vsel vm3, $0x1, v2;
	vm3 =	veq.f32 v47, v37  }
0x48: {  	v38 =	vadd.s32 v50, v38;
	v52 =	vnsel vm3, $0x0, v8;
	vm3 =	vlt.f32 v51, v37  }
0x49: {  	v38 =	vadd.s32 v52, v38;
	v54 =	vsel vm3, $0x1, v2;
	vm3 =	veq.f32 v51, v37  }
0x4a: {  	v49 =	vperm.xlane v37, v21;
	v38 =	vadd.s32 v54, v38;
	v55 =	vnsel vm3, $0x0, v10  }
0x4b: {  	v51 =	vperm.xlane v37, v23;
	vm3 =	vlt.f32 v53, v37;
	v38 =	vadd.s32 v55, v38  }
0x4c: {  	v56 =	vsel vm3, $0x1, v2;
	vm3 =	veq.f32 v53, v37;
	v55 =	vperm.xlane v37, v25  }
0x4d: {  	v38 =	vadd.s32 v56, v38;
	v58 =	vnsel vm3, $0x0, v12;
	vm3 =	vlt.f32 v57, v37  }
0x4e: {  	v38 =	vadd.s32 v58, v38;
	v60 =	vsel vm3, $0x1, v2;
	vm3 =	veq.f32 v57, v37  }
0x4f: {  	v38 =	vadd.s32 v60, v38;
	v61 =	vnsel vm3, $0x0, v14;
	vm3 =	vlt.f32 v59, v37  }
0x50: {  	v38 =	vadd.s32 v61, v38;
	v62 =	vsel vm3, $0x1, v2;
	vm3 =	veq.f32 v59, v37  }
0x51: {  	v57 =	vperm.xlane v37, v27;
	v38 =	vadd.s32 v62, v38;
	v44 =	vnsel vm3, $0x0, v16  }
0x52: {  	v61 =	vperm.xlane v37, v29;
	vm3 =	vlt.f32 v63, v37;
	v38 =	vadd.s32 v44, v38  }
0x53: {  	v46 =	vsel vm3, $0x1, v2;
	vm3 =	veq.f32 v63, v37;
	v63 =	vperm.xlane v37, v35  }
0x54: {  	v38 =	vadd.s32 v46, v38;
	v47 =	vnsel vm3, $0x0, v18;
	vm3 =	vlt.f32 v45, v37  }
0x55: {  	v38 =	vadd.s32 v47, v38;
	v48 =	vsel vm3, $0x1, v2;
	vm3 =	veq.f32 v45, v37  }
0x56: {  	v38 =	vadd.s32 v48, v38;
	v50 =	vnsel vm3, $0x0, v20;
	vm3 =	vlt.f32 v49, v37  }
0x57: {  	v38 =	vadd.s32 v50, v38;
	v52 =	vsel vm3, $0x1, v2;
	vm3 =	veq.f32 v49, v37  }
0x58: {  	v38 =	vadd.s32 v52, v38;
	v53 =	vnsel vm3, $0x0, v22;
	vm3 =	vlt.f32 v51, v37  }
0x59: {  	v38 =	vadd.s32 v53, v38;
	v54 =	vsel vm3, $0x1, v2;
	vm3 =	veq.f32 v51, v37  }
0x5a: {  	v38 =	vadd.s32 v54, v38;
	v56 =	vnsel vm3, $0x0, v24;
	vm3 =	vlt.f32 v55, v37  }
0x5b: {  	v38 =	vadd.s32 v56, v38;
	v58 =	vsel vm3, $0x1, v2;
	vm3 =	veq.f32 v55, v37  }
0x5c: {  	v38 =	vadd.s32 v58, v38;
	v59 =	vnsel vm3, $0x0, v26;
	vm3 =	vlt.f32 v57, v37  }
0x5d: {  	v38 =	vadd.s32 v59, v38;
	v60 =	vsel vm3, $0x1, v2;
	vm3 =	veq.f32 v57, v37  }
0x5e: {  	v38 =	vadd.s32 v60, v38;
	v62 =	vnsel vm3, $0x0, v28;
	vm3 =	vlt.f32 v61, v37  }
0x5f: {  	v38 =	vadd.s32 v62, v38;
	v43 =	vsel vm3, $0x1, v2;
	vm3 =	veq.f32 v61, v37  }
0x60: {  	v38 =	vadd.s32 v43, v38;
	v44 =	vnsel vm3, $0x0, v32;
	vm3 =	vlt.f32 v63, v37  }
0x61: {  	v38 =	vadd.s32 v44, v38;
	v45 =	vsel vm3, $0x1, v2  }
0x62: {  	v38 =	vadd.s32 v45, v38  }
0x63: {  	v39 =	vperm.xlane v38, v1;
	v46 =	vperm.xlane v38, v5  }
0x64: {  	v47 =	vperm.xlane v38, v7;
	v49 =	vperm.xlane v38, v9  }
0x65: {  	v42 =	vperm.xlane v38, v11;
	v51 =	vperm.xlane v38, v13  }
0x66: {  	v53 =	vperm.xlane v38, v15;
	v55 =	vperm.xlane v38, v17  }
0x67: {  	v57 =	vperm.xlane v38, v19;
	v59 =	vperm.xlane v38, v21;
	vm3 =	veq.s32 v39, v0  }
0x68: {  	v61 =	vperm.xlane v38, v23;
	v48 =	vsel vm3, $0x1, v2;
	vm3 =	veq.s32 v46, v0  }
0x69: {  	v63 =	vperm.xlane v38, v25;
	v46 =	vperm.xlane v38, v27;
	v40 =	vsel vm3, $0x2, v2  }
0x6a: {  	vm3 =	veq.s32 v47, v0;
	v47 =	vperm.xlane v38, v29;
	v38 =	vperm.xlane v38, v35  }
0x6b: {  	v40 =	vor.u32 v48, v40;
	v50 =	vsel vm3, $0x3, v2;
	vm3 =	veq.s32 v49, v0  }
0x6c: {  	v40 =	vadd.s32 v50, v40;
	v39 =	vsel vm3, $0x4, v2;
	vm3 =	veq.s32 v42, v0  }
0x6d: {  	v39 =	vadd.s32 v39, v40;
	v52 =	vsel vm3, $0x5, v2;
	vm3 =	veq.s32 v51, v0  }
0x6e: {  	v39 =	vadd.s32 v52, v39;
	v54 =	vsel vm3, $0x6, v2;
	vm3 =	veq.s32 v53, v0  }
0x6f: {  	v39 =	vadd.s32 v54, v39;
	v56 =	vsel vm3, $0x7, v2;
	vm3 =	veq.s32 v55, v0  }
0x70: {  	v39 =	vadd.s32 v56, v39;
	v58 =	vsel vm3, $0x8, v2;
	vm3 =	veq.s32 v57, v0  }
0x71: {  	v39 =	vadd.s32 v58, v39;
	v60 =	vsel vm3, $0x9, v2;
	vm3 =	veq.s32 v59, v0  }
0x72: {  	v39 =	vadd.s32 v60, v39;
	v62 =	vsel vm3, $0xA, v2;
	vm3 =	veq.s32 v61, v0  }
0x73: {  	v39 =	vadd.s32 v62, v39;
	v45 =	vsel vm3, $0xB, v2;
	vm3 =	veq.s32 v63, v0  }
0x74: {  	v39 =	vadd.s32 v45, v39;
	v41 =	vsel vm3, $0xC, v2;
	vm3 =	veq.s32 v46, v0  }
0x75: {  	v39 =	vadd.s32 v41, v39;
	v48 =	vsel vm3, $0xD, v2;
	vm3 =	veq.s32 v47, v0  }
0x76: {  	v39 =	vadd.s32 v48, v39;
	v40 =	vsel vm3, $0xE, v2;
	vm3 =	veq.s32 v38, v0  }
0x77: {  	v49 =	vadd.s32 v40, v39;
	v50 =	vsel vm3, $0xF, v2  }
0x78: {  	v38 =	vadd.s32 v50, v49  }
0x79: {  	v37 =	vperm.xlane v37, v38;
	_ =	sdelay $0x1  }
0x7a: {  	v38 =	vperm.xlane v37, v30;
	_ =	sdelay $0x1  }
0x7b: {  	vm3 =	vgt.f32 v37, v38  }
0x7c: {  	v38 =	vsel vm3, $0x1, v2;
	vm3 =	veq.s32 v0, $0x0  }
0x7d: {  	v39 =	vsel vm3, $0x1, v38  }
0x7e: {  	v38 =	vperm.xlane v39, v30;
	_ =	sdelay $0x1  }
0x7f: {  	v38 =	vsel vm3, $0x0, v38  }
0x80: {  	v38 =	vadd.s32 v38, v39  }
0x81: {  	v51 =	vperm.xlane v38, v31;
	_ =	sdelay $0x1  }
0x82: {  	v40 =	vsel vm0, $0x0, v51  }
0x83: {  	v38 =	vadd.s32 v40, v38  }
0x84: {  	v40 =	vperm.xlane v38, v33;
	_ =	sdelay $0x1  }
0x85: {  	v40 =	vsel vm1, $0x0, v40  }
0x86: {  	v38 =	vadd.s32 v40, v38  }
0x87: {  	v40 =	vperm.xlane v38, v34  }
0x88: {  	v52 =	vld [tilespmem:$0x10100]  }
0x89: {  	v53 =	vld [tilespmem:$0x10110];
	v40 =	vsel vm2, $0x0, v40  }
0x8a: {  	v43 =	vld [tilespmem:$0x10120];
	v40 =	vadd.s32 v40, v38  }
0x8b: {  	v44 =	vld [tilespmem:$0x10130];
	v38 =	vperm.xlane v40, v35  }
0x8c: {  	v45 =	vld [tilespmem:$0x10140]  }
0x8d: {  	v46 =	vld [tilespmem:$0x10150];
	vm3 =	veq.s32 v38, $0x0;
	vm15 =	veq.s32 v38, $0x1  }
0x8e: {  	v47 =	vld [tilespmem:$0x10160];
	v41 =	vnsel vm3, $0x0, v52;
	v42 =	vnsel vm15, $0x0, v53;
	vm3 =	veq.s32 v38, $0x2  }
0x8f: {  	v55 =	vld [tilespmem:$0x10170];
	v41 =	vadd.s32 v41, v42;
	v54 =	vnsel vm3, $0x0, v43;
	vm3 =	veq.s32 v38, $0x3  }
0x90: {  	v57 =	vld [tilespmem:$0x10180];
	v41 =	vadd.s32 v54, v41;
	v56 =	vnsel vm3, $0x0, v44;
	vm3 =	veq.s32 v38, $0x4  }
0x91: {  	v59 =	vld [tilespmem:$0x10190];
	v41 =	vadd.s32 v56, v41;
	v58 =	vnsel vm3, $0x0, v45;
	vm3 =	veq.s32 v38, $0x5  }
0x92: {  	v61 =	vld [tilespmem:$0x101A0];
	v41 =	vadd.s32 v58, v41;
	v60 =	vnsel vm3, $0x0, v46;
	vm3 =	veq.s32 v38, $0x6  }
0x93: {  	v63 =	vld [tilespmem:$0x101B0];
	v41 =	vadd.s32 v60, v41;
	v62 =	vnsel vm3, $0x0, v47;
	vm3 =	veq.s32 v38, $0x7  }
0x94: {  	v49 =	vld [tilespmem:$0x101C0];
	v41 =	vadd.s32 v62, v41;
	v48 =	vnsel vm3, $0x0, v55;
	vm3 =	veq.s32 v38, $0x8  }
0x95: {  	v51 =	vld [tilespmem:$0x101D0];
	v41 =	vadd.s32 v48, v41;
	v50 =	vnsel vm3, $0x0, v57;
	vm3 =	veq.s32 v38, $0x9  }
0x96: {  	v53 =	vld [tilespmem:$0x101E0];
	v41 =	vadd.s32 v50, v41;
	v52 =	vnsel vm3, $0x0, v59;
	vm3 =	veq.s32 v38, $0xA  }
0x97: {  	v55 =	vld [tilespmem:$0x101F0];
	v41 =	vadd.s32 v52, v41;
	v54 =	vnsel vm3, $0x0, v61;
	vm3 =	veq.s32 v38, $0xB  }
0x98: {  	v57 =	vld [tilespmem:$0x10200];
	v41 =	vadd.s32 v54, v41;
	v56 =	vnsel vm3, $0x0, v63;
	vm3 =	veq.s32 v38, $0xC  }
0x99: {  	v41 =	vadd.s32 v56, v41;
	v58 =	vnsel vm3, $0x0, v49;
	vm3 =	veq.s32 v38, $0xD  }
0x9a: {  	v41 =	vadd.s32 v58, v41;
	v59 =	vnsel vm3, $0x0, v51;
	vm3 =	veq.s32 v38, $0xE  }
0x9b: {  	v41 =	vadd.s32 v59, v41;
	v60 =	vnsel vm3, $0x0, v53;
	vm3 =	veq.s32 v38, $0xF  }
0x9c: {  	v41 =	vadd.s32 v60, v41;
	v61 =	vnsel vm3, $0x0, v55;
	vm3 =	veq.s32 v38, $0x10  }
0x9d: {  	v41 =	vadd.s32 v61, v41;
	v62 =	vnsel vm3, $0x0, v57  }
0x9e: {  	s26 =	simm.s32 $0x10;
	v39 =	vsub.s32 v40, v39;
	v63 =	vadd.s32 v62, v41  }
0x9f: {  	s28 =	sadd.s32 $0x0, s8;
	s4 =	simm.s32 $0x0;
	s2 =	simm.s32 $0x100;
	v39 =	vperm.xlane v63, v39  }
.LBB2_2:
0xa0: {  	[tilespmem:s4], [sflag:$0x1] =	stream.linear.gather [hbm4b:s28+s5], $0x80, $0x38;
	[tilespmem:$0x10300] =	vst v63  }
0xa1: {  	s17 =	smov.u32 s26;
	s4 =	smov.u32 s2;
	p1 =	sne.s32 s26, $0x7F0  }
.Ltmp2:
0xa2: {  	s26 =	sadd.s32 $0x10, s26;
	(pc) =	sbr.rel @p1 .LBB2_2-.Ltmp2, $2  }
0xa3: {  	_ =	sdelay $0x2  }
0xa4: {  	s2 =	sadd.s32 $0x100, s2;
	s28 =	sadd.s32 s17, s8  }
0xa5: {  	[tilespmem:s4], [sflag:$0x1] =	stream.linear.gather [hbm4b:s28+s5], $0x80, $0x38;
	[tilespmem:$0x10300] =	vst v63  }
0xa6: {  	s2 =	simm.s32 $0x80  }
0xa7: {  	s26 =	simm.s32 $0x10;
	s4 =	sadd.s32 $0x0, s9;
	s28 =	simm.s32 $0x180  }
.LBB2_4:
0xa8: {  	[tilespmem:s2], [sflag:$0x2] =	stream.linear.gather [hbm4b:s4+s5], $0x80, $0x38;
	[tilespmem:$0x10300] =	vst v63  }
0xa9: {  	s4 =	smov.u32 s26;
	s2 =	smov.u32 s28;
	p1 =	sne.s32 s26, $0x7F0  }
.Ltmp3:
0xaa: {  	s26 =	sadd.s32 $0x10, s26;
	(pc) =	sbr.rel @p1 .LBB2_4-.Ltmp3, $2  }
0xab: {  	_ =	sdelay $0x2  }
0xac: {  	s28 =	sadd.s32 $0x100, s28;
	s4 =	sadd.s32 s4, s9  }
0xad: {  	vm3 =	vlt.s32 v38, $0x2  }
0xae: {  	[tilespmem:s2], [sflag:$0x2] =	stream.linear.gather [hbm4b:s4+s5], $0x80, $0x38;
	v63 =	vsub.s32 $0xF, v39;
	v39 =	vperm.xlane v37, v15;
	v40 =	vperm.xlane v37, v7;
	[tilespmem:$0x10300] =	vst v63  }
0xaf: {  	v41 =	vperm.xlane v37, v23;
	s26 =	simm.s32 $0x0;
	v42 =	vimm.f32 $-Inf;
	v38 =	vsel vm3, v36, v63  }
.LBB2_6:
0xb0: {  	_ =	swait.ge [sflag:s20], $0x4000  }
0xb1: {  	p1 =	seq.s32 s26, $0x0;
	[sflag:s20] =	ssyncset.done $0x0  }
0xb2: {  	s2 =	simm.s32 @!p1 $0x3;
	[sflag:s20] =	ssyncadd.s32 $0xFFFFC000  }
0xb3: {  	_ =	swait.ge @!p1 [sflag:s2], $0x4000  }
0xb4: {  	[sflag:s2] =	ssyncset.done @!p1 $0x0  }
0xb5: {  	s30 =	simm.s32 $0x0;
	[sflag:s2] =	ssyncadd.s32 @!p1 $0xFFFFC000  }
0xb6: {  	v47 =	vld [tilespmem:s30+$0x70]  }
0xb7: {  	v48 =	vld [tilespmem:s30+$0x60]  }
0xb8: {  	v50 =	vld [tilespmem:s30+$0x20]  }
0xb9: {  	v44 =	vld [tilespmem:s30+$0x40]  }
0xba: {  	v43 =	vld [tilespmem:s30+$0x50]  }
0xbb: {  	v45 =	vld [tilespmem:s30+$0x0];
	_ =	sdelay $0x1  }
0xbc: {  	v56 =	vld [tilespmem:s30+$0x30]  }
0xbd: {  	v46 =	vld [tilespmem:s30+$0x10];
	vm6 =	vgt.f32 v50, v39  }
0xbe: {  	vm4 =	vgt.f32 v48, v39;
	vm3 =	vgt.f32 v47, v39;
	vm5 =	vgt.f32 v44, v39  }
0xbf: {  	vm15 =	vgt.f32 v43, v39;
	vm8 =	vgt.f32 v45, v39;
	v42 =	vmax.f32 v42, v45  }
0xc0: {  	v49 =	vsel vm4, v41, v40;
	v51 =	vsel vm3, $0x8, v2;
	v52 =	vsel vm6, $0x8, v2  }
0xc1: {  	v59 =	vsel vm3, v41, v40;
	vm3 =	vgt.f32 v56, v39;
	v53 =	vsel vm4, $0x8, v2  }
0xc2: {  	v55 =	vsel vm5, $0x8, v2;
	vm4 =	vgt.f32 v46, v39;
	v62 =	vsel vm6, v41, v40  }
0xc3: {  	v58 =	vsel vm15, v41, v40;
	v42 =	vmax.f32 v42, v46;
	vm7 =	vgt.f32 v48, v49  }
0xc4: {  	vm14 =	vgt.f32 v47, v59;
	vm9 =	vgt.f32 v50, v62;
	v54 =	vsel vm7, $0x4, v2  }
0xc5: {  	v59 =	vsel vm15, $0x8, v2;
	v62 =	vsel vm5, v41, v40;
	v53 =	vor.u32 v53, v54  }
0xc6: {  	vm15 =	vgt.f32 v43, v58;
	v61 =	vsel vm14, $0x4, v2;
	v60 =	vor.u32 $0x1, v53  }
0xc7: {  	v42 =	vmax.f32 v42, v50;
	v51 =	vor.u32 v51, v61;
	v49 =	vperm.xlane v37, v60  }
0xc8: {  	v58 =	vsel vm15, $0x4, v2;
	v42 =	vmax.f32 v42, v56;
	v57 =	vor.u32 $0x1, v51  }
0xc9: {  	v61 =	vsel vm9, $0x4, v2;
	v63 =	vperm.xlane v37, v57;
	vm12 =	vgt.f32 v48, v49  }
0xca: {  	v58 =	vor.u32 v59, v58;
	v59 =	vsel vm4, v41, v40;
	v60 =	vsel vm12, $0x2, v2  }
0xcb: {  	v57 =	vsel vm8, v41, v40;
	vm13 =	vgt.f32 v47, v63;
	v53 =	vor.u32 v60, v53  }
0xcc: {  	vm5 =	vgt.f32 v45, v57;
	v60 =	vsel vm13, $0x2, v2;
	v54 =	vperm.xlane v37, v53  }
0xcd: {  	v49 =	vsel vm8, $0x8, v2;
	v57 =	vsel vm5, $0x4, v2;
	v51 =	vor.u32 v60, v51  }
0xce: {  	v49 =	vor.u32 v49, v57;
	vm14 =	vgt.f32 v48, v54;
	v54 =	vperm.xlane v37, v51  }
0xcf: {  	v52 =	vor.u32 v52, v61;
	v61 =	vor.u32 $0x1, v49;
	v60 =	vsel vm14, $0x1, v2  }
0xd0: {  	v53 =	vor.u32 v60, v53;
	vm5 =	vgt.f32 v47, v54;
	v60 =	vor.u32 $0x1, v52  }
0xd1: {  	v57 =	vperm.xlane v38, v53;
	v53 =	vsel vm5, $0x1, v2;
	v60 =	vperm.xlane v37, v60  }
0xd2: {  	v54 =	vperm.xlane v37, v61;
	v61 =	vsel vm3, $0x8, v2;
	v51 =	vor.u32 v53, v51  }
0xd3: {  	v63 =	vperm.xlane v38, v51;
	v51 =	vsel vm3, v41, v40;
	vm3 =	vgt.f32 v50, v60  }
0xd4: {  	vm5 =	vgt.f32 v44, v62;
	v53 =	vsel vm4, $0x8, v2;
	v62 =	vsel vm3, $0x2, v2  }
0xd5: {  	v60 =	vsel vm5, $0x4, v2;
	vm4 =	vgt.f32 v56, v51;
	v51 =	vor.u32 v62, v52  }
0xd6: {  	vm5 =	vgt.f32 v46, v59;
	vm3 =	vgt.f32 v45, v54;
	v54 =	vperm.xlane v37, v51  }
0xd7: {  	v42 =	vmax.f32 v42, v44;
	v55 =	vor.u32 v55, v60;
	v60 =	vsel vm5, $0x4, v2  }
0xd8: {  	v52 =	vor.u32 $0x1, v55;
	v59 =	vsel vm4, $0x4, v2;
	vm4 =	vgt.f32 v50, v54  }
0xd9: {  	v60 =	vor.u32 v53, v60;
	v59 =	vor.u32 v61, v59;
	v61 =	vsel vm4, $0x1, v2  }
0xda: {  	v52 =	vperm.xlane v37, v52;
	v53 =	vor.u32 $0x1, v59;
	v51 =	vor.u32 v61, v51  }
0xdb: {  	v54 =	vor.u32 $0x1, v58;
	v61 =	vperm.xlane v38, v51;
	v51 =	vperm.xlane v37, v53  }
0xdc: {  	v42 =	vmax.f32 v42, v43;
	v54 =	vperm.xlane v37, v54;
	vm4 =	vgt.f32 v44, v52  }
0xdd: {  	v62 =	vor.u32 $0x1, v60;
	v53 =	vsel vm4, $0x2, v2;
	vm5 =	vgt.f32 v56, v51  }
0xde: {  	vm4 =	vgt.f32 v43, v54;
	v54 =	vperm.xlane v37, v62;
	v62 =	vsel vm5, $0x2, v2  }
0xdf: {  	v42 =	vmax.f32 v42, v48;
	v51 =	vor.u32 v53, v55;
	v53 =	vor.u32 v62, v59  }
0xe0: {  	v50 =	vsel vm4, $0x2, v2;
	vm4 =	vgt.f32 v46, v54;
	v62 =	vperm.xlane v37, v53  }
0xe1: {  	v42 =	vmax.f32 v42, v47;
	[tilespmem:s30+$0x8060] =	vst v57;
	v54 =	vsel vm4, $0x2, v2  }
0xe2: {  	s28 =	sshll.u32 s26, $0xF;
	[tilespmem:s30+$0x8070] =	vst v63;
	v55 =	vperm.xlane v37, v51;
	v54 =	vor.u32 v54, v60;
	vm4 =	vgt.f32 v56, v62  }
0xe3: {  	s31 =	simm.s32 $0x400;
	s29 =	sor.u32 s7, s28;
	v52 =	vor.u32 v50, v58;
	[tilespmem:s30+$0x8020] =	vst v61;
	v48 =	vperm.xlane v37, v54;
	v50 =	vsel vm4, $0x1, v2  }
.LBB2_7:
0xe4: {  	s2 =	sshra.s32 s31, $0x2;
	p2 =	sne.s32 s31, $0x1FC00;
	s31 =	sadd.s32 $0x400, s31;
	v56 =	vsel vm3, $0x2, v2;
	vm3 =	vgt.f32 v44, v55;
	v44 =	vperm.xlane v37, v52  }
0xe5: {  	v47 =	vld [tilespmem:s2+$0x70];
	v49 =	vor.u32 v56, v49;
	vm4 =	vgt.f32 v46, v48;
	v46 =	vsel vm3, $0x1, v2  }
0xe6: {  	v48 =	vld [tilespmem:s2+$0x60];
	v55 =	vperm.xlane v37, v49;
	v56 =	vsel vm4, $0x1, v2;
	v46 =	vor.u32 v46, v51  }
0xe7: {  	v50 =	vor.u32 v50, v53;
	vm3 =	vgt.f32 v43, v44;
	v51 =	vld [tilespmem:s2+$0x20];
	v54 =	vor.u32 v56, v54  }
0xe8: {  	v53 =	vperm.xlane v38, v50;
	v44 =	vld [tilespmem:s2+$0x40];
	vm4 =	vgt.f32 v45, v55;
	v45 =	vperm.xlane v38, v54  }
0xe9: {  	v55 =	vperm.xlane v38, v46;
	v46 =	vsel vm3, $0x1, v2;
	v50 =	vld [tilespmem:s2+$0x30];
	v54 =	vsel vm4, $0x1, v2  }
0xea: {  	v43 =	vld [tilespmem:s2+$0x50];
	v49 =	vor.u32 v54, v49;
	[tilespmem:s30+$0x8010] =	vst v45;
	v45 =	vor.u32 v46, v52  }
0xeb: {  	v46 =	vld [tilespmem:s2+$0x10];
	v49 =	vperm.xlane v38, v49;
	[tilespmem:s30+$0x8030] =	vst v53;
	v52 =	vperm.xlane v38, v45  }
0xec: {  	vm3 =	vgt.f32 v47, v39;
	vm4 =	vgt.f32 v48, v39;
	v45 =	vld [tilespmem:s2+$0x0];
	vm6 =	vgt.f32 v51, v39;
	[tilespmem:s30+$0x8040] =	vst v55  }
0xed: {  	v54 =	vsel vm3, $0x8, v2;
	v53 =	vsel vm4, v41, v40;
	vm5 =	vgt.f32 v44, v39;
	[tilespmem:s30+$0x8000] =	vst v49  }
0xee: {  	v49 =	vsel vm6, $0x8, v2;
	vm7 =	vgt.f32 v48, v53;
	v53 =	vsel vm3, v41, v40;
	[tilespmem:s30+$0x8050] =	vst v52;
	s30 =	smov.u32 s2  }
0xef: {  	vm3 =	vgt.f32 v50, v39;
	v52 =	vsel vm4, $0x8, v2;
	v55 =	vsel vm7, $0x4, v2  }
0xf0: {  	v56 =	vsel vm5, $0x8, v2;
	vm7 =	vgt.f32 v47, v53;
	v52 =	vor.u32 v52, v55  }
0xf1: {  	v55 =	vsel vm7, $0x4, v2;
	vm4 =	vgt.f32 v46, v39;
	v53 =	vor.u32 $0x1, v52  }
0xf2: {  	vm7 =	vgt.f32 v43, v39;
	v54 =	vor.u32 v54, v55;
	v53 =	vperm.xlane v37, v53  }
0xf3: {  	v55 =	vsel vm6, v41, v40;
	vm8 =	vgt.f32 v45, v39;
	v57 =	vor.u32 $0x1, v54  }
0xf4: {  	v58 =	vsel vm7, v41, v40;
	vm6 =	vgt.f32 v48, v53;
	v53 =	vperm.xlane v37, v57  }
0xf5: {  	vm9 =	vgt.f32 v51, v55;
	v57 =	vsel vm8, v41, v40;
	v55 =	vsel vm6, $0x2, v2  }
0xf6: {  	v59 =	vsel vm7, $0x8, v2;
	v52 =	vor.u32 v55, v52;
	vm6 =	vgt.f32 v47, v53  }
0xf7: {  	v53 =	vsel vm8, $0x8, v2;
	v55 =	vperm.xlane v37, v52;
	v60 =	vsel vm6, $0x2, v2  }
0xf8: {  	v62 =	vsel vm5, v41, v40;
	v61 =	vsel vm9, $0x4, v2;
	v54 =	vor.u32 v60, v54  }
0xf9: {  	vm5 =	vgt.f32 v45, v57;
	vm6 =	vgt.f32 v48, v55;
	v55 =	vperm.xlane v37, v54  }
0xfa: {  	v57 =	vsel vm5, $0x4, v2;
	v60 =	vor.u32 v49, v61;
	v61 =	vsel vm6, $0x1, v2  }
0xfb: {  	v49 =	vor.u32 v53, v57;
	v52 =	vor.u32 v61, v52;
	vm5 =	vgt.f32 v47, v55  }
0xfc: {  	v53 =	vor.u32 $0x1, v49;
	v52 =	vperm.xlane v38, v52;
	v55 =	vsel vm5, $0x1, v2  }
0xfd: {  	v57 =	vor.u32 $0x1, v60;
	v53 =	vperm.xlane v37, v53;
	v54 =	vor.u32 v55, v54  }
0xfe: {  	v61 =	vsel vm3, $0x8, v2;
	v55 =	vsel vm4, $0x8, v2;
	[tilespmem:s30+$0x8060] =	vst v52;
	v52 =	vperm.xlane v38, v54  }
0xff: {  	vm6 =	vgt.f32 v43, v58;
	vm5 =	vgt.f32 v44, v62;
	v54 =	vperm.xlane v37, v57  }
0x100: {  	v62 =	vsel vm6, $0x4, v2;
	v58 =	vsel vm5, $0x4, v2;
	v57 =	vsel vm3, v41, v40;
	[tilespmem:s30+$0x8070] =	vst v52  }
0x101: {  	v52 =	vsel vm4, v41, v40;
	vm3 =	vgt.f32 v51, v54;
	v54 =	vor.u32 v59, v62  }
0x102: {  	v56 =	vor.u32 v56, v58;
	vm4 =	vgt.f32 v50, v57;
	v59 =	vsel vm3, $0x2, v2  }
0x103: {  	v57 =	vor.u32 $0x1, v56;
	vm5 =	vgt.f32 v46, v52;
	v52 =	vor.u32 v59, v60  }
0x104: {  	vm3 =	vgt.f32 v45, v53;
	v58 =	vsel vm4, $0x4, v2;
	v53 =	vperm.xlane v37, v52  }
0x105: {  	v57 =	vperm.xlane v37, v57;
	v59 =	vsel vm5, $0x4, v2;
	v58 =	vor.u32 v61, v58  }
0x106: {  	v42 =	vmax.f32 v42, v45;
	vm4 =	vgt.f32 v51, v53;
	v53 =	vor.u32 $0x1, v54  }
0x107: {  	v59 =	vor.u32 v55, v59;
	v55 =	vsel vm4, $0x1, v2;
	v53 =	vperm.xlane v37, v53  }
0x108: {  	vm4 =	vgt.f32 v44, v57;
	v52 =	vor.u32 v55, v52;
	v55 =	vor.u32 $0x1, v58  }
0x109: {  	v42 =	vmax.f32 v42, v46;
	v52 =	vperm.xlane v38, v52;
	v55 =	vperm.xlane v37, v55  }
0x10a: {  	v57 =	vor.u32 $0x1, v59;
	v60 =	vsel vm4, $0x2, v2;
	vm4 =	vgt.f32 v43, v53  }
0x10b: {  	v42 =	vmax.f32 v42, v51;
	vm5 =	vgt.f32 v50, v55;
	[tilespmem:s30+$0x8020] =	vst v52;
	v52 =	vsel vm4, $0x2, v2  }
0x10c: {  	v51 =	vor.u32 v60, v56;
	v55 =	vperm.xlane v37, v57;
	v53 =	vsel vm5, $0x2, v2  }
.Ltmp4:
0x10d: {  	v42 =	vmax.f32 v42, v50;
	v53 =	vor.u32 v53, v58;
	v52 =	vor.u32 v52, v54;
	(pc) =	sbr.rel @p2 .LBB2_7-.Ltmp4, $4  }
0x10e: {  	v42 =	vmax.f32 v42, v44;
	vm4 =	vgt.f32 v46, v55;
	v56 =	vperm.xlane v37, v53  }
0x10f: {  	v42 =	vmax.f32 v42, v43;
	v55 =	vperm.xlane v37, v51;
	v54 =	vsel vm4, $0x2, v2  }
0x110: {  	v42 =	vmax.f32 v42, v48;
	v54 =	vor.u32 v54, v59;
	vm4 =	vgt.f32 v50, v56  }
0x111: {  	v42 =	vmax.f32 v42, v47;
	v48 =	vperm.xlane v37, v54;
	v50 =	vsel vm4, $0x1, v2  }
0x112: {  	v47 =	vsel vm3, $0x2, v2  }
0x113: {  	vm3 =	vgt.f32 v44, v55;
	v58 =	vperm.xlane v37, v52;
	v50 =	vor.u32 v50, v53  }
0x114: {  	v56 =	vor.u32 v47, v49;
	vm4 =	vgt.f32 v46, v48;
	v57 =	vsel vm3, $0x1, v2  }
0x115: {  	v60 =	vperm.xlane v38, v50;
	v47 =	vperm.xlane v37, v56;
	v48 =	vsel vm4, $0x1, v2  }
0x116: {  	v46 =	vor.u32 v57, v51;
	vm15 =	vgt.f32 v43, v58;
	v48 =	vor.u32 v48, v54  }
0x117: {  	v46 =	vperm.xlane v38, v46;
	v61 =	vsel vm15, $0x1, v2;
	vm3 =	vgt.f32 v45, v47  }
0x118: {  	[tilespmem:s30+$0x8030] =	vst v60;
	v59 =	vperm.xlane v38, v48;
	v62 =	vor.u32 v61, v52;
	v47 =	vsel vm3, $0x1, v2  }
0x119: {  	v63 =	vperm.xlane v38, v62;
	[tilespmem:s30+$0x8040] =	vst v46;
	v44 =	vor.u32 v47, v56  }
0x11a: {  	s29 =	sshrl.u32 s29, $0x3;
	[tilespmem:s30+$0x8010] =	vst v59;
	v44 =	vperm.xlane v38, v44  }
0x11b: {  	s2 =	simm.s32 $0x8000;
	s31 =	sadd.s32 s3, s29;
	[tilespmem:s30+$0x8050] =	vst v63  }
0x11c: {  	s4 =	simm.s32 $0x8100;
	s17 =	sadd.s32 $0x0, s31;
	[tilespmem:s30+$0x8000] =	vst v44;
	s30 =	simm.s32 $0x10  }
.LBB2_9:
0x11d: {  	[hbm4b:s17+s5] =	stream.linear.scatter [tilespmem:s2], [sflag:$0x3], $0x80, $0x38;
	[tilespmem:$0x10300] =	vst v63  }
0x11e: {  	s17 =	smov.u32 s30;
	s2 =	smov.u32 s4;
	p2 =	sne.s32 s30, $0x7F0  }
.Ltmp5:
0x11f: {  	s30 =	sadd.s32 $0x10, s30;
	(pc) =	sbr.rel @p2 .LBB2_9-.Ltmp5, $2  }
0x120: {  	_ =	sdelay $0x2  }
0x121: {  	s4 =	sadd.s32 $0x100, s4;
	s17 =	sadd.s32 s17, s31  }
0x122: {  	p2 =	sne.s32 s26, $0x3  }
.Ltmp6:
0x123: {  	_ = 	snop;
	(pc) =	sbr.rel @p2 .LBB2_12-.Ltmp6, $2  }
0x124: {  	_ =	sdelay $0x2  }
0x125: {  	[hbm4b:s17+s5] =	stream.linear.scatter [tilespmem:s2], [sflag:$0x3], $0x80, $0x38;
	[tilespmem:$0x10300] =	vst v63  }
.Ltmp7:
0x126: {  	(pc) =	sbr.rel .LBB2_15-.Ltmp7, $4  }
0x127: {  	_ = 	snop  }
0x128: {  	_ =	swait.ge [sflag:s21], $0x4000  }
0x129: {  	[sflag:s21] =	ssyncset.done $0x0  }
0x12a: {  	[sflag:s21] =	ssyncadd.s32 $0xFFFFC000  }
.LBB2_12:
0x12b: {  	s2 =	sadd.s32 s28, s10  }
0x12c: {  	s2 =	sshrl.u32 s2, $0x3  }
0x12d: {  	s31 =	simm.s32 $0x10;
	s30 =	sadd.s32 s0, s2  }
0x12e: {  	s4 =	simm.s32 $0x100;
	s2 =	simm.s32 $0x0;
	s17 =	sadd.s32 $0x0, s30  }
.LBB2_13:
0x12f: {  	[tilespmem:s2], [sflag:$0x1] =	stream.linear.gather [hbm4b:s17+s5], $0x80, $0x38;
	[tilespmem:$0x10300] =	vst v63  }
0x130: {  	s17 =	smov.u32 s31;
	s2 =	smov.u32 s4;
	p2 =	sne.s32 s31, $0x7F0  }
.Ltmp8:
0x131: {  	s31 =	sadd.s32 $0x10, s31;
	(pc) =	sbr.rel @p2 .LBB2_13-.Ltmp8, $2  }
0x132: {  	_ =	sdelay $0x2  }
0x133: {  	s4 =	sadd.s32 $0x100, s4;
	s17 =	sadd.s32 s17, s30  }
.Ltmp9:
0x134: {  	(pc) =	sbr.rel @p1 .LBB2_16-.Ltmp9, $4  }
0x135: {  	[tilespmem:s2], [sflag:$0x1] =	stream.linear.gather [hbm4b:s17+s5], $0x80, $0x38;
	[tilespmem:$0x10300] =	vst v63  }
0x136: {  	_ =	swait.ge [sflag:s21], $0x4000  }
0x137: {  	[sflag:s21] =	ssyncset.done $0x0  }
0x138: {  	[sflag:s21] =	ssyncadd.s32 $0xFFFFC000  }
.LBB2_15:
0x139: {  	_ =	swait.ge [sflag:s22], $0x4000  }
0x13a: {  	[sflag:s22] =	ssyncset.done $0x0  }
0x13b: {  	[sflag:s22] =	ssyncadd.s32 $0xFFFFC000  }
.LBB2_16:
0x13c: {  	s30 =	simm.s32 $0x0  }
0x13d: {  	v47 =	vld [tilespmem:s30+$0xF0]  }
0x13e: {  	v48 =	vld [tilespmem:s30+$0xE0]  }
0x13f: {  	v50 =	vld [tilespmem:s30+$0xA0]  }
0x140: {  	v44 =	vld [tilespmem:s30+$0xC0]  }
0x141: {  	v43 =	vld [tilespmem:s30+$0xD0]  }
0x142: {  	v45 =	vld [tilespmem:s30+$0x80];
	_ =	sdelay $0x1  }
0x143: {  	v56 =	vld [tilespmem:s30+$0xB0]  }
0x144: {  	v46 =	vld [tilespmem:s30+$0x90];
	vm6 =	vgt.f32 v50, v39  }
0x145: {  	vm4 =	vgt.f32 v48, v39;
	vm3 =	vgt.f32 v47, v39;
	vm5 =	vgt.f32 v44, v39  }
0x146: {  	vm15 =	vgt.f32 v43, v39;
	vm8 =	vgt.f32 v45, v39;
	v42 =	vmax.f32 v42, v45  }
0x147: {  	v49 =	vsel vm4, v41, v40;
	v51 =	vsel vm3, $0x8, v2;
	v52 =	vsel vm6, $0x8, v2  }
0x148: {  	v59 =	vsel vm3, v41, v40;
	vm3 =	vgt.f32 v56, v39;
	v53 =	vsel vm4, $0x8, v2  }
0x149: {  	v55 =	vsel vm5, $0x8, v2;
	vm4 =	vgt.f32 v46, v39;
	v62 =	vsel vm6, v41, v40  }
0x14a: {  	v58 =	vsel vm15, v41, v40;
	v42 =	vmax.f32 v42, v46;
	vm7 =	vgt.f32 v48, v49  }
0x14b: {  	vm14 =	vgt.f32 v47, v59;
	vm9 =	vgt.f32 v50, v62;
	v54 =	vsel vm7, $0x4, v2  }
0x14c: {  	v59 =	vsel vm15, $0x8, v2;
	v62 =	vsel vm5, v41, v40;
	v53 =	vor.u32 v53, v54  }
0x14d: {  	vm15 =	vgt.f32 v43, v58;
	v61 =	vsel vm14, $0x4, v2;
	v60 =	vor.u32 $0x1, v53  }
0x14e: {  	v42 =	vmax.f32 v42, v50;
	v51 =	vor.u32 v51, v61;
	v49 =	vperm.xlane v37, v60  }
0x14f: {  	v58 =	vsel vm15, $0x4, v2;
	v42 =	vmax.f32 v42, v56;
	v57 =	vor.u32 $0x1, v51  }
0x150: {  	v61 =	vsel vm9, $0x4, v2;
	v63 =	vperm.xlane v37, v57;
	vm12 =	vgt.f32 v48, v49  }
0x151: {  	v58 =	vor.u32 v59, v58;
	v59 =	vsel vm4, v41, v40;
	v60 =	vsel vm12, $0x2, v2  }
0x152: {  	v57 =	vsel vm8, v41, v40;
	vm13 =	vgt.f32 v47, v63;
	v53 =	vor.u32 v60, v53  }
0x153: {  	vm5 =	vgt.f32 v45, v57;
	v60 =	vsel vm13, $0x2, v2;
	v54 =	vperm.xlane v37, v53  }
0x154: {  	v49 =	vsel vm8, $0x8, v2;
	v57 =	vsel vm5, $0x4, v2;
	v51 =	vor.u32 v60, v51  }
0x155: {  	v49 =	vor.u32 v49, v57;
	vm14 =	vgt.f32 v48, v54;
	v54 =	vperm.xlane v37, v51  }
0x156: {  	v52 =	vor.u32 v52, v61;
	v61 =	vor.u32 $0x1, v49;
	v60 =	vsel vm14, $0x1, v2  }
0x157: {  	v53 =	vor.u32 v60, v53;
	vm5 =	vgt.f32 v47, v54;
	v60 =	vor.u32 $0x1, v52  }
0x158: {  	v57 =	vperm.xlane v38, v53;
	v53 =	vsel vm5, $0x1, v2;
	v60 =	vperm.xlane v37, v60  }
0x159: {  	v54 =	vperm.xlane v37, v61;
	v61 =	vsel vm3, $0x8, v2;
	v51 =	vor.u32 v53, v51  }
0x15a: {  	v63 =	vperm.xlane v38, v51;
	v51 =	vsel vm3, v41, v40;
	vm3 =	vgt.f32 v50, v60  }
0x15b: {  	vm5 =	vgt.f32 v44, v62;
	v53 =	vsel vm4, $0x8, v2;
	v62 =	vsel vm3, $0x2, v2  }
0x15c: {  	v60 =	vsel vm5, $0x4, v2;
	vm4 =	vgt.f32 v56, v51;
	v51 =	vor.u32 v62, v52  }
0x15d: {  	vm5 =	vgt.f32 v46, v59;
	vm3 =	vgt.f32 v45, v54;
	v54 =	vperm.xlane v37, v51  }
0x15e: {  	v42 =	vmax.f32 v42, v44;
	v55 =	vor.u32 v55, v60;
	v60 =	vsel vm5, $0x4, v2  }
0x15f: {  	v52 =	vor.u32 $0x1, v55;
	v59 =	vsel vm4, $0x4, v2;
	vm4 =	vgt.f32 v50, v54  }
0x160: {  	v60 =	vor.u32 v53, v60;
	v59 =	vor.u32 v61, v59;
	v61 =	vsel vm4, $0x1, v2  }
0x161: {  	v52 =	vperm.xlane v37, v52;
	v53 =	vor.u32 $0x1, v59;
	v51 =	vor.u32 v61, v51  }
0x162: {  	v54 =	vor.u32 $0x1, v58;
	v61 =	vperm.xlane v38, v51;
	v51 =	vperm.xlane v37, v53  }
0x163: {  	v42 =	vmax.f32 v42, v43;
	v54 =	vperm.xlane v37, v54;
	vm4 =	vgt.f32 v44, v52  }
0x164: {  	v62 =	vor.u32 $0x1, v60;
	v53 =	vsel vm4, $0x2, v2;
	vm5 =	vgt.f32 v56, v51  }
0x165: {  	vm4 =	vgt.f32 v43, v54;
	v54 =	vperm.xlane v37, v62;
	v62 =	vsel vm5, $0x2, v2  }
0x166: {  	v42 =	vmax.f32 v42, v48;
	v51 =	vor.u32 v53, v55;
	v53 =	vor.u32 v62, v59  }
0x167: {  	v50 =	vsel vm4, $0x2, v2;
	vm4 =	vgt.f32 v46, v54;
	v62 =	vperm.xlane v37, v53  }
0x168: {  	v42 =	vmax.f32 v42, v47;
	[tilespmem:s30+$0x80E0] =	vst v57;
	v54 =	vsel vm4, $0x2, v2  }
0x169: {  	[tilespmem:s30+$0x80F0] =	vst v63;
	v55 =	vperm.xlane v37, v51;
	v54 =	vor.u32 v54, v60;
	vm4 =	vgt.f32 v56, v62  }
0x16a: {  	s31 =	simm.s32 $0x400;
	v52 =	vor.u32 v50, v58;
	[tilespmem:s30+$0x80A0] =	vst v61;
	v48 =	vperm.xlane v37, v54;
	v50 =	vsel vm4, $0x1, v2  }
.LBB2_17:
0x16b: {  	s2 =	sshra.s32 s31, $0x2;
	p1 =	sne.s32 s31, $0x1FC00;
	s31 =	sadd.s32 $0x400, s31;
	v56 =	vsel vm3, $0x2, v2;
	vm3 =	vgt.f32 v44, v55;
	v44 =	vperm.xlane v37, v52  }
0x16c: {  	v47 =	vld [tilespmem:s2+$0xF0];
	v49 =	vor.u32 v56, v49;
	vm4 =	vgt.f32 v46, v48;
	v46 =	vsel vm3, $0x1, v2  }
0x16d: {  	v48 =	vld [tilespmem:s2+$0xE0];
	v55 =	vperm.xlane v37, v49;
	v56 =	vsel vm4, $0x1, v2;
	v46 =	vor.u32 v46, v51  }
0x16e: {  	v50 =	vor.u32 v50, v53;
	vm3 =	vgt.f32 v43, v44;
	v51 =	vld [tilespmem:s2+$0xA0];
	v54 =	vor.u32 v56, v54  }
0x16f: {  	v53 =	vperm.xlane v38, v50;
	v44 =	vld [tilespmem:s2+$0xC0];
	vm4 =	vgt.f32 v45, v55;
	v45 =	vperm.xlane v38, v54  }
0x170: {  	v55 =	vperm.xlane v38, v46;
	v46 =	vsel vm3, $0x1, v2;
	v50 =	vld [tilespmem:s2+$0xB0];
	v54 =	vsel vm4, $0x1, v2  }
0x171: {  	v43 =	vld [tilespmem:s2+$0xD0];
	v49 =	vor.u32 v54, v49;
	[tilespmem:s30+$0x8090] =	vst v45;
	v45 =	vor.u32 v46, v52  }
0x172: {  	v46 =	vld [tilespmem:s2+$0x90];
	v49 =	vperm.xlane v38, v49;
	[tilespmem:s30+$0x80B0] =	vst v53;
	v52 =	vperm.xlane v38, v45  }
0x173: {  	vm3 =	vgt.f32 v47, v39;
	vm4 =	vgt.f32 v48, v39;
	v45 =	vld [tilespmem:s2+$0x80];
	vm6 =	vgt.f32 v51, v39;
	[tilespmem:s30+$0x80C0] =	vst v55  }
0x174: {  	v54 =	vsel vm3, $0x8, v2;
	v53 =	vsel vm4, v41, v40;
	vm5 =	vgt.f32 v44, v39;
	[tilespmem:s30+$0x8080] =	vst v49  }
0x175: {  	v49 =	vsel vm6, $0x8, v2;
	vm7 =	vgt.f32 v48, v53;
	v53 =	vsel vm3, v41, v40;
	[tilespmem:s30+$0x80D0] =	vst v52;
	s30 =	smov.u32 s2  }
0x176: {  	vm3 =	vgt.f32 v50, v39;
	v52 =	vsel vm4, $0x8, v2;
	v55 =	vsel vm7, $0x4, v2  }
0x177: {  	v56 =	vsel vm5, $0x8, v2;
	vm7 =	vgt.f32 v47, v53;
	v52 =	vor.u32 v52, v55  }
0x178: {  	v55 =	vsel vm7, $0x4, v2;
	vm4 =	vgt.f32 v46, v39;
	v53 =	vor.u32 $0x1, v52  }
0x179: {  	vm7 =	vgt.f32 v43, v39;
	v54 =	vor.u32 v54, v55;
	v53 =	vperm.xlane v37, v53  }
0x17a: {  	v55 =	vsel vm6, v41, v40;
	vm8 =	vgt.f32 v45, v39;
	v57 =	vor.u32 $0x1, v54  }
0x17b: {  	v58 =	vsel vm7, v41, v40;
	vm6 =	vgt.f32 v48, v53;
	v53 =	vperm.xlane v37, v57  }
0x17c: {  	vm9 =	vgt.f32 v51, v55;
	v57 =	vsel vm8, v41, v40;
	v55 =	vsel vm6, $0x2, v2  }
0x17d: {  	v59 =	vsel vm7, $0x8, v2;
	v52 =	vor.u32 v55, v52;
	vm6 =	vgt.f32 v47, v53  }
0x17e: {  	v53 =	vsel vm8, $0x8, v2;
	v55 =	vperm.xlane v37, v52;
	v60 =	vsel vm6, $0x2, v2  }
0x17f: {  	v62 =	vsel vm5, v41, v40;
	v61 =	vsel vm9, $0x4, v2;
	v54 =	vor.u32 v60, v54  }
0x180: {  	vm5 =	vgt.f32 v45, v57;
	vm6 =	vgt.f32 v48, v55;
	v55 =	vperm.xlane v37, v54  }
0x181: {  	v57 =	vsel vm5, $0x4, v2;
	v60 =	vor.u32 v49, v61;
	v61 =	vsel vm6, $0x1, v2  }
0x182: {  	v49 =	vor.u32 v53, v57;
	v52 =	vor.u32 v61, v52;
	vm5 =	vgt.f32 v47, v55  }
0x183: {  	v53 =	vor.u32 $0x1, v49;
	v52 =	vperm.xlane v38, v52;
	v55 =	vsel vm5, $0x1, v2  }
0x184: {  	v57 =	vor.u32 $0x1, v60;
	v53 =	vperm.xlane v37, v53;
	v54 =	vor.u32 v55, v54  }
0x185: {  	v61 =	vsel vm3, $0x8, v2;
	v55 =	vsel vm4, $0x8, v2;
	[tilespmem:s30+$0x80E0] =	vst v52;
	v52 =	vperm.xlane v38, v54  }
0x186: {  	vm6 =	vgt.f32 v43, v58;
	vm5 =	vgt.f32 v44, v62;
	v54 =	vperm.xlane v37, v57  }
0x187: {  	v62 =	vsel vm6, $0x4, v2;
	v58 =	vsel vm5, $0x4, v2;
	v57 =	vsel vm3, v41, v40;
	[tilespmem:s30+$0x80F0] =	vst v52  }
0x188: {  	v52 =	vsel vm4, v41, v40;
	vm3 =	vgt.f32 v51, v54;
	v54 =	vor.u32 v59, v62  }
0x189: {  	v56 =	vor.u32 v56, v58;
	vm4 =	vgt.f32 v50, v57;
	v59 =	vsel vm3, $0x2, v2  }
0x18a: {  	v57 =	vor.u32 $0x1, v56;
	vm5 =	vgt.f32 v46, v52;
	v52 =	vor.u32 v59, v60  }
0x18b: {  	vm3 =	vgt.f32 v45, v53;
	v58 =	vsel vm4, $0x4, v2;
	v53 =	vperm.xlane v37, v52  }
0x18c: {  	v57 =	vperm.xlane v37, v57;
	v59 =	vsel vm5, $0x4, v2;
	v58 =	vor.u32 v61, v58  }
0x18d: {  	v42 =	vmax.f32 v42, v45;
	vm4 =	vgt.f32 v51, v53;
	v53 =	vor.u32 $0x1, v54  }
0x18e: {  	v59 =	vor.u32 v55, v59;
	v55 =	vsel vm4, $0x1, v2;
	v53 =	vperm.xlane v37, v53  }
0x18f: {  	vm4 =	vgt.f32 v44, v57;
	v52 =	vor.u32 v55, v52;
	v55 =	vor.u32 $0x1, v58  }
0x190: {  	v42 =	vmax.f32 v42, v46;
	v52 =	vperm.xlane v38, v52;
	v55 =	vperm.xlane v37, v55  }
0x191: {  	v57 =	vor.u32 $0x1, v59;
	v60 =	vsel vm4, $0x2, v2;
	vm4 =	vgt.f32 v43, v53  }
0x192: {  	v42 =	vmax.f32 v42, v51;
	vm5 =	vgt.f32 v50, v55;
	[tilespmem:s30+$0x80A0] =	vst v52;
	v52 =	vsel vm4, $0x2, v2  }
0x193: {  	v51 =	vor.u32 v60, v56;
	v55 =	vperm.xlane v37, v57;
	v53 =	vsel vm5, $0x2, v2  }
.Ltmp10:
0x194: {  	v42 =	vmax.f32 v42, v50;
	v53 =	vor.u32 v53, v58;
	v52 =	vor.u32 v52, v54;
	(pc) =	sbr.rel @p1 .LBB2_17-.Ltmp10, $4  }
0x195: {  	v42 =	vmax.f32 v42, v44;
	vm4 =	vgt.f32 v46, v55;
	v56 =	vperm.xlane v37, v53  }
0x196: {  	v42 =	vmax.f32 v42, v43;
	v55 =	vperm.xlane v37, v51;
	v54 =	vsel vm4, $0x2, v2  }
0x197: {  	v42 =	vmax.f32 v42, v48;
	v54 =	vor.u32 v54, v59;
	vm4 =	vgt.f32 v50, v56  }
0x198: {  	v42 =	vmax.f32 v42, v47;
	v48 =	vperm.xlane v37, v54;
	v50 =	vsel vm4, $0x1, v2  }
0x199: {  	v47 =	vsel vm3, $0x2, v2  }
0x19a: {  	vm3 =	vgt.f32 v44, v55;
	v58 =	vperm.xlane v37, v52;
	v50 =	vor.u32 v50, v53  }
0x19b: {  	v56 =	vor.u32 v47, v49;
	vm4 =	vgt.f32 v46, v48;
	v57 =	vsel vm3, $0x1, v2  }
0x19c: {  	v60 =	vperm.xlane v38, v50;
	v47 =	vperm.xlane v37, v56;
	v48 =	vsel vm4, $0x1, v2  }
0x19d: {  	v46 =	vor.u32 v57, v51;
	vm15 =	vgt.f32 v43, v58;
	v48 =	vor.u32 v48, v54  }
0x19e: {  	v46 =	vperm.xlane v38, v46;
	v61 =	vsel vm15, $0x1, v2;
	vm3 =	vgt.f32 v45, v47  }
0x19f: {  	[tilespmem:s30+$0x80B0] =	vst v60;
	v59 =	vperm.xlane v38, v48;
	v62 =	vor.u32 v61, v52;
	v47 =	vsel vm3, $0x1, v2  }
0x1a0: {  	v63 =	vperm.xlane v38, v62;
	[tilespmem:s30+$0x80C0] =	vst v46;
	v44 =	vor.u32 v47, v56  }
0x1a1: {  	s2 =	sadd.s32 s29, s3;
	[tilespmem:s30+$0x8090] =	vst v59;
	v44 =	vperm.xlane v38, v44  }
0x1a2: {  	s4 =	simm.s32 $0x8180;
	s29 =	sadd.s32 $0x800, s2;
	[tilespmem:s30+$0x80D0] =	vst v63  }
0x1a3: {  	s2 =	simm.s32 $0x8080;
	s17 =	sadd.s32 $0x0, s29;
	[tilespmem:s30+$0x8080] =	vst v44;
	s30 =	simm.s32 $0x10  }
.LBB2_19:
0x1a4: {  	[hbm4b:s17+s5] =	stream.linear.scatter [tilespmem:s2], [sflag:$0x4], $0x80, $0x38;
	[tilespmem:$0x10300] =	vst v63  }
0x1a5: {  	s17 =	smov.u32 s30;
	s2 =	smov.u32 s4;
	p1 =	sne.s32 s30, $0x7F0  }
.Ltmp11:
0x1a6: {  	s30 =	sadd.s32 $0x10, s30;
	(pc) =	sbr.rel @p1 .LBB2_19-.Ltmp11, $2  }
0x1a7: {  	_ =	sdelay $0x2  }
0x1a8: {  	s4 =	sadd.s32 $0x100, s4;
	s17 =	sadd.s32 s17, s29  }
0x1a9: {  	p1 =	seq.s32 s26, $0x3  }
.Ltmp12:
0x1aa: {  	_ = 	snop;
	(pc) =	sbr.rel @p1 .LBB2_24-.Ltmp12, $2  }
0x1ab: {  	_ =	sdelay $0x2  }
0x1ac: {  	[hbm4b:s17+s5] =	stream.linear.scatter [tilespmem:s2], [sflag:$0x4], $0x80, $0x38;
	[tilespmem:$0x10300] =	vst v63  }
0x1ad: {  	s2 =	sadd.s32 s28, s11  }
0x1ae: {  	s2 =	sshrl.u32 s2, $0x3  }
0x1af: {  	s29 =	simm.s32 $0x10;
	s28 =	sadd.s32 s0, s2  }
0x1b0: {  	s4 =	simm.s32 $0x180;
	s2 =	simm.s32 $0x80;
	s17 =	sadd.s32 $0x0, s28  }
.LBB2_22:
0x1b1: {  	[tilespmem:s2], [sflag:$0x2] =	stream.linear.gather [hbm4b:s17+s5], $0x80, $0x38;
	[tilespmem:$0x10300] =	vst v63  }
0x1b2: {  	s17 =	smov.u32 s29;
	s2 =	smov.u32 s4;
	p1 =	sne.s32 s29, $0x7F0  }
.Ltmp13:
0x1b3: {  	s29 =	sadd.s32 $0x10, s29;
	(pc) =	sbr.rel @p1 .LBB2_22-.Ltmp13, $2  }
0x1b4: {  	_ =	sdelay $0x2  }
0x1b5: {  	s4 =	sadd.s32 $0x100, s4;
	s17 =	sadd.s32 s17, s28  }
.Ltmp14:
0x1b6: {  	(pc) =	sbr.rel .LBB2_6-.Ltmp14, $3  }
0x1b7: {  	_ =	sdelay $0x1  }
0x1b8: {  	[tilespmem:s2], [sflag:$0x2] =	stream.linear.gather [hbm4b:s17+s5], $0x80, $0x38;
	[tilespmem:$0x10300] =	vst v63  }
0x1b9: {  	s26 =	sadd.s32 $0x1, s26  }
.LBB2_25:
0x1ba: {  	_ =	sfence.sel $0x180000  }
0x1bb: {  	[bflag:$0x0] =	sbarrier.arrive $0xFFFF  }
0x1bc: {  	_ =	strace $0x9000004A  }
0x1bd: {  	s0 =	stileid.u32;
	[bflag:$0x2] =	sbarrier.arrive $0xFFFF  }
0x1be: {  	p0 =	sne.s32 s0, $0x0;
	s0 =	rddreg [dreg:$0x3]  }
0x1bf: {  	s0 =	sadd.s32 @!p0 $0x100000, s0  }
0x1c0: {  	[sflag:s0] =	ssyncadd.tile.s32 @!p0 $0x1;
	_ =	shalt  }
.Lfunc_end2:
_tile_overlayer_lowered:
.L_overlay_start_2:
0x1c1: {  	(tag) =	ssettag $0x2  }
0x1c2: {  	s0 =	rddreg [dreg:$0x0];
	s2 =	stileid.u32  }
0x1c3: {  	s1 =	rddreg [dreg:$0x1];
	p0 =	sne.s32 s2, $0x0  }
0x1c4: {  	s3 =	rddreg [dreg:$0x2];
	[bflag:$0x3] =	sbarrier.arrive $0xFFFF;
	s2 =	simm.s32 @!p0 $0x1C05  }
0x1c5: {  	[timem:s3], [sflag:s2] =	dma.local @!p0 [hbm:s0], s1  }
0x1c6: {  	s0 =	simm.s32 @!p0 $0x5  }
0x1c7: {  	_ =	swait.ge @!p0 [sflag:s0], s1  }
0x1c8: {  	s1 =	ssub.s32 @!p0 $0x0, s1;
	[sflag:s0] =	ssyncset.done @!p0 $0x0  }
0x1c9: {  	[sflag:s0] =	ssyncadd.s32 @!p0 s1  }
0x1ca: {  	[bflag:$0x3] =	sbarrier.arrive $0xFFFF  }
0x1cb: {  	_ =	shalt  }

</sc_bundles>
